<compile_context>
chip_gen: v7x
topology: tpu7x:2x2x1
jax: 0.10.2.dev20260603
libtpu: 0.0.44.dev20260713+nightly
codegen_flags: <defaults>
</compile_context>

<pallas_src>
import jax
import jax.numpy as jnp
from jax import lax
from jax.experimental import pallas as pl
from jax.experimental.pallas import tpu as pltpu
from jax.experimental.pallas import tpu_sc as plsc

NC = 2
NS = 16
CHUNK = 128
BLK = 512


def _make_deg_kernel(np_rows, cpt):
    rpt = np_rows // NS

    def body(dstc, zrows, ones_hbm, dego, didx, ones_v, acc, gsem):
        del gsem
        cid = lax.axis_index("c")
        sid = lax.axis_index("s")
        wid = cid * NS + sid
        pltpu.sync_copy(zrows, acc.at[pl.ds(sid * rpt, rpt)])
        pltpu.sync_copy(ones_hbm, ones_v)
        pltpu.sync_copy(dstc.at[pl.ds(wid * cpt, cpt)], didx)
        plsc.subcore_barrier()

        def step(j, carry):
            pltpu.sync_copy(ones_v, acc.at[didx.at[j]], add=True)
            return carry

        lax.fori_loop(0, cpt, step, 0)
        plsc.subcore_barrier()
        pltpu.sync_copy(acc.at[pl.ds(sid * rpt, rpt)],
                        dego.at[cid, pl.ds(sid * rpt, rpt)])

    return pl.kernel(
        body,
        out_type=jax.ShapeDtypeStruct((NC, np_rows, 128), jnp.float32),
        mesh=plsc.VectorSubcoreMesh(core_axis_name="c", subcore_axis_name="s",
                                    num_cores=NC, num_subcores=NS),
        scratch_types=[
            pltpu.VMEM((cpt, CHUNK), jnp.int32),
            pltpu.VMEM((CHUNK, 128), jnp.float32),
            pltpu.VMEM_SHARED((np_rows, 128), jnp.float32),
            pltpu.SemaphoreType.DMA,
        ],
    )


GRP = 8


def _emit_edge_pipeline(ytab, srcc, dstc, sidx, didx, rows, acc, gsem, isem,
                        base, ngrp):
    pltpu.sync_copy(srcc.at[pl.ds(base, GRP)], sidx.at[0])
    pltpu.sync_copy(dstc.at[pl.ds(base, GRP)], didx.at[0])
    pltpu.async_copy(ytab.at[sidx.at[0, 0]], rows.at[0], gsem)

    def group(g, carry):
        gb = lax.rem(g, 2)
        ngb = lax.rem(g + 1, 2)

        @pl.when(g + 1 < ngrp)
        def _():
            off = base + (g + 1) * GRP
            pltpu.async_copy(srcc.at[pl.ds(off, GRP)], sidx.at[ngb], isem)
            pltpu.async_copy(dstc.at[pl.ds(off, GRP)], didx.at[ngb], isem)

        for k in range(GRP):
            b = k % 2
            pltpu.make_async_copy(
                ytab.at[sidx.at[gb, k]], rows.at[b], gsem).wait()
            if k + 1 < GRP:
                pltpu.async_copy(
                    ytab.at[sidx.at[gb, k + 1]], rows.at[1 - b], gsem)
            else:
                @pl.when(g + 1 < ngrp)
                def _():
                    off = base + (g + 1) * GRP
                    pltpu.make_async_copy(
                        srcc.at[pl.ds(off, GRP)], sidx.at[ngb], isem).wait()
                    pltpu.make_async_copy(
                        dstc.at[pl.ds(off, GRP)], didx.at[ngb], isem).wait()
                    pltpu.async_copy(
                        ytab.at[sidx.at[ngb, 0]], rows.at[1 - b], gsem)
            pltpu.sync_copy(rows.at[b], acc.at[didx.at[gb, k]], add=True)
        return carry

    lax.fori_loop(0, ngrp, group, 0)


def _make_edge_pass_kernel(np_rows, cpt_pair):
    rpt = np_rows // NS
    cpt0, cpt1 = cpt_pair

    def body(y, srcc, dstc, zrows, sout, sidx, didx, rows, acc, gsem, isem):
        cid = lax.axis_index("c")
        sid = lax.axis_index("s")
        pltpu.sync_copy(zrows, acc.at[pl.ds(sid * rpt, rpt)])
        plsc.subcore_barrier()

        @pl.when(cid == 0)
        def _():
            _emit_edge_pipeline(y, srcc, dstc, sidx, didx, rows, acc,
                                gsem, isem, sid * cpt0, cpt0 // GRP)

        @pl.when(cid == 1)
        def _():
            _emit_edge_pipeline(y, srcc, dstc, sidx, didx, rows, acc,
                                gsem, isem, NS * cpt0 + sid * cpt1,
                                cpt1 // GRP)

        plsc.subcore_barrier()
        pltpu.sync_copy(acc.at[pl.ds(sid * rpt, rpt)],
                        sout.at[cid, pl.ds(sid * rpt, rpt)])

    return pl.kernel(
        body,
        out_type=jax.ShapeDtypeStruct((NC, np_rows, 128), jnp.float32),
        mesh=plsc.VectorSubcoreMesh(core_axis_name="c", subcore_axis_name="s",
                                    num_cores=NC, num_subcores=NS),
        scratch_types=[
            pltpu.VMEM((2, GRP, CHUNK), jnp.int32),
            pltpu.VMEM((2, GRP, CHUNK), jnp.int32),
            pltpu.VMEM((2, CHUNK, 128), jnp.float32),
            pltpu.VMEM_SHARED((np_rows, 128), jnp.float32),
            pltpu.SemaphoreType.DMA,
            pltpu.SemaphoreType.DMA,
        ],
    )


def _dinv(d):
    return lax.rsqrt(d[:, 0:1] + 1.0)


def _prep1_body(x, w, d, y, xw):
    dinv = _dinv(d)
    m = jnp.dot(x[...], w[...], preferred_element_type=jnp.float32)
    xw[...] = m
    y[...] = m * dinv


def _mid_body(s0, s1, xw1, d, b1, w2, y2, xw2):
    dinv = _dinv(d)
    h = jnp.maximum(
        dinv * (s0[0] + s1[0]) + (dinv * dinv) * xw1[...] + b1[...], 0.0)
    m = jnp.dot(h, w2[...], preferred_element_type=jnp.float32)
    xw2[...] = m
    y2[...] = m * dinv


def _post2_body(s0, s1, xw2, d, b2, out):
    dinv = _dinv(d)
    out[...] = jnp.maximum(
        dinv * (s0[0] + s1[0]) + (dinv * dinv) * xw2[...] + b2[...], 0.0)


def _row_spec(i):
    return (i, 0)


def _make_tc_kernels(np_rows):
    grid = (np_rows // BLK,)
    blk = lambda: pl.BlockSpec((BLK, 128), _row_spec)
    full = lambda: pl.BlockSpec((128, 128), lambda i: (0, 0))
    bias = lambda: pl.BlockSpec((1, 128), lambda i: (0, 0))
    dspec = lambda: pl.BlockSpec((BLK, 128), _row_spec)
    sspec = lambda c: pl.BlockSpec((1, BLK, 128), lambda i, c=c: (c, i, 0))
    two_out = [jax.ShapeDtypeStruct((np_rows, 128), jnp.float32)] * 2

    prep1 = pl.pallas_call(
        _prep1_body, grid=grid,
        in_specs=[blk(), full(), dspec()],
        out_specs=[blk(), blk()], out_shape=two_out)
    mid = pl.pallas_call(
        _mid_body, grid=grid,
        in_specs=[sspec(0), sspec(1), blk(), dspec(), bias(), full()],
        out_specs=[blk(), blk()], out_shape=two_out)
    post2 = pl.pallas_call(
        _post2_body, grid=grid,
        in_specs=[sspec(0), sspec(1), blk(), dspec(), bias()],
        out_specs=blk(),
        out_shape=jax.ShapeDtypeStruct((np_rows, 128), jnp.float32))
    return prep1, mid, post2


@jax.jit
def kernel(emb, W1, b1, W2, b2, edge_index):
    n, d = emb.shape
    e = edge_index.shape[1]
    assert d == 128
    np_rows = -(-(n + 1) // BLK) * BLK
    per_tile = -(-e // (NC * NS * CHUNK * GRP)) * GRP
    tot = NC * per_tile
    cpt0 = tot // 2
    cpt1 = tot - cpt0
    nchunks = NS * tot
    e_pad = nchunks * CHUNK
    pad = n + jnp.arange(e_pad - e, dtype=edge_index.dtype) % (np_rows - n)
    srcc = jnp.concatenate([edge_index[0], pad]).reshape(nchunks, CHUNK)
    dstc = jnp.concatenate([edge_index[1], pad]).reshape(nchunks, CHUNK)
    emb_pad = jnp.zeros((np_rows, d), emb.dtype).at[:n].set(emb)

    rpt = np_rows // NS
    ones128 = jnp.ones((CHUNK, 128), jnp.float32)
    zrows128 = jnp.zeros((rpt, 128), jnp.float32)
    b1r = b1.reshape(1, d)
    b2r = b2.reshape(1, d)

    deg_k = _make_deg_kernel(np_rows, per_tile)
    edge_k = _make_edge_pass_kernel(np_rows, (cpt0, cpt1))
    prep1, mid, post2 = _make_tc_kernels(np_rows)

    deg16 = deg_k(dstc, zrows128, ones128)
    dd = deg16[0] + deg16[1]
    y1, xw1 = prep1(emb_pad, W1, dd)
    s1 = edge_k(y1, srcc, dstc, zrows128)
    y2, xw2 = mid(s1, s1, xw1, dd, b1r, W2)
    s2 = edge_k(y2, srcc, dstc, zrows128)
    out = post2(s2, s2, xw2, dd, b2r)
    type_num = n - 1000
    return (out[:type_num], out[type_num:n])

# --- scband reference (transcript-rebuilt; emitter-appended) ---
"""Pipeline reference for scband-gcn-68719477509 (READ-ONLY COPY).

The authoritative reference and input builder live on the scoring server;
editing this copy changes nothing except your own understanding.
"""

import jax, jax.numpy as jnp
import numpy as np

TYPE_NUM = 9000
REL_NUM = 1000
N = TYPE_NUM + REL_NUM
EMB = 128
DIM1 = 128
DIM2 = 128
E = 320000


def _xavier(key, shape):
    limit = float(np.sqrt(6.0 / (shape[0] + shape[1])))
    return jax.random.uniform(key, shape, minval=-limit, maxval=limit, dtype=jnp.float32)


def setup_inputs(seed: int = 0) -> dict:
    key = jax.random.key(seed)
    k0, k1, k2 = jax.random.split(key, 3)
    edge_index = jax.random.randint(k0, (2, E), 0, N, dtype=jnp.int32)
    emb = _xavier(k1, (N, EMB))
    kw1, kw2 = jax.random.split(k2)
    W1 = _xavier(kw1, (EMB, DIM1))
    b1 = jnp.zeros((DIM1,), dtype=jnp.float32)
    W2 = _xavier(kw2, (DIM1, DIM2))
    b2 = jnp.zeros((DIM2,), dtype=jnp.float32)
    return {"emb": emb, "W1": W1, "b1": b1, "W2": W2, "b2": b2, "edge_index": edge_index}


def _gcn_conv(x, src, dst, W, b):
    # GCNConv: D^{-1/2} (A + I) D^{-1/2} X W + b (self-loops already appended to src/dst)
    xW = x @ W
    ones = jnp.ones_like(src, dtype=xW.dtype)
    deg = jax.ops.segment_sum(ones, dst, num_segments=N)
    dinv = jnp.where(deg > 0, 1.0 / jnp.sqrt(deg), 0.0)
    norm = dinv[src] * dinv[dst]
    msg = xW[src] * norm[:, None]
    out = jax.ops.segment_sum(msg, dst, num_segments=N)
    return out + b


def reference(emb, W1, b1, W2, b2, edge_index):
    sl = jnp.arange(N, dtype=edge_index.dtype)
    src = jnp.concatenate([edge_index[0], sl])
    dst = jnp.concatenate([edge_index[1], sl])
    X = jax.nn.relu(_gcn_conv(emb, src, dst, W1, b1))
    X = jax.nn.relu(_gcn_conv(X, src, dst, W2, b2))
    Type = X[:TYPE_NUM]
    Rel = X[TYPE_NUM:]
    return (Type, Rel)

if __name__ == "__main__":
    import jax
    _d = setup_inputs()
    print(jax.jit(kernel)(*tuple(_d.values())))

</pallas_src>

<mosaic_0001>
#map = affine_map<(d0, d1) -> (0, 0)>
#map1 = affine_map<(d0, d1) -> (0, 0, 0)>
module attributes {stable_mosaic.version = 14 : i64} {
  func.func @body(%arg0: i32, %arg1: i32, %arg2: memref<10240x128xf32, #tpu.memory_space<hbm>>, %arg3: memref<2560x128xi32, #tpu.memory_space<hbm>>, %arg4: memref<2560x128xi32, #tpu.memory_space<hbm>>, %arg5: memref<640x128xf32, #tpu.memory_space<hbm>>, %arg6: memref<2x10240x128xf32, #tpu.memory_space<hbm>>, %arg7: memref<2x8x128xi32, #tpu.memory_space<vmem>>, %arg8: memref<2x8x128xi32, #tpu.memory_space<vmem>>, %arg9: memref<2x128x128xf32, #tpu.memory_space<vmem>>, %arg10: memref<10240x128xf32, #tpu.memory_space<vmem_shared>>, %arg11: memref<!tpu.dma_semaphore, #tpu.memory_space<semaphore_mem>>, %arg12: memref<!tpu.dma_semaphore, #tpu.memory_space<semaphore_mem>>) attributes {dimension_semantics = [#tpu.dimension_semantics<core_parallel>, #tpu.dimension_semantics<subcore_parallel>], iteration_bounds = array<i64: 2, 16>, scalar_prefetch = 0 : i64, scratch_operands = 6 : i64, tpu.core_type = #tpu.core_type<sc_vector_subcore>, window_params = [{transform_indices = #map}, {transform_indices = #map}, {transform_indices = #map}, {transform_indices = #map}, {transform_indices = #map1}]} {
    %mul3A = arith.constant 640 : i32
    %mul3A_0 = arith.muli %arg1, %mul3A : i32
    "tpu.region"() ({
      %run_scoped3A = tpu.sem_alloc : memref<!tpu.dma_semaphore, #tpu.memory_space<semaphore_mem>>
      %dma_start3A = arith.constant 0 : i32
      %dma_start3A_13 = tpu.memref_slice %arg10[%mul3A_0, %dma_start3A] : memref<10240x128xf32, #tpu.memory_space<vmem_shared>> -> memref<640x128xf32, #tpu.memory_space<vmem_shared>>
      tpu.enqueue_dma source(%arg5 : memref<640x128xf32, #tpu.memory_space<hbm>>) target(%dma_start3A_13 : memref<640x128xf32, #tpu.memory_space<vmem_shared>>) target_semaphore(%run_scoped3A : memref<!tpu.dma_semaphore, #tpu.memory_space<semaphore_mem>>)
      %dma_wait3A = arith.constant 0 : i32
      %dma_wait3A_14 = tpu.memref_slice %arg10[%mul3A_0, %dma_wait3A] : memref<10240x128xf32, #tpu.memory_space<vmem_shared>> -> memref<640x128xf32, #tpu.memory_space<vmem_shared>>
      tpu.wait_dma2 semaphore(%run_scoped3A : memref<!tpu.dma_semaphore, #tpu.memory_space<semaphore_mem>>) src(%arg5 : memref<640x128xf32, #tpu.memory_space<hbm>>) dst(%dma_wait3A_14 : memref<640x128xf32, #tpu.memory_space<vmem_shared>>)
      tpu.yield
    }) : () -> ()
    %barrier3A = arith.constant 0 : index
    tpu.barrier barrier_id(%barrier3A)
    %eq3A = arith.constant 0 : i32
    %eq3A_1 = arith.cmpi eq, %arg0, %eq3A : i32
    %convert_element_type3A = arith.extui %eq3A_1 : i1 to i32
    %cond3A = arith.constant 0 : i32
    %cond3A_2 = arith.cmpi ne, %convert_element_type3A, %cond3A : i32
    scf.if %cond3A_2 {
      %mul3A_13 = arith.constant 80 : i32
      %mul3A_14 = arith.muli %arg1, %mul3A_13 : i32
      %run_scoped3A = arith.constant 0 : i32
      "tpu.region"() ({
        %run_scoped3A_33 = tpu.sem_alloc : memref<!tpu.dma_semaphore, #tpu.memory_space<semaphore_mem>>
        %dma_start3A_34 = arith.constant 0 : i32
        %dma_start3A_35 = arith.constant 0 : i32
        %dma_start3A_36 = tpu.memref_slice %arg7[%run_scoped3A, %dma_start3A_34, %dma_start3A_35] : memref<2x8x128xi32, #tpu.memory_space<vmem>> -> memref<1x8x128xi32, #tpu.memory_space<vmem>>
        %dma_start3A_37 = tpu.memref_squeeze %dma_start3A_36 : memref<1x8x128xi32, #tpu.memory_space<vmem>> -> memref<8x128xi32, #tpu.memory_space<vmem>>
        %dma_start3A_38 = arith.constant 0 : i32
        %dma_start3A_39 = tpu.memref_slice %arg3[%mul3A_14, %dma_start3A_38] : memref<2560x128xi32, #tpu.memory_space<hbm>> -> memref<8x128xi32, #tpu.memory_space<hbm>>
        %dma_start3A_40 = arith.constant 0 : i32
        %dma_start3A_41 = arith.constant 0 : i32
        %dma_start3A_42 = tpu.memref_slice %arg7[%run_scoped3A, %dma_start3A_40, %dma_start3A_41] : memref<2x8x128xi32, #tpu.memory_space<vmem>> -> memref<1x8x128xi32, #tpu.memory_space<vmem>>
        %dma_start3A_43 = tpu.memref_squeeze %dma_start3A_42 : memref<1x8x128xi32, #tpu.memory_space<vmem>> -> memref<8x128xi32, #tpu.memory_space<vmem>>
        %dma_start3A_44 = arith.constant 0 : i32
        %dma_start3A_45 = tpu.memref_slice %arg3[%mul3A_14, %dma_start3A_44] : memref<2560x128xi32, #tpu.memory_space<hbm>> -> memref<8x128xi32, #tpu.memory_space<hbm>>
        tpu.enqueue_dma source(%dma_start3A_45 : memref<8x128xi32, #tpu.memory_space<hbm>>) target(%dma_start3A_43 : memref<8x128xi32, #tpu.memory_space<vmem>>) target_semaphore(%run_scoped3A_33 : memref<!tpu.dma_semaphore, #tpu.memory_space<semaphore_mem>>)
        %dma_wait3A = arith.constant 0 : i32
        %dma_wait3A_46 = arith.constant 0 : i32
        %dma_wait3A_47 = tpu.memref_slice %arg7[%run_scoped3A, %dma_wait3A, %dma_wait3A_46] : memref<2x8x128xi32, #tpu.memory_space<vmem>> -> memref<1x8x128xi32, #tpu.memory_space<vmem>>
        %dma_wait3A_48 = tpu.memref_squeeze %dma_wait3A_47 : memref<1x8x128xi32, #tpu.memory_space<vmem>> -> memref<8x128xi32, #tpu.memory_space<vmem>>
        %dma_wait3A_49 = arith.constant 0 : i32
        %dma_wait3A_50 = tpu.memref_slice %arg3[%mul3A_14, %dma_wait3A_49] : memref<2560x128xi32, #tpu.memory_space<hbm>> -> memref<8x128xi32, #tpu.memory_space<hbm>>
        %dma_wait3A_51 = arith.constant 0 : i32
        %dma_wait3A_52 = arith.constant 0 : i32
        %dma_wait3A_53 = tpu.memref_slice %arg7[%run_scoped3A, %dma_wait3A_51, %dma_wait3A_52] : memref<2x8x128xi32, #tpu.memory_space<vmem>> -> memref<1x8x128xi32, #tpu.memory_space<vmem>>
        %dma_wait3A_54 = tpu.memref_squeeze %dma_wait3A_53 : memref<1x8x128xi32, #tpu.memory_space<vmem>> -> memref<8x128xi32, #tpu.memory_space<vmem>>
        %dma_wait3A_55 = arith.constant 0 : i32
        %dma_wait3A_56 = tpu.memref_slice %arg3[%mul3A_14, %dma_wait3A_55] : memref<2560x128xi32, #tpu.memory_space<hbm>> -> memref<8x128xi32, #tpu.memory_space<hbm>>
        tpu.wait_dma2 semaphore(%run_scoped3A_33 : memref<!tpu.dma_semaphore, #tpu.memory_space<semaphore_mem>>) src(%dma_wait3A_56 : memref<8x128xi32, #tpu.memory_space<hbm>>) dst(%dma_wait3A_54 : memref<8x128xi32, #tpu.memory_space<vmem>>)
        tpu.yield
      }) : () -> ()
      %run_scoped3A_15 = arith.constant 0 : i32
      "tpu.region"() ({
        %run_scoped3A_33 = tpu.sem_alloc : memref<!tpu.dma_semaphore, #tpu.memory_space<semaphore_mem>>
        %dma_start3A_34 = arith.constant 0 : i32
        %dma_start3A_35 = arith.constant 0 : i32
        %dma_start3A_36 = tpu.memref_slice %arg8[%run_scoped3A_15, %dma_start3A_34, %dma_start3A_35] : memref<2x8x128xi32, #tpu.memory_space<vmem>> -> memref<1x8x128xi32, #tpu.memory_space<vmem>>
        %dma_start3A_37 = tpu.memref_squeeze %dma_start3A_36 : memref<1x8x128xi32, #tpu.memory_space<vmem>> -> memref<8x128xi32, #tpu.memory_space<vmem>>
        %dma_start3A_38 = arith.constant 0 : i32
        %dma_start3A_39 = tpu.memref_slice %arg4[%mul3A_14, %dma_start3A_38] : memref<2560x128xi32, #tpu.memory_space<hbm>> -> memref<8x128xi32, #tpu.memory_space<hbm>>
        %dma_start3A_40 = arith.constant 0 : i32
        %dma_start3A_41 = arith.constant 0 : i32
        %dma_start3A_42 = tpu.memref_slice %arg8[%run_scoped3A_15, %dma_start3A_40, %dma_start3A_41] : memref<2x8x128xi32, #tpu.memory_space<vmem>> -> memref<1x8x128xi32, #tpu.memory_space<vmem>>
        %dma_start3A_43 = tpu.memref_squeeze %dma_start3A_42 : memref<1x8x128xi32, #tpu.memory_space<vmem>> -> memref<8x128xi32, #tpu.memory_space<vmem>>
        %dma_start3A_44 = arith.constant 0 : i32
        %dma_start3A_45 = tpu.memref_slice %arg4[%mul3A_14, %dma_start3A_44] : memref<2560x128xi32, #tpu.memory_space<hbm>> -> memref<8x128xi32, #tpu.memory_space<hbm>>
        tpu.enqueue_dma source(%dma_start3A_45 : memref<8x128xi32, #tpu.memory_space<hbm>>) target(%dma_start3A_43 : memref<8x128xi32, #tpu.memory_space<vmem>>) target_semaphore(%run_scoped3A_33 : memref<!tpu.dma_semaphore, #tpu.memory_space<semaphore_mem>>)
        %dma_wait3A = arith.constant 0 : i32
        %dma_wait3A_46 = arith.constant 0 : i32
        %dma_wait3A_47 = tpu.memref_slice %arg8[%run_scoped3A_15, %dma_wait3A, %dma_wait3A_46] : memref<2x8x128xi32, #tpu.memory_space<vmem>> -> memref<1x8x128xi32, #tpu.memory_space<vmem>>
        %dma_wait3A_48 = tpu.memref_squeeze %dma_wait3A_47 : memref<1x8x128xi32, #tpu.memory_space<vmem>> -> memref<8x128xi32, #tpu.memory_space<vmem>>
        %dma_wait3A_49 = arith.constant 0 : i32
        %dma_wait3A_50 = tpu.memref_slice %arg4[%mul3A_14, %dma_wait3A_49] : memref<2560x128xi32, #tpu.memory_space<hbm>> -> memref<8x128xi32, #tpu.memory_space<hbm>>
        %dma_wait3A_51 = arith.constant 0 : i32
        %dma_wait3A_52 = arith.constant 0 : i32
        %dma_wait3A_53 = tpu.memref_slice %arg8[%run_scoped3A_15, %dma_wait3A_51, %dma_wait3A_52] : memref<2x8x128xi32, #tpu.memory_space<vmem>> -> memref<1x8x128xi32, #tpu.memory_space<vmem>>
        %dma_wait3A_54 = tpu.memref_squeeze %dma_wait3A_53 : memref<1x8x128xi32, #tpu.memory_space<vmem>> -> memref<8x128xi32, #tpu.memory_space<vmem>>
        %dma_wait3A_55 = arith.constant 0 : i32
        %dma_wait3A_56 = tpu.memref_slice %arg4[%mul3A_14, %dma_wait3A_55] : memref<2560x128xi32, #tpu.memory_space<hbm>> -> memref<8x128xi32, #tpu.memory_space<hbm>>
        tpu.wait_dma2 semaphore(%run_scoped3A_33 : memref<!tpu.dma_semaphore, #tpu.memory_space<semaphore_mem>>) src(%dma_wait3A_56 : memref<8x128xi32, #tpu.memory_space<hbm>>) dst(%dma_wait3A_54 : memref<8x128xi32, #tpu.memory_space<vmem>>)
        tpu.yield
      }) : () -> ()
      %dma_start3A = arith.constant 0 : i32
      %dma_start3A_16 = arith.constant 0 : i32
      %dma_start3A_17 = arith.constant 0 : i32
      %dma_start3A_18 = arith.constant 0 : i32
      %dma_start3A_19 = arith.constant 0 : i32
      %dma_start3A_20 = tpu.memref_slice %arg9[%dma_start3A_17, %dma_start3A_18, %dma_start3A_19] : memref<2x128x128xf32, #tpu.memory_space<vmem>> -> memref<1x128x128xf32, #tpu.memory_space<vmem>>
      %dma_start3A_21 = tpu.memref_squeeze %dma_start3A_20 : memref<1x128x128xf32, #tpu.memory_space<vmem>> -> memref<128x128xf32, #tpu.memory_space<vmem>>
      %dma_start3A_22 = arith.constant 0 : i32
      %dma_start3A_23 = tpu.memref_slice %arg7[%dma_start3A, %dma_start3A_16, %dma_start3A_22] : memref<2x8x128xi32, #tpu.memory_space<vmem>> -> memref<1x1x128xi32, #tpu.memory_space<vmem>>
      %dma_start3A_24 = tpu.memref_squeeze %dma_start3A_23 : memref<1x1x128xi32, #tpu.memory_space<vmem>> -> memref<128xi32, #tpu.memory_space<vmem>>
      %dma_start3A_25 = arith.constant 0 : i32
      %dma_start3A_26 = arith.constant 0 : i32
      %dma_start3A_27 = tpu.memref_slice %arg2[%dma_start3A_25, %dma_start3A_26] : memref<10240x128xf32, #tpu.memory_space<hbm>> -> memref<10240x128xf32, #tpu.memory_space<hbm>>
      tpu.enqueue_indirect_dma source(%dma_start3A_27 : memref<10240x128xf32, #tpu.memory_space<hbm>>) target(%dma_start3A_21 : memref<128x128xf32, #tpu.memory_space<vmem>>) offsets(%dma_start3A_24 : memref<128xi32, #tpu.memory_space<vmem>>) semaphore(%arg11 : memref<!tpu.dma_semaphore, #tpu.memory_space<semaphore_mem>>)
      %scan3A = arith.constant 0 : i32
      %scan3A_28 = arith.constant 0 : i32
      %scan3A_29 = arith.constant 10 : i32
      %scan3A_30 = arith.addi %scan3A_28, %scan3A_29 : i32
      %scan3A_31 = arith.constant 1 : i32
      scf.for %scan3A_33 = %scan3A_28 to %scan3A_30 step %scan3A_31  : i32 {
        %rem3A = arith.constant 2 : i32
        %rem3A_34 = arith.remsi %scan3A_33, %rem3A : i32
        %add3A = arith.constant 1 : i32
        %add3A_35 = arith.addi %scan3A_33, %add3A : i32
        %rem3A_36 = arith.constant 2 : i32
        %rem3A_37 = arith.remsi %add3A_35, %rem3A_36 : i32
        %add3A_38 = arith.constant 1 : i32
        %add3A_39 = arith.addi %scan3A_33, %add3A_38 : i32
        %lt3A = arith.constant 10 : i32
        %lt3A_40 = arith.cmpi slt, %add3A_39, %lt3A : i32
        %convert_element_type3A_41 = arith.extui %lt3A_40 : i1 to i32
        %cond3A_42 = arith.constant 0 : i32
        %cond3A_43 = arith.cmpi ne, %convert_element_type3A_41, %cond3A_42 : i32
        scf.if %cond3A_43 {
          %add3A_246 = arith.constant 1 : i32
          %add3A_247 = arith.addi %scan3A_33, %add3A_246 : i32
          %mul3A_248 = arith.constant 8 : i32
          %mul3A_249 = arith.muli %add3A_247, %mul3A_248 : i32
          %add3A_250 = arith.addi %mul3A_14, %mul3A_249 : i32
          %dma_start3A_251 = arith.constant 0 : i32
          %dma_start3A_252 = arith.constant 0 : i32
          %dma_start3A_253 = tpu.memref_slice %arg7[%rem3A_37, %dma_start3A_251, %dma_start3A_252] : memref<2x8x128xi32, #tpu.memory_space<vmem>> -> memref<1x8x128xi32, #tpu.memory_space<vmem>>
          %dma_start3A_254 = tpu.memref_squeeze %dma_start3A_253 : memref<1x8x128xi32, #tpu.memory_space<vmem>> -> memref<8x128xi32, #tpu.memory_space<vmem>>
          %dma_start3A_255 = arith.constant 0 : i32
          %dma_start3A_256 = tpu.memref_slice %arg3[%add3A_250, %dma_start3A_255] : memref<2560x128xi32, #tpu.memory_space<hbm>> -> memref<8x128xi32, #tpu.memory_space<hbm>>
          %dma_start3A_257 = arith.constant 0 : i32
          %dma_start3A_258 = arith.constant 0 : i32
          %dma_start3A_259 = tpu.memref_slice %arg7[%rem3A_37, %dma_start3A_257, %dma_start3A_258] : memref<2x8x128xi32, #tpu.memory_space<vmem>> -> memref<1x8x128xi32, #tpu.memory_space<vmem>>
          %dma_start3A_260 = tpu.memref_squeeze %dma_start3A_259 : memref<1x8x128xi32, #tpu.memory_space<vmem>> -> memref<8x128xi32, #tpu.memory_space<vmem>>
          %dma_start3A_261 = arith.constant 0 : i32
          %dma_start3A_262 = tpu.memref_slice %arg3[%add3A_250, %dma_start3A_261] : memref<2560x128xi32, #tpu.memory_space<hbm>> -> memref<8x128xi32, #tpu.memory_space<hbm>>
          tpu.enqueue_dma source(%dma_start3A_262 : memref<8x128xi32, #tpu.memory_space<hbm>>) target(%dma_start3A_260 : memref<8x128xi32, #tpu.memory_space<vmem>>) target_semaphore(%arg12 : memref<!tpu.dma_semaphore, #tpu.memory_space<semaphore_mem>>)
          %dma_start3A_263 = arith.constant 0 : i32
          %dma_start3A_264 = arith.constant 0 : i32
          %dma_start3A_265 = tpu.memref_slice %arg8[%rem3A_37, %dma_start3A_263, %dma_start3A_264] : memref<2x8x128xi32, #tpu.memory_space<vmem>> -> memref<1x8x128xi32, #tpu.memory_space<vmem>>
          %dma_start3A_266 = tpu.memref_squeeze %dma_start3A_265 : memref<1x8x128xi32, #tpu.memory_space<vmem>> -> memref<8x128xi32, #tpu.memory_space<vmem>>
          %dma_start3A_267 = arith.constant 0 : i32
          %dma_start3A_268 = tpu.memref_slice %arg4[%add3A_250, %dma_start3A_267] : memref<2560x128xi32, #tpu.memory_space<hbm>> -> memref<8x128xi32, #tpu.memory_space<hbm>>
          %dma_start3A_269 = arith.constant 0 : i32
          %dma_start3A_270 = arith.constant 0 : i32
          %dma_start3A_271 = tpu.memref_slice %arg8[%rem3A_37, %dma_start3A_269, %dma_start3A_270] : memref<2x8x128xi32, #tpu.memory_space<vmem>> -> memref<1x8x128xi32, #tpu.memory_space<vmem>>
          %dma_start3A_272 = tpu.memref_squeeze %dma_start3A_271 : memref<1x8x128xi32, #tpu.memory_space<vmem>> -> memref<8x128xi32, #tpu.memory_space<vmem>>
          %dma_start3A_273 = arith.constant 0 : i32
          %dma_start3A_274 = tpu.memref_slice %arg4[%add3A_250, %dma_start3A_273] : memref<2560x128xi32, #tpu.memory_space<hbm>> -> memref<8x128xi32, #tpu.memory_space<hbm>>
          tpu.enqueue_dma source(%dma_start3A_274 : memref<8x128xi32, #tpu.memory_space<hbm>>) target(%dma_start3A_272 : memref<8x128xi32, #tpu.memory_space<vmem>>) target_semaphore(%arg12 : memref<!tpu.dma_semaphore, #tpu.memory_space<semaphore_mem>>)
        } else {
        }
        %dma_wait3A = arith.constant 0 : i32
        %dma_wait3A_44 = arith.constant 0 : i32
        %dma_wait3A_45 = arith.constant 0 : i32
        %dma_wait3A_46 = arith.constant 0 : i32
        %dma_wait3A_47 = tpu.memref_slice %arg9[%dma_wait3A_44, %dma_wait3A_45, %dma_wait3A_46] : memref<2x128x128xf32, #tpu.memory_space<vmem>> -> memref<1x128x128xf32, #tpu.memory_space<vmem>>
        %dma_wait3A_48 = tpu.memref_squeeze %dma_wait3A_47 : memref<1x128x128xf32, #tpu.memory_space<vmem>> -> memref<128x128xf32, #tpu.memory_space<vmem>>
        %dma_wait3A_49 = arith.constant 0 : i32
        %dma_wait3A_50 = tpu.memref_slice %arg7[%rem3A_34, %dma_wait3A, %dma_wait3A_49] : memref<2x8x128xi32, #tpu.memory_space<vmem>> -> memref<1x1x128xi32, #tpu.memory_space<vmem>>
        %dma_wait3A_51 = tpu.memref_squeeze %dma_wait3A_50 : memref<1x1x128xi32, #tpu.memory_space<vmem>> -> memref<128xi32, #tpu.memory_space<vmem>>
        %dma_wait3A_52 = arith.constant 0 : i32
        %dma_wait3A_53 = arith.constant 0 : i32
        %dma_wait3A_54 = tpu.memref_slice %arg2[%dma_wait3A_52, %dma_wait3A_53] : memref<10240x128xf32, #tpu.memory_space<hbm>> -> memref<10240x128xf32, #tpu.memory_space<hbm>>
        tpu.wait_indirect_dma semaphore(%arg11 : memref<!tpu.dma_semaphore, #tpu.memory_space<semaphore_mem>>) src(%dma_wait3A_54 : memref<10240x128xf32, #tpu.memory_space<hbm>>) dst(%dma_wait3A_48 : memref<128x128xf32, #tpu.memory_space<vmem>>)
        %dma_start3A_55 = arith.constant 1 : i32
        %dma_start3A_56 = arith.constant 1 : i32
        %dma_start3A_57 = arith.constant 0 : i32
        %dma_start3A_58 = arith.constant 0 : i32
        %dma_start3A_59 = tpu.memref_slice %arg9[%dma_start3A_56, %dma_start3A_57, %dma_start3A_58] : memref<2x128x128xf32, #tpu.memory_space<vmem>> -> memref<1x128x128xf32, #tpu.memory_space<vmem>>
        %dma_start3A_60 = tpu.memref_squeeze %dma_start3A_59 : memref<1x128x128xf32, #tpu.memory_space<vmem>> -> memref<128x128xf32, #tpu.memory_space<vmem>>
        %dma_start3A_61 = arith.constant 0 : i32
        %dma_start3A_62 = tpu.memref_slice %arg7[%rem3A_34, %dma_start3A_55, %dma_start3A_61] : memref<2x8x128xi32, #tpu.memory_space<vmem>> -> memref<1x1x128xi32, #tpu.memory_space<vmem>>
        %dma_start3A_63 = tpu.memref_squeeze %dma_start3A_62 : memref<1x1x128xi32, #tpu.memory_space<vmem>> -> memref<128xi32, #tpu.memory_space<vmem>>
        %dma_start3A_64 = arith.constant 0 : i32
        %dma_start3A_65 = arith.constant 0 : i32
        %dma_start3A_66 = tpu.memref_slice %arg2[%dma_start3A_64, %dma_start3A_65] : memref<10240x128xf32, #tpu.memory_space<hbm>> -> memref<10240x128xf32, #tpu.memory_space<hbm>>
        tpu.enqueue_indirect_dma source(%dma_start3A_66 : memref<10240x128xf32, #tpu.memory_space<hbm>>) target(%dma_start3A_60 : memref<128x128xf32, #tpu.memory_space<vmem>>) offsets(%dma_start3A_63 : memref<128xi32, #tpu.memory_space<vmem>>) semaphore(%arg11 : memref<!tpu.dma_semaphore, #tpu.memory_space<semaphore_mem>>)
        %run_scoped3A_67 = arith.constant 0 : i32
        %run_scoped3A_68 = arith.constant 0 : i32
        "tpu.region"() ({
          %run_scoped3A_246 = tpu.sem_alloc : memref<!tpu.dma_semaphore, #tpu.memory_space<semaphore_mem>>
          %dma_start3A_247 = arith.constant 0 : i32
          %dma_start3A_248 = arith.constant 0 : i32
          %dma_start3A_249 = tpu.memref_slice %arg9[%run_scoped3A_67, %dma_start3A_247, %dma_start3A_248] : memref<2x128x128xf32, #tpu.memory_space<vmem>> -> memref<1x128x128xf32, #tpu.memory_space<vmem>>
          %dma_start3A_250 = tpu.memref_squeeze %dma_start3A_249 : memref<1x128x128xf32, #tpu.memory_space<vmem>> -> memref<128x128xf32, #tpu.memory_space<vmem>>
          %dma_start3A_251 = arith.constant 0 : i32
          %dma_start3A_252 = tpu.memref_slice %arg8[%rem3A_34, %run_scoped3A_68, %dma_start3A_251] : memref<2x8x128xi32, #tpu.memory_space<vmem>> -> memref<1x1x128xi32, #tpu.memory_space<vmem>>
          %dma_start3A_253 = tpu.memref_squeeze %dma_start3A_252 : memref<1x1x128xi32, #tpu.memory_space<vmem>> -> memref<128xi32, #tpu.memory_space<vmem>>
          %dma_start3A_254 = arith.constant 0 : i32
          %dma_start3A_255 = arith.constant 0 : i32
          %dma_start3A_256 = tpu.memref_slice %arg10[%dma_start3A_254, %dma_start3A_255] : memref<10240x128xf32, #tpu.memory_space<vmem_shared>> -> memref<10240x128xf32, #tpu.memory_space<vmem_shared>>
          tpu.enqueue_indirect_dma source(%dma_start3A_250 : memref<128x128xf32, #tpu.memory_space<vmem>>) target(%dma_start3A_256 : memref<10240x128xf32, #tpu.memory_space<vmem_shared>>) offsets(%dma_start3A_253 : memref<128xi32, #tpu.memory_space<vmem>>) semaphore(%run_scoped3A_246 : memref<!tpu.dma_semaphore, #tpu.memory_space<semaphore_mem>>) {add = true}
          %dma_wait3A_257 = arith.constant 0 : i32
          %dma_wait3A_258 = arith.constant 0 : i32
          %dma_wait3A_259 = tpu.memref_slice %arg9[%run_scoped3A_67, %dma_wait3A_257, %dma_wait3A_258] : memref<2x128x128xf32, #tpu.memory_space<vmem>> -> memref<1x128x128xf32, #tpu.memory_space<vmem>>
          %dma_wait3A_260 = tpu.memref_squeeze %dma_wait3A_259 : memref<1x128x128xf32, #tpu.memory_space<vmem>> -> memref<128x128xf32, #tpu.memory_space<vmem>>
          %dma_wait3A_261 = arith.constant 0 : i32
          %dma_wait3A_262 = tpu.memref_slice %arg8[%rem3A_34, %run_scoped3A_68, %dma_wait3A_261] : memref<2x8x128xi32, #tpu.memory_space<vmem>> -> memref<1x1x128xi32, #tpu.memory_space<vmem>>
          %dma_wait3A_263 = tpu.memref_squeeze %dma_wait3A_262 : memref<1x1x128xi32, #tpu.memory_space<vmem>> -> memref<128xi32, #tpu.memory_space<vmem>>
          %dma_wait3A_264 = arith.constant 0 : i32
          %dma_wait3A_265 = arith.constant 0 : i32
          %dma_wait3A_266 = tpu.memref_slice %arg10[%dma_wait3A_264, %dma_wait3A_265] : memref<10240x128xf32, #tpu.memory_space<vmem_shared>> -> memref<10240x128xf32, #tpu.memory_space<vmem_shared>>
          tpu.wait_indirect_dma semaphore(%run_scoped3A_246 : memref<!tpu.dma_semaphore, #tpu.memory_space<semaphore_mem>>) src(%dma_wait3A_260 : memref<128x128xf32, #tpu.memory_space<vmem>>) dst(%dma_wait3A_266 : memref<10240x128xf32, #tpu.memory_space<vmem_shared>>)
          tpu.yield
        }) : () -> ()
        %dma_wait3A_69 = arith.constant 1 : i32
        %dma_wait3A_70 = arith.constant 1 : i32
        %dma_wait3A_71 = arith.constant 0 : i32
        %dma_wait3A_72 = arith.constant 0 : i32
        %dma_wait3A_73 = tpu.memref_slice %arg9[%dma_wait3A_70, %dma_wait3A_71, %dma_wait3A_72] : memref<2x128x128xf32, #tpu.memory_space<vmem>> -> memref<1x128x128xf32, #tpu.memory_space<vmem>>
        %dma_wait3A_74 = tpu.memref_squeeze %dma_wait3A_73 : memref<1x128x128xf32, #tpu.memory_space<vmem>> -> memref<128x128xf32, #tpu.memory_space<vmem>>
        %dma_wait3A_75 = arith.constant 0 : i32
        %dma_wait3A_76 = tpu.memref_slice %arg7[%rem3A_34, %dma_wait3A_69, %dma_wait3A_75] : memref<2x8x128xi32, #tpu.memory_space<vmem>> -> memref<1x1x128xi32, #tpu.memory_space<vmem>>
        %dma_wait3A_77 = tpu.memref_squeeze %dma_wait3A_76 : memref<1x1x128xi32, #tpu.memory_space<vmem>> -> memref<128xi32, #tpu.memory_space<vmem>>
        %dma_wait3A_78 = arith.constant 0 : i32
        %dma_wait3A_79 = arith.constant 0 : i32
        %dma_wait3A_80 = tpu.memref_slice %arg2[%dma_wait3A_78, %dma_wait3A_79] : memref<10240x128xf32, #tpu.memory_space<hbm>> -> memref<10240x128xf32, #tpu.memory_space<hbm>>
        tpu.wait_indirect_dma semaphore(%arg11 : memref<!tpu.dma_semaphore, #tpu.memory_space<semaphore_mem>>) src(%dma_wait3A_80 : memref<10240x128xf32, #tpu.memory_space<hbm>>) dst(%dma_wait3A_74 : memref<128x128xf32, #tpu.memory_space<vmem>>)
        %dma_start3A_81 = arith.constant 2 : i32
        %dma_start3A_82 = arith.constant 0 : i32
        %dma_start3A_83 = arith.constant 0 : i32
        %dma_start3A_84 = arith.constant 0 : i32
        %dma_start3A_85 = tpu.memref_slice %arg9[%dma_start3A_82, %dma_start3A_83, %dma_start3A_84] : memref<2x128x128xf32, #tpu.memory_space<vmem>> -> memref<1x128x128xf32, #tpu.memory_space<vmem>>
        %dma_start3A_86 = tpu.memref_squeeze %dma_start3A_85 : memref<1x128x128xf32, #tpu.memory_space<vmem>> -> memref<128x128xf32, #tpu.memory_space<vmem>>
        %dma_start3A_87 = arith.constant 0 : i32
        %dma_start3A_88 = tpu.memref_slice %arg7[%rem3A_34, %dma_start3A_81, %dma_start3A_87] : memref<2x8x128xi32, #tpu.memory_space<vmem>> -> memref<1x1x128xi32, #tpu.memory_space<vmem>>
        %dma_start3A_89 = tpu.memref_squeeze %dma_start3A_88 : memref<1x1x128xi32, #tpu.memory_space<vmem>> -> memref<128xi32, #tpu.memory_space<vmem>>
        %dma_start3A_90 = arith.constant 0 : i32
        %dma_start3A_91 = arith.constant 0 : i32
        %dma_start3A_92 = tpu.memref_slice %arg2[%dma_start3A_90, %dma_start3A_91] : memref<10240x128xf32, #tpu.memory_space<hbm>> -> memref<10240x128xf32, #tpu.memory_space<hbm>>
        tpu.enqueue_indirect_dma source(%dma_start3A_92 : memref<10240x128xf32, #tpu.memory_space<hbm>>) target(%dma_start3A_86 : memref<128x128xf32, #tpu.memory_space<vmem>>) offsets(%dma_start3A_89 : memref<128xi32, #tpu.memory_space<vmem>>) semaphore(%arg11 : memref<!tpu.dma_semaphore, #tpu.memory_space<semaphore_mem>>)
        %run_scoped3A_93 = arith.constant 1 : i32
        %run_scoped3A_94 = arith.constant 1 : i32
        "tpu.region"() ({
          %run_scoped3A_246 = tpu.sem_alloc : memref<!tpu.dma_semaphore, #tpu.memory_space<semaphore_mem>>
          %dma_start3A_247 = arith.constant 0 : i32
          %dma_start3A_248 = arith.constant 0 : i32
          %dma_start3A_249 = tpu.memref_slice %arg9[%run_scoped3A_93, %dma_start3A_247, %dma_start3A_248] : memref<2x128x128xf32, #tpu.memory_space<vmem>> -> memref<1x128x128xf32, #tpu.memory_space<vmem>>
          %dma_start3A_250 = tpu.memref_squeeze %dma_start3A_249 : memref<1x128x128xf32, #tpu.memory_space<vmem>> -> memref<128x128xf32, #tpu.memory_space<vmem>>
          %dma_start3A_251 = arith.constant 0 : i32
          %dma_start3A_252 = tpu.memref_slice %arg8[%rem3A_34, %run_scoped3A_94, %dma_start3A_251] : memref<2x8x128xi32, #tpu.memory_space<vmem>> -> memref<1x1x128xi32, #tpu.memory_space<vmem>>
          %dma_start3A_253 = tpu.memref_squeeze %dma_start3A_252 : memref<1x1x128xi32, #tpu.memory_space<vmem>> -> memref<128xi32, #tpu.memory_space<vmem>>
          %dma_start3A_254 = arith.constant 0 : i32
          %dma_start3A_255 = arith.constant 0 : i32
          %dma_start3A_256 = tpu.memref_slice %arg10[%dma_start3A_254, %dma_start3A_255] : memref<10240x128xf32, #tpu.memory_space<vmem_shared>> -> memref<10240x128xf32, #tpu.memory_space<vmem_shared>>
          tpu.enqueue_indirect_dma source(%dma_start3A_250 : memref<128x128xf32, #tpu.memory_space<vmem>>) target(%dma_start3A_256 : memref<10240x128xf32, #tpu.memory_space<vmem_shared>>) offsets(%dma_start3A_253 : memref<128xi32, #tpu.memory_space<vmem>>) semaphore(%run_scoped3A_246 : memref<!tpu.dma_semaphore, #tpu.memory_space<semaphore_mem>>) {add = true}
          %dma_wait3A_257 = arith.constant 0 : i32
          %dma_wait3A_258 = arith.constant 0 : i32
          %dma_wait3A_259 = tpu.memref_slice %arg9[%run_scoped3A_93, %dma_wait3A_257, %dma_wait3A_258] : memref<2x128x128xf32, #tpu.memory_space<vmem>> -> memref<1x128x128xf32, #tpu.memory_space<vmem>>
          %dma_wait3A_260 = tpu.memref_squeeze %dma_wait3A_259 : memref<1x128x128xf32, #tpu.memory_space<vmem>> -> memref<128x128xf32, #tpu.memory_space<vmem>>
          %dma_wait3A_261 = arith.constant 0 : i32
          %dma_wait3A_262 = tpu.memref_slice %arg8[%rem3A_34, %run_scoped3A_94, %dma_wait3A_261] : memref<2x8x128xi32, #tpu.memory_space<vmem>> -> memref<1x1x128xi32, #tpu.memory_space<vmem>>
          %dma_wait3A_263 = tpu.memref_squeeze %dma_wait3A_262 : memref<1x1x128xi32, #tpu.memory_space<vmem>> -> memref<128xi32, #tpu.memory_space<vmem>>
          %dma_wait3A_264 = arith.constant 0 : i32
          %dma_wait3A_265 = arith.constant 0 : i32
          %dma_wait3A_266 = tpu.memref_slice %arg10[%dma_wait3A_264, %dma_wait3A_265] : memref<10240x128xf32, #tpu.memory_space<vmem_shared>> -> memref<10240x128xf32, #tpu.memory_space<vmem_shared>>
          tpu.wait_indirect_dma semaphore(%run_scoped3A_246 : memref<!tpu.dma_semaphore, #tpu.memory_space<semaphore_mem>>) src(%dma_wait3A_260 : memref<128x128xf32, #tpu.memory_space<vmem>>) dst(%dma_wait3A_266 : memref<10240x128xf32, #tpu.memory_space<vmem_shared>>)
          tpu.yield
        }) : () -> ()
        %dma_wait3A_95 = arith.constant 2 : i32
        %dma_wait3A_96 = arith.constant 0 : i32
        %dma_wait3A_97 = arith.constant 0 : i32
        %dma_wait3A_98 = arith.constant 0 : i32
        %dma_wait3A_99 = tpu.memref_slice %arg9[%dma_wait3A_96, %dma_wait3A_97, %dma_wait3A_98] : memref<2x128x128xf32, #tpu.memory_space<vmem>> -> memref<1x128x128xf32, #tpu.memory_space<vmem>>
        %dma_wait3A_100 = tpu.memref_squeeze %dma_wait3A_99 : memref<1x128x128xf32, #tpu.memory_space<vmem>> -> memref<128x128xf32, #tpu.memory_space<vmem>>
        %dma_wait3A_101 = arith.constant 0 : i32
        %dma_wait3A_102 = tpu.memref_slice %arg7[%rem3A_34, %dma_wait3A_95, %dma_wait3A_101] : memref<2x8x128xi32, #tpu.memory_space<vmem>> -> memref<1x1x128xi32, #tpu.memory_space<vmem>>
        %dma_wait3A_103 = tpu.memref_squeeze %dma_wait3A_102 : memref<1x1x128xi32, #tpu.memory_space<vmem>> -> memref<128xi32, #tpu.memory_space<vmem>>
        %dma_wait3A_104 = arith.constant 0 : i32
        %dma_wait3A_105 = arith.constant 0 : i32
        %dma_wait3A_106 = tpu.memref_slice %arg2[%dma_wait3A_104, %dma_wait3A_105] : memref<10240x128xf32, #tpu.memory_space<hbm>> -> memref<10240x128xf32, #tpu.memory_space<hbm>>
        tpu.wait_indirect_dma semaphore(%arg11 : memref<!tpu.dma_semaphore, #tpu.memory_space<semaphore_mem>>) src(%dma_wait3A_106 : memref<10240x128xf32, #tpu.memory_space<hbm>>) dst(%dma_wait3A_100 : memref<128x128xf32, #tpu.memory_space<vmem>>)
        %dma_start3A_107 = arith.constant 3 : i32
        %dma_start3A_108 = arith.constant 1 : i32
        %dma_start3A_109 = arith.constant 0 : i32
        %dma_start3A_110 = arith.constant 0 : i32
        %dma_start3A_111 = tpu.memref_slice %arg9[%dma_start3A_108, %dma_start3A_109, %dma_start3A_110] : memref<2x128x128xf32, #tpu.memory_space<vmem>> -> memref<1x128x128xf32, #tpu.memory_space<vmem>>
        %dma_start3A_112 = tpu.memref_squeeze %dma_start3A_111 : memref<1x128x128xf32, #tpu.memory_space<vmem>> -> memref<128x128xf32, #tpu.memory_space<vmem>>
        %dma_start3A_113 = arith.constant 0 : i32
        %dma_start3A_114 = tpu.memref_slice %arg7[%rem3A_34, %dma_start3A_107, %dma_start3A_113] : memref<2x8x128xi32, #tpu.memory_space<vmem>> -> memref<1x1x128xi32, #tpu.memory_space<vmem>>
        %dma_start3A_115 = tpu.memref_squeeze %dma_start3A_114 : memref<1x1x128xi32, #tpu.memory_space<vmem>> -> memref<128xi32, #tpu.memory_space<vmem>>
        %dma_start3A_116 = arith.constant 0 : i32
        %dma_start3A_117 = arith.constant 0 : i32
        %dma_start3A_118 = tpu.memref_slice %arg2[%dma_start3A_116, %dma_start3A_117] : memref<10240x128xf32, #tpu.memory_space<hbm>> -> memref<10240x128xf32, #tpu.memory_space<hbm>>
        tpu.enqueue_indirect_dma source(%dma_start3A_118 : memref<10240x128xf32, #tpu.memory_space<hbm>>) target(%dma_start3A_112 : memref<128x128xf32, #tpu.memory_space<vmem>>) offsets(%dma_start3A_115 : memref<128xi32, #tpu.memory_space<vmem>>) semaphore(%arg11 : memref<!tpu.dma_semaphore, #tpu.memory_space<semaphore_mem>>)
        %run_scoped3A_119 = arith.constant 0 : i32
        %run_scoped3A_120 = arith.constant 2 : i32
        "tpu.region"() ({
          %run_scoped3A_246 = tpu.sem_alloc : memref<!tpu.dma_semaphore, #tpu.memory_space<semaphore_mem>>
          %dma_start3A_247 = arith.constant 0 : i32
          %dma_start3A_248 = arith.constant 0 : i32
          %dma_start3A_249 = tpu.memref_slice %arg9[%run_scoped3A_119, %dma_start3A_247, %dma_start3A_248] : memref<2x128x128xf32, #tpu.memory_space<vmem>> -> memref<1x128x128xf32, #tpu.memory_space<vmem>>
          %dma_start3A_250 = tpu.memref_squeeze %dma_start3A_249 : memref<1x128x128xf32, #tpu.memory_space<vmem>> -> memref<128x128xf32, #tpu.memory_space<vmem>>
          %dma_start3A_251 = arith.constant 0 : i32
          %dma_start3A_252 = tpu.memref_slice %arg8[%rem3A_34, %run_scoped3A_120, %dma_start3A_251] : memref<2x8x128xi32, #tpu.memory_space<vmem>> -> memref<1x1x128xi32, #tpu.memory_space<vmem>>
          %dma_start3A_253 = tpu.memref_squeeze %dma_start3A_252 : memref<1x1x128xi32, #tpu.memory_space<vmem>> -> memref<128xi32, #tpu.memory_space<vmem>>
          %dma_start3A_254 = arith.constant 0 : i32
          %dma_start3A_255 = arith.constant 0 : i32
          %dma_start3A_256 = tpu.memref_slice %arg10[%dma_start3A_254, %dma_start3A_255] : memref<10240x128xf32, #tpu.memory_space<vmem_shared>> -> memref<10240x128xf32, #tpu.memory_space<vmem_shared>>
          tpu.enqueue_indirect_dma source(%dma_start3A_250 : memref<128x128xf32, #tpu.memory_space<vmem>>) target(%dma_start3A_256 : memref<10240x128xf32, #tpu.memory_space<vmem_shared>>) offsets(%dma_start3A_253 : memref<128xi32, #tpu.memory_space<vmem>>) semaphore(%run_scoped3A_246 : memref<!tpu.dma_semaphore, #tpu.memory_space<semaphore_mem>>) {add = true}
          %dma_wait3A_257 = arith.constant 0 : i32
          %dma_wait3A_258 = arith.constant 0 : i32
          %dma_wait3A_259 = tpu.memref_slice %arg9[%run_scoped3A_119, %dma_wait3A_257, %dma_wait3A_258] : memref<2x128x128xf32, #tpu.memory_space<vmem>> -> memref<1x128x128xf32, #tpu.memory_space<vmem>>
          %dma_wait3A_260 = tpu.memref_squeeze %dma_wait3A_259 : memref<1x128x128xf32, #tpu.memory_space<vmem>> -> memref<128x128xf32, #tpu.memory_space<vmem>>
          %dma_wait3A_261 = arith.constant 0 : i32
          %dma_wait3A_262 = tpu.memref_slice %arg8[%rem3A_34, %run_scoped3A_120, %dma_wait3A_261] : memref<2x8x128xi32, #tpu.memory_space<vmem>> -> memref<1x1x128xi32, #tpu.memory_space<vmem>>
          %dma_wait3A_263 = tpu.memref_squeeze %dma_wait3A_262 : memref<1x1x128xi32, #tpu.memory_space<vmem>> -> memref<128xi32, #tpu.memory_space<vmem>>
          %dma_wait3A_264 = arith.constant 0 : i32
          %dma_wait3A_265 = arith.constant 0 : i32
          %dma_wait3A_266 = tpu.memref_slice %arg10[%dma_wait3A_264, %dma_wait3A_265] : memref<10240x128xf32, #tpu.memory_space<vmem_shared>> -> memref<10240x128xf32, #tpu.memory_space<vmem_shared>>
          tpu.wait_indirect_dma semaphore(%run_scoped3A_246 : memref<!tpu.dma_semaphore, #tpu.memory_space<semaphore_mem>>) src(%dma_wait3A_260 : memref<128x128xf32, #tpu.memory_space<vmem>>) dst(%dma_wait3A_266 : memref<10240x128xf32, #tpu.memory_space<vmem_shared>>)
          tpu.yield
        }) : () -> ()
        %dma_wait3A_121 = arith.constant 3 : i32
        %dma_wait3A_122 = arith.constant 1 : i32
        %dma_wait3A_123 = arith.constant 0 : i32
        %dma_wait3A_124 = arith.constant 0 : i32
        %dma_wait3A_125 = tpu.memref_slice %arg9[%dma_wait3A_122, %dma_wait3A_123, %dma_wait3A_124] : memref<2x128x128xf32, #tpu.memory_space<vmem>> -> memref<1x128x128xf32, #tpu.memory_space<vmem>>
        %dma_wait3A_126 = tpu.memref_squeeze %dma_wait3A_125 : memref<1x128x128xf32, #tpu.memory_space<vmem>> -> memref<128x128xf32, #tpu.memory_space<vmem>>
        %dma_wait3A_127 = arith.constant 0 : i32
        %dma_wait3A_128 = tpu.memref_slice %arg7[%rem3A_34, %dma_wait3A_121, %dma_wait3A_127] : memref<2x8x128xi32, #tpu.memory_space<vmem>> -> memref<1x1x128xi32, #tpu.memory_space<vmem>>
        %dma_wait3A_129 = tpu.memref_squeeze %dma_wait3A_128 : memref<1x1x128xi32, #tpu.memory_space<vmem>> -> memref<128xi32, #tpu.memory_space<vmem>>
        %dma_wait3A_130 = arith.constant 0 : i32
        %dma_wait3A_131 = arith.constant 0 : i32
        %dma_wait3A_132 = tpu.memref_slice %arg2[%dma_wait3A_130, %dma_wait3A_131] : memref<10240x128xf32, #tpu.memory_space<hbm>> -> memref<10240x128xf32, #tpu.memory_space<hbm>>
        tpu.wait_indirect_dma semaphore(%arg11 : memref<!tpu.dma_semaphore, #tpu.memory_space<semaphore_mem>>) src(%dma_wait3A_132 : memref<10240x128xf32, #tpu.memory_space<hbm>>) dst(%dma_wait3A_126 : memref<128x128xf32, #tpu.memory_space<vmem>>)
        %dma_start3A_133 = arith.constant 4 : i32
        %dma_start3A_134 = arith.constant 0 : i32
        %dma_start3A_135 = arith.constant 0 : i32
        %dma_start3A_136 = arith.constant 0 : i32
        %dma_start3A_137 = tpu.memref_slice %arg9[%dma_start3A_134, %dma_start3A_135, %dma_start3A_136] : memref<2x128x128xf32, #tpu.memory_space<vmem>> -> memref<1x128x128xf32, #tpu.memory_space<vmem>>
        %dma_start3A_138 = tpu.memref_squeeze %dma_start3A_137 : memref<1x128x128xf32, #tpu.memory_space<vmem>> -> memref<128x128xf32, #tpu.memory_space<vmem>>
        %dma_start3A_139 = arith.constant 0 : i32
        %dma_start3A_140 = tpu.memref_slice %arg7[%rem3A_34, %dma_start3A_133, %dma_start3A_139] : memref<2x8x128xi32, #tpu.memory_space<vmem>> -> memref<1x1x128xi32, #tpu.memory_space<vmem>>
        %dma_start3A_141 = tpu.memref_squeeze %dma_start3A_140 : memref<1x1x128xi32, #tpu.memory_space<vmem>> -> memref<128xi32, #tpu.memory_space<vmem>>
        %dma_start3A_142 = arith.constant 0 : i32
        %dma_start3A_143 = arith.constant 0 : i32
        %dma_start3A_144 = tpu.memref_slice %arg2[%dma_start3A_142, %dma_start3A_143] : memref<10240x128xf32, #tpu.memory_space<hbm>> -> memref<10240x128xf32, #tpu.memory_space<hbm>>
        tpu.enqueue_indirect_dma source(%dma_start3A_144 : memref<10240x128xf32, #tpu.memory_space<hbm>>) target(%dma_start3A_138 : memref<128x128xf32, #tpu.memory_space<vmem>>) offsets(%dma_start3A_141 : memref<128xi32, #tpu.memory_space<vmem>>) semaphore(%arg11 : memref<!tpu.dma_semaphore, #tpu.memory_space<semaphore_mem>>)
        %run_scoped3A_145 = arith.constant 1 : i32
        %run_scoped3A_146 = arith.constant 3 : i32
        "tpu.region"() ({
          %run_scoped3A_246 = tpu.sem_alloc : memref<!tpu.dma_semaphore, #tpu.memory_space<semaphore_mem>>
          %dma_start3A_247 = arith.constant 0 : i32
          %dma_start3A_248 = arith.constant 0 : i32
          %dma_start3A_249 = tpu.memref_slice %arg9[%run_scoped3A_145, %dma_start3A_247, %dma_start3A_248] : memref<2x128x128xf32, #tpu.memory_space<vmem>> -> memref<1x128x128xf32, #tpu.memory_space<vmem>>
          %dma_start3A_250 = tpu.memref_squeeze %dma_start3A_249 : memref<1x128x128xf32, #tpu.memory_space<vmem>> -> memref<128x128xf32, #tpu.memory_space<vmem>>
          %dma_start3A_251 = arith.constant 0 : i32
          %dma_start3A_252 = tpu.memref_slice %arg8[%rem3A_34, %run_scoped3A_146, %dma_start3A_251] : memref<2x8x128xi32, #tpu.memory_space<vmem>> -> memref<1x1x128xi32, #tpu.memory_space<vmem>>
          %dma_start3A_253 = tpu.memref_squeeze %dma_start3A_252 : memref<1x1x128xi32, #tpu.memory_space<vmem>> -> memref<128xi32, #tpu.memory_space<vmem>>
          %dma_start3A_254 = arith.constant 0 : i32
          %dma_start3A_255 = arith.constant 0 : i32
          %dma_start3A_256 = tpu.memref_slice %arg10[%dma_start3A_254, %dma_start3A_255] : memref<10240x128xf32, #tpu.memory_space<vmem_shared>> -> memref<10240x128xf32, #tpu.memory_space<vmem_shared>>
          tpu.enqueue_indirect_dma source(%dma_start3A_250 : memref<128x128xf32, #tpu.memory_space<vmem>>) target(%dma_start3A_256 : memref<10240x128xf32, #tpu.memory_space<vmem_shared>>) offsets(%dma_start3A_253 : memref<128xi32, #tpu.memory_space<vmem>>) semaphore(%run_scoped3A_246 : memref<!tpu.dma_semaphore, #tpu.memory_space<semaphore_mem>>) {add = true}
          %dma_wait3A_257 = arith.constant 0 : i32
          %dma_wait3A_258 = arith.constant 0 : i32
          %dma_wait3A_259 = tpu.memref_slice %arg9[%run_scoped3A_145, %dma_wait3A_257, %dma_wait3A_258] : memref<2x128x128xf32, #tpu.memory_space<vmem>> -> memref<1x128x128xf32, #tpu.memory_space<vmem>>
          %dma_wait3A_260 = tpu.memref_squeeze %dma_wait3A_259 : memref<1x128x128xf32, #tpu.memory_space<vmem>> -> memref<128x128xf32, #tpu.memory_space<vmem>>
          %dma_wait3A_261 = arith.constant 0 : i32
          %dma_wait3A_262 = tpu.memref_slice %arg8[%rem3A_34, %run_scoped3A_146, %dma_wait3A_261] : memref<2x8x128xi32, #tpu.memory_space<vmem>> -> memref<1x1x128xi32, #tpu.memory_space<vmem>>
          %dma_wait3A_263 = tpu.memref_squeeze %dma_wait3A_262 : memref<1x1x128xi32, #tpu.memory_space<vmem>> -> memref<128xi32, #tpu.memory_space<vmem>>
          %dma_wait3A_264 = arith.constant 0 : i32
          %dma_wait3A_265 = arith.constant 0 : i32
          %dma_wait3A_266 = tpu.memref_slice %arg10[%dma_wait3A_264, %dma_wait3A_265] : memref<10240x128xf32, #tpu.memory_space<vmem_shared>> -> memref<10240x128xf32, #tpu.memory_space<vmem_shared>>
          tpu.wait_indirect_dma semaphore(%run_scoped3A_246 : memref<!tpu.dma_semaphore, #tpu.memory_space<semaphore_mem>>) src(%dma_wait3A_260 : memref<128x128xf32, #tpu.memory_space<vmem>>) dst(%dma_wait3A_266 : memref<10240x128xf32, #tpu.memory_space<vmem_shared>>)
          tpu.yield
        }) : () -> ()
        %dma_wait3A_147 = arith.constant 4 : i32
        %dma_wait3A_148 = arith.constant 0 : i32
        %dma_wait3A_149 = arith.constant 0 : i32
        %dma_wait3A_150 = arith.constant 0 : i32
        %dma_wait3A_151 = tpu.memref_slice %arg9[%dma_wait3A_148, %dma_wait3A_149, %dma_wait3A_150] : memref<2x128x128xf32, #tpu.memory_space<vmem>> -> memref<1x128x128xf32, #tpu.memory_space<vmem>>
        %dma_wait3A_152 = tpu.memref_squeeze %dma_wait3A_151 : memref<1x128x128xf32, #tpu.memory_space<vmem>> -> memref<128x128xf32, #tpu.memory_space<vmem>>
        %dma_wait3A_153 = arith.constant 0 : i32
        %dma_wait3A_154 = tpu.memref_slice %arg7[%rem3A_34, %dma_wait3A_147, %dma_wait3A_153] : memref<2x8x128xi32, #tpu.memory_space<vmem>> -> memref<1x1x128xi32, #tpu.memory_space<vmem>>
        %dma_wait3A_155 = tpu.memref_squeeze %dma_wait3A_154 : memref<1x1x128xi32, #tpu.memory_space<vmem>> -> memref<128xi32, #tpu.memory_space<vmem>>
        %dma_wait3A_156 = arith.constant 0 : i32
        %dma_wait3A_157 = arith.constant 0 : i32
        %dma_wait3A_158 = tpu.memref_slice %arg2[%dma_wait3A_156, %dma_wait3A_157] : memref<10240x128xf32, #tpu.memory_space<hbm>> -> memref<10240x128xf32, #tpu.memory_space<hbm>>
        tpu.wait_indirect_dma semaphore(%arg11 : memref<!tpu.dma_semaphore, #tpu.memory_space<semaphore_mem>>) src(%dma_wait3A_158 : memref<10240x128xf32, #tpu.memory_space<hbm>>) dst(%dma_wait3A_152 : memref<128x128xf32, #tpu.memory_space<vmem>>)
        %dma_start3A_159 = arith.constant 5 : i32
        %dma_start3A_160 = arith.constant 1 : i32
        %dma_start3A_161 = arith.constant 0 : i32
        %dma_start3A_162 = arith.constant 0 : i32
        %dma_start3A_163 = tpu.memref_slice %arg9[%dma_start3A_160, %dma_start3A_161, %dma_start3A_162] : memref<2x128x128xf32, #tpu.memory_space<vmem>> -> memref<1x128x128xf32, #tpu.memory_space<vmem>>
        %dma_start3A_164 = tpu.memref_squeeze %dma_start3A_163 : memref<1x128x128xf32, #tpu.memory_space<vmem>> -> memref<128x128xf32, #tpu.memory_space<vmem>>
        %dma_start3A_165 = arith.constant 0 : i32
        %dma_start3A_166 = tpu.memref_slice %arg7[%rem3A_34, %dma_start3A_159, %dma_start3A_165] : memref<2x8x128xi32, #tpu.memory_space<vmem>> -> memref<1x1x128xi32, #tpu.memory_space<vmem>>
        %dma_start3A_167 = tpu.memref_squeeze %dma_start3A_166 : memref<1x1x128xi32, #tpu.memory_space<vmem>> -> memref<128xi32, #tpu.memory_space<vmem>>
        %dma_start3A_168 = arith.constant 0 : i32
        %dma_start3A_169 = arith.constant 0 : i32
        %dma_start3A_170 = tpu.memref_slice %arg2[%dma_start3A_168, %dma_start3A_169] : memref<10240x128xf32, #tpu.memory_space<hbm>> -> memref<10240x128xf32, #tpu.memory_space<hbm>>
        tpu.enqueue_indirect_dma source(%dma_start3A_170 : memref<10240x128xf32, #tpu.memory_space<hbm>>) target(%dma_start3A_164 : memref<128x128xf32, #tpu.memory_space<vmem>>) offsets(%dma_start3A_167 : memref<128xi32, #tpu.memory_space<vmem>>) semaphore(%arg11 : memref<!tpu.dma_semaphore, #tpu.memory_space<semaphore_mem>>)
        %run_scoped3A_171 = arith.constant 0 : i32
        %run_scoped3A_172 = arith.constant 4 : i32
        "tpu.region"() ({
          %run_scoped3A_246 = tpu.sem_alloc : memref<!tpu.dma_semaphore, #tpu.memory_space<semaphore_mem>>
          %dma_start3A_247 = arith.constant 0 : i32
          %dma_start3A_248 = arith.constant 0 : i32
          %dma_start3A_249 = tpu.memref_slice %arg9[%run_scoped3A_171, %dma_start3A_247, %dma_start3A_248] : memref<2x128x128xf32, #tpu.memory_space<vmem>> -> memref<1x128x128xf32, #tpu.memory_space<vmem>>
          %dma_start3A_250 = tpu.memref_squeeze %dma_start3A_249 : memref<1x128x128xf32, #tpu.memory_space<vmem>> -> memref<128x128xf32, #tpu.memory_space<vmem>>
          %dma_start3A_251 = arith.constant 0 : i32
          %dma_start3A_252 = tpu.memref_slice %arg8[%rem3A_34, %run_scoped3A_172, %dma_start3A_251] : memref<2x8x128xi32, #tpu.memory_space<vmem>> -> memref<1x1x128xi32, #tpu.memory_space<vmem>>
          %dma_start3A_253 = tpu.memref_squeeze %dma_start3A_252 : memref<1x1x128xi32, #tpu.memory_space<vmem>> -> memref<128xi32, #tpu.memory_space<vmem>>
          %dma_start3A_254 = arith.constant 0 : i32
          %dma_start3A_255 = arith.constant 0 : i32
          %dma_start3A_256 = tpu.memref_slice %arg10[%dma_start3A_254, %dma_start3A_255] : memref<10240x128xf32, #tpu.memory_space<vmem_shared>> -> memref<10240x128xf32, #tpu.memory_space<vmem_shared>>
          tpu.enqueue_indirect_dma source(%dma_start3A_250 : memref<128x128xf32, #tpu.memory_space<vmem>>) target(%dma_start3A_256 : memref<10240x128xf32, #tpu.memory_space<vmem_shared>>) offsets(%dma_start3A_253 : memref<128xi32, #tpu.memory_space<vmem>>) semaphore(%run_scoped3A_246 : memref<!tpu.dma_semaphore, #tpu.memory_space<semaphore_mem>>) {add = true}
          %dma_wait3A_257 = arith.constant 0 : i32
          %dma_wait3A_258 = arith.constant 0 : i32
          %dma_wait3A_259 = tpu.memref_slice %arg9[%run_scoped3A_171, %dma_wait3A_257, %dma_wait3A_258] : memref<2x128x128xf32, #tpu.memory_space<vmem>> -> memref<1x128x128xf32, #tpu.memory_space<vmem>>
          %dma_wait3A_260 = tpu.memref_squeeze %dma_wait3A_259 : memref<1x128x128xf32, #tpu.memory_space<vmem>> -> memref<128x128xf32, #tpu.memory_space<vmem>>
          %dma_wait3A_261 = arith.constant 0 : i32
          %dma_wait3A_262 = tpu.memref_slice %arg8[%rem3A_34, %run_scoped3A_172, %dma_wait3A_261] : memref<2x8x128xi32, #tpu.memory_space<vmem>> -> memref<1x1x128xi32, #tpu.memory_space<vmem>>
          %dma_wait3A_263 = tpu.memref_squeeze %dma_wait3A_262 : memref<1x1x128xi32, #tpu.memory_space<vmem>> -> memref<128xi32, #tpu.memory_space<vmem>>
          %dma_wait3A_264 = arith.constant 0 : i32
          %dma_wait3A_265 = arith.constant 0 : i32
          %dma_wait3A_266 = tpu.memref_slice %arg10[%dma_wait3A_264, %dma_wait3A_265] : memref<10240x128xf32, #tpu.memory_space<vmem_shared>> -> memref<10240x128xf32, #tpu.memory_space<vmem_shared>>
          tpu.wait_indirect_dma semaphore(%run_scoped3A_246 : memref<!tpu.dma_semaphore, #tpu.memory_space<semaphore_mem>>) src(%dma_wait3A_260 : memref<128x128xf32, #tpu.memory_space<vmem>>) dst(%dma_wait3A_266 : memref<10240x128xf32, #tpu.memory_space<vmem_shared>>)
          tpu.yield
        }) : () -> ()
        %dma_wait3A_173 = arith.constant 5 : i32
        %dma_wait3A_174 = arith.constant 1 : i32
        %dma_wait3A_175 = arith.constant 0 : i32
        %dma_wait3A_176 = arith.constant 0 : i32
        %dma_wait3A_177 = tpu.memref_slice %arg9[%dma_wait3A_174, %dma_wait3A_175, %dma_wait3A_176] : memref<2x128x128xf32, #tpu.memory_space<vmem>> -> memref<1x128x128xf32, #tpu.memory_space<vmem>>
        %dma_wait3A_178 = tpu.memref_squeeze %dma_wait3A_177 : memref<1x128x128xf32, #tpu.memory_space<vmem>> -> memref<128x128xf32, #tpu.memory_space<vmem>>
        %dma_wait3A_179 = arith.constant 0 : i32
        %dma_wait3A_180 = tpu.memref_slice %arg7[%rem3A_34, %dma_wait3A_173, %dma_wait3A_179] : memref<2x8x128xi32, #tpu.memory_space<vmem>> -> memref<1x1x128xi32, #tpu.memory_space<vmem>>
        %dma_wait3A_181 = tpu.memref_squeeze %dma_wait3A_180 : memref<1x1x128xi32, #tpu.memory_space<vmem>> -> memref<128xi32, #tpu.memory_space<vmem>>
        %dma_wait3A_182 = arith.constant 0 : i32
        %dma_wait3A_183 = arith.constant 0 : i32
        %dma_wait3A_184 = tpu.memref_slice %arg2[%dma_wait3A_182, %dma_wait3A_183] : memref<10240x128xf32, #tpu.memory_space<hbm>> -> memref<10240x128xf32, #tpu.memory_space<hbm>>
        tpu.wait_indirect_dma semaphore(%arg11 : memref<!tpu.dma_semaphore, #tpu.memory_space<semaphore_mem>>) src(%dma_wait3A_184 : memref<10240x128xf32, #tpu.memory_space<hbm>>) dst(%dma_wait3A_178 : memref<128x128xf32, #tpu.memory_space<vmem>>)
        %dma_start3A_185 = arith.constant 6 : i32
        %dma_start3A_186 = arith.constant 0 : i32
        %dma_start3A_187 = arith.constant 0 : i32
        %dma_start3A_188 = arith.constant 0 : i32
        %dma_start3A_189 = tpu.memref_slice %arg9[%dma_start3A_186, %dma_start3A_187, %dma_start3A_188] : memref<2x128x128xf32, #tpu.memory_space<vmem>> -> memref<1x128x128xf32, #tpu.memory_space<vmem>>
        %dma_start3A_190 = tpu.memref_squeeze %dma_start3A_189 : memref<1x128x128xf32, #tpu.memory_space<vmem>> -> memref<128x128xf32, #tpu.memory_space<vmem>>
        %dma_start3A_191 = arith.constant 0 : i32
        %dma_start3A_192 = tpu.memref_slice %arg7[%rem3A_34, %dma_start3A_185, %dma_start3A_191] : memref<2x8x128xi32, #tpu.memory_space<vmem>> -> memref<1x1x128xi32, #tpu.memory_space<vmem>>
        %dma_start3A_193 = tpu.memref_squeeze %dma_start3A_192 : memref<1x1x128xi32, #tpu.memory_space<vmem>> -> memref<128xi32, #tpu.memory_space<vmem>>
        %dma_start3A_194 = arith.constant 0 : i32
        %dma_start3A_195 = arith.constant 0 : i32
        %dma_start3A_196 = tpu.memref_slice %arg2[%dma_start3A_194, %dma_start3A_195] : memref<10240x128xf32, #tpu.memory_space<hbm>> -> memref<10240x128xf32, #tpu.memory_space<hbm>>
        tpu.enqueue_indirect_dma source(%dma_start3A_196 : memref<10240x128xf32, #tpu.memory_space<hbm>>) target(%dma_start3A_190 : memref<128x128xf32, #tpu.memory_space<vmem>>) offsets(%dma_start3A_193 : memref<128xi32, #tpu.memory_space<vmem>>) semaphore(%arg11 : memref<!tpu.dma_semaphore, #tpu.memory_space<semaphore_mem>>)
        %run_scoped3A_197 = arith.constant 1 : i32
        %run_scoped3A_198 = arith.constant 5 : i32
        "tpu.region"() ({
          %run_scoped3A_246 = tpu.sem_alloc : memref<!tpu.dma_semaphore, #tpu.memory_space<semaphore_mem>>
          %dma_start3A_247 = arith.constant 0 : i32
          %dma_start3A_248 = arith.constant 0 : i32
          %dma_start3A_249 = tpu.memref_slice %arg9[%run_scoped3A_197, %dma_start3A_247, %dma_start3A_248] : memref<2x128x128xf32, #tpu.memory_space<vmem>> -> memref<1x128x128xf32, #tpu.memory_space<vmem>>
          %dma_start3A_250 = tpu.memref_squeeze %dma_start3A_249 : memref<1x128x128xf32, #tpu.memory_space<vmem>> -> memref<128x128xf32, #tpu.memory_space<vmem>>
          %dma_start3A_251 = arith.constant 0 : i32
          %dma_start3A_252 = tpu.memref_slice %arg8[%rem3A_34, %run_scoped3A_198, %dma_start3A_251] : memref<2x8x128xi32, #tpu.memory_space<vmem>> -> memref<1x1x128xi32, #tpu.memory_space<vmem>>
          %dma_start3A_253 = tpu.memref_squeeze %dma_start3A_252 : memref<1x1x128xi32, #tpu.memory_space<vmem>> -> memref<128xi32, #tpu.memory_space<vmem>>
          %dma_start3A_254 = arith.constant 0 : i32
          %dma_start3A_255 = arith.constant 0 : i32
          %dma_start3A_256 = tpu.memref_slice %arg10[%dma_start3A_254, %dma_start3A_255] : memref<10240x128xf32, #tpu.memory_space<vmem_shared>> -> memref<10240x128xf32, #tpu.memory_space<vmem_shared>>
          tpu.enqueue_indirect_dma source(%dma_start3A_250 : memref<128x128xf32, #tpu.memory_space<vmem>>) target(%dma_start3A_256 : memref<10240x128xf32, #tpu.memory_space<vmem_shared>>) offsets(%dma_start3A_253 : memref<128xi32, #tpu.memory_space<vmem>>) semaphore(%run_scoped3A_246 : memref<!tpu.dma_semaphore, #tpu.memory_space<semaphore_mem>>) {add = true}
          %dma_wait3A_257 = arith.constant 0 : i32
          %dma_wait3A_258 = arith.constant 0 : i32
          %dma_wait3A_259 = tpu.memref_slice %arg9[%run_scoped3A_197, %dma_wait3A_257, %dma_wait3A_258] : memref<2x128x128xf32, #tpu.memory_space<vmem>> -> memref<1x128x128xf32, #tpu.memory_space<vmem>>
          %dma_wait3A_260 = tpu.memref_squeeze %dma_wait3A_259 : memref<1x128x128xf32, #tpu.memory_space<vmem>> -> memref<128x128xf32, #tpu.memory_space<vmem>>
          %dma_wait3A_261 = arith.constant 0 : i32
          %dma_wait3A_262 = tpu.memref_slice %arg8[%rem3A_34, %run_scoped3A_198, %dma_wait3A_261] : memref<2x8x128xi32, #tpu.memory_space<vmem>> -> memref<1x1x128xi32, #tpu.memory_space<vmem>>
          %dma_wait3A_263 = tpu.memref_squeeze %dma_wait3A_262 : memref<1x1x128xi32, #tpu.memory_space<vmem>> -> memref<128xi32, #tpu.memory_space<vmem>>
          %dma_wait3A_264 = arith.constant 0 : i32
          %dma_wait3A_265 = arith.constant 0 : i32
          %dma_wait3A_266 = tpu.memref_slice %arg10[%dma_wait3A_264, %dma_wait3A_265] : memref<10240x128xf32, #tpu.memory_space<vmem_shared>> -> memref<10240x128xf32, #tpu.memory_space<vmem_shared>>
          tpu.wait_indirect_dma semaphore(%run_scoped3A_246 : memref<!tpu.dma_semaphore, #tpu.memory_space<semaphore_mem>>) src(%dma_wait3A_260 : memref<128x128xf32, #tpu.memory_space<vmem>>) dst(%dma_wait3A_266 : memref<10240x128xf32, #tpu.memory_space<vmem_shared>>)
          tpu.yield
        }) : () -> ()
        %dma_wait3A_199 = arith.constant 6 : i32
        %dma_wait3A_200 = arith.constant 0 : i32
        %dma_wait3A_201 = arith.constant 0 : i32
        %dma_wait3A_202 = arith.constant 0 : i32
        %dma_wait3A_203 = tpu.memref_slice %arg9[%dma_wait3A_200, %dma_wait3A_201, %dma_wait3A_202] : memref<2x128x128xf32, #tpu.memory_space<vmem>> -> memref<1x128x128xf32, #tpu.memory_space<vmem>>
        %dma_wait3A_204 = tpu.memref_squeeze %dma_wait3A_203 : memref<1x128x128xf32, #tpu.memory_space<vmem>> -> memref<128x128xf32, #tpu.memory_space<vmem>>
        %dma_wait3A_205 = arith.constant 0 : i32
        %dma_wait3A_206 = tpu.memref_slice %arg7[%rem3A_34, %dma_wait3A_199, %dma_wait3A_205] : memref<2x8x128xi32, #tpu.memory_space<vmem>> -> memref<1x1x128xi32, #tpu.memory_space<vmem>>
        %dma_wait3A_207 = tpu.memref_squeeze %dma_wait3A_206 : memref<1x1x128xi32, #tpu.memory_space<vmem>> -> memref<128xi32, #tpu.memory_space<vmem>>
        %dma_wait3A_208 = arith.constant 0 : i32
        %dma_wait3A_209 = arith.constant 0 : i32
        %dma_wait3A_210 = tpu.memref_slice %arg2[%dma_wait3A_208, %dma_wait3A_209] : memref<10240x128xf32, #tpu.memory_space<hbm>> -> memref<10240x128xf32, #tpu.memory_space<hbm>>
        tpu.wait_indirect_dma semaphore(%arg11 : memref<!tpu.dma_semaphore, #tpu.memory_space<semaphore_mem>>) src(%dma_wait3A_210 : memref<10240x128xf32, #tpu.memory_space<hbm>>) dst(%dma_wait3A_204 : memref<128x128xf32, #tpu.memory_space<vmem>>)
        %dma_start3A_211 = arith.constant 7 : i32
        %dma_start3A_212 = arith.constant 1 : i32
        %dma_start3A_213 = arith.constant 0 : i32
        %dma_start3A_214 = arith.constant 0 : i32
        %dma_start3A_215 = tpu.memref_slice %arg9[%dma_start3A_212, %dma_start3A_213, %dma_start3A_214] : memref<2x128x128xf32, #tpu.memory_space<vmem>> -> memref<1x128x128xf32, #tpu.memory_space<vmem>>
        %dma_start3A_216 = tpu.memref_squeeze %dma_start3A_215 : memref<1x128x128xf32, #tpu.memory_space<vmem>> -> memref<128x128xf32, #tpu.memory_space<vmem>>
        %dma_start3A_217 = arith.constant 0 : i32
        %dma_start3A_218 = tpu.memref_slice %arg7[%rem3A_34, %dma_start3A_211, %dma_start3A_217] : memref<2x8x128xi32, #tpu.memory_space<vmem>> -> memref<1x1x128xi32, #tpu.memory_space<vmem>>
        %dma_start3A_219 = tpu.memref_squeeze %dma_start3A_218 : memref<1x1x128xi32, #tpu.memory_space<vmem>> -> memref<128xi32, #tpu.memory_space<vmem>>
        %dma_start3A_220 = arith.constant 0 : i32
        %dma_start3A_221 = arith.constant 0 : i32
        %dma_start3A_222 = tpu.memref_slice %arg2[%dma_start3A_220, %dma_start3A_221] : memref<10240x128xf32, #tpu.memory_space<hbm>> -> memref<10240x128xf32, #tpu.memory_space<hbm>>
        tpu.enqueue_indirect_dma source(%dma_start3A_222 : memref<10240x128xf32, #tpu.memory_space<hbm>>) target(%dma_start3A_216 : memref<128x128xf32, #tpu.memory_space<vmem>>) offsets(%dma_start3A_219 : memref<128xi32, #tpu.memory_space<vmem>>) semaphore(%arg11 : memref<!tpu.dma_semaphore, #tpu.memory_space<semaphore_mem>>)
        %run_scoped3A_223 = arith.constant 0 : i32
        %run_scoped3A_224 = arith.constant 6 : i32
        "tpu.region"() ({
          %run_scoped3A_246 = tpu.sem_alloc : memref<!tpu.dma_semaphore, #tpu.memory_space<semaphore_mem>>
          %dma_start3A_247 = arith.constant 0 : i32
          %dma_start3A_248 = arith.constant 0 : i32
          %dma_start3A_249 = tpu.memref_slice %arg9[%run_scoped3A_223, %dma_start3A_247, %dma_start3A_248] : memref<2x128x128xf32, #tpu.memory_space<vmem>> -> memref<1x128x128xf32, #tpu.memory_space<vmem>>
          %dma_start3A_250 = tpu.memref_squeeze %dma_start3A_249 : memref<1x128x128xf32, #tpu.memory_space<vmem>> -> memref<128x128xf32, #tpu.memory_space<vmem>>
          %dma_start3A_251 = arith.constant 0 : i32
          %dma_start3A_252 = tpu.memref_slice %arg8[%rem3A_34, %run_scoped3A_224, %dma_start3A_251] : memref<2x8x128xi32, #tpu.memory_space<vmem>> -> memref<1x1x128xi32, #tpu.memory_space<vmem>>
          %dma_start3A_253 = tpu.memref_squeeze %dma_start3A_252 : memref<1x1x128xi32, #tpu.memory_space<vmem>> -> memref<128xi32, #tpu.memory_space<vmem>>
          %dma_start3A_254 = arith.constant 0 : i32
          %dma_start3A_255 = arith.constant 0 : i32
          %dma_start3A_256 = tpu.memref_slice %arg10[%dma_start3A_254, %dma_start3A_255] : memref<10240x128xf32, #tpu.memory_space<vmem_shared>> -> memref<10240x128xf32, #tpu.memory_space<vmem_shared>>
          tpu.enqueue_indirect_dma source(%dma_start3A_250 : memref<128x128xf32, #tpu.memory_space<vmem>>) target(%dma_start3A_256 : memref<10240x128xf32, #tpu.memory_space<vmem_shared>>) offsets(%dma_start3A_253 : memref<128xi32, #tpu.memory_space<vmem>>) semaphore(%run_scoped3A_246 : memref<!tpu.dma_semaphore, #tpu.memory_space<semaphore_mem>>) {add = true}
          %dma_wait3A_257 = arith.constant 0 : i32
          %dma_wait3A_258 = arith.constant 0 : i32
          %dma_wait3A_259 = tpu.memref_slice %arg9[%run_scoped3A_223, %dma_wait3A_257, %dma_wait3A_258] : memref<2x128x128xf32, #tpu.memory_space<vmem>> -> memref<1x128x128xf32, #tpu.memory_space<vmem>>
          %dma_wait3A_260 = tpu.memref_squeeze %dma_wait3A_259 : memref<1x128x128xf32, #tpu.memory_space<vmem>> -> memref<128x128xf32, #tpu.memory_space<vmem>>
          %dma_wait3A_261 = arith.constant 0 : i32
          %dma_wait3A_262 = tpu.memref_slice %arg8[%rem3A_34, %run_scoped3A_224, %dma_wait3A_261] : memref<2x8x128xi32, #tpu.memory_space<vmem>> -> memref<1x1x128xi32, #tpu.memory_space<vmem>>
          %dma_wait3A_263 = tpu.memref_squeeze %dma_wait3A_262 : memref<1x1x128xi32, #tpu.memory_space<vmem>> -> memref<128xi32, #tpu.memory_space<vmem>>
          %dma_wait3A_264 = arith.constant 0 : i32
          %dma_wait3A_265 = arith.constant 0 : i32
          %dma_wait3A_266 = tpu.memref_slice %arg10[%dma_wait3A_264, %dma_wait3A_265] : memref<10240x128xf32, #tpu.memory_space<vmem_shared>> -> memref<10240x128xf32, #tpu.memory_space<vmem_shared>>
          tpu.wait_indirect_dma semaphore(%run_scoped3A_246 : memref<!tpu.dma_semaphore, #tpu.memory_space<semaphore_mem>>) src(%dma_wait3A_260 : memref<128x128xf32, #tpu.memory_space<vmem>>) dst(%dma_wait3A_266 : memref<10240x128xf32, #tpu.memory_space<vmem_shared>>)
          tpu.yield
        }) : () -> ()
        %dma_wait3A_225 = arith.constant 7 : i32
        %dma_wait3A_226 = arith.constant 1 : i32
        %dma_wait3A_227 = arith.constant 0 : i32
        %dma_wait3A_228 = arith.constant 0 : i32
        %dma_wait3A_229 = tpu.memref_slice %arg9[%dma_wait3A_226, %dma_wait3A_227, %dma_wait3A_228] : memref<2x128x128xf32, #tpu.memory_space<vmem>> -> memref<1x128x128xf32, #tpu.memory_space<vmem>>
        %dma_wait3A_230 = tpu.memref_squeeze %dma_wait3A_229 : memref<1x128x128xf32, #tpu.memory_space<vmem>> -> memref<128x128xf32, #tpu.memory_space<vmem>>
        %dma_wait3A_231 = arith.constant 0 : i32
        %dma_wait3A_232 = tpu.memref_slice %arg7[%rem3A_34, %dma_wait3A_225, %dma_wait3A_231] : memref<2x8x128xi32, #tpu.memory_space<vmem>> -> memref<1x1x128xi32, #tpu.memory_space<vmem>>
        %dma_wait3A_233 = tpu.memref_squeeze %dma_wait3A_232 : memref<1x1x128xi32, #tpu.memory_space<vmem>> -> memref<128xi32, #tpu.memory_space<vmem>>
        %dma_wait3A_234 = arith.constant 0 : i32
        %dma_wait3A_235 = arith.constant 0 : i32
        %dma_wait3A_236 = tpu.memref_slice %arg2[%dma_wait3A_234, %dma_wait3A_235] : memref<10240x128xf32, #tpu.memory_space<hbm>> -> memref<10240x128xf32, #tpu.memory_space<hbm>>
        tpu.wait_indirect_dma semaphore(%arg11 : memref<!tpu.dma_semaphore, #tpu.memory_space<semaphore_mem>>) src(%dma_wait3A_236 : memref<10240x128xf32, #tpu.memory_space<hbm>>) dst(%dma_wait3A_230 : memref<128x128xf32, #tpu.memory_space<vmem>>)
        %add3A_237 = arith.constant 1 : i32
        %add3A_238 = arith.addi %scan3A_33, %add3A_237 : i32
        %lt3A_239 = arith.constant 10 : i32
        %lt3A_240 = arith.cmpi slt, %add3A_238, %lt3A_239 : i32
        %convert_element_type3A_241 = arith.extui %lt3A_240 : i1 to i32
        %cond3A_242 = arith.constant 0 : i32
        %cond3A_243 = arith.cmpi ne, %convert_element_type3A_241, %cond3A_242 : i32
        scf.if %cond3A_243 {
          %add3A_246 = arith.constant 1 : i32
          %add3A_247 = arith.addi %scan3A_33, %add3A_246 : i32
          %mul3A_248 = arith.constant 8 : i32
          %mul3A_249 = arith.muli %add3A_247, %mul3A_248 : i32
          %add3A_250 = arith.addi %mul3A_14, %mul3A_249 : i32
          %dma_wait3A_251 = arith.constant 0 : i32
          %dma_wait3A_252 = arith.constant 0 : i32
          %dma_wait3A_253 = tpu.memref_slice %arg7[%rem3A_37, %dma_wait3A_251, %dma_wait3A_252] : memref<2x8x128xi32, #tpu.memory_space<vmem>> -> memref<1x8x128xi32, #tpu.memory_space<vmem>>
          %dma_wait3A_254 = tpu.memref_squeeze %dma_wait3A_253 : memref<1x8x128xi32, #tpu.memory_space<vmem>> -> memref<8x128xi32, #tpu.memory_space<vmem>>
          %dma_wait3A_255 = arith.constant 0 : i32
          %dma_wait3A_256 = tpu.memref_slice %arg3[%add3A_250, %dma_wait3A_255] : memref<2560x128xi32, #tpu.memory_space<hbm>> -> memref<8x128xi32, #tpu.memory_space<hbm>>
          %dma_wait3A_257 = arith.constant 0 : i32
          %dma_wait3A_258 = arith.constant 0 : i32
          %dma_wait3A_259 = tpu.memref_slice %arg7[%rem3A_37, %dma_wait3A_257, %dma_wait3A_258] : memref<2x8x128xi32, #tpu.memory_space<vmem>> -> memref<1x8x128xi32, #tpu.memory_space<vmem>>
          %dma_wait3A_260 = tpu.memref_squeeze %dma_wait3A_259 : memref<1x8x128xi32, #tpu.memory_space<vmem>> -> memref<8x128xi32, #tpu.memory_space<vmem>>
          %dma_wait3A_261 = arith.constant 0 : i32
          %dma_wait3A_262 = tpu.memref_slice %arg3[%add3A_250, %dma_wait3A_261] : memref<2560x128xi32, #tpu.memory_space<hbm>> -> memref<8x128xi32, #tpu.memory_space<hbm>>
          tpu.wait_dma2 semaphore(%arg12 : memref<!tpu.dma_semaphore, #tpu.memory_space<semaphore_mem>>) src(%dma_wait3A_262 : memref<8x128xi32, #tpu.memory_space<hbm>>) dst(%dma_wait3A_260 : memref<8x128xi32, #tpu.memory_space<vmem>>)
          %dma_wait3A_263 = arith.constant 0 : i32
          %dma_wait3A_264 = arith.constant 0 : i32
          %dma_wait3A_265 = tpu.memref_slice %arg8[%rem3A_37, %dma_wait3A_263, %dma_wait3A_264] : memref<2x8x128xi32, #tpu.memory_space<vmem>> -> memref<1x8x128xi32, #tpu.memory_space<vmem>>
          %dma_wait3A_266 = tpu.memref_squeeze %dma_wait3A_265 : memref<1x8x128xi32, #tpu.memory_space<vmem>> -> memref<8x128xi32, #tpu.memory_space<vmem>>
          %dma_wait3A_267 = arith.constant 0 : i32
          %dma_wait3A_268 = tpu.memref_slice %arg4[%add3A_250, %dma_wait3A_267] : memref<2560x128xi32, #tpu.memory_space<hbm>> -> memref<8x128xi32, #tpu.memory_space<hbm>>
          %dma_wait3A_269 = arith.constant 0 : i32
          %dma_wait3A_270 = arith.constant 0 : i32
          %dma_wait3A_271 = tpu.memref_slice %arg8[%rem3A_37, %dma_wait3A_269, %dma_wait3A_270] : memref<2x8x128xi32, #tpu.memory_space<vmem>> -> memref<1x8x128xi32, #tpu.memory_space<vmem>>
          %dma_wait3A_272 = tpu.memref_squeeze %dma_wait3A_271 : memref<1x8x128xi32, #tpu.memory_space<vmem>> -> memref<8x128xi32, #tpu.memory_space<vmem>>
          %dma_wait3A_273 = arith.constant 0 : i32
          %dma_wait3A_274 = tpu.memref_slice %arg4[%add3A_250, %dma_wait3A_273] : memref<2560x128xi32, #tpu.memory_space<hbm>> -> memref<8x128xi32, #tpu.memory_space<hbm>>
          tpu.wait_dma2 semaphore(%arg12 : memref<!tpu.dma_semaphore, #tpu.memory_space<semaphore_mem>>) src(%dma_wait3A_274 : memref<8x128xi32, #tpu.memory_space<hbm>>) dst(%dma_wait3A_272 : memref<8x128xi32, #tpu.memory_space<vmem>>)
          %dma_start3A_275 = arith.constant 0 : i32
          %dma_start3A_276 = arith.constant 0 : i32
          %dma_start3A_277 = arith.constant 0 : i32
          %dma_start3A_278 = arith.constant 0 : i32
          %dma_start3A_279 = tpu.memref_slice %arg9[%dma_start3A_276, %dma_start3A_277, %dma_start3A_278] : memref<2x128x128xf32, #tpu.memory_space<vmem>> -> memref<1x128x128xf32, #tpu.memory_space<vmem>>
          %dma_start3A_280 = tpu.memref_squeeze %dma_start3A_279 : memref<1x128x128xf32, #tpu.memory_space<vmem>> -> memref<128x128xf32, #tpu.memory_space<vmem>>
          %dma_start3A_281 = arith.constant 0 : i32
          %dma_start3A_282 = tpu.memref_slice %arg7[%rem3A_37, %dma_start3A_275, %dma_start3A_281] : memref<2x8x128xi32, #tpu.memory_space<vmem>> -> memref<1x1x128xi32, #tpu.memory_space<vmem>>
          %dma_start3A_283 = tpu.memref_squeeze %dma_start3A_282 : memref<1x1x128xi32, #tpu.memory_space<vmem>> -> memref<128xi32, #tpu.memory_space<vmem>>
          %dma_start3A_284 = arith.constant 0 : i32
          %dma_start3A_285 = arith.constant 0 : i32
          %dma_start3A_286 = tpu.memref_slice %arg2[%dma_start3A_284, %dma_start3A_285] : memref<10240x128xf32, #tpu.memory_space<hbm>> -> memref<10240x128xf32, #tpu.memory_space<hbm>>
          tpu.enqueue_indirect_dma source(%dma_start3A_286 : memref<10240x128xf32, #tpu.memory_space<hbm>>) target(%dma_start3A_280 : memref<128x128xf32, #tpu.memory_space<vmem>>) offsets(%dma_start3A_283 : memref<128xi32, #tpu.memory_space<vmem>>) semaphore(%arg11 : memref<!tpu.dma_semaphore, #tpu.memory_space<semaphore_mem>>)
        } else {
        }
        %run_scoped3A_244 = arith.constant 1 : i32
        %run_scoped3A_245 = arith.constant 7 : i32
        "tpu.region"() ({
          %run_scoped3A_246 = tpu.sem_alloc : memref<!tpu.dma_semaphore, #tpu.memory_space<semaphore_mem>>
          %dma_start3A_247 = arith.constant 0 : i32
          %dma_start3A_248 = arith.constant 0 : i32
          %dma_start3A_249 = tpu.memref_slice %arg9[%run_scoped3A_244, %dma_start3A_247, %dma_start3A_248] : memref<2x128x128xf32, #tpu.memory_space<vmem>> -> memref<1x128x128xf32, #tpu.memory_space<vmem>>
          %dma_start3A_250 = tpu.memref_squeeze %dma_start3A_249 : memref<1x128x128xf32, #tpu.memory_space<vmem>> -> memref<128x128xf32, #tpu.memory_space<vmem>>
          %dma_start3A_251 = arith.constant 0 : i32
          %dma_start3A_252 = tpu.memref_slice %arg8[%rem3A_34, %run_scoped3A_245, %dma_start3A_251] : memref<2x8x128xi32, #tpu.memory_space<vmem>> -> memref<1x1x128xi32, #tpu.memory_space<vmem>>
          %dma_start3A_253 = tpu.memref_squeeze %dma_start3A_252 : memref<1x1x128xi32, #tpu.memory_space<vmem>> -> memref<128xi32, #tpu.memory_space<vmem>>
          %dma_start3A_254 = arith.constant 0 : i32
          %dma_start3A_255 = arith.constant 0 : i32
          %dma_start3A_256 = tpu.memref_slice %arg10[%dma_start3A_254, %dma_start3A_255] : memref<10240x128xf32, #tpu.memory_space<vmem_shared>> -> memref<10240x128xf32, #tpu.memory_space<vmem_shared>>
          tpu.enqueue_indirect_dma source(%dma_start3A_250 : memref<128x128xf32, #tpu.memory_space<vmem>>) target(%dma_start3A_256 : memref<10240x128xf32, #tpu.memory_space<vmem_shared>>) offsets(%dma_start3A_253 : memref<128xi32, #tpu.memory_space<vmem>>) semaphore(%run_scoped3A_246 : memref<!tpu.dma_semaphore, #tpu.memory_space<semaphore_mem>>) {add = true}
          %dma_wait3A_257 = arith.constant 0 : i32
          %dma_wait3A_258 = arith.constant 0 : i32
          %dma_wait3A_259 = tpu.memref_slice %arg9[%run_scoped3A_244, %dma_wait3A_257, %dma_wait3A_258] : memref<2x128x128xf32, #tpu.memory_space<vmem>> -> memref<1x128x128xf32, #tpu.memory_space<vmem>>
          %dma_wait3A_260 = tpu.memref_squeeze %dma_wait3A_259 : memref<1x128x128xf32, #tpu.memory_space<vmem>> -> memref<128x128xf32, #tpu.memory_space<vmem>>
          %dma_wait3A_261 = arith.constant 0 : i32
          %dma_wait3A_262 = tpu.memref_slice %arg8[%rem3A_34, %run_scoped3A_245, %dma_wait3A_261] : memref<2x8x128xi32, #tpu.memory_space<vmem>> -> memref<1x1x128xi32, #tpu.memory_space<vmem>>
          %dma_wait3A_263 = tpu.memref_squeeze %dma_wait3A_262 : memref<1x1x128xi32, #tpu.memory_space<vmem>> -> memref<128xi32, #tpu.memory_space<vmem>>
          %dma_wait3A_264 = arith.constant 0 : i32
          %dma_wait3A_265 = arith.constant 0 : i32
          %dma_wait3A_266 = tpu.memref_slice %arg10[%dma_wait3A_264, %dma_wait3A_265] : memref<10240x128xf32, #tpu.memory_space<vmem_shared>> -> memref<10240x128xf32, #tpu.memory_space<vmem_shared>>
          tpu.wait_indirect_dma semaphore(%run_scoped3A_246 : memref<!tpu.dma_semaphore, #tpu.memory_space<semaphore_mem>>) src(%dma_wait3A_260 : memref<128x128xf32, #tpu.memory_space<vmem>>) dst(%dma_wait3A_266 : memref<10240x128xf32, #tpu.memory_space<vmem_shared>>)
          tpu.yield
        }) : () -> ()
      }
      %scan3A_32 = arith.constant 10 : i32
    } else {
    }
    %eq3A_3 = arith.constant 1 : i32
    %eq3A_4 = arith.cmpi eq, %arg0, %eq3A_3 : i32
    %convert_element_type3A_5 = arith.extui %eq3A_4 : i1 to i32
    %cond3A_6 = arith.constant 0 : i32
    %cond3A_7 = arith.cmpi ne, %convert_element_type3A_5, %cond3A_6 : i32
    scf.if %cond3A_7 {
      %mul3A_13 = arith.constant 80 : i32
      %mul3A_14 = arith.muli %arg1, %mul3A_13 : i32
      %add3A = arith.constant 1280 : i32
      %add3A_15 = arith.addi %add3A, %mul3A_14 : i32
      %run_scoped3A = arith.constant 0 : i32
      "tpu.region"() ({
        %run_scoped3A_34 = tpu.sem_alloc : memref<!tpu.dma_semaphore, #tpu.memory_space<semaphore_mem>>
        %dma_start3A_35 = arith.constant 0 : i32
        %dma_start3A_36 = arith.constant 0 : i32
        %dma_start3A_37 = tpu.memref_slice %arg7[%run_scoped3A, %dma_start3A_35, %dma_start3A_36] : memref<2x8x128xi32, #tpu.memory_space<vmem>> -> memref<1x8x128xi32, #tpu.memory_space<vmem>>
        %dma_start3A_38 = tpu.memref_squeeze %dma_start3A_37 : memref<1x8x128xi32, #tpu.memory_space<vmem>> -> memref<8x128xi32, #tpu.memory_space<vmem>>
        %dma_start3A_39 = arith.constant 0 : i32
        %dma_start3A_40 = tpu.memref_slice %arg3[%add3A_15, %dma_start3A_39] : memref<2560x128xi32, #tpu.memory_space<hbm>> -> memref<8x128xi32, #tpu.memory_space<hbm>>
        %dma_start3A_41 = arith.constant 0 : i32
        %dma_start3A_42 = arith.constant 0 : i32
        %dma_start3A_43 = tpu.memref_slice %arg7[%run_scoped3A, %dma_start3A_41, %dma_start3A_42] : memref<2x8x128xi32, #tpu.memory_space<vmem>> -> memref<1x8x128xi32, #tpu.memory_space<vmem>>
        %dma_start3A_44 = tpu.memref_squeeze %dma_start3A_43 : memref<1x8x128xi32, #tpu.memory_space<vmem>> -> memref<8x128xi32, #tpu.memory_space<vmem>>
        %dma_start3A_45 = arith.constant 0 : i32
        %dma_start3A_46 = tpu.memref_slice %arg3[%add3A_15, %dma_start3A_45] : memref<2560x128xi32, #tpu.memory_space<hbm>> -> memref<8x128xi32, #tpu.memory_space<hbm>>
        tpu.enqueue_dma source(%dma_start3A_46 : memref<8x128xi32, #tpu.memory_space<hbm>>) target(%dma_start3A_44 : memref<8x128xi32, #tpu.memory_space<vmem>>) target_semaphore(%run_scoped3A_34 : memref<!tpu.dma_semaphore, #tpu.memory_space<semaphore_mem>>)
        %dma_wait3A = arith.constant 0 : i32
        %dma_wait3A_47 = arith.constant 0 : i32
        %dma_wait3A_48 = tpu.memref_slice %arg7[%run_scoped3A, %dma_wait3A, %dma_wait3A_47] : memref<2x8x128xi32, #tpu.memory_space<vmem>> -> memref<1x8x128xi32, #tpu.memory_space<vmem>>
        %dma_wait3A_49 = tpu.memref_squeeze %dma_wait3A_48 : memref<1x8x128xi32, #tpu.memory_space<vmem>> -> memref<8x128xi32, #tpu.memory_space<vmem>>
        %dma_wait3A_50 = arith.constant 0 : i32
        %dma_wait3A_51 = tpu.memref_slice %arg3[%add3A_15, %dma_wait3A_50] : memref<2560x128xi32, #tpu.memory_space<hbm>> -> memref<8x128xi32, #tpu.memory_space<hbm>>
        %dma_wait3A_52 = arith.constant 0 : i32
        %dma_wait3A_53 = arith.constant 0 : i32
        %dma_wait3A_54 = tpu.memref_slice %arg7[%run_scoped3A, %dma_wait3A_52, %dma_wait3A_53] : memref<2x8x128xi32, #tpu.memory_space<vmem>> -> memref<1x8x128xi32, #tpu.memory_space<vmem>>
        %dma_wait3A_55 = tpu.memref_squeeze %dma_wait3A_54 : memref<1x8x128xi32, #tpu.memory_space<vmem>> -> memref<8x128xi32, #tpu.memory_space<vmem>>
        %dma_wait3A_56 = arith.constant 0 : i32
        %dma_wait3A_57 = tpu.memref_slice %arg3[%add3A_15, %dma_wait3A_56] : memref<2560x128xi32, #tpu.memory_space<hbm>> -> memref<8x128xi32, #tpu.memory_space<hbm>>
        tpu.wait_dma2 semaphore(%run_scoped3A_34 : memref<!tpu.dma_semaphore, #tpu.memory_space<semaphore_mem>>) src(%dma_wait3A_57 : memref<8x128xi32, #tpu.memory_space<hbm>>) dst(%dma_wait3A_55 : memref<8x128xi32, #tpu.memory_space<vmem>>)
        tpu.yield
      }) : () -> ()
      %run_scoped3A_16 = arith.constant 0 : i32
      "tpu.region"() ({
        %run_scoped3A_34 = tpu.sem_alloc : memref<!tpu.dma_semaphore, #tpu.memory_space<semaphore_mem>>
        %dma_start3A_35 = arith.constant 0 : i32
        %dma_start3A_36 = arith.constant 0 : i32
        %dma_start3A_37 = tpu.memref_slice %arg8[%run_scoped3A_16, %dma_start3A_35, %dma_start3A_36] : memref<2x8x128xi32, #tpu.memory_space<vmem>> -> memref<1x8x128xi32, #tpu.memory_space<vmem>>
        %dma_start3A_38 = tpu.memref_squeeze %dma_start3A_37 : memref<1x8x128xi32, #tpu.memory_space<vmem>> -> memref<8x128xi32, #tpu.memory_space<vmem>>
        %dma_start3A_39 = arith.constant 0 : i32
        %dma_start3A_40 = tpu.memref_slice %arg4[%add3A_15, %dma_start3A_39] : memref<2560x128xi32, #tpu.memory_space<hbm>> -> memref<8x128xi32, #tpu.memory_space<hbm>>
        %dma_start3A_41 = arith.constant 0 : i32
        %dma_start3A_42 = arith.constant 0 : i32
        %dma_start3A_43 = tpu.memref_slice %arg8[%run_scoped3A_16, %dma_start3A_41, %dma_start3A_42] : memref<2x8x128xi32, #tpu.memory_space<vmem>> -> memref<1x8x128xi32, #tpu.memory_space<vmem>>
        %dma_start3A_44 = tpu.memref_squeeze %dma_start3A_43 : memref<1x8x128xi32, #tpu.memory_space<vmem>> -> memref<8x128xi32, #tpu.memory_space<vmem>>
        %dma_start3A_45 = arith.constant 0 : i32
        %dma_start3A_46 = tpu.memref_slice %arg4[%add3A_15, %dma_start3A_45] : memref<2560x128xi32, #tpu.memory_space<hbm>> -> memref<8x128xi32, #tpu.memory_space<hbm>>
        tpu.enqueue_dma source(%dma_start3A_46 : memref<8x128xi32, #tpu.memory_space<hbm>>) target(%dma_start3A_44 : memref<8x128xi32, #tpu.memory_space<vmem>>) target_semaphore(%run_scoped3A_34 : memref<!tpu.dma_semaphore, #tpu.memory_space<semaphore_mem>>)
        %dma_wait3A = arith.constant 0 : i32
        %dma_wait3A_47 = arith.constant 0 : i32
        %dma_wait3A_48 = tpu.memref_slice %arg8[%run_scoped3A_16, %dma_wait3A, %dma_wait3A_47] : memref<2x8x128xi32, #tpu.memory_space<vmem>> -> memref<1x8x128xi32, #tpu.memory_space<vmem>>
        %dma_wait3A_49 = tpu.memref_squeeze %dma_wait3A_48 : memref<1x8x128xi32, #tpu.memory_space<vmem>> -> memref<8x128xi32, #tpu.memory_space<vmem>>
        %dma_wait3A_50 = arith.constant 0 : i32
        %dma_wait3A_51 = tpu.memref_slice %arg4[%add3A_15, %dma_wait3A_50] : memref<2560x128xi32, #tpu.memory_space<hbm>> -> memref<8x128xi32, #tpu.memory_space<hbm>>
        %dma_wait3A_52 = arith.constant 0 : i32
        %dma_wait3A_53 = arith.constant 0 : i32
        %dma_wait3A_54 = tpu.memref_slice %arg8[%run_scoped3A_16, %dma_wait3A_52, %dma_wait3A_53] : memref<2x8x128xi32, #tpu.memory_space<vmem>> -> memref<1x8x128xi32, #tpu.memory_space<vmem>>
        %dma_wait3A_55 = tpu.memref_squeeze %dma_wait3A_54 : memref<1x8x128xi32, #tpu.memory_space<vmem>> -> memref<8x128xi32, #tpu.memory_space<vmem>>
        %dma_wait3A_56 = arith.constant 0 : i32
        %dma_wait3A_57 = tpu.memref_slice %arg4[%add3A_15, %dma_wait3A_56] : memref<2560x128xi32, #tpu.memory_space<hbm>> -> memref<8x128xi32, #tpu.memory_space<hbm>>
        tpu.wait_dma2 semaphore(%run_scoped3A_34 : memref<!tpu.dma_semaphore, #tpu.memory_space<semaphore_mem>>) src(%dma_wait3A_57 : memref<8x128xi32, #tpu.memory_space<hbm>>) dst(%dma_wait3A_55 : memref<8x128xi32, #tpu.memory_space<vmem>>)
        tpu.yield
      }) : () -> ()
      %dma_start3A = arith.constant 0 : i32
      %dma_start3A_17 = arith.constant 0 : i32
      %dma_start3A_18 = arith.constant 0 : i32
      %dma_start3A_19 = arith.constant 0 : i32
      %dma_start3A_20 = arith.constant 0 : i32
      %dma_start3A_21 = tpu.memref_slice %arg9[%dma_start3A_18, %dma_start3A_19, %dma_start3A_20] : memref<2x128x128xf32, #tpu.memory_space<vmem>> -> memref<1x128x128xf32, #tpu.memory_space<vmem>>
      %dma_start3A_22 = tpu.memref_squeeze %dma_start3A_21 : memref<1x128x128xf32, #tpu.memory_space<vmem>> -> memref<128x128xf32, #tpu.memory_space<vmem>>
      %dma_start3A_23 = arith.constant 0 : i32
      %dma_start3A_24 = tpu.memref_slice %arg7[%dma_start3A, %dma_start3A_17, %dma_start3A_23] : memref<2x8x128xi32, #tpu.memory_space<vmem>> -> memref<1x1x128xi32, #tpu.memory_space<vmem>>
      %dma_start3A_25 = tpu.memref_squeeze %dma_start3A_24 : memref<1x1x128xi32, #tpu.memory_space<vmem>> -> memref<128xi32, #tpu.memory_space<vmem>>
      %dma_start3A_26 = arith.constant 0 : i32
      %dma_start3A_27 = arith.constant 0 : i32
      %dma_start3A_28 = tpu.memref_slice %arg2[%dma_start3A_26, %dma_start3A_27] : memref<10240x128xf32, #tpu.memory_space<hbm>> -> memref<10240x128xf32, #tpu.memory_space<hbm>>
      tpu.enqueue_indirect_dma source(%dma_start3A_28 : memref<10240x128xf32, #tpu.memory_space<hbm>>) target(%dma_start3A_22 : memref<128x128xf32, #tpu.memory_space<vmem>>) offsets(%dma_start3A_25 : memref<128xi32, #tpu.memory_space<vmem>>) semaphore(%arg11 : memref<!tpu.dma_semaphore, #tpu.memory_space<semaphore_mem>>)
      %scan3A = arith.constant 0 : i32
      %scan3A_29 = arith.constant 0 : i32
      %scan3A_30 = arith.constant 10 : i32
      %scan3A_31 = arith.addi %scan3A_29, %scan3A_30 : i32
      %scan3A_32 = arith.constant 1 : i32
      scf.for %scan3A_34 = %scan3A_29 to %scan3A_31 step %scan3A_32  : i32 {
        %rem3A = arith.constant 2 : i32
        %rem3A_35 = arith.remsi %scan3A_34, %rem3A : i32
        %add3A_36 = arith.constant 1 : i32
        %add3A_37 = arith.addi %scan3A_34, %add3A_36 : i32
        %rem3A_38 = arith.constant 2 : i32
        %rem3A_39 = arith.remsi %add3A_37, %rem3A_38 : i32
        %add3A_40 = arith.constant 1 : i32
        %add3A_41 = arith.addi %scan3A_34, %add3A_40 : i32
        %lt3A = arith.constant 10 : i32
        %lt3A_42 = arith.cmpi slt, %add3A_41, %lt3A : i32
        %convert_element_type3A_43 = arith.extui %lt3A_42 : i1 to i32
        %cond3A_44 = arith.constant 0 : i32
        %cond3A_45 = arith.cmpi ne, %convert_element_type3A_43, %cond3A_44 : i32
        scf.if %cond3A_45 {
          %add3A_248 = arith.constant 1 : i32
          %add3A_249 = arith.addi %scan3A_34, %add3A_248 : i32
          %mul3A_250 = arith.constant 8 : i32
          %mul3A_251 = arith.muli %add3A_249, %mul3A_250 : i32
          %add3A_252 = arith.addi %add3A_15, %mul3A_251 : i32
          %dma_start3A_253 = arith.constant 0 : i32
          %dma_start3A_254 = arith.constant 0 : i32
          %dma_start3A_255 = tpu.memref_slice %arg7[%rem3A_39, %dma_start3A_253, %dma_start3A_254] : memref<2x8x128xi32, #tpu.memory_space<vmem>> -> memref<1x8x128xi32, #tpu.memory_space<vmem>>
          %dma_start3A_256 = tpu.memref_squeeze %dma_start3A_255 : memref<1x8x128xi32, #tpu.memory_space<vmem>> -> memref<8x128xi32, #tpu.memory_space<vmem>>
          %dma_start3A_257 = arith.constant 0 : i32
          %dma_start3A_258 = tpu.memref_slice %arg3[%add3A_252, %dma_start3A_257] : memref<2560x128xi32, #tpu.memory_space<hbm>> -> memref<8x128xi32, #tpu.memory_space<hbm>>
          %dma_start3A_259 = arith.constant 0 : i32
          %dma_start3A_260 = arith.constant 0 : i32
          %dma_start3A_261 = tpu.memref_slice %arg7[%rem3A_39, %dma_start3A_259, %dma_start3A_260] : memref<2x8x128xi32, #tpu.memory_space<vmem>> -> memref<1x8x128xi32, #tpu.memory_space<vmem>>
          %dma_start3A_262 = tpu.memref_squeeze %dma_start3A_261 : memref<1x8x128xi32, #tpu.memory_space<vmem>> -> memref<8x128xi32, #tpu.memory_space<vmem>>
          %dma_start3A_263 = arith.constant 0 : i32
          %dma_start3A_264 = tpu.memref_slice %arg3[%add3A_252, %dma_start3A_263] : memref<2560x128xi32, #tpu.memory_space<hbm>> -> memref<8x128xi32, #tpu.memory_space<hbm>>
          tpu.enqueue_dma source(%dma_start3A_264 : memref<8x128xi32, #tpu.memory_space<hbm>>) target(%dma_start3A_262 : memref<8x128xi32, #tpu.memory_space<vmem>>) target_semaphore(%arg12 : memref<!tpu.dma_semaphore, #tpu.memory_space<semaphore_mem>>)
          %dma_start3A_265 = arith.constant 0 : i32
          %dma_start3A_266 = arith.constant 0 : i32
          %dma_start3A_267 = tpu.memref_slice %arg8[%rem3A_39, %dma_start3A_265, %dma_start3A_266] : memref<2x8x128xi32, #tpu.memory_space<vmem>> -> memref<1x8x128xi32, #tpu.memory_space<vmem>>
          %dma_start3A_268 = tpu.memref_squeeze %dma_start3A_267 : memref<1x8x128xi32, #tpu.memory_space<vmem>> -> memref<8x128xi32, #tpu.memory_space<vmem>>
          %dma_start3A_269 = arith.constant 0 : i32
          %dma_start3A_270 = tpu.memref_slice %arg4[%add3A_252, %dma_start3A_269] : memref<2560x128xi32, #tpu.memory_space<hbm>> -> memref<8x128xi32, #tpu.memory_space<hbm>>
          %dma_start3A_271 = arith.constant 0 : i32
          %dma_start3A_272 = arith.constant 0 : i32
          %dma_start3A_273 = tpu.memref_slice %arg8[%rem3A_39, %dma_start3A_271, %dma_start3A_272] : memref<2x8x128xi32, #tpu.memory_space<vmem>> -> memref<1x8x128xi32, #tpu.memory_space<vmem>>
          %dma_start3A_274 = tpu.memref_squeeze %dma_start3A_273 : memref<1x8x128xi32, #tpu.memory_space<vmem>> -> memref<8x128xi32, #tpu.memory_space<vmem>>
          %dma_start3A_275 = arith.constant 0 : i32
          %dma_start3A_276 = tpu.memref_slice %arg4[%add3A_252, %dma_start3A_275] : memref<2560x128xi32, #tpu.memory_space<hbm>> -> memref<8x128xi32, #tpu.memory_space<hbm>>
          tpu.enqueue_dma source(%dma_start3A_276 : memref<8x128xi32, #tpu.memory_space<hbm>>) target(%dma_start3A_274 : memref<8x128xi32, #tpu.memory_space<vmem>>) target_semaphore(%arg12 : memref<!tpu.dma_semaphore, #tpu.memory_space<semaphore_mem>>)
        } else {
        }
        %dma_wait3A = arith.constant 0 : i32
        %dma_wait3A_46 = arith.constant 0 : i32
        %dma_wait3A_47 = arith.constant 0 : i32
        %dma_wait3A_48 = arith.constant 0 : i32
        %dma_wait3A_49 = tpu.memref_slice %arg9[%dma_wait3A_46, %dma_wait3A_47, %dma_wait3A_48] : memref<2x128x128xf32, #tpu.memory_space<vmem>> -> memref<1x128x128xf32, #tpu.memory_space<vmem>>
        %dma_wait3A_50 = tpu.memref_squeeze %dma_wait3A_49 : memref<1x128x128xf32, #tpu.memory_space<vmem>> -> memref<128x128xf32, #tpu.memory_space<vmem>>
        %dma_wait3A_51 = arith.constant 0 : i32
        %dma_wait3A_52 = tpu.memref_slice %arg7[%rem3A_35, %dma_wait3A, %dma_wait3A_51] : memref<2x8x128xi32, #tpu.memory_space<vmem>> -> memref<1x1x128xi32, #tpu.memory_space<vmem>>
        %dma_wait3A_53 = tpu.memref_squeeze %dma_wait3A_52 : memref<1x1x128xi32, #tpu.memory_space<vmem>> -> memref<128xi32, #tpu.memory_space<vmem>>
        %dma_wait3A_54 = arith.constant 0 : i32
        %dma_wait3A_55 = arith.constant 0 : i32
        %dma_wait3A_56 = tpu.memref_slice %arg2[%dma_wait3A_54, %dma_wait3A_55] : memref<10240x128xf32, #tpu.memory_space<hbm>> -> memref<10240x128xf32, #tpu.memory_space<hbm>>
        tpu.wait_indirect_dma semaphore(%arg11 : memref<!tpu.dma_semaphore, #tpu.memory_space<semaphore_mem>>) src(%dma_wait3A_56 : memref<10240x128xf32, #tpu.memory_space<hbm>>) dst(%dma_wait3A_50 : memref<128x128xf32, #tpu.memory_space<vmem>>)
        %dma_start3A_57 = arith.constant 1 : i32
        %dma_start3A_58 = arith.constant 1 : i32
        %dma_start3A_59 = arith.constant 0 : i32
        %dma_start3A_60 = arith.constant 0 : i32
        %dma_start3A_61 = tpu.memref_slice %arg9[%dma_start3A_58, %dma_start3A_59, %dma_start3A_60] : memref<2x128x128xf32, #tpu.memory_space<vmem>> -> memref<1x128x128xf32, #tpu.memory_space<vmem>>
        %dma_start3A_62 = tpu.memref_squeeze %dma_start3A_61 : memref<1x128x128xf32, #tpu.memory_space<vmem>> -> memref<128x128xf32, #tpu.memory_space<vmem>>
        %dma_start3A_63 = arith.constant 0 : i32
        %dma_start3A_64 = tpu.memref_slice %arg7[%rem3A_35, %dma_start3A_57, %dma_start3A_63] : memref<2x8x128xi32, #tpu.memory_space<vmem>> -> memref<1x1x128xi32, #tpu.memory_space<vmem>>
        %dma_start3A_65 = tpu.memref_squeeze %dma_start3A_64 : memref<1x1x128xi32, #tpu.memory_space<vmem>> -> memref<128xi32, #tpu.memory_space<vmem>>
        %dma_start3A_66 = arith.constant 0 : i32
        %dma_start3A_67 = arith.constant 0 : i32
        %dma_start3A_68 = tpu.memref_slice %arg2[%dma_start3A_66, %dma_start3A_67] : memref<10240x128xf32, #tpu.memory_space<hbm>> -> memref<10240x128xf32, #tpu.memory_space<hbm>>
        tpu.enqueue_indirect_dma source(%dma_start3A_68 : memref<10240x128xf32, #tpu.memory_space<hbm>>) target(%dma_start3A_62 : memref<128x128xf32, #tpu.memory_space<vmem>>) offsets(%dma_start3A_65 : memref<128xi32, #tpu.memory_space<vmem>>) semaphore(%arg11 : memref<!tpu.dma_semaphore, #tpu.memory_space<semaphore_mem>>)
        %run_scoped3A_69 = arith.constant 0 : i32
        %run_scoped3A_70 = arith.constant 0 : i32
        "tpu.region"() ({
          %run_scoped3A_248 = tpu.sem_alloc : memref<!tpu.dma_semaphore, #tpu.memory_space<semaphore_mem>>
          %dma_start3A_249 = arith.constant 0 : i32
          %dma_start3A_250 = arith.constant 0 : i32
          %dma_start3A_251 = tpu.memref_slice %arg9[%run_scoped3A_69, %dma_start3A_249, %dma_start3A_250] : memref<2x128x128xf32, #tpu.memory_space<vmem>> -> memref<1x128x128xf32, #tpu.memory_space<vmem>>
          %dma_start3A_252 = tpu.memref_squeeze %dma_start3A_251 : memref<1x128x128xf32, #tpu.memory_space<vmem>> -> memref<128x128xf32, #tpu.memory_space<vmem>>
          %dma_start3A_253 = arith.constant 0 : i32
          %dma_start3A_254 = tpu.memref_slice %arg8[%rem3A_35, %run_scoped3A_70, %dma_start3A_253] : memref<2x8x128xi32, #tpu.memory_space<vmem>> -> memref<1x1x128xi32, #tpu.memory_space<vmem>>
          %dma_start3A_255 = tpu.memref_squeeze %dma_start3A_254 : memref<1x1x128xi32, #tpu.memory_space<vmem>> -> memref<128xi32, #tpu.memory_space<vmem>>
          %dma_start3A_256 = arith.constant 0 : i32
          %dma_start3A_257 = arith.constant 0 : i32
          %dma_start3A_258 = tpu.memref_slice %arg10[%dma_start3A_256, %dma_start3A_257] : memref<10240x128xf32, #tpu.memory_space<vmem_shared>> -> memref<10240x128xf32, #tpu.memory_space<vmem_shared>>
          tpu.enqueue_indirect_dma source(%dma_start3A_252 : memref<128x128xf32, #tpu.memory_space<vmem>>) target(%dma_start3A_258 : memref<10240x128xf32, #tpu.memory_space<vmem_shared>>) offsets(%dma_start3A_255 : memref<128xi32, #tpu.memory_space<vmem>>) semaphore(%run_scoped3A_248 : memref<!tpu.dma_semaphore, #tpu.memory_space<semaphore_mem>>) {add = true}
          %dma_wait3A_259 = arith.constant 0 : i32
          %dma_wait3A_260 = arith.constant 0 : i32
          %dma_wait3A_261 = tpu.memref_slice %arg9[%run_scoped3A_69, %dma_wait3A_259, %dma_wait3A_260] : memref<2x128x128xf32, #tpu.memory_space<vmem>> -> memref<1x128x128xf32, #tpu.memory_space<vmem>>
          %dma_wait3A_262 = tpu.memref_squeeze %dma_wait3A_261 : memref<1x128x128xf32, #tpu.memory_space<vmem>> -> memref<128x128xf32, #tpu.memory_space<vmem>>
          %dma_wait3A_263 = arith.constant 0 : i32
          %dma_wait3A_264 = tpu.memref_slice %arg8[%rem3A_35, %run_scoped3A_70, %dma_wait3A_263] : memref<2x8x128xi32, #tpu.memory_space<vmem>> -> memref<1x1x128xi32, #tpu.memory_space<vmem>>
          %dma_wait3A_265 = tpu.memref_squeeze %dma_wait3A_264 : memref<1x1x128xi32, #tpu.memory_space<vmem>> -> memref<128xi32, #tpu.memory_space<vmem>>
          %dma_wait3A_266 = arith.constant 0 : i32
          %dma_wait3A_267 = arith.constant 0 : i32
          %dma_wait3A_268 = tpu.memref_slice %arg10[%dma_wait3A_266, %dma_wait3A_267] : memref<10240x128xf32, #tpu.memory_space<vmem_shared>> -> memref<10240x128xf32, #tpu.memory_space<vmem_shared>>
          tpu.wait_indirect_dma semaphore(%run_scoped3A_248 : memref<!tpu.dma_semaphore, #tpu.memory_space<semaphore_mem>>) src(%dma_wait3A_262 : memref<128x128xf32, #tpu.memory_space<vmem>>) dst(%dma_wait3A_268 : memref<10240x128xf32, #tpu.memory_space<vmem_shared>>)
          tpu.yield
        }) : () -> ()
        %dma_wait3A_71 = arith.constant 1 : i32
        %dma_wait3A_72 = arith.constant 1 : i32
        %dma_wait3A_73 = arith.constant 0 : i32
        %dma_wait3A_74 = arith.constant 0 : i32
        %dma_wait3A_75 = tpu.memref_slice %arg9[%dma_wait3A_72, %dma_wait3A_73, %dma_wait3A_74] : memref<2x128x128xf32, #tpu.memory_space<vmem>> -> memref<1x128x128xf32, #tpu.memory_space<vmem>>
        %dma_wait3A_76 = tpu.memref_squeeze %dma_wait3A_75 : memref<1x128x128xf32, #tpu.memory_space<vmem>> -> memref<128x128xf32, #tpu.memory_space<vmem>>
        %dma_wait3A_77 = arith.constant 0 : i32
        %dma_wait3A_78 = tpu.memref_slice %arg7[%rem3A_35, %dma_wait3A_71, %dma_wait3A_77] : memref<2x8x128xi32, #tpu.memory_space<vmem>> -> memref<1x1x128xi32, #tpu.memory_space<vmem>>
        %dma_wait3A_79 = tpu.memref_squeeze %dma_wait3A_78 : memref<1x1x128xi32, #tpu.memory_space<vmem>> -> memref<128xi32, #tpu.memory_space<vmem>>
        %dma_wait3A_80 = arith.constant 0 : i32
        %dma_wait3A_81 = arith.constant 0 : i32
        %dma_wait3A_82 = tpu.memref_slice %arg2[%dma_wait3A_80, %dma_wait3A_81] : memref<10240x128xf32, #tpu.memory_space<hbm>> -> memref<10240x128xf32, #tpu.memory_space<hbm>>
        tpu.wait_indirect_dma semaphore(%arg11 : memref<!tpu.dma_semaphore, #tpu.memory_space<semaphore_mem>>) src(%dma_wait3A_82 : memref<10240x128xf32, #tpu.memory_space<hbm>>) dst(%dma_wait3A_76 : memref<128x128xf32, #tpu.memory_space<vmem>>)
        %dma_start3A_83 = arith.constant 2 : i32
        %dma_start3A_84 = arith.constant 0 : i32
        %dma_start3A_85 = arith.constant 0 : i32
        %dma_start3A_86 = arith.constant 0 : i32
        %dma_start3A_87 = tpu.memref_slice %arg9[%dma_start3A_84, %dma_start3A_85, %dma_start3A_86] : memref<2x128x128xf32, #tpu.memory_space<vmem>> -> memref<1x128x128xf32, #tpu.memory_space<vmem>>
        %dma_start3A_88 = tpu.memref_squeeze %dma_start3A_87 : memref<1x128x128xf32, #tpu.memory_space<vmem>> -> memref<128x128xf32, #tpu.memory_space<vmem>>
        %dma_start3A_89 = arith.constant 0 : i32
        %dma_start3A_90 = tpu.memref_slice %arg7[%rem3A_35, %dma_start3A_83, %dma_start3A_89] : memref<2x8x128xi32, #tpu.memory_space<vmem>> -> memref<1x1x128xi32, #tpu.memory_space<vmem>>
        %dma_start3A_91 = tpu.memref_squeeze %dma_start3A_90 : memref<1x1x128xi32, #tpu.memory_space<vmem>> -> memref<128xi32, #tpu.memory_space<vmem>>
        %dma_start3A_92 = arith.constant 0 : i32
        %dma_start3A_93 = arith.constant 0 : i32
        %dma_start3A_94 = tpu.memref_slice %arg2[%dma_start3A_92, %dma_start3A_93] : memref<10240x128xf32, #tpu.memory_space<hbm>> -> memref<10240x128xf32, #tpu.memory_space<hbm>>
        tpu.enqueue_indirect_dma source(%dma_start3A_94 : memref<10240x128xf32, #tpu.memory_space<hbm>>) target(%dma_start3A_88 : memref<128x128xf32, #tpu.memory_space<vmem>>) offsets(%dma_start3A_91 : memref<128xi32, #tpu.memory_space<vmem>>) semaphore(%arg11 : memref<!tpu.dma_semaphore, #tpu.memory_space<semaphore_mem>>)
        %run_scoped3A_95 = arith.constant 1 : i32
        %run_scoped3A_96 = arith.constant 1 : i32
        "tpu.region"() ({
          %run_scoped3A_248 = tpu.sem_alloc : memref<!tpu.dma_semaphore, #tpu.memory_space<semaphore_mem>>
          %dma_start3A_249 = arith.constant 0 : i32
          %dma_start3A_250 = arith.constant 0 : i32
          %dma_start3A_251 = tpu.memref_slice %arg9[%run_scoped3A_95, %dma_start3A_249, %dma_start3A_250] : memref<2x128x128xf32, #tpu.memory_space<vmem>> -> memref<1x128x128xf32, #tpu.memory_space<vmem>>
          %dma_start3A_252 = tpu.memref_squeeze %dma_start3A_251 : memref<1x128x128xf32, #tpu.memory_space<vmem>> -> memref<128x128xf32, #tpu.memory_space<vmem>>
          %dma_start3A_253 = arith.constant 0 : i32
          %dma_start3A_254 = tpu.memref_slice %arg8[%rem3A_35, %run_scoped3A_96, %dma_start3A_253] : memref<2x8x128xi32, #tpu.memory_space<vmem>> -> memref<1x1x128xi32, #tpu.memory_space<vmem>>
          %dma_start3A_255 = tpu.memref_squeeze %dma_start3A_254 : memref<1x1x128xi32, #tpu.memory_space<vmem>> -> memref<128xi32, #tpu.memory_space<vmem>>
          %dma_start3A_256 = arith.constant 0 : i32
          %dma_start3A_257 = arith.constant 0 : i32
          %dma_start3A_258 = tpu.memref_slice %arg10[%dma_start3A_256, %dma_start3A_257] : memref<10240x128xf32, #tpu.memory_space<vmem_shared>> -> memref<10240x128xf32, #tpu.memory_space<vmem_shared>>
          tpu.enqueue_indirect_dma source(%dma_start3A_252 : memref<128x128xf32, #tpu.memory_space<vmem>>) target(%dma_start3A_258 : memref<10240x128xf32, #tpu.memory_space<vmem_shared>>) offsets(%dma_start3A_255 : memref<128xi32, #tpu.memory_space<vmem>>) semaphore(%run_scoped3A_248 : memref<!tpu.dma_semaphore, #tpu.memory_space<semaphore_mem>>) {add = true}
          %dma_wait3A_259 = arith.constant 0 : i32
          %dma_wait3A_260 = arith.constant 0 : i32
          %dma_wait3A_261 = tpu.memref_slice %arg9[%run_scoped3A_95, %dma_wait3A_259, %dma_wait3A_260] : memref<2x128x128xf32, #tpu.memory_space<vmem>> -> memref<1x128x128xf32, #tpu.memory_space<vmem>>
          %dma_wait3A_262 = tpu.memref_squeeze %dma_wait3A_261 : memref<1x128x128xf32, #tpu.memory_space<vmem>> -> memref<128x128xf32, #tpu.memory_space<vmem>>
          %dma_wait3A_263 = arith.constant 0 : i32
          %dma_wait3A_264 = tpu.memref_slice %arg8[%rem3A_35, %run_scoped3A_96, %dma_wait3A_263] : memref<2x8x128xi32, #tpu.memory_space<vmem>> -> memref<1x1x128xi32, #tpu.memory_space<vmem>>
          %dma_wait3A_265 = tpu.memref_squeeze %dma_wait3A_264 : memref<1x1x128xi32, #tpu.memory_space<vmem>> -> memref<128xi32, #tpu.memory_space<vmem>>
          %dma_wait3A_266 = arith.constant 0 : i32
          %dma_wait3A_267 = arith.constant 0 : i32
          %dma_wait3A_268 = tpu.memref_slice %arg10[%dma_wait3A_266, %dma_wait3A_267] : memref<10240x128xf32, #tpu.memory_space<vmem_shared>> -> memref<10240x128xf32, #tpu.memory_space<vmem_shared>>
          tpu.wait_indirect_dma semaphore(%run_scoped3A_248 : memref<!tpu.dma_semaphore, #tpu.memory_space<semaphore_mem>>) src(%dma_wait3A_262 : memref<128x128xf32, #tpu.memory_space<vmem>>) dst(%dma_wait3A_268 : memref<10240x128xf32, #tpu.memory_space<vmem_shared>>)
          tpu.yield
        }) : () -> ()
        %dma_wait3A_97 = arith.constant 2 : i32
        %dma_wait3A_98 = arith.constant 0 : i32
        %dma_wait3A_99 = arith.constant 0 : i32
        %dma_wait3A_100 = arith.constant 0 : i32
        %dma_wait3A_101 = tpu.memref_slice %arg9[%dma_wait3A_98, %dma_wait3A_99, %dma_wait3A_100] : memref<2x128x128xf32, #tpu.memory_space<vmem>> -> memref<1x128x128xf32, #tpu.memory_space<vmem>>
        %dma_wait3A_102 = tpu.memref_squeeze %dma_wait3A_101 : memref<1x128x128xf32, #tpu.memory_space<vmem>> -> memref<128x128xf32, #tpu.memory_space<vmem>>
        %dma_wait3A_103 = arith.constant 0 : i32
        %dma_wait3A_104 = tpu.memref_slice %arg7[%rem3A_35, %dma_wait3A_97, %dma_wait3A_103] : memref<2x8x128xi32, #tpu.memory_space<vmem>> -> memref<1x1x128xi32, #tpu.memory_space<vmem>>
        %dma_wait3A_105 = tpu.memref_squeeze %dma_wait3A_104 : memref<1x1x128xi32, #tpu.memory_space<vmem>> -> memref<128xi32, #tpu.memory_space<vmem>>
        %dma_wait3A_106 = arith.constant 0 : i32
        %dma_wait3A_107 = arith.constant 0 : i32
        %dma_wait3A_108 = tpu.memref_slice %arg2[%dma_wait3A_106, %dma_wait3A_107] : memref<10240x128xf32, #tpu.memory_space<hbm>> -> memref<10240x128xf32, #tpu.memory_space<hbm>>
        tpu.wait_indirect_dma semaphore(%arg11 : memref<!tpu.dma_semaphore, #tpu.memory_space<semaphore_mem>>) src(%dma_wait3A_108 : memref<10240x128xf32, #tpu.memory_space<hbm>>) dst(%dma_wait3A_102 : memref<128x128xf32, #tpu.memory_space<vmem>>)
        %dma_start3A_109 = arith.constant 3 : i32
        %dma_start3A_110 = arith.constant 1 : i32
        %dma_start3A_111 = arith.constant 0 : i32
        %dma_start3A_112 = arith.constant 0 : i32
        %dma_start3A_113 = tpu.memref_slice %arg9[%dma_start3A_110, %dma_start3A_111, %dma_start3A_112] : memref<2x128x128xf32, #tpu.memory_space<vmem>> -> memref<1x128x128xf32, #tpu.memory_space<vmem>>
        %dma_start3A_114 = tpu.memref_squeeze %dma_start3A_113 : memref<1x128x128xf32, #tpu.memory_space<vmem>> -> memref<128x128xf32, #tpu.memory_space<vmem>>
        %dma_start3A_115 = arith.constant 0 : i32
        %dma_start3A_116 = tpu.memref_slice %arg7[%rem3A_35, %dma_start3A_109, %dma_start3A_115] : memref<2x8x128xi32, #tpu.memory_space<vmem>> -> memref<1x1x128xi32, #tpu.memory_space<vmem>>
        %dma_start3A_117 = tpu.memref_squeeze %dma_start3A_116 : memref<1x1x128xi32, #tpu.memory_space<vmem>> -> memref<128xi32, #tpu.memory_space<vmem>>
        %dma_start3A_118 = arith.constant 0 : i32
        %dma_start3A_119 = arith.constant 0 : i32
        %dma_start3A_120 = tpu.memref_slice %arg2[%dma_start3A_118, %dma_start3A_119] : memref<10240x128xf32, #tpu.memory_space<hbm>> -> memref<10240x128xf32, #tpu.memory_space<hbm>>
        tpu.enqueue_indirect_dma source(%dma_start3A_120 : memref<10240x128xf32, #tpu.memory_space<hbm>>) target(%dma_start3A_114 : memref<128x128xf32, #tpu.memory_space<vmem>>) offsets(%dma_start3A_117 : memref<128xi32, #tpu.memory_space<vmem>>) semaphore(%arg11 : memref<!tpu.dma_semaphore, #tpu.memory_space<semaphore_mem>>)
        %run_scoped3A_121 = arith.constant 0 : i32
        %run_scoped3A_122 = arith.constant 2 : i32
        "tpu.region"() ({
          %run_scoped3A_248 = tpu.sem_alloc : memref<!tpu.dma_semaphore, #tpu.memory_space<semaphore_mem>>
          %dma_start3A_249 = arith.constant 0 : i32
          %dma_start3A_250 = arith.constant 0 : i32
          %dma_start3A_251 = tpu.memref_slice %arg9[%run_scoped3A_121, %dma_start3A_249, %dma_start3A_250] : memref<2x128x128xf32, #tpu.memory_space<vmem>> -> memref<1x128x128xf32, #tpu.memory_space<vmem>>
          %dma_start3A_252 = tpu.memref_squeeze %dma_start3A_251 : memref<1x128x128xf32, #tpu.memory_space<vmem>> -> memref<128x128xf32, #tpu.memory_space<vmem>>
          %dma_start3A_253 = arith.constant 0 : i32
          %dma_start3A_254 = tpu.memref_slice %arg8[%rem3A_35, %run_scoped3A_122, %dma_start3A_253] : memref<2x8x128xi32, #tpu.memory_space<vmem>> -> memref<1x1x128xi32, #tpu.memory_space<vmem>>
          %dma_start3A_255 = tpu.memref_squeeze %dma_start3A_254 : memref<1x1x128xi32, #tpu.memory_space<vmem>> -> memref<128xi32, #tpu.memory_space<vmem>>
          %dma_start3A_256 = arith.constant 0 : i32
          %dma_start3A_257 = arith.constant 0 : i32
          %dma_start3A_258 = tpu.memref_slice %arg10[%dma_start3A_256, %dma_start3A_257] : memref<10240x128xf32, #tpu.memory_space<vmem_shared>> -> memref<10240x128xf32, #tpu.memory_space<vmem_shared>>
          tpu.enqueue_indirect_dma source(%dma_start3A_252 : memref<128x128xf32, #tpu.memory_space<vmem>>) target(%dma_start3A_258 : memref<10240x128xf32, #tpu.memory_space<vmem_shared>>) offsets(%dma_start3A_255 : memref<128xi32, #tpu.memory_space<vmem>>) semaphore(%run_scoped3A_248 : memref<!tpu.dma_semaphore, #tpu.memory_space<semaphore_mem>>) {add = true}
          %dma_wait3A_259 = arith.constant 0 : i32
          %dma_wait3A_260 = arith.constant 0 : i32
          %dma_wait3A_261 = tpu.memref_slice %arg9[%run_scoped3A_121, %dma_wait3A_259, %dma_wait3A_260] : memref<2x128x128xf32, #tpu.memory_space<vmem>> -> memref<1x128x128xf32, #tpu.memory_space<vmem>>
          %dma_wait3A_262 = tpu.memref_squeeze %dma_wait3A_261 : memref<1x128x128xf32, #tpu.memory_space<vmem>> -> memref<128x128xf32, #tpu.memory_space<vmem>>
          %dma_wait3A_263 = arith.constant 0 : i32
          %dma_wait3A_264 = tpu.memref_slice %arg8[%rem3A_35, %run_scoped3A_122, %dma_wait3A_263] : memref<2x8x128xi32, #tpu.memory_space<vmem>> -> memref<1x1x128xi32, #tpu.memory_space<vmem>>
          %dma_wait3A_265 = tpu.memref_squeeze %dma_wait3A_264 : memref<1x1x128xi32, #tpu.memory_space<vmem>> -> memref<128xi32, #tpu.memory_space<vmem>>
          %dma_wait3A_266 = arith.constant 0 : i32
          %dma_wait3A_267 = arith.constant 0 : i32
          %dma_wait3A_268 = tpu.memref_slice %arg10[%dma_wait3A_266, %dma_wait3A_267] : memref<10240x128xf32, #tpu.memory_space<vmem_shared>> -> memref<10240x128xf32, #tpu.memory_space<vmem_shared>>
          tpu.wait_indirect_dma semaphore(%run_scoped3A_248 : memref<!tpu.dma_semaphore, #tpu.memory_space<semaphore_mem>>) src(%dma_wait3A_262 : memref<128x128xf32, #tpu.memory_space<vmem>>) dst(%dma_wait3A_268 : memref<10240x128xf32, #tpu.memory_space<vmem_shared>>)
          tpu.yield
        }) : () -> ()
        %dma_wait3A_123 = arith.constant 3 : i32
        %dma_wait3A_124 = arith.constant 1 : i32
        %dma_wait3A_125 = arith.constant 0 : i32
        %dma_wait3A_126 = arith.constant 0 : i32
        %dma_wait3A_127 = tpu.memref_slice %arg9[%dma_wait3A_124, %dma_wait3A_125, %dma_wait3A_126] : memref<2x128x128xf32, #tpu.memory_space<vmem>> -> memref<1x128x128xf32, #tpu.memory_space<vmem>>
        %dma_wait3A_128 = tpu.memref_squeeze %dma_wait3A_127 : memref<1x128x128xf32, #tpu.memory_space<vmem>> -> memref<128x128xf32, #tpu.memory_space<vmem>>
        %dma_wait3A_129 = arith.constant 0 : i32
        %dma_wait3A_130 = tpu.memref_slice %arg7[%rem3A_35, %dma_wait3A_123, %dma_wait3A_129] : memref<2x8x128xi32, #tpu.memory_space<vmem>> -> memref<1x1x128xi32, #tpu.memory_space<vmem>>
        %dma_wait3A_131 = tpu.memref_squeeze %dma_wait3A_130 : memref<1x1x128xi32, #tpu.memory_space<vmem>> -> memref<128xi32, #tpu.memory_space<vmem>>
        %dma_wait3A_132 = arith.constant 0 : i32
        %dma_wait3A_133 = arith.constant 0 : i32
        %dma_wait3A_134 = tpu.memref_slice %arg2[%dma_wait3A_132, %dma_wait3A_133] : memref<10240x128xf32, #tpu.memory_space<hbm>> -> memref<10240x128xf32, #tpu.memory_space<hbm>>
        tpu.wait_indirect_dma semaphore(%arg11 : memref<!tpu.dma_semaphore, #tpu.memory_space<semaphore_mem>>) src(%dma_wait3A_134 : memref<10240x128xf32, #tpu.memory_space<hbm>>) dst(%dma_wait3A_128 : memref<128x128xf32, #tpu.memory_space<vmem>>)
        %dma_start3A_135 = arith.constant 4 : i32
        %dma_start3A_136 = arith.constant 0 : i32
        %dma_start3A_137 = arith.constant 0 : i32
        %dma_start3A_138 = arith.constant 0 : i32
        %dma_start3A_139 = tpu.memref_slice %arg9[%dma_start3A_136, %dma_start3A_137, %dma_start3A_138] : memref<2x128x128xf32, #tpu.memory_space<vmem>> -> memref<1x128x128xf32, #tpu.memory_space<vmem>>
        %dma_start3A_140 = tpu.memref_squeeze %dma_start3A_139 : memref<1x128x128xf32, #tpu.memory_space<vmem>> -> memref<128x128xf32, #tpu.memory_space<vmem>>
        %dma_start3A_141 = arith.constant 0 : i32
        %dma_start3A_142 = tpu.memref_slice %arg7[%rem3A_35, %dma_start3A_135, %dma_start3A_141] : memref<2x8x128xi32, #tpu.memory_space<vmem>> -> memref<1x1x128xi32, #tpu.memory_space<vmem>>
        %dma_start3A_143 = tpu.memref_squeeze %dma_start3A_142 : memref<1x1x128xi32, #tpu.memory_space<vmem>> -> memref<128xi32, #tpu.memory_space<vmem>>
        %dma_start3A_144 = arith.constant 0 : i32
        %dma_start3A_145 = arith.constant 0 : i32
        %dma_start3A_146 = tpu.memref_slice %arg2[%dma_start3A_144, %dma_start3A_145] : memref<10240x128xf32, #tpu.memory_space<hbm>> -> memref<10240x128xf32, #tpu.memory_space<hbm>>
        tpu.enqueue_indirect_dma source(%dma_start3A_146 : memref<10240x128xf32, #tpu.memory_space<hbm>>) target(%dma_start3A_140 : memref<128x128xf32, #tpu.memory_space<vmem>>) offsets(%dma_start3A_143 : memref<128xi32, #tpu.memory_space<vmem>>) semaphore(%arg11 : memref<!tpu.dma_semaphore, #tpu.memory_space<semaphore_mem>>)
        %run_scoped3A_147 = arith.constant 1 : i32
        %run_scoped3A_148 = arith.constant 3 : i32
        "tpu.region"() ({
          %run_scoped3A_248 = tpu.sem_alloc : memref<!tpu.dma_semaphore, #tpu.memory_space<semaphore_mem>>
          %dma_start3A_249 = arith.constant 0 : i32
          %dma_start3A_250 = arith.constant 0 : i32
          %dma_start3A_251 = tpu.memref_slice %arg9[%run_scoped3A_147, %dma_start3A_249, %dma_start3A_250] : memref<2x128x128xf32, #tpu.memory_space<vmem>> -> memref<1x128x128xf32, #tpu.memory_space<vmem>>
          %dma_start3A_252 = tpu.memref_squeeze %dma_start3A_251 : memref<1x128x128xf32, #tpu.memory_space<vmem>> -> memref<128x128xf32, #tpu.memory_space<vmem>>
          %dma_start3A_253 = arith.constant 0 : i32
          %dma_start3A_254 = tpu.memref_slice %arg8[%rem3A_35, %run_scoped3A_148, %dma_start3A_253] : memref<2x8x128xi32, #tpu.memory_space<vmem>> -> memref<1x1x128xi32, #tpu.memory_space<vmem>>
          %dma_start3A_255 = tpu.memref_squeeze %dma_start3A_254 : memref<1x1x128xi32, #tpu.memory_space<vmem>> -> memref<128xi32, #tpu.memory_space<vmem>>
          %dma_start3A_256 = arith.constant 0 : i32
          %dma_start3A_257 = arith.constant 0 : i32
          %dma_start3A_258 = tpu.memref_slice %arg10[%dma_start3A_256, %dma_start3A_257] : memref<10240x128xf32, #tpu.memory_space<vmem_shared>> -> memref<10240x128xf32, #tpu.memory_space<vmem_shared>>
          tpu.enqueue_indirect_dma source(%dma_start3A_252 : memref<128x128xf32, #tpu.memory_space<vmem>>) target(%dma_start3A_258 : memref<10240x128xf32, #tpu.memory_space<vmem_shared>>) offsets(%dma_start3A_255 : memref<128xi32, #tpu.memory_space<vmem>>) semaphore(%run_scoped3A_248 : memref<!tpu.dma_semaphore, #tpu.memory_space<semaphore_mem>>) {add = true}
          %dma_wait3A_259 = arith.constant 0 : i32
          %dma_wait3A_260 = arith.constant 0 : i32
          %dma_wait3A_261 = tpu.memref_slice %arg9[%run_scoped3A_147, %dma_wait3A_259, %dma_wait3A_260] : memref<2x128x128xf32, #tpu.memory_space<vmem>> -> memref<1x128x128xf32, #tpu.memory_space<vmem>>
          %dma_wait3A_262 = tpu.memref_squeeze %dma_wait3A_261 : memref<1x128x128xf32, #tpu.memory_space<vmem>> -> memref<128x128xf32, #tpu.memory_space<vmem>>
          %dma_wait3A_263 = arith.constant 0 : i32
          %dma_wait3A_264 = tpu.memref_slice %arg8[%rem3A_35, %run_scoped3A_148, %dma_wait3A_263] : memref<2x8x128xi32, #tpu.memory_space<vmem>> -> memref<1x1x128xi32, #tpu.memory_space<vmem>>
          %dma_wait3A_265 = tpu.memref_squeeze %dma_wait3A_264 : memref<1x1x128xi32, #tpu.memory_space<vmem>> -> memref<128xi32, #tpu.memory_space<vmem>>
          %dma_wait3A_266 = arith.constant 0 : i32
          %dma_wait3A_267 = arith.constant 0 : i32
          %dma_wait3A_268 = tpu.memref_slice %arg10[%dma_wait3A_266, %dma_wait3A_267] : memref<10240x128xf32, #tpu.memory_space<vmem_shared>> -> memref<10240x128xf32, #tpu.memory_space<vmem_shared>>
          tpu.wait_indirect_dma semaphore(%run_scoped3A_248 : memref<!tpu.dma_semaphore, #tpu.memory_space<semaphore_mem>>) src(%dma_wait3A_262 : memref<128x128xf32, #tpu.memory_space<vmem>>) dst(%dma_wait3A_268 : memref<10240x128xf32, #tpu.memory_space<vmem_shared>>)
          tpu.yield
        }) : () -> ()
        %dma_wait3A_149 = arith.constant 4 : i32
        %dma_wait3A_150 = arith.constant 0 : i32
        %dma_wait3A_151 = arith.constant 0 : i32
        %dma_wait3A_152 = arith.constant 0 : i32
        %dma_wait3A_153 = tpu.memref_slice %arg9[%dma_wait3A_150, %dma_wait3A_151, %dma_wait3A_152] : memref<2x128x128xf32, #tpu.memory_space<vmem>> -> memref<1x128x128xf32, #tpu.memory_space<vmem>>
        %dma_wait3A_154 = tpu.memref_squeeze %dma_wait3A_153 : memref<1x128x128xf32, #tpu.memory_space<vmem>> -> memref<128x128xf32, #tpu.memory_space<vmem>>
        %dma_wait3A_155 = arith.constant 0 : i32
        %dma_wait3A_156 = tpu.memref_slice %arg7[%rem3A_35, %dma_wait3A_149, %dma_wait3A_155] : memref<2x8x128xi32, #tpu.memory_space<vmem>> -> memref<1x1x128xi32, #tpu.memory_space<vmem>>
        %dma_wait3A_157 = tpu.memref_squeeze %dma_wait3A_156 : memref<1x1x128xi32, #tpu.memory_space<vmem>> -> memref<128xi32, #tpu.memory_space<vmem>>
        %dma_wait3A_158 = arith.constant 0 : i32
        %dma_wait3A_159 = arith.constant 0 : i32
        %dma_wait3A_160 = tpu.memref_slice %arg2[%dma_wait3A_158, %dma_wait3A_159] : memref<10240x128xf32, #tpu.memory_space<hbm>> -> memref<10240x128xf32, #tpu.memory_space<hbm>>
        tpu.wait_indirect_dma semaphore(%arg11 : memref<!tpu.dma_semaphore, #tpu.memory_space<semaphore_mem>>) src(%dma_wait3A_160 : memref<10240x128xf32, #tpu.memory_space<hbm>>) dst(%dma_wait3A_154 : memref<128x128xf32, #tpu.memory_space<vmem>>)
        %dma_start3A_161 = arith.constant 5 : i32
        %dma_start3A_162 = arith.constant 1 : i32
        %dma_start3A_163 = arith.constant 0 : i32
        %dma_start3A_164 = arith.constant 0 : i32
        %dma_start3A_165 = tpu.memref_slice %arg9[%dma_start3A_162, %dma_start3A_163, %dma_start3A_164] : memref<2x128x128xf32, #tpu.memory_space<vmem>> -> memref<1x128x128xf32, #tpu.memory_space<vmem>>
        %dma_start3A_166 = tpu.memref_squeeze %dma_start3A_165 : memref<1x128x128xf32, #tpu.memory_space<vmem>> -> memref<128x128xf32, #tpu.memory_space<vmem>>
        %dma_start3A_167 = arith.constant 0 : i32
        %dma_start3A_168 = tpu.memref_slice %arg7[%rem3A_35, %dma_start3A_161, %dma_start3A_167] : memref<2x8x128xi32, #tpu.memory_space<vmem>> -> memref<1x1x128xi32, #tpu.memory_space<vmem>>
        %dma_start3A_169 = tpu.memref_squeeze %dma_start3A_168 : memref<1x1x128xi32, #tpu.memory_space<vmem>> -> memref<128xi32, #tpu.memory_space<vmem>>
        %dma_start3A_170 = arith.constant 0 : i32
        %dma_start3A_171 = arith.constant 0 : i32
        %dma_start3A_172 = tpu.memref_slice %arg2[%dma_start3A_170, %dma_start3A_171] : memref<10240x128xf32, #tpu.memory_space<hbm>> -> memref<10240x128xf32, #tpu.memory_space<hbm>>
        tpu.enqueue_indirect_dma source(%dma_start3A_172 : memref<10240x128xf32, #tpu.memory_space<hbm>>) target(%dma_start3A_166 : memref<128x128xf32, #tpu.memory_space<vmem>>) offsets(%dma_start3A_169 : memref<128xi32, #tpu.memory_space<vmem>>) semaphore(%arg11 : memref<!tpu.dma_semaphore, #tpu.memory_space<semaphore_mem>>)
        %run_scoped3A_173 = arith.constant 0 : i32
        %run_scoped3A_174 = arith.constant 4 : i32
        "tpu.region"() ({
          %run_scoped3A_248 = tpu.sem_alloc : memref<!tpu.dma_semaphore, #tpu.memory_space<semaphore_mem>>
          %dma_start3A_249 = arith.constant 0 : i32
          %dma_start3A_250 = arith.constant 0 : i32
          %dma_start3A_251 = tpu.memref_slice %arg9[%run_scoped3A_173, %dma_start3A_249, %dma_start3A_250] : memref<2x128x128xf32, #tpu.memory_space<vmem>> -> memref<1x128x128xf32, #tpu.memory_space<vmem>>
          %dma_start3A_252 = tpu.memref_squeeze %dma_start3A_251 : memref<1x128x128xf32, #tpu.memory_space<vmem>> -> memref<128x128xf32, #tpu.memory_space<vmem>>
          %dma_start3A_253 = arith.constant 0 : i32
          %dma_start3A_254 = tpu.memref_slice %arg8[%rem3A_35, %run_scoped3A_174, %dma_start3A_253] : memref<2x8x128xi32, #tpu.memory_space<vmem>> -> memref<1x1x128xi32, #tpu.memory_space<vmem>>
          %dma_start3A_255 = tpu.memref_squeeze %dma_start3A_254 : memref<1x1x128xi32, #tpu.memory_space<vmem>> -> memref<128xi32, #tpu.memory_space<vmem>>
          %dma_start3A_256 = arith.constant 0 : i32
          %dma_start3A_257 = arith.constant 0 : i32
          %dma_start3A_258 = tpu.memref_slice %arg10[%dma_start3A_256, %dma_start3A_257] : memref<10240x128xf32, #tpu.memory_space<vmem_shared>> -> memref<10240x128xf32, #tpu.memory_space<vmem_shared>>
          tpu.enqueue_indirect_dma source(%dma_start3A_252 : memref<128x128xf32, #tpu.memory_space<vmem>>) target(%dma_start3A_258 : memref<10240x128xf32, #tpu.memory_space<vmem_shared>>) offsets(%dma_start3A_255 : memref<128xi32, #tpu.memory_space<vmem>>) semaphore(%run_scoped3A_248 : memref<!tpu.dma_semaphore, #tpu.memory_space<semaphore_mem>>) {add = true}
          %dma_wait3A_259 = arith.constant 0 : i32
          %dma_wait3A_260 = arith.constant 0 : i32
          %dma_wait3A_261 = tpu.memref_slice %arg9[%run_scoped3A_173, %dma_wait3A_259, %dma_wait3A_260] : memref<2x128x128xf32, #tpu.memory_space<vmem>> -> memref<1x128x128xf32, #tpu.memory_space<vmem>>
          %dma_wait3A_262 = tpu.memref_squeeze %dma_wait3A_261 : memref<1x128x128xf32, #tpu.memory_space<vmem>> -> memref<128x128xf32, #tpu.memory_space<vmem>>
          %dma_wait3A_263 = arith.constant 0 : i32
          %dma_wait3A_264 = tpu.memref_slice %arg8[%rem3A_35, %run_scoped3A_174, %dma_wait3A_263] : memref<2x8x128xi32, #tpu.memory_space<vmem>> -> memref<1x1x128xi32, #tpu.memory_space<vmem>>
          %dma_wait3A_265 = tpu.memref_squeeze %dma_wait3A_264 : memref<1x1x128xi32, #tpu.memory_space<vmem>> -> memref<128xi32, #tpu.memory_space<vmem>>
          %dma_wait3A_266 = arith.constant 0 : i32
          %dma_wait3A_267 = arith.constant 0 : i32
          %dma_wait3A_268 = tpu.memref_slice %arg10[%dma_wait3A_266, %dma_wait3A_267] : memref<10240x128xf32, #tpu.memory_space<vmem_shared>> -> memref<10240x128xf32, #tpu.memory_space<vmem_shared>>
          tpu.wait_indirect_dma semaphore(%run_scoped3A_248 : memref<!tpu.dma_semaphore, #tpu.memory_space<semaphore_mem>>) src(%dma_wait3A_262 : memref<128x128xf32, #tpu.memory_space<vmem>>) dst(%dma_wait3A_268 : memref<10240x128xf32, #tpu.memory_space<vmem_shared>>)
          tpu.yield
        }) : () -> ()
        %dma_wait3A_175 = arith.constant 5 : i32
        %dma_wait3A_176 = arith.constant 1 : i32
        %dma_wait3A_177 = arith.constant 0 : i32
        %dma_wait3A_178 = arith.constant 0 : i32
        %dma_wait3A_179 = tpu.memref_slice %arg9[%dma_wait3A_176, %dma_wait3A_177, %dma_wait3A_178] : memref<2x128x128xf32, #tpu.memory_space<vmem>> -> memref<1x128x128xf32, #tpu.memory_space<vmem>>
        %dma_wait3A_180 = tpu.memref_squeeze %dma_wait3A_179 : memref<1x128x128xf32, #tpu.memory_space<vmem>> -> memref<128x128xf32, #tpu.memory_space<vmem>>
        %dma_wait3A_181 = arith.constant 0 : i32
        %dma_wait3A_182 = tpu.memref_slice %arg7[%rem3A_35, %dma_wait3A_175, %dma_wait3A_181] : memref<2x8x128xi32, #tpu.memory_space<vmem>> -> memref<1x1x128xi32, #tpu.memory_space<vmem>>
        %dma_wait3A_183 = tpu.memref_squeeze %dma_wait3A_182 : memref<1x1x128xi32, #tpu.memory_space<vmem>> -> memref<128xi32, #tpu.memory_space<vmem>>
        %dma_wait3A_184 = arith.constant 0 : i32
        %dma_wait3A_185 = arith.constant 0 : i32
        %dma_wait3A_186 = tpu.memref_slice %arg2[%dma_wait3A_184, %dma_wait3A_185] : memref<10240x128xf32, #tpu.memory_space<hbm>> -> memref<10240x128xf32, #tpu.memory_space<hbm>>
        tpu.wait_indirect_dma semaphore(%arg11 : memref<!tpu.dma_semaphore, #tpu.memory_space<semaphore_mem>>) src(%dma_wait3A_186 : memref<10240x128xf32, #tpu.memory_space<hbm>>) dst(%dma_wait3A_180 : memref<128x128xf32, #tpu.memory_space<vmem>>)
        %dma_start3A_187 = arith.constant 6 : i32
        %dma_start3A_188 = arith.constant 0 : i32
        %dma_start3A_189 = arith.constant 0 : i32
        %dma_start3A_190 = arith.constant 0 : i32
        %dma_start3A_191 = tpu.memref_slice %arg9[%dma_start3A_188, %dma_start3A_189, %dma_start3A_190] : memref<2x128x128xf32, #tpu.memory_space<vmem>> -> memref<1x128x128xf32, #tpu.memory_space<vmem>>
        %dma_start3A_192 = tpu.memref_squeeze %dma_start3A_191 : memref<1x128x128xf32, #tpu.memory_space<vmem>> -> memref<128x128xf32, #tpu.memory_space<vmem>>
        %dma_start3A_193 = arith.constant 0 : i32
        %dma_start3A_194 = tpu.memref_slice %arg7[%rem3A_35, %dma_start3A_187, %dma_start3A_193] : memref<2x8x128xi32, #tpu.memory_space<vmem>> -> memref<1x1x128xi32, #tpu.memory_space<vmem>>
        %dma_start3A_195 = tpu.memref_squeeze %dma_start3A_194 : memref<1x1x128xi32, #tpu.memory_space<vmem>> -> memref<128xi32, #tpu.memory_space<vmem>>
        %dma_start3A_196 = arith.constant 0 : i32
        %dma_start3A_197 = arith.constant 0 : i32
        %dma_start3A_198 = tpu.memref_slice %arg2[%dma_start3A_196, %dma_start3A_197] : memref<10240x128xf32, #tpu.memory_space<hbm>> -> memref<10240x128xf32, #tpu.memory_space<hbm>>
        tpu.enqueue_indirect_dma source(%dma_start3A_198 : memref<10240x128xf32, #tpu.memory_space<hbm>>) target(%dma_start3A_192 : memref<128x128xf32, #tpu.memory_space<vmem>>) offsets(%dma_start3A_195 : memref<128xi32, #tpu.memory_space<vmem>>) semaphore(%arg11 : memref<!tpu.dma_semaphore, #tpu.memory_space<semaphore_mem>>)
        %run_scoped3A_199 = arith.constant 1 : i32
        %run_scoped3A_200 = arith.constant 5 : i32
        "tpu.region"() ({
          %run_scoped3A_248 = tpu.sem_alloc : memref<!tpu.dma_semaphore, #tpu.memory_space<semaphore_mem>>
          %dma_start3A_249 = arith.constant 0 : i32
          %dma_start3A_250 = arith.constant 0 : i32
          %dma_start3A_251 = tpu.memref_slice %arg9[%run_scoped3A_199, %dma_start3A_249, %dma_start3A_250] : memref<2x128x128xf32, #tpu.memory_space<vmem>> -> memref<1x128x128xf32, #tpu.memory_space<vmem>>
          %dma_start3A_252 = tpu.memref_squeeze %dma_start3A_251 : memref<1x128x128xf32, #tpu.memory_space<vmem>> -> memref<128x128xf32, #tpu.memory_space<vmem>>
          %dma_start3A_253 = arith.constant 0 : i32
          %dma_start3A_254 = tpu.memref_slice %arg8[%rem3A_35, %run_scoped3A_200, %dma_start3A_253] : memref<2x8x128xi32, #tpu.memory_space<vmem>> -> memref<1x1x128xi32, #tpu.memory_space<vmem>>
          %dma_start3A_255 = tpu.memref_squeeze %dma_start3A_254 : memref<1x1x128xi32, #tpu.memory_space<vmem>> -> memref<128xi32, #tpu.memory_space<vmem>>
          %dma_start3A_256 = arith.constant 0 : i32
          %dma_start3A_257 = arith.constant 0 : i32
          %dma_start3A_258 = tpu.memref_slice %arg10[%dma_start3A_256, %dma_start3A_257] : memref<10240x128xf32, #tpu.memory_space<vmem_shared>> -> memref<10240x128xf32, #tpu.memory_space<vmem_shared>>
          tpu.enqueue_indirect_dma source(%dma_start3A_252 : memref<128x128xf32, #tpu.memory_space<vmem>>) target(%dma_start3A_258 : memref<10240x128xf32, #tpu.memory_space<vmem_shared>>) offsets(%dma_start3A_255 : memref<128xi32, #tpu.memory_space<vmem>>) semaphore(%run_scoped3A_248 : memref<!tpu.dma_semaphore, #tpu.memory_space<semaphore_mem>>) {add = true}
          %dma_wait3A_259 = arith.constant 0 : i32
          %dma_wait3A_260 = arith.constant 0 : i32
          %dma_wait3A_261 = tpu.memref_slice %arg9[%run_scoped3A_199, %dma_wait3A_259, %dma_wait3A_260] : memref<2x128x128xf32, #tpu.memory_space<vmem>> -> memref<1x128x128xf32, #tpu.memory_space<vmem>>
          %dma_wait3A_262 = tpu.memref_squeeze %dma_wait3A_261 : memref<1x128x128xf32, #tpu.memory_space<vmem>> -> memref<128x128xf32, #tpu.memory_space<vmem>>
          %dma_wait3A_263 = arith.constant 0 : i32
          %dma_wait3A_264 = tpu.memref_slice %arg8[%rem3A_35, %run_scoped3A_200, %dma_wait3A_263] : memref<2x8x128xi32, #tpu.memory_space<vmem>> -> memref<1x1x128xi32, #tpu.memory_space<vmem>>
          %dma_wait3A_265 = tpu.memref_squeeze %dma_wait3A_264 : memref<1x1x128xi32, #tpu.memory_space<vmem>> -> memref<128xi32, #tpu.memory_space<vmem>>
          %dma_wait3A_266 = arith.constant 0 : i32
          %dma_wait3A_267 = arith.constant 0 : i32
          %dma_wait3A_268 = tpu.memref_slice %arg10[%dma_wait3A_266, %dma_wait3A_267] : memref<10240x128xf32, #tpu.memory_space<vmem_shared>> -> memref<10240x128xf32, #tpu.memory_space<vmem_shared>>
          tpu.wait_indirect_dma semaphore(%run_scoped3A_248 : memref<!tpu.dma_semaphore, #tpu.memory_space<semaphore_mem>>) src(%dma_wait3A_262 : memref<128x128xf32, #tpu.memory_space<vmem>>) dst(%dma_wait3A_268 : memref<10240x128xf32, #tpu.memory_space<vmem_shared>>)
          tpu.yield
        }) : () -> ()
        %dma_wait3A_201 = arith.constant 6 : i32
        %dma_wait3A_202 = arith.constant 0 : i32
        %dma_wait3A_203 = arith.constant 0 : i32
        %dma_wait3A_204 = arith.constant 0 : i32
        %dma_wait3A_205 = tpu.memref_slice %arg9[%dma_wait3A_202, %dma_wait3A_203, %dma_wait3A_204] : memref<2x128x128xf32, #tpu.memory_space<vmem>> -> memref<1x128x128xf32, #tpu.memory_space<vmem>>
        %dma_wait3A_206 = tpu.memref_squeeze %dma_wait3A_205 : memref<1x128x128xf32, #tpu.memory_space<vmem>> -> memref<128x128xf32, #tpu.memory_space<vmem>>
        %dma_wait3A_207 = arith.constant 0 : i32
        %dma_wait3A_208 = tpu.memref_slice %arg7[%rem3A_35, %dma_wait3A_201, %dma_wait3A_207] : memref<2x8x128xi32, #tpu.memory_space<vmem>> -> memref<1x1x128xi32, #tpu.memory_space<vmem>>
        %dma_wait3A_209 = tpu.memref_squeeze %dma_wait3A_208 : memref<1x1x128xi32, #tpu.memory_space<vmem>> -> memref<128xi32, #tpu.memory_space<vmem>>
        %dma_wait3A_210 = arith.constant 0 : i32
        %dma_wait3A_211 = arith.constant 0 : i32
        %dma_wait3A_212 = tpu.memref_slice %arg2[%dma_wait3A_210, %dma_wait3A_211] : memref<10240x128xf32, #tpu.memory_space<hbm>> -> memref<10240x128xf32, #tpu.memory_space<hbm>>
        tpu.wait_indirect_dma semaphore(%arg11 : memref<!tpu.dma_semaphore, #tpu.memory_space<semaphore_mem>>) src(%dma_wait3A_212 : memref<10240x128xf32, #tpu.memory_space<hbm>>) dst(%dma_wait3A_206 : memref<128x128xf32, #tpu.memory_space<vmem>>)
        %dma_start3A_213 = arith.constant 7 : i32
        %dma_start3A_214 = arith.constant 1 : i32
        %dma_start3A_215 = arith.constant 0 : i32
        %dma_start3A_216 = arith.constant 0 : i32
        %dma_start3A_217 = tpu.memref_slice %arg9[%dma_start3A_214, %dma_start3A_215, %dma_start3A_216] : memref<2x128x128xf32, #tpu.memory_space<vmem>> -> memref<1x128x128xf32, #tpu.memory_space<vmem>>
        %dma_start3A_218 = tpu.memref_squeeze %dma_start3A_217 : memref<1x128x128xf32, #tpu.memory_space<vmem>> -> memref<128x128xf32, #tpu.memory_space<vmem>>
        %dma_start3A_219 = arith.constant 0 : i32
        %dma_start3A_220 = tpu.memref_slice %arg7[%rem3A_35, %dma_start3A_213, %dma_start3A_219] : memref<2x8x128xi32, #tpu.memory_space<vmem>> -> memref<1x1x128xi32, #tpu.memory_space<vmem>>
        %dma_start3A_221 = tpu.memref_squeeze %dma_start3A_220 : memref<1x1x128xi32, #tpu.memory_space<vmem>> -> memref<128xi32, #tpu.memory_space<vmem>>
        %dma_start3A_222 = arith.constant 0 : i32
        %dma_start3A_223 = arith.constant 0 : i32
        %dma_start3A_224 = tpu.memref_slice %arg2[%dma_start3A_222, %dma_start3A_223] : memref<10240x128xf32, #tpu.memory_space<hbm>> -> memref<10240x128xf32, #tpu.memory_space<hbm>>
        tpu.enqueue_indirect_dma source(%dma_start3A_224 : memref<10240x128xf32, #tpu.memory_space<hbm>>) target(%dma_start3A_218 : memref<128x128xf32, #tpu.memory_space<vmem>>) offsets(%dma_start3A_221 : memref<128xi32, #tpu.memory_space<vmem>>) semaphore(%arg11 : memref<!tpu.dma_semaphore, #tpu.memory_space<semaphore_mem>>)
        %run_scoped3A_225 = arith.constant 0 : i32
        %run_scoped3A_226 = arith.constant 6 : i32
        "tpu.region"() ({
          %run_scoped3A_248 = tpu.sem_alloc : memref<!tpu.dma_semaphore, #tpu.memory_space<semaphore_mem>>
          %dma_start3A_249 = arith.constant 0 : i32
          %dma_start3A_250 = arith.constant 0 : i32
          %dma_start3A_251 = tpu.memref_slice %arg9[%run_scoped3A_225, %dma_start3A_249, %dma_start3A_250] : memref<2x128x128xf32, #tpu.memory_space<vmem>> -> memref<1x128x128xf32, #tpu.memory_space<vmem>>
          %dma_start3A_252 = tpu.memref_squeeze %dma_start3A_251 : memref<1x128x128xf32, #tpu.memory_space<vmem>> -> memref<128x128xf32, #tpu.memory_space<vmem>>
          %dma_start3A_253 = arith.constant 0 : i32
          %dma_start3A_254 = tpu.memref_slice %arg8[%rem3A_35, %run_scoped3A_226, %dma_start3A_253] : memref<2x8x128xi32, #tpu.memory_space<vmem>> -> memref<1x1x128xi32, #tpu.memory_space<vmem>>
          %dma_start3A_255 = tpu.memref_squeeze %dma_start3A_254 : memref<1x1x128xi32, #tpu.memory_space<vmem>> -> memref<128xi32, #tpu.memory_space<vmem>>
          %dma_start3A_256 = arith.constant 0 : i32
          %dma_start3A_257 = arith.constant 0 : i32
          %dma_start3A_258 = tpu.memref_slice %arg10[%dma_start3A_256, %dma_start3A_257] : memref<10240x128xf32, #tpu.memory_space<vmem_shared>> -> memref<10240x128xf32, #tpu.memory_space<vmem_shared>>
          tpu.enqueue_indirect_dma source(%dma_start3A_252 : memref<128x128xf32, #tpu.memory_space<vmem>>) target(%dma_start3A_258 : memref<10240x128xf32, #tpu.memory_space<vmem_shared>>) offsets(%dma_start3A_255 : memref<128xi32, #tpu.memory_space<vmem>>) semaphore(%run_scoped3A_248 : memref<!tpu.dma_semaphore, #tpu.memory_space<semaphore_mem>>) {add = true}
          %dma_wait3A_259 = arith.constant 0 : i32
          %dma_wait3A_260 = arith.constant 0 : i32
          %dma_wait3A_261 = tpu.memref_slice %arg9[%run_scoped3A_225, %dma_wait3A_259, %dma_wait3A_260] : memref<2x128x128xf32, #tpu.memory_space<vmem>> -> memref<1x128x128xf32, #tpu.memory_space<vmem>>
          %dma_wait3A_262 = tpu.memref_squeeze %dma_wait3A_261 : memref<1x128x128xf32, #tpu.memory_space<vmem>> -> memref<128x128xf32, #tpu.memory_space<vmem>>
          %dma_wait3A_263 = arith.constant 0 : i32
          %dma_wait3A_264 = tpu.memref_slice %arg8[%rem3A_35, %run_scoped3A_226, %dma_wait3A_263] : memref<2x8x128xi32, #tpu.memory_space<vmem>> -> memref<1x1x128xi32, #tpu.memory_space<vmem>>
          %dma_wait3A_265 = tpu.memref_squeeze %dma_wait3A_264 : memref<1x1x128xi32, #tpu.memory_space<vmem>> -> memref<128xi32, #tpu.memory_space<vmem>>
          %dma_wait3A_266 = arith.constant 0 : i32
          %dma_wait3A_267 = arith.constant 0 : i32
          %dma_wait3A_268 = tpu.memref_slice %arg10[%dma_wait3A_266, %dma_wait3A_267] : memref<10240x128xf32, #tpu.memory_space<vmem_shared>> -> memref<10240x128xf32, #tpu.memory_space<vmem_shared>>
          tpu.wait_indirect_dma semaphore(%run_scoped3A_248 : memref<!tpu.dma_semaphore, #tpu.memory_space<semaphore_mem>>) src(%dma_wait3A_262 : memref<128x128xf32, #tpu.memory_space<vmem>>) dst(%dma_wait3A_268 : memref<10240x128xf32, #tpu.memory_space<vmem_shared>>)
          tpu.yield
        }) : () -> ()
        %dma_wait3A_227 = arith.constant 7 : i32
        %dma_wait3A_228 = arith.constant 1 : i32
        %dma_wait3A_229 = arith.constant 0 : i32
        %dma_wait3A_230 = arith.constant 0 : i32
        %dma_wait3A_231 = tpu.memref_slice %arg9[%dma_wait3A_228, %dma_wait3A_229, %dma_wait3A_230] : memref<2x128x128xf32, #tpu.memory_space<vmem>> -> memref<1x128x128xf32, #tpu.memory_space<vmem>>
        %dma_wait3A_232 = tpu.memref_squeeze %dma_wait3A_231 : memref<1x128x128xf32, #tpu.memory_space<vmem>> -> memref<128x128xf32, #tpu.memory_space<vmem>>
        %dma_wait3A_233 = arith.constant 0 : i32
        %dma_wait3A_234 = tpu.memref_slice %arg7[%rem3A_35, %dma_wait3A_227, %dma_wait3A_233] : memref<2x8x128xi32, #tpu.memory_space<vmem>> -> memref<1x1x128xi32, #tpu.memory_space<vmem>>
        %dma_wait3A_235 = tpu.memref_squeeze %dma_wait3A_234 : memref<1x1x128xi32, #tpu.memory_space<vmem>> -> memref<128xi32, #tpu.memory_space<vmem>>
        %dma_wait3A_236 = arith.constant 0 : i32
        %dma_wait3A_237 = arith.constant 0 : i32
        %dma_wait3A_238 = tpu.memref_slice %arg2[%dma_wait3A_236, %dma_wait3A_237] : memref<10240x128xf32, #tpu.memory_space<hbm>> -> memref<10240x128xf32, #tpu.memory_space<hbm>>
        tpu.wait_indirect_dma semaphore(%arg11 : memref<!tpu.dma_semaphore, #tpu.memory_space<semaphore_mem>>) src(%dma_wait3A_238 : memref<10240x128xf32, #tpu.memory_space<hbm>>) dst(%dma_wait3A_232 : memref<128x128xf32, #tpu.memory_space<vmem>>)
        %add3A_239 = arith.constant 1 : i32
        %add3A_240 = arith.addi %scan3A_34, %add3A_239 : i32
        %lt3A_241 = arith.constant 10 : i32
        %lt3A_242 = arith.cmpi slt, %add3A_240, %lt3A_241 : i32
        %convert_element_type3A_243 = arith.extui %lt3A_242 : i1 to i32
        %cond3A_244 = arith.constant 0 : i32
        %cond3A_245 = arith.cmpi ne, %convert_element_type3A_243, %cond3A_244 : i32
        scf.if %cond3A_245 {
          %add3A_248 = arith.constant 1 : i32
          %add3A_249 = arith.addi %scan3A_34, %add3A_248 : i32
          %mul3A_250 = arith.constant 8 : i32
          %mul3A_251 = arith.muli %add3A_249, %mul3A_250 : i32
          %add3A_252 = arith.addi %add3A_15, %mul3A_251 : i32
          %dma_wait3A_253 = arith.constant 0 : i32
          %dma_wait3A_254 = arith.constant 0 : i32
          %dma_wait3A_255 = tpu.memref_slice %arg7[%rem3A_39, %dma_wait3A_253, %dma_wait3A_254] : memref<2x8x128xi32, #tpu.memory_space<vmem>> -> memref<1x8x128xi32, #tpu.memory_space<vmem>>
          %dma_wait3A_256 = tpu.memref_squeeze %dma_wait3A_255 : memref<1x8x128xi32, #tpu.memory_space<vmem>> -> memref<8x128xi32, #tpu.memory_space<vmem>>
          %dma_wait3A_257 = arith.constant 0 : i32
          %dma_wait3A_258 = tpu.memref_slice %arg3[%add3A_252, %dma_wait3A_257] : memref<2560x128xi32, #tpu.memory_space<hbm>> -> memref<8x128xi32, #tpu.memory_space<hbm>>
          %dma_wait3A_259 = arith.constant 0 : i32
          %dma_wait3A_260 = arith.constant 0 : i32
          %dma_wait3A_261 = tpu.memref_slice %arg7[%rem3A_39, %dma_wait3A_259, %dma_wait3A_260] : memref<2x8x128xi32, #tpu.memory_space<vmem>> -> memref<1x8x128xi32, #tpu.memory_space<vmem>>
          %dma_wait3A_262 = tpu.memref_squeeze %dma_wait3A_261 : memref<1x8x128xi32, #tpu.memory_space<vmem>> -> memref<8x128xi32, #tpu.memory_space<vmem>>
          %dma_wait3A_263 = arith.constant 0 : i32
          %dma_wait3A_264 = tpu.memref_slice %arg3[%add3A_252, %dma_wait3A_263] : memref<2560x128xi32, #tpu.memory_space<hbm>> -> memref<8x128xi32, #tpu.memory_space<hbm>>
          tpu.wait_dma2 semaphore(%arg12 : memref<!tpu.dma_semaphore, #tpu.memory_space<semaphore_mem>>) src(%dma_wait3A_264 : memref<8x128xi32, #tpu.memory_space<hbm>>) dst(%dma_wait3A_262 : memref<8x128xi32, #tpu.memory_space<vmem>>)
          %dma_wait3A_265 = arith.constant 0 : i32
          %dma_wait3A_266 = arith.constant 0 : i32
          %dma_wait3A_267 = tpu.memref_slice %arg8[%rem3A_39, %dma_wait3A_265, %dma_wait3A_266] : memref<2x8x128xi32, #tpu.memory_space<vmem>> -> memref<1x8x128xi32, #tpu.memory_space<vmem>>
          %dma_wait3A_268 = tpu.memref_squeeze %dma_wait3A_267 : memref<1x8x128xi32, #tpu.memory_space<vmem>> -> memref<8x128xi32, #tpu.memory_space<vmem>>
          %dma_wait3A_269 = arith.constant 0 : i32
          %dma_wait3A_270 = tpu.memref_slice %arg4[%add3A_252, %dma_wait3A_269] : memref<2560x128xi32, #tpu.memory_space<hbm>> -> memref<8x128xi32, #tpu.memory_space<hbm>>
          %dma_wait3A_271 = arith.constant 0 : i32
          %dma_wait3A_272 = arith.constant 0 : i32
          %dma_wait3A_273 = tpu.memref_slice %arg8[%rem3A_39, %dma_wait3A_271, %dma_wait3A_272] : memref<2x8x128xi32, #tpu.memory_space<vmem>> -> memref<1x8x128xi32, #tpu.memory_space<vmem>>
          %dma_wait3A_274 = tpu.memref_squeeze %dma_wait3A_273 : memref<1x8x128xi32, #tpu.memory_space<vmem>> -> memref<8x128xi32, #tpu.memory_space<vmem>>
          %dma_wait3A_275 = arith.constant 0 : i32
          %dma_wait3A_276 = tpu.memref_slice %arg4[%add3A_252, %dma_wait3A_275] : memref<2560x128xi32, #tpu.memory_space<hbm>> -> memref<8x128xi32, #tpu.memory_space<hbm>>
          tpu.wait_dma2 semaphore(%arg12 : memref<!tpu.dma_semaphore, #tpu.memory_space<semaphore_mem>>) src(%dma_wait3A_276 : memref<8x128xi32, #tpu.memory_space<hbm>>) dst(%dma_wait3A_274 : memref<8x128xi32, #tpu.memory_space<vmem>>)
          %dma_start3A_277 = arith.constant 0 : i32
          %dma_start3A_278 = arith.constant 0 : i32
          %dma_start3A_279 = arith.constant 0 : i32
          %dma_start3A_280 = arith.constant 0 : i32
          %dma_start3A_281 = tpu.memref_slice %arg9[%dma_start3A_278, %dma_start3A_279, %dma_start3A_280] : memref<2x128x128xf32, #tpu.memory_space<vmem>> -> memref<1x128x128xf32, #tpu.memory_space<vmem>>
          %dma_start3A_282 = tpu.memref_squeeze %dma_start3A_281 : memref<1x128x128xf32, #tpu.memory_space<vmem>> -> memref<128x128xf32, #tpu.memory_space<vmem>>
          %dma_start3A_283 = arith.constant 0 : i32
          %dma_start3A_284 = tpu.memref_slice %arg7[%rem3A_39, %dma_start3A_277, %dma_start3A_283] : memref<2x8x128xi32, #tpu.memory_space<vmem>> -> memref<1x1x128xi32, #tpu.memory_space<vmem>>
          %dma_start3A_285 = tpu.memref_squeeze %dma_start3A_284 : memref<1x1x128xi32, #tpu.memory_space<vmem>> -> memref<128xi32, #tpu.memory_space<vmem>>
          %dma_start3A_286 = arith.constant 0 : i32
          %dma_start3A_287 = arith.constant 0 : i32
          %dma_start3A_288 = tpu.memref_slice %arg2[%dma_start3A_286, %dma_start3A_287] : memref<10240x128xf32, #tpu.memory_space<hbm>> -> memref<10240x128xf32, #tpu.memory_space<hbm>>
          tpu.enqueue_indirect_dma source(%dma_start3A_288 : memref<10240x128xf32, #tpu.memory_space<hbm>>) target(%dma_start3A_282 : memref<128x128xf32, #tpu.memory_space<vmem>>) offsets(%dma_start3A_285 : memref<128xi32, #tpu.memory_space<vmem>>) semaphore(%arg11 : memref<!tpu.dma_semaphore, #tpu.memory_space<semaphore_mem>>)
        } else {
        }
        %run_scoped3A_246 = arith.constant 1 : i32
        %run_scoped3A_247 = arith.constant 7 : i32
        "tpu.region"() ({
          %run_scoped3A_248 = tpu.sem_alloc : memref<!tpu.dma_semaphore, #tpu.memory_space<semaphore_mem>>
          %dma_start3A_249 = arith.constant 0 : i32
          %dma_start3A_250 = arith.constant 0 : i32
          %dma_start3A_251 = tpu.memref_slice %arg9[%run_scoped3A_246, %dma_start3A_249, %dma_start3A_250] : memref<2x128x128xf32, #tpu.memory_space<vmem>> -> memref<1x128x128xf32, #tpu.memory_space<vmem>>
          %dma_start3A_252 = tpu.memref_squeeze %dma_start3A_251 : memref<1x128x128xf32, #tpu.memory_space<vmem>> -> memref<128x128xf32, #tpu.memory_space<vmem>>
          %dma_start3A_253 = arith.constant 0 : i32
          %dma_start3A_254 = tpu.memref_slice %arg8[%rem3A_35, %run_scoped3A_247, %dma_start3A_253] : memref<2x8x128xi32, #tpu.memory_space<vmem>> -> memref<1x1x128xi32, #tpu.memory_space<vmem>>
          %dma_start3A_255 = tpu.memref_squeeze %dma_start3A_254 : memref<1x1x128xi32, #tpu.memory_space<vmem>> -> memref<128xi32, #tpu.memory_space<vmem>>
          %dma_start3A_256 = arith.constant 0 : i32
          %dma_start3A_257 = arith.constant 0 : i32
          %dma_start3A_258 = tpu.memref_slice %arg10[%dma_start3A_256, %dma_start3A_257] : memref<10240x128xf32, #tpu.memory_space<vmem_shared>> -> memref<10240x128xf32, #tpu.memory_space<vmem_shared>>
          tpu.enqueue_indirect_dma source(%dma_start3A_252 : memref<128x128xf32, #tpu.memory_space<vmem>>) target(%dma_start3A_258 : memref<10240x128xf32, #tpu.memory_space<vmem_shared>>) offsets(%dma_start3A_255 : memref<128xi32, #tpu.memory_space<vmem>>) semaphore(%run_scoped3A_248 : memref<!tpu.dma_semaphore, #tpu.memory_space<semaphore_mem>>) {add = true}
          %dma_wait3A_259 = arith.constant 0 : i32
          %dma_wait3A_260 = arith.constant 0 : i32
          %dma_wait3A_261 = tpu.memref_slice %arg9[%run_scoped3A_246, %dma_wait3A_259, %dma_wait3A_260] : memref<2x128x128xf32, #tpu.memory_space<vmem>> -> memref<1x128x128xf32, #tpu.memory_space<vmem>>
          %dma_wait3A_262 = tpu.memref_squeeze %dma_wait3A_261 : memref<1x128x128xf32, #tpu.memory_space<vmem>> -> memref<128x128xf32, #tpu.memory_space<vmem>>
          %dma_wait3A_263 = arith.constant 0 : i32
          %dma_wait3A_264 = tpu.memref_slice %arg8[%rem3A_35, %run_scoped3A_247, %dma_wait3A_263] : memref<2x8x128xi32, #tpu.memory_space<vmem>> -> memref<1x1x128xi32, #tpu.memory_space<vmem>>
          %dma_wait3A_265 = tpu.memref_squeeze %dma_wait3A_264 : memref<1x1x128xi32, #tpu.memory_space<vmem>> -> memref<128xi32, #tpu.memory_space<vmem>>
          %dma_wait3A_266 = arith.constant 0 : i32
          %dma_wait3A_267 = arith.constant 0 : i32
          %dma_wait3A_268 = tpu.memref_slice %arg10[%dma_wait3A_266, %dma_wait3A_267] : memref<10240x128xf32, #tpu.memory_space<vmem_shared>> -> memref<10240x128xf32, #tpu.memory_space<vmem_shared>>
          tpu.wait_indirect_dma semaphore(%run_scoped3A_248 : memref<!tpu.dma_semaphore, #tpu.memory_space<semaphore_mem>>) src(%dma_wait3A_262 : memref<128x128xf32, #tpu.memory_space<vmem>>) dst(%dma_wait3A_268 : memref<10240x128xf32, #tpu.memory_space<vmem_shared>>)
          tpu.yield
        }) : () -> ()
      }
      %scan3A_33 = arith.constant 10 : i32
    } else {
    }
    %barrier3A_8 = arith.constant 0 : index
    tpu.barrier barrier_id(%barrier3A_8)
    %mul3A_9 = arith.constant 640 : i32
    %mul3A_10 = arith.muli %arg1, %mul3A_9 : i32
    %mul3A_11 = arith.constant 640 : i32
    %mul3A_12 = arith.muli %arg1, %mul3A_11 : i32
    "tpu.region"() ({
      %run_scoped3A = tpu.sem_alloc : memref<!tpu.dma_semaphore, #tpu.memory_space<semaphore_mem>>
      %dma_start3A = arith.constant 0 : i32
      %dma_start3A_13 = tpu.memref_slice %arg6[%arg0, %mul3A_12, %dma_start3A] : memref<2x10240x128xf32, #tpu.memory_space<hbm>> -> memref<1x640x128xf32, #tpu.memory_space<hbm>>
      %dma_start3A_14 = tpu.memref_squeeze %dma_start3A_13 : memref<1x640x128xf32, #tpu.memory_space<hbm>> -> memref<640x128xf32, #tpu.memory_space<hbm>>
      %dma_start3A_15 = arith.constant 0 : i32
      %dma_start3A_16 = tpu.memref_slice %arg10[%mul3A_10, %dma_start3A_15] : memref<10240x128xf32, #tpu.memory_space<vmem_shared>> -> memref<640x128xf32, #tpu.memory_space<vmem_shared>>
      tpu.enqueue_dma source(%dma_start3A_16 : memref<640x128xf32, #tpu.memory_space<vmem_shared>>) target(%dma_start3A_14 : memref<640x128xf32, #tpu.memory_space<hbm>>) target_semaphore(%run_scoped3A : memref<!tpu.dma_semaphore, #tpu.memory_space<semaphore_mem>>)
      %dma_wait3A = arith.constant 0 : i32
      %dma_wait3A_17 = tpu.memref_slice %arg6[%arg0, %mul3A_12, %dma_wait3A] : memref<2x10240x128xf32, #tpu.memory_space<hbm>> -> memref<1x640x128xf32, #tpu.memory_space<hbm>>
      %dma_wait3A_18 = tpu.memref_squeeze %dma_wait3A_17 : memref<1x640x128xf32, #tpu.memory_space<hbm>> -> memref<640x128xf32, #tpu.memory_space<hbm>>
      %dma_wait3A_19 = arith.constant 0 : i32
      %dma_wait3A_20 = tpu.memref_slice %arg10[%mul3A_10, %dma_wait3A_19] : memref<10240x128xf32, #tpu.memory_space<vmem_shared>> -> memref<640x128xf32, #tpu.memory_space<vmem_shared>>
      tpu.wait_dma2 semaphore(%run_scoped3A : memref<!tpu.dma_semaphore, #tpu.memory_space<semaphore_mem>>) src(%dma_wait3A_20 : memref<640x128xf32, #tpu.memory_space<vmem_shared>>) dst(%dma_wait3A_18 : memref<640x128xf32, #tpu.memory_space<hbm>>)
      tpu.yield
    }) : () -> ()
    return
  }
}

#map = affine_map<(d0, d1) -> (0, 0)>
#map1 = affine_map<(d0, d1) -> (0, 0, 0)>
module attributes {stable_mosaic.version = 14 : i64} {
  func.func @body(%arg0: i32, %arg1: i32, %arg2: memref<10240x128xf32, #tpu.memory_space<hbm>>, %arg3: memref<2560x128xi32, #tpu.memory_space<hbm>>, %arg4: memref<2560x128xi32, #tpu.memory_space<hbm>>, %arg5: memref<640x128xf32, #tpu.memory_space<hbm>>, %arg6: memref<2x10240x128xf32, #tpu.memory_space<hbm>>, %arg7: memref<2x8x128xi32, #tpu.memory_space<vmem>>, %arg8: memref<2x8x128xi32, #tpu.memory_space<vmem>>, %arg9: memref<2x128x128xf32, #tpu.memory_space<vmem>>, %arg10: memref<10240x128xf32, #tpu.memory_space<vmem_shared>>, %arg11: memref<!tpu.dma_semaphore, #tpu.memory_space<semaphore_mem>>, %arg12: memref<!tpu.dma_semaphore, #tpu.memory_space<semaphore_mem>>) attributes {dimension_semantics = [#tpu.dimension_semantics<core_parallel>, #tpu.dimension_semantics<subcore_parallel>], iteration_bounds = array<i64: 2, 16>, scalar_prefetch = 0 : i64, scratch_operands = 6 : i64, tpu.core_type = #tpu.core_type<sc_vector_subcore>, window_params = [{transform_indices = #map}, {transform_indices = #map}, {transform_indices = #map}, {transform_indices = #map}, {transform_indices = #map1}]} {
    %mul3A = arith.constant 640 : i32
    %mul3A_0 = arith.muli %arg1, %mul3A : i32
    "tpu.region"() ({
      %run_scoped3A = tpu.sem_alloc : memref<!tpu.dma_semaphore, #tpu.memory_space<semaphore_mem>>
      %dma_start3A = arith.constant 0 : i32
      %dma_start3A_13 = tpu.memref_slice %arg10[%mul3A_0, %dma_start3A] : memref<10240x128xf32, #tpu.memory_space<vmem_shared>> -> memref<640x128xf32, #tpu.memory_space<vmem_shared>>
      tpu.enqueue_dma source(%arg5 : memref<640x128xf32, #tpu.memory_space<hbm>>) target(%dma_start3A_13 : memref<640x128xf32, #tpu.memory_space<vmem_shared>>) target_semaphore(%run_scoped3A : memref<!tpu.dma_semaphore, #tpu.memory_space<semaphore_mem>>)
      %dma_wait3A = arith.constant 0 : i32
      %dma_wait3A_14 = tpu.memref_slice %arg10[%mul3A_0, %dma_wait3A] : memref<10240x128xf32, #tpu.memory_space<vmem_shared>> -> memref<640x128xf32, #tpu.memory_space<vmem_shared>>
      tpu.wait_dma2 semaphore(%run_scoped3A : memref<!tpu.dma_semaphore, #tpu.memory_space<semaphore_mem>>) src(%arg5 : memref<640x128xf32, #tpu.memory_space<hbm>>) dst(%dma_wait3A_14 : memref<640x128xf32, #tpu.memory_space<vmem_shared>>)
      tpu.yield
    }) : () -> ()
    %barrier3A = arith.constant 0 : index
    tpu.barrier barrier_id(%barrier3A)
    %eq3A = arith.constant 0 : i32
    %eq3A_1 = arith.cmpi eq, %arg0, %eq3A : i32
    %convert_element_type3A = arith.extui %eq3A_1 : i1 to i32
    %cond3A = arith.constant 0 : i32
    %cond3A_2 = arith.cmpi ne, %convert_element_type3A, %cond3A : i32
    scf.if %cond3A_2 {
      %mul3A_13 = arith.constant 80 : i32
      %mul3A_14 = arith.muli %arg1, %mul3A_13 : i32
      %run_scoped3A = arith.constant 0 : i32
      "tpu.region"() ({
        %run_scoped3A_33 = tpu.sem_alloc : memref<!tpu.dma_semaphore, #tpu.memory_space<semaphore_mem>>
        %dma_start3A_34 = arith.constant 0 : i32
        %dma_start3A_35 = arith.constant 0 : i32
        %dma_start3A_36 = tpu.memref_slice %arg7[%run_scoped3A, %dma_start3A_34, %dma_start3A_35] : memref<2x8x128xi32, #tpu.memory_space<vmem>> -> memref<1x8x128xi32, #tpu.memory_space<vmem>>
        %dma_start3A_37 = tpu.memref_squeeze %dma_start3A_36 : memref<1x8x128xi32, #tpu.memory_space<vmem>> -> memref<8x128xi32, #tpu.memory_space<vmem>>
        %dma_start3A_38 = arith.constant 0 : i32
        %dma_start3A_39 = tpu.memref_slice %arg3[%mul3A_14, %dma_start3A_38] : memref<2560x128xi32, #tpu.memory_space<hbm>> -> memref<8x128xi32, #tpu.memory_space<hbm>>
        %dma_start3A_40 = arith.constant 0 : i32
        %dma_start3A_41 = arith.constant 0 : i32
        %dma_start3A_42 = tpu.memref_slice %arg7[%run_scoped3A, %dma_start3A_40, %dma_start3A_41] : memref<2x8x128xi32, #tpu.memory_space<vmem>> -> memref<1x8x128xi32, #tpu.memory_space<vmem>>
        %dma_start3A_43 = tpu.memref_squeeze %dma_start3A_42 : memref<1x8x128xi32, #tpu.memory_space<vmem>> -> memref<8x128xi32, #tpu.memory_space<vmem>>
        %dma_start3A_44 = arith.constant 0 : i32
        %dma_start3A_45 = tpu.memref_slice %arg3[%mul3A_14, %dma_start3A_44] : memref<2560x128xi32, #tpu.memory_space<hbm>> -> memref<8x128xi32, #tpu.memory_space<hbm>>
        tpu.enqueue_dma source(%dma_start3A_45 : memref<8x128xi32, #tpu.memory_space<hbm>>) target(%dma_start3A_43 : memref<8x128xi32, #tpu.memory_space<vmem>>) target_semaphore(%run_scoped3A_33 : memref<!tpu.dma_semaphore, #tpu.memory_space<semaphore_mem>>)
        %dma_wait3A = arith.constant 0 : i32
        %dma_wait3A_46 = arith.constant 0 : i32
        %dma_wait3A_47 = tpu.memref_slice %arg7[%run_scoped3A, %dma_wait3A, %dma_wait3A_46] : memref<2x8x128xi32, #tpu.memory_space<vmem>> -> memref<1x8x128xi32, #tpu.memory_space<vmem>>
        %dma_wait3A_48 = tpu.memref_squeeze %dma_wait3A_47 : memref<1x8x128xi32, #tpu.memory_space<vmem>> -> memref<8x128xi32, #tpu.memory_space<vmem>>
        %dma_wait3A_49 = arith.constant 0 : i32
        %dma_wait3A_50 = tpu.memref_slice %arg3[%mul3A_14, %dma_wait3A_49] : memref<2560x128xi32, #tpu.memory_space<hbm>> -> memref<8x128xi32, #tpu.memory_space<hbm>>
        %dma_wait3A_51 = arith.constant 0 : i32
        %dma_wait3A_52 = arith.constant 0 : i32
        %dma_wait3A_53 = tpu.memref_slice %arg7[%run_scoped3A, %dma_wait3A_51, %dma_wait3A_52] : memref<2x8x128xi32, #tpu.memory_space<vmem>> -> memref<1x8x128xi32, #tpu.memory_space<vmem>>
        %dma_wait3A_54 = tpu.memref_squeeze %dma_wait3A_53 : memref<1x8x128xi32, #tpu.memory_space<vmem>> -> memref<8x128xi32, #tpu.memory_space<vmem>>
        %dma_wait3A_55 = arith.constant 0 : i32
        %dma_wait3A_56 = tpu.memref_slice %arg3[%mul3A_14, %dma_wait3A_55] : memref<2560x128xi32, #tpu.memory_space<hbm>> -> memref<8x128xi32, #tpu.memory_space<hbm>>
        tpu.wait_dma2 semaphore(%run_scoped3A_33 : memref<!tpu.dma_semaphore, #tpu.memory_space<semaphore_mem>>) src(%dma_wait3A_56 : memref<8x128xi32, #tpu.memory_space<hbm>>) dst(%dma_wait3A_54 : memref<8x128xi32, #tpu.memory_space<vmem>>)
        tpu.yield
      }) : () -> ()
      %run_scoped3A_15 = arith.constant 0 : i32
      "tpu.region"() ({
        %run_scoped3A_33 = tpu.sem_alloc : memref<!tpu.dma_semaphore, #tpu.memory_space<semaphore_mem>>
        %dma_start3A_34 = arith.constant 0 : i32
        %dma_start3A_35 = arith.constant 0 : i32
        %dma_start3A_36 = tpu.memref_slice %arg8[%run_scoped3A_15, %dma_start3A_34, %dma_start3A_35] : memref<2x8x128xi32, #tpu.memory_space<vmem>> -> memref<1x8x128xi32, #tpu.memory_space<vmem>>
        %dma_start3A_37 = tpu.memref_squeeze %dma_start3A_36 : memref<1x8x128xi32, #tpu.memory_space<vmem>> -> memref<8x128xi32, #tpu.memory_space<vmem>>
        %dma_start3A_38 = arith.constant 0 : i32
        %dma_start3A_39 = tpu.memref_slice %arg4[%mul3A_14, %dma_start3A_38] : memref<2560x128xi32, #tpu.memory_space<hbm>> -> memref<8x128xi32, #tpu.memory_space<hbm>>
        %dma_start3A_40 = arith.constant 0 : i32
        %dma_start3A_41 = arith.constant 0 : i32
        %dma_start3A_42 = tpu.memref_slice %arg8[%run_scoped3A_15, %dma_start3A_40, %dma_start3A_41] : memref<2x8x128xi32, #tpu.memory_space<vmem>> -> memref<1x8x128xi32, #tpu.memory_space<vmem>>
        %dma_start3A_43 = tpu.memref_squeeze %dma_start3A_42 : memref<1x8x128xi32, #tpu.memory_space<vmem>> -> memref<8x128xi32, #tpu.memory_space<vmem>>
        %dma_start3A_44 = arith.constant 0 : i32
        %dma_start3A_45 = tpu.memref_slice %arg4[%mul3A_14, %dma_start3A_44] : memref<2560x128xi32, #tpu.memory_space<hbm>> -> memref<8x128xi32, #tpu.memory_space<hbm>>
        tpu.enqueue_dma source(%dma_start3A_45 : memref<8x128xi32, #tpu.memory_space<hbm>>) target(%dma_start3A_43 : memref<8x128xi32, #tpu.memory_space<vmem>>) target_semaphore(%run_scoped3A_33 : memref<!tpu.dma_semaphore, #tpu.memory_space<semaphore_mem>>)
        %dma_wait3A = arith.constant 0 : i32
        %dma_wait3A_46 = arith.constant 0 : i32
        %dma_wait3A_47 = tpu.memref_slice %arg8[%run_scoped3A_15, %dma_wait3A, %dma_wait3A_46] : memref<2x8x128xi32, #tpu.memory_space<vmem>> -> memref<1x8x128xi32, #tpu.memory_space<vmem>>
        %dma_wait3A_48 = tpu.memref_squeeze %dma_wait3A_47 : memref<1x8x128xi32, #tpu.memory_space<vmem>> -> memref<8x128xi32, #tpu.memory_space<vmem>>
        %dma_wait3A_49 = arith.constant 0 : i32
        %dma_wait3A_50 = tpu.memref_slice %arg4[%mul3A_14, %dma_wait3A_49] : memref<2560x128xi32, #tpu.memory_space<hbm>> -> memref<8x128xi32, #tpu.memory_space<hbm>>
        %dma_wait3A_51 = arith.constant 0 : i32
        %dma_wait3A_52 = arith.constant 0 : i32
        %dma_wait3A_53 = tpu.memref_slice %arg8[%run_scoped3A_15, %dma_wait3A_51, %dma_wait3A_52] : memref<2x8x128xi32, #tpu.memory_space<vmem>> -> memref<1x8x128xi32, #tpu.memory_space<vmem>>
        %dma_wait3A_54 = tpu.memref_squeeze %dma_wait3A_53 : memref<1x8x128xi32, #tpu.memory_space<vmem>> -> memref<8x128xi32, #tpu.memory_space<vmem>>
        %dma_wait3A_55 = arith.constant 0 : i32
        %dma_wait3A_56 = tpu.memref_slice %arg4[%mul3A_14, %dma_wait3A_55] : memref<2560x128xi32, #tpu.memory_space<hbm>> -> memref<8x128xi32, #tpu.memory_space<hbm>>
        tpu.wait_dma2 semaphore(%run_scoped3A_33 : memref<!tpu.dma_semaphore, #tpu.memory_space<semaphore_mem>>) src(%dma_wait3A_56 : memref<8x128xi32, #tpu.memory_space<hbm>>) dst(%dma_wait3A_54 : memref<8x128xi32, #tpu.memory_space<vmem>>)
        tpu.yield
      }) : () -> ()
      %dma_start3A = arith.constant 0 : i32
      %dma_start3A_16 = arith.constant 0 : i32
      %dma_start3A_17 = arith.constant 0 : i32
      %dma_start3A_18 = arith.constant 0 : i32
      %dma_start3A_19 = arith.constant 0 : i32
      %dma_start3A_20 = tpu.memref_slice %arg9[%dma_start3A_17, %dma_start3A_18, %dma_start3A_19] : memref<2x128x128xf32, #tpu.memory_space<vmem>> -> memref<1x128x128xf32, #tpu.memory_space<vmem>>
      %dma_start3A_21 = tpu.memref_squeeze %dma_start3A_20 : memref<1x128x128xf32, #tpu.memory_space<vmem>> -> memref<128x128xf32, #tpu.memory_space<vmem>>
      %dma_start3A_22 = arith.constant 0 : i32
      %dma_start3A_23 = tpu.memref_slice %arg7[%dma_start3A, %dma_start3A_16, %dma_start3A_22] : memref<2x8x128xi32, #tpu.memory_space<vmem>> -> memref<1x1x128xi32, #tpu.memory_space<vmem>>
      %dma_start3A_24 = tpu.memref_squeeze %dma_start3A_23 : memref<1x1x128xi32, #tpu.memory_space<vmem>> -> memref<128xi32, #tpu.memory_space<vmem>>
      %dma_start3A_25 = arith.constant 0 : i32
      %dma_start3A_26 = arith.constant 0 : i32
      %dma_start3A_27 = tpu.memref_slice %arg2[%dma_start3A_25, %dma_start3A_26] : memref<10240x128xf32, #tpu.memory_space<hbm>> -> memref<10240x128xf32, #tpu.memory_space<hbm>>
      tpu.enqueue_indirect_dma source(%dma_start3A_27 : memref<10240x128xf32, #tpu.memory_space<hbm>>) target(%dma_start3A_21 : memref<128x128xf32, #tpu.memory_space<vmem>>) offsets(%dma_start3A_24 : memref<128xi32, #tpu.memory_space<vmem>>) semaphore(%arg11 : memref<!tpu.dma_semaphore, #tpu.memory_space<semaphore_mem>>)
      %scan3A = arith.constant 0 : i32
      %scan3A_28 = arith.constant 0 : i32
      %scan3A_29 = arith.constant 10 : i32
      %scan3A_30 = arith.addi %scan3A_28, %scan3A_29 : i32
      %scan3A_31 = arith.constant 1 : i32
      scf.for %scan3A_33 = %scan3A_28 to %scan3A_30 step %scan3A_31  : i32 {
        %rem3A = arith.constant 2 : i32
        %rem3A_34 = arith.remsi %scan3A_33, %rem3A : i32
        %add3A = arith.constant 1 : i32
        %add3A_35 = arith.addi %scan3A_33, %add3A : i32
        %rem3A_36 = arith.constant 2 : i32
        %rem3A_37 = arith.remsi %add3A_35, %rem3A_36 : i32
        %add3A_38 = arith.constant 1 : i32
        %add3A_39 = arith.addi %scan3A_33, %add3A_38 : i32
        %lt3A = arith.constant 10 : i32
        %lt3A_40 = arith.cmpi slt, %add3A_39, %lt3A : i32
        %convert_element_type3A_41 = arith.extui %lt3A_40 : i1 to i32
        %cond3A_42 = arith.constant 0 : i32
        %cond3A_43 = arith.cmpi ne, %convert_element_type3A_41, %cond3A_42 : i32
        scf.if %cond3A_43 {
          %add3A_246 = arith.constant 1 : i32
          %add3A_247 = arith.addi %scan3A_33, %add3A_246 : i32
          %mul3A_248 = arith.constant 8 : i32
          %mul3A_249 = arith.muli %add3A_247, %mul3A_248 : i32
          %add3A_250 = arith.addi %mul3A_14, %mul3A_249 : i32
          %dma_start3A_251 = arith.constant 0 : i32
          %dma_start3A_252 = arith.constant 0 : i32
          %dma_start3A_253 = tpu.memref_slice %arg7[%rem3A_37, %dma_start3A_251, %dma_start3A_252] : memref<2x8x128xi32, #tpu.memory_space<vmem>> -> memref<1x8x128xi32, #tpu.memory_space<vmem>>
          %dma_start3A_254 = tpu.memref_squeeze %dma_start3A_253 : memref<1x8x128xi32, #tpu.memory_space<vmem>> -> memref<8x128xi32, #tpu.memory_space<vmem>>
          %dma_start3A_255 = arith.constant 0 : i32
          %dma_start3A_256 = tpu.memref_slice %arg3[%add3A_250, %dma_start3A_255] : memref<2560x128xi32, #tpu.memory_space<hbm>> -> memref<8x128xi32, #tpu.memory_space<hbm>>
          %dma_start3A_257 = arith.constant 0 : i32
          %dma_start3A_258 = arith.constant 0 : i32
          %dma_start3A_259 = tpu.memref_slice %arg7[%rem3A_37, %dma_start3A_257, %dma_start3A_258] : memref<2x8x128xi32, #tpu.memory_space<vmem>> -> memref<1x8x128xi32, #tpu.memory_space<vmem>>
          %dma_start3A_260 = tpu.memref_squeeze %dma_start3A_259 : memref<1x8x128xi32, #tpu.memory_space<vmem>> -> memref<8x128xi32, #tpu.memory_space<vmem>>
          %dma_start3A_261 = arith.constant 0 : i32
          %dma_start3A_262 = tpu.memref_slice %arg3[%add3A_250, %dma_start3A_261] : memref<2560x128xi32, #tpu.memory_space<hbm>> -> memref<8x128xi32, #tpu.memory_space<hbm>>
          tpu.enqueue_dma source(%dma_start3A_262 : memref<8x128xi32, #tpu.memory_space<hbm>>) target(%dma_start3A_260 : memref<8x128xi32, #tpu.memory_space<vmem>>) target_semaphore(%arg12 : memref<!tpu.dma_semaphore, #tpu.memory_space<semaphore_mem>>)
          %dma_start3A_263 = arith.constant 0 : i32
          %dma_start3A_264 = arith.constant 0 : i32
          %dma_start3A_265 = tpu.memref_slice %arg8[%rem3A_37, %dma_start3A_263, %dma_start3A_264] : memref<2x8x128xi32, #tpu.memory_space<vmem>> -> memref<1x8x128xi32, #tpu.memory_space<vmem>>
          %dma_start3A_266 = tpu.memref_squeeze %dma_start3A_265 : memref<1x8x128xi32, #tpu.memory_space<vmem>> -> memref<8x128xi32, #tpu.memory_space<vmem>>
          %dma_start3A_267 = arith.constant 0 : i32
          %dma_start3A_268 = tpu.memref_slice %arg4[%add3A_250, %dma_start3A_267] : memref<2560x128xi32, #tpu.memory_space<hbm>> -> memref<8x128xi32, #tpu.memory_space<hbm>>
          %dma_start3A_269 = arith.constant 0 : i32
          %dma_start3A_270 = arith.constant 0 : i32
          %dma_start3A_271 = tpu.memref_slice %arg8[%rem3A_37, %dma_start3A_269, %dma_start3A_270] : memref<2x8x128xi32, #tpu.memory_space<vmem>> -> memref<1x8x128xi32, #tpu.memory_space<vmem>>
          %dma_start3A_272 = tpu.memref_squeeze %dma_start3A_271 : memref<1x8x128xi32, #tpu.memory_space<vmem>> -> memref<8x128xi32, #tpu.memory_space<vmem>>
          %dma_start3A_273 = arith.constant 0 : i32
          %dma_start3A_274 = tpu.memref_slice %arg4[%add3A_250, %dma_start3A_273] : memref<2560x128xi32, #tpu.memory_space<hbm>> -> memref<8x128xi32, #tpu.memory_space<hbm>>
          tpu.enqueue_dma source(%dma_start3A_274 : memref<8x128xi32, #tpu.memory_space<hbm>>) target(%dma_start3A_272 : memref<8x128xi32, #tpu.memory_space<vmem>>) target_semaphore(%arg12 : memref<!tpu.dma_semaphore, #tpu.memory_space<semaphore_mem>>)
        } else {
        }
        %dma_wait3A = arith.constant 0 : i32
        %dma_wait3A_44 = arith.constant 0 : i32
        %dma_wait3A_45 = arith.constant 0 : i32
        %dma_wait3A_46 = arith.constant 0 : i32
        %dma_wait3A_47 = tpu.memref_slice %arg9[%dma_wait3A_44, %dma_wait3A_45, %dma_wait3A_46] : memref<2x128x128xf32, #tpu.memory_space<vmem>> -> memref<1x128x128xf32, #tpu.memory_space<vmem>>
        %dma_wait3A_48 = tpu.memref_squeeze %dma_wait3A_47 : memref<1x128x128xf32, #tpu.memory_space<vmem>> -> memref<128x128xf32, #tpu.memory_space<vmem>>
        %dma_wait3A_49 = arith.constant 0 : i32
        %dma_wait3A_50 = tpu.memref_slice %arg7[%rem3A_34, %dma_wait3A, %dma_wait3A_49] : memref<2x8x128xi32, #tpu.memory_space<vmem>> -> memref<1x1x128xi32, #tpu.memory_space<vmem>>
        %dma_wait3A_51 = tpu.memref_squeeze %dma_wait3A_50 : memref<1x1x128xi32, #tpu.memory_space<vmem>> -> memref<128xi32, #tpu.memory_space<vmem>>
        %dma_wait3A_52 = arith.constant 0 : i32
        %dma_wait3A_53 = arith.constant 0 : i32
        %dma_wait3A_54 = tpu.memref_slice %arg2[%dma_wait3A_52, %dma_wait3A_53] : memref<10240x128xf32, #tpu.memory_space<hbm>> -> memref<10240x128xf32, #tpu.memory_space<hbm>>
        tpu.wait_indirect_dma semaphore(%arg11 : memref<!tpu.dma_semaphore, #tpu.memory_space<semaphore_mem>>) src(%dma_wait3A_54 : memref<10240x128xf32, #tpu.memory_space<hbm>>) dst(%dma_wait3A_48 : memref<128x128xf32, #tpu.memory_space<vmem>>)
        %dma_start3A_55 = arith.constant 1 : i32
        %dma_start3A_56 = arith.constant 1 : i32
        %dma_start3A_57 = arith.constant 0 : i32
        %dma_start3A_58 = arith.constant 0 : i32
        %dma_start3A_59 = tpu.memref_slice %arg9[%dma_start3A_56, %dma_start3A_57, %dma_start3A_58] : memref<2x128x128xf32, #tpu.memory_space<vmem>> -> memref<1x128x128xf32, #tpu.memory_space<vmem>>
        %dma_start3A_60 = tpu.memref_squeeze %dma_start3A_59 : memref<1x128x128xf32, #tpu.memory_space<vmem>> -> memref<128x128xf32, #tpu.memory_space<vmem>>
        %dma_start3A_61 = arith.constant 0 : i32
        %dma_start3A_62 = tpu.memref_slice %arg7[%rem3A_34, %dma_start3A_55, %dma_start3A_61] : memref<2x8x128xi32, #tpu.memory_space<vmem>> -> memref<1x1x128xi32, #tpu.memory_space<vmem>>
        %dma_start3A_63 = tpu.memref_squeeze %dma_start3A_62 : memref<1x1x128xi32, #tpu.memory_space<vmem>> -> memref<128xi32, #tpu.memory_space<vmem>>
        %dma_start3A_64 = arith.constant 0 : i32
        %dma_start3A_65 = arith.constant 0 : i32
        %dma_start3A_66 = tpu.memref_slice %arg2[%dma_start3A_64, %dma_start3A_65] : memref<10240x128xf32, #tpu.memory_space<hbm>> -> memref<10240x128xf32, #tpu.memory_space<hbm>>
        tpu.enqueue_indirect_dma source(%dma_start3A_66 : memref<10240x128xf32, #tpu.memory_space<hbm>>) target(%dma_start3A_60 : memref<128x128xf32, #tpu.memory_space<vmem>>) offsets(%dma_start3A_63 : memref<128xi32, #tpu.memory_space<vmem>>) semaphore(%arg11 : memref<!tpu.dma_semaphore, #tpu.memory_space<semaphore_mem>>)
        %run_scoped3A_67 = arith.constant 0 : i32
        %run_scoped3A_68 = arith.constant 0 : i32
        "tpu.region"() ({
          %run_scoped3A_246 = tpu.sem_alloc : memref<!tpu.dma_semaphore, #tpu.memory_space<semaphore_mem>>
          %dma_start3A_247 = arith.constant 0 : i32
          %dma_start3A_248 = arith.constant 0 : i32
          %dma_start3A_249 = tpu.memref_slice %arg9[%run_scoped3A_67, %dma_start3A_247, %dma_start3A_248] : memref<2x128x128xf32, #tpu.memory_space<vmem>> -> memref<1x128x128xf32, #tpu.memory_space<vmem>>
          %dma_start3A_250 = tpu.memref_squeeze %dma_start3A_249 : memref<1x128x128xf32, #tpu.memory_space<vmem>> -> memref<128x128xf32, #tpu.memory_space<vmem>>
          %dma_start3A_251 = arith.constant 0 : i32
          %dma_start3A_252 = tpu.memref_slice %arg8[%rem3A_34, %run_scoped3A_68, %dma_start3A_251] : memref<2x8x128xi32, #tpu.memory_space<vmem>> -> memref<1x1x128xi32, #tpu.memory_space<vmem>>
          %dma_start3A_253 = tpu.memref_squeeze %dma_start3A_252 : memref<1x1x128xi32, #tpu.memory_space<vmem>> -> memref<128xi32, #tpu.memory_space<vmem>>
          %dma_start3A_254 = arith.constant 0 : i32
          %dma_start3A_255 = arith.constant 0 : i32
          %dma_start3A_256 = tpu.memref_slice %arg10[%dma_start3A_254, %dma_start3A_255] : memref<10240x128xf32, #tpu.memory_space<vmem_shared>> -> memref<10240x128xf32, #tpu.memory_space<vmem_shared>>
          tpu.enqueue_indirect_dma source(%dma_start3A_250 : memref<128x128xf32, #tpu.memory_space<vmem>>) target(%dma_start3A_256 : memref<10240x128xf32, #tpu.memory_space<vmem_shared>>) offsets(%dma_start3A_253 : memref<128xi32, #tpu.memory_space<vmem>>) semaphore(%run_scoped3A_246 : memref<!tpu.dma_semaphore, #tpu.memory_space<semaphore_mem>>) {add = true}
          %dma_wait3A_257 = arith.constant 0 : i32
          %dma_wait3A_258 = arith.constant 0 : i32
          %dma_wait3A_259 = tpu.memref_slice %arg9[%run_scoped3A_67, %dma_wait3A_257, %dma_wait3A_258] : memref<2x128x128xf32, #tpu.memory_space<vmem>> -> memref<1x128x128xf32, #tpu.memory_space<vmem>>
          %dma_wait3A_260 = tpu.memref_squeeze %dma_wait3A_259 : memref<1x128x128xf32, #tpu.memory_space<vmem>> -> memref<128x128xf32, #tpu.memory_space<vmem>>
          %dma_wait3A_261 = arith.constant 0 : i32
          %dma_wait3A_262 = tpu.memref_slice %arg8[%rem3A_34, %run_scoped3A_68, %dma_wait3A_261] : memref<2x8x128xi32, #tpu.memory_space<vmem>> -> memref<1x1x128xi32, #tpu.memory_space<vmem>>
          %dma_wait3A_263 = tpu.memref_squeeze %dma_wait3A_262 : memref<1x1x128xi32, #tpu.memory_space<vmem>> -> memref<128xi32, #tpu.memory_space<vmem>>
          %dma_wait3A_264 = arith.constant 0 : i32
          %dma_wait3A_265 = arith.constant 0 : i32
          %dma_wait3A_266 = tpu.memref_slice %arg10[%dma_wait3A_264, %dma_wait3A_265] : memref<10240x128xf32, #tpu.memory_space<vmem_shared>> -> memref<10240x128xf32, #tpu.memory_space<vmem_shared>>
          tpu.wait_indirect_dma semaphore(%run_scoped3A_246 : memref<!tpu.dma_semaphore, #tpu.memory_space<semaphore_mem>>) src(%dma_wait3A_260 : memref<128x128xf32, #tpu.memory_space<vmem>>) dst(%dma_wait3A_266 : memref<10240x128xf32, #tpu.memory_space<vmem_shared>>)
          tpu.yield
        }) : () -> ()
        %dma_wait3A_69 = arith.constant 1 : i32
        %dma_wait3A_70 = arith.constant 1 : i32
        %dma_wait3A_71 = arith.constant 0 : i32
        %dma_wait3A_72 = arith.constant 0 : i32
        %dma_wait3A_73 = tpu.memref_slice %arg9[%dma_wait3A_70, %dma_wait3A_71, %dma_wait3A_72] : memref<2x128x128xf32, #tpu.memory_space<vmem>> -> memref<1x128x128xf32, #tpu.memory_space<vmem>>
        %dma_wait3A_74 = tpu.memref_squeeze %dma_wait3A_73 : memref<1x128x128xf32, #tpu.memory_space<vmem>> -> memref<128x128xf32, #tpu.memory_space<vmem>>
        %dma_wait3A_75 = arith.constant 0 : i32
        %dma_wait3A_76 = tpu.memref_slice %arg7[%rem3A_34, %dma_wait3A_69, %dma_wait3A_75] : memref<2x8x128xi32, #tpu.memory_space<vmem>> -> memref<1x1x128xi32, #tpu.memory_space<vmem>>
        %dma_wait3A_77 = tpu.memref_squeeze %dma_wait3A_76 : memref<1x1x128xi32, #tpu.memory_space<vmem>> -> memref<128xi32, #tpu.memory_space<vmem>>
        %dma_wait3A_78 = arith.constant 0 : i32
        %dma_wait3A_79 = arith.constant 0 : i32
        %dma_wait3A_80 = tpu.memref_slice %arg2[%dma_wait3A_78, %dma_wait3A_79] : memref<10240x128xf32, #tpu.memory_space<hbm>> -> memref<10240x128xf32, #tpu.memory_space<hbm>>
        tpu.wait_indirect_dma semaphore(%arg11 : memref<!tpu.dma_semaphore, #tpu.memory_space<semaphore_mem>>) src(%dma_wait3A_80 : memref<10240x128xf32, #tpu.memory_space<hbm>>) dst(%dma_wait3A_74 : memref<128x128xf32, #tpu.memory_space<vmem>>)
        %dma_start3A_81 = arith.constant 2 : i32
        %dma_start3A_82 = arith.constant 0 : i32
        %dma_start3A_83 = arith.constant 0 : i32
        %dma_start3A_84 = arith.constant 0 : i32
        %dma_start3A_85 = tpu.memref_slice %arg9[%dma_start3A_82, %dma_start3A_83, %dma_start3A_84] : memref<2x128x128xf32, #tpu.memory_space<vmem>> -> memref<1x128x128xf32, #tpu.memory_space<vmem>>
        %dma_start3A_86 = tpu.memref_squeeze %dma_start3A_85 : memref<1x128x128xf32, #tpu.memory_space<vmem>> -> memref<128x128xf32, #tpu.memory_space<vmem>>
        %dma_start3A_87 = arith.constant 0 : i32
        %dma_start3A_88 = tpu.memref_slice %arg7[%rem3A_34, %dma_start3A_81, %dma_start3A_87] : memref<2x8x128xi32, #tpu.memory_space<vmem>> -> memref<1x1x128xi32, #tpu.memory_space<vmem>>
        %dma_start3A_89 = tpu.memref_squeeze %dma_start3A_88 : memref<1x1x128xi32, #tpu.memory_space<vmem>> -> memref<128xi32, #tpu.memory_space<vmem>>
        %dma_start3A_90 = arith.constant 0 : i32
        %dma_start3A_91 = arith.constant 0 : i32
        %dma_start3A_92 = tpu.memref_slice %arg2[%dma_start3A_90, %dma_start3A_91] : memref<10240x128xf32, #tpu.memory_space<hbm>> -> memref<10240x128xf32, #tpu.memory_space<hbm>>
        tpu.enqueue_indirect_dma source(%dma_start3A_92 : memref<10240x128xf32, #tpu.memory_space<hbm>>) target(%dma_start3A_86 : memref<128x128xf32, #tpu.memory_space<vmem>>) offsets(%dma_start3A_89 : memref<128xi32, #tpu.memory_space<vmem>>) semaphore(%arg11 : memref<!tpu.dma_semaphore, #tpu.memory_space<semaphore_mem>>)
        %run_scoped3A_93 = arith.constant 1 : i32
        %run_scoped3A_94 = arith.constant 1 : i32
        "tpu.region"() ({
          %run_scoped3A_246 = tpu.sem_alloc : memref<!tpu.dma_semaphore, #tpu.memory_space<semaphore_mem>>
          %dma_start3A_247 = arith.constant 0 : i32
          %dma_start3A_248 = arith.constant 0 : i32
          %dma_start3A_249 = tpu.memref_slice %arg9[%run_scoped3A_93, %dma_start3A_247, %dma_start3A_248] : memref<2x128x128xf32, #tpu.memory_space<vmem>> -> memref<1x128x128xf32, #tpu.memory_space<vmem>>
          %dma_start3A_250 = tpu.memref_squeeze %dma_start3A_249 : memref<1x128x128xf32, #tpu.memory_space<vmem>> -> memref<128x128xf32, #tpu.memory_space<vmem>>
          %dma_start3A_251 = arith.constant 0 : i32
          %dma_start3A_252 = tpu.memref_slice %arg8[%rem3A_34, %run_scoped3A_94, %dma_start3A_251] : memref<2x8x128xi32, #tpu.memory_space<vmem>> -> memref<1x1x128xi32, #tpu.memory_space<vmem>>
          %dma_start3A_253 = tpu.memref_squeeze %dma_start3A_252 : memref<1x1x128xi32, #tpu.memory_space<vmem>> -> memref<128xi32, #tpu.memory_space<vmem>>
          %dma_start3A_254 = arith.constant 0 : i32
          %dma_start3A_255 = arith.constant 0 : i32
          %dma_start3A_256 = tpu.memref_slice %arg10[%dma_start3A_254, %dma_start3A_255] : memref<10240x128xf32, #tpu.memory_space<vmem_shared>> -> memref<10240x128xf32, #tpu.memory_space<vmem_shared>>
          tpu.enqueue_indirect_dma source(%dma_start3A_250 : memref<128x128xf32, #tpu.memory_space<vmem>>) target(%dma_start3A_256 : memref<10240x128xf32, #tpu.memory_space<vmem_shared>>) offsets(%dma_start3A_253 : memref<128xi32, #tpu.memory_space<vmem>>) semaphore(%run_scoped3A_246 : memref<!tpu.dma_semaphore, #tpu.memory_space<semaphore_mem>>) {add = true}
          %dma_wait3A_257 = arith.constant 0 : i32
          %dma_wait3A_258 = arith.constant 0 : i32
          %dma_wait3A_259 = tpu.memref_slice %arg9[%run_scoped3A_93, %dma_wait3A_257, %dma_wait3A_258] : memref<2x128x128xf32, #tpu.memory_space<vmem>> -> memref<1x128x128xf32, #tpu.memory_space<vmem>>
          %dma_wait3A_260 = tpu.memref_squeeze %dma_wait3A_259 : memref<1x128x128xf32, #tpu.memory_space<vmem>> -> memref<128x128xf32, #tpu.memory_space<vmem>>
          %dma_wait3A_261 = arith.constant 0 : i32
          %dma_wait3A_262 = tpu.memref_slice %arg8[%rem3A_34, %run_scoped3A_94, %dma_wait3A_261] : memref<2x8x128xi32, #tpu.memory_space<vmem>> -> memref<1x1x128xi32, #tpu.memory_space<vmem>>
          %dma_wait3A_263 = tpu.memref_squeeze %dma_wait3A_262 : memref<1x1x128xi32, #tpu.memory_space<vmem>> -> memref<128xi32, #tpu.memory_space<vmem>>
          %dma_wait3A_264 = arith.constant 0 : i32
          %dma_wait3A_265 = arith.constant 0 : i32
          %dma_wait3A_266 = tpu.memref_slice %arg10[%dma_wait3A_264, %dma_wait3A_265] : memref<10240x128xf32, #tpu.memory_space<vmem_shared>> -> memref<10240x128xf32, #tpu.memory_space<vmem_shared>>
          tpu.wait_indirect_dma semaphore(%run_scoped3A_246 : memref<!tpu.dma_semaphore, #tpu.memory_space<semaphore_mem>>) src(%dma_wait3A_260 : memref<128x128xf32, #tpu.memory_space<vmem>>) dst(%dma_wait3A_266 : memref<10240x128xf32, #tpu.memory_space<vmem_shared>>)
          tpu.yield
        }) : () -> ()
        %dma_wait3A_95 = arith.constant 2 : i32
        %dma_wait3A_96 = arith.constant 0 : i32
        %dma_wait3A_97 = arith.constant 0 : i32
        %dma_wait3A_98 = arith.constant 0 : i32
        %dma_wait3A_99 = tpu.memref_slice %arg9[%dma_wait3A_96, %dma_wait3A_97, %dma_wait3A_98] : memref<2x128x128xf32, #tpu.memory_space<vmem>> -> memref<1x128x128xf32, #tpu.memory_space<vmem>>
        %dma_wait3A_100 = tpu.memref_squeeze %dma_wait3A_99 : memref<1x128x128xf32, #tpu.memory_space<vmem>> -> memref<128x128xf32, #tpu.memory_space<vmem>>
        %dma_wait3A_101 = arith.constant 0 : i32
        %dma_wait3A_102 = tpu.memref_slice %arg7[%rem3A_34, %dma_wait3A_95, %dma_wait3A_101] : memref<2x8x128xi32, #tpu.memory_space<vmem>> -> memref<1x1x128xi32, #tpu.memory_space<vmem>>
        %dma_wait3A_103 = tpu.memref_squeeze %dma_wait3A_102 : memref<1x1x128xi32, #tpu.memory_space<vmem>> -> memref<128xi32, #tpu.memory_space<vmem>>
        %dma_wait3A_104 = arith.constant 0 : i32
        %dma_wait3A_105 = arith.constant 0 : i32
        %dma_wait3A_106 = tpu.memref_slice %arg2[%dma_wait3A_104, %dma_wait3A_105] : memref<10240x128xf32, #tpu.memory_space<hbm>> -> memref<10240x128xf32, #tpu.memory_space<hbm>>
        tpu.wait_indirect_dma semaphore(%arg11 : memref<!tpu.dma_semaphore, #tpu.memory_space<semaphore_mem>>) src(%dma_wait3A_106 : memref<10240x128xf32, #tpu.memory_space<hbm>>) dst(%dma_wait3A_100 : memref<128x128xf32, #tpu.memory_space<vmem>>)
        %dma_start3A_107 = arith.constant 3 : i32
        %dma_start3A_108 = arith.constant 1 : i32
        %dma_start3A_109 = arith.constant 0 : i32
        %dma_start3A_110 = arith.constant 0 : i32
        %dma_start3A_111 = tpu.memref_slice %arg9[%dma_start3A_108, %dma_start3A_109, %dma_start3A_110] : memref<2x128x128xf32, #tpu.memory_space<vmem>> -> memref<1x128x128xf32, #tpu.memory_space<vmem>>
        %dma_start3A_112 = tpu.memref_squeeze %dma_start3A_111 : memref<1x128x128xf32, #tpu.memory_space<vmem>> -> memref<128x128xf32, #tpu.memory_space<vmem>>
        %dma_start3A_113 = arith.constant 0 : i32
        %dma_start3A_114 = tpu.memref_slice %arg7[%rem3A_34, %dma_start3A_107, %dma_start3A_113] : memref<2x8x128xi32, #tpu.memory_space<vmem>> -> memref<1x1x128xi32, #tpu.memory_space<vmem>>
        %dma_start3A_115 = tpu.memref_squeeze %dma_start3A_114 : memref<1x1x128xi32, #tpu.memory_space<vmem>> -> memref<128xi32, #tpu.memory_space<vmem>>
        %dma_start3A_116 = arith.constant 0 : i32
        %dma_start3A_117 = arith.constant 0 : i32
        %dma_start3A_118 = tpu.memref_slice %arg2[%dma_start3A_116, %dma_start3A_117] : memref<10240x128xf32, #tpu.memory_space<hbm>> -> memref<10240x128xf32, #tpu.memory_space<hbm>>
        tpu.enqueue_indirect_dma source(%dma_start3A_118 : memref<10240x128xf32, #tpu.memory_space<hbm>>) target(%dma_start3A_112 : memref<128x128xf32, #tpu.memory_space<vmem>>) offsets(%dma_start3A_115 : memref<128xi32, #tpu.memory_space<vmem>>) semaphore(%arg11 : memref<!tpu.dma_semaphore, #tpu.memory_space<semaphore_mem>>)
        %run_scoped3A_119 = arith.constant 0 : i32
        %run_scoped3A_120 = arith.constant 2 : i32
        "tpu.region"() ({
          %run_scoped3A_246 = tpu.sem_alloc : memref<!tpu.dma_semaphore, #tpu.memory_space<semaphore_mem>>
          %dma_start3A_247 = arith.constant 0 : i32
          %dma_start3A_248 = arith.constant 0 : i32
          %dma_start3A_249 = tpu.memref_slice %arg9[%run_scoped3A_119, %dma_start3A_247, %dma_start3A_248] : memref<2x128x128xf32, #tpu.memory_space<vmem>> -> memref<1x128x128xf32, #tpu.memory_space<vmem>>
          %dma_start3A_250 = tpu.memref_squeeze %dma_start3A_249 : memref<1x128x128xf32, #tpu.memory_space<vmem>> -> memref<128x128xf32, #tpu.memory_space<vmem>>
          %dma_start3A_251 = arith.constant 0 : i32
          %dma_start3A_252 = tpu.memref_slice %arg8[%rem3A_34, %run_scoped3A_120, %dma_start3A_251] : memref<2x8x128xi32, #tpu.memory_space<vmem>> -> memref<1x1x128xi32, #tpu.memory_space<vmem>>
          %dma_start3A_253 = tpu.memref_squeeze %dma_start3A_252 : memref<1x1x128xi32, #tpu.memory_space<vmem>> -> memref<128xi32, #tpu.memory_space<vmem>>
          %dma_start3A_254 = arith.constant 0 : i32
          %dma_start3A_255 = arith.constant 0 : i32
          %dma_start3A_256 = tpu.memref_slice %arg10[%dma_start3A_254, %dma_start3A_255] : memref<10240x128xf32, #tpu.memory_space<vmem_shared>> -> memref<10240x128xf32, #tpu.memory_space<vmem_shared>>
          tpu.enqueue_indirect_dma source(%dma_start3A_250 : memref<128x128xf32, #tpu.memory_space<vmem>>) target(%dma_start3A_256 : memref<10240x128xf32, #tpu.memory_space<vmem_shared>>) offsets(%dma_start3A_253 : memref<128xi32, #tpu.memory_space<vmem>>) semaphore(%run_scoped3A_246 : memref<!tpu.dma_semaphore, #tpu.memory_space<semaphore_mem>>) {add = true}
          %dma_wait3A_257 = arith.constant 0 : i32
          %dma_wait3A_258 = arith.constant 0 : i32
          %dma_wait3A_259 = tpu.memref_slice %arg9[%run_scoped3A_119, %dma_wait3A_257, %dma_wait3A_258] : memref<2x128x128xf32, #tpu.memory_space<vmem>> -> memref<1x128x128xf32, #tpu.memory_space<vmem>>
          %dma_wait3A_260 = tpu.memref_squeeze %dma_wait3A_259 : memref<1x128x128xf32, #tpu.memory_space<vmem>> -> memref<128x128xf32, #tpu.memory_space<vmem>>
          %dma_wait3A_261 = arith.constant 0 : i32
          %dma_wait3A_262 = tpu.memref_slice %arg8[%rem3A_34, %run_scoped3A_120, %dma_wait3A_261] : memref<2x8x128xi32, #tpu.memory_space<vmem>> -> memref<1x1x128xi32, #tpu.memory_space<vmem>>
          %dma_wait3A_263 = tpu.memref_squeeze %dma_wait3A_262 : memref<1x1x128xi32, #tpu.memory_space<vmem>> -> memref<128xi32, #tpu.memory_space<vmem>>
          %dma_wait3A_264 = arith.constant 0 : i32
          %dma_wait3A_265 = arith.constant 0 : i32
          %dma_wait3A_266 = tpu.memref_slice %arg10[%dma_wait3A_264, %dma_wait3A_265] : memref<10240x128xf32, #tpu.memory_space<vmem_shared>> -> memref<10240x128xf32, #tpu.memory_space<vmem_shared>>
          tpu.wait_indirect_dma semaphore(%run_scoped3A_246 : memref<!tpu.dma_semaphore, #tpu.memory_space<semaphore_mem>>) src(%dma_wait3A_260 : memref<128x128xf32, #tpu.memory_space<vmem>>) dst(%dma_wait3A_266 : memref<10240x128xf32, #tpu.memory_space<vmem_shared>>)
          tpu.yield
        }) : () -> ()
        %dma_wait3A_121 = arith.constant 3 : i32
        %dma_wait3A_122 = arith.constant 1 : i32
        %dma_wait3A_123 = arith.constant 0 : i32
        %dma_wait3A_124 = arith.constant 0 : i32
        %dma_wait3A_125 = tpu.memref_slice %arg9[%dma_wait3A_122, %dma_wait3A_123, %dma_wait3A_124] : memref<2x128x128xf32, #tpu.memory_space<vmem>> -> memref<1x128x128xf32, #tpu.memory_space<vmem>>
        %dma_wait3A_126 = tpu.memref_squeeze %dma_wait3A_125 : memref<1x128x128xf32, #tpu.memory_space<vmem>> -> memref<128x128xf32, #tpu.memory_space<vmem>>
        %dma_wait3A_127 = arith.constant 0 : i32
        %dma_wait3A_128 = tpu.memref_slice %arg7[%rem3A_34, %dma_wait3A_121, %dma_wait3A_127] : memref<2x8x128xi32, #tpu.memory_space<vmem>> -> memref<1x1x128xi32, #tpu.memory_space<vmem>>
        %dma_wait3A_129 = tpu.memref_squeeze %dma_wait3A_128 : memref<1x1x128xi32, #tpu.memory_space<vmem>> -> memref<128xi32, #tpu.memory_space<vmem>>
        %dma_wait3A_130 = arith.constant 0 : i32
        %dma_wait3A_131 = arith.constant 0 : i32
        %dma_wait3A_132 = tpu.memref_slice %arg2[%dma_wait3A_130, %dma_wait3A_131] : memref<10240x128xf32, #tpu.memory_space<hbm>> -> memref<10240x128xf32, #tpu.memory_space<hbm>>
        tpu.wait_indirect_dma semaphore(%arg11 : memref<!tpu.dma_semaphore, #tpu.memory_space<semaphore_mem>>) src(%dma_wait3A_132 : memref<10240x128xf32, #tpu.memory_space<hbm>>) dst(%dma_wait3A_126 : memref<128x128xf32, #tpu.memory_space<vmem>>)
        %dma_start3A_133 = arith.constant 4 : i32
        %dma_start3A_134 = arith.constant 0 : i32
        %dma_start3A_135 = arith.constant 0 : i32
        %dma_start3A_136 = arith.constant 0 : i32
        %dma_start3A_137 = tpu.memref_slice %arg9[%dma_start3A_134, %dma_start3A_135, %dma_start3A_136] : memref<2x128x128xf32, #tpu.memory_space<vmem>> -> memref<1x128x128xf32, #tpu.memory_space<vmem>>
        %dma_start3A_138 = tpu.memref_squeeze %dma_start3A_137 : memref<1x128x128xf32, #tpu.memory_space<vmem>> -> memref<128x128xf32, #tpu.memory_space<vmem>>
        %dma_start3A_139 = arith.constant 0 : i32
        %dma_start3A_140 = tpu.memref_slice %arg7[%rem3A_34, %dma_start3A_133, %dma_start3A_139] : memref<2x8x128xi32, #tpu.memory_space<vmem>> -> memref<1x1x128xi32, #tpu.memory_space<vmem>>
        %dma_start3A_141 = tpu.memref_squeeze %dma_start3A_140 : memref<1x1x128xi32, #tpu.memory_space<vmem>> -> memref<128xi32, #tpu.memory_space<vmem>>
        %dma_start3A_142 = arith.constant 0 : i32
        %dma_start3A_143 = arith.constant 0 : i32
        %dma_start3A_144 = tpu.memref_slice %arg2[%dma_start3A_142, %dma_start3A_143] : memref<10240x128xf32, #tpu.memory_space<hbm>> -> memref<10240x128xf32, #tpu.memory_space<hbm>>
        tpu.enqueue_indirect_dma source(%dma_start3A_144 : memref<10240x128xf32, #tpu.memory_space<hbm>>) target(%dma_start3A_138 : memref<128x128xf32, #tpu.memory_space<vmem>>) offsets(%dma_start3A_141 : memref<128xi32, #tpu.memory_space<vmem>>) semaphore(%arg11 : memref<!tpu.dma_semaphore, #tpu.memory_space<semaphore_mem>>)
        %run_scoped3A_145 = arith.constant 1 : i32
        %run_scoped3A_146 = arith.constant 3 : i32
        "tpu.region"() ({
          %run_scoped3A_246 = tpu.sem_alloc : memref<!tpu.dma_semaphore, #tpu.memory_space<semaphore_mem>>
          %dma_start3A_247 = arith.constant 0 : i32
          %dma_start3A_248 = arith.constant 0 : i32
          %dma_start3A_249 = tpu.memref_slice %arg9[%run_scoped3A_145, %dma_start3A_247, %dma_start3A_248] : memref<2x128x128xf32, #tpu.memory_space<vmem>> -> memref<1x128x128xf32, #tpu.memory_space<vmem>>
          %dma_start3A_250 = tpu.memref_squeeze %dma_start3A_249 : memref<1x128x128xf32, #tpu.memory_space<vmem>> -> memref<128x128xf32, #tpu.memory_space<vmem>>
          %dma_start3A_251 = arith.constant 0 : i32
          %dma_start3A_252 = tpu.memref_slice %arg8[%rem3A_34, %run_scoped3A_146, %dma_start3A_251] : memref<2x8x128xi32, #tpu.memory_space<vmem>> -> memref<1x1x128xi32, #tpu.memory_space<vmem>>
          %dma_start3A_253 = tpu.memref_squeeze %dma_start3A_252 : memref<1x1x128xi32, #tpu.memory_space<vmem>> -> memref<128xi32, #tpu.memory_space<vmem>>
          %dma_start3A_254 = arith.constant 0 : i32
          %dma_start3A_255 = arith.constant 0 : i32
          %dma_start3A_256 = tpu.memref_slice %arg10[%dma_start3A_254, %dma_start3A_255] : memref<10240x128xf32, #tpu.memory_space<vmem_shared>> -> memref<10240x128xf32, #tpu.memory_space<vmem_shared>>
          tpu.enqueue_indirect_dma source(%dma_start3A_250 : memref<128x128xf32, #tpu.memory_space<vmem>>) target(%dma_start3A_256 : memref<10240x128xf32, #tpu.memory_space<vmem_shared>>) offsets(%dma_start3A_253 : memref<128xi32, #tpu.memory_space<vmem>>) semaphore(%run_scoped3A_246 : memref<!tpu.dma_semaphore, #tpu.memory_space<semaphore_mem>>) {add = true}
          %dma_wait3A_257 = arith.constant 0 : i32
          %dma_wait3A_258 = arith.constant 0 : i32
          %dma_wait3A_259 = tpu.memref_slice %arg9[%run_scoped3A_145, %dma_wait3A_257, %dma_wait3A_258] : memref<2x128x128xf32, #tpu.memory_space<vmem>> -> memref<1x128x128xf32, #tpu.memory_space<vmem>>
          %dma_wait3A_260 = tpu.memref_squeeze %dma_wait3A_259 : memref<1x128x128xf32, #tpu.memory_space<vmem>> -> memref<128x128xf32, #tpu.memory_space<vmem>>
          %dma_wait3A_261 = arith.constant 0 : i32
          %dma_wait3A_262 = tpu.memref_slice %arg8[%rem3A_34, %run_scoped3A_146, %dma_wait3A_261] : memref<2x8x128xi32, #tpu.memory_space<vmem>> -> memref<1x1x128xi32, #tpu.memory_space<vmem>>
          %dma_wait3A_263 = tpu.memref_squeeze %dma_wait3A_262 : memref<1x1x128xi32, #tpu.memory_space<vmem>> -> memref<128xi32, #tpu.memory_space<vmem>>
          %dma_wait3A_264 = arith.constant 0 : i32
          %dma_wait3A_265 = arith.constant 0 : i32
          %dma_wait3A_266 = tpu.memref_slice %arg10[%dma_wait3A_264, %dma_wait3A_265] : memref<10240x128xf32, #tpu.memory_space<vmem_shared>> -> memref<10240x128xf32, #tpu.memory_space<vmem_shared>>
          tpu.wait_indirect_dma semaphore(%run_scoped3A_246 : memref<!tpu.dma_semaphore, #tpu.memory_space<semaphore_mem>>) src(%dma_wait3A_260 : memref<128x128xf32, #tpu.memory_space<vmem>>) dst(%dma_wait3A_266 : memref<10240x128xf32, #tpu.memory_space<vmem_shared>>)
          tpu.yield
        }) : () -> ()
        %dma_wait3A_147 = arith.constant 4 : i32
        %dma_wait3A_148 = arith.constant 0 : i32
        %dma_wait3A_149 = arith.constant 0 : i32
        %dma_wait3A_150 = arith.constant 0 : i32
        %dma_wait3A_151 = tpu.memref_slice %arg9[%dma_wait3A_148, %dma_wait3A_149, %dma_wait3A_150] : memref<2x128x128xf32, #tpu.memory_space<vmem>> -> memref<1x128x128xf32, #tpu.memory_space<vmem>>
        %dma_wait3A_152 = tpu.memref_squeeze %dma_wait3A_151 : memref<1x128x128xf32, #tpu.memory_space<vmem>> -> memref<128x128xf32, #tpu.memory_space<vmem>>
        %dma_wait3A_153 = arith.constant 0 : i32
        %dma_wait3A_154 = tpu.memref_slice %arg7[%rem3A_34, %dma_wait3A_147, %dma_wait3A_153] : memref<2x8x128xi32, #tpu.memory_space<vmem>> -> memref<1x1x128xi32, #tpu.memory_space<vmem>>
        %dma_wait3A_155 = tpu.memref_squeeze %dma_wait3A_154 : memref<1x1x128xi32, #tpu.memory_space<vmem>> -> memref<128xi32, #tpu.memory_space<vmem>>
        %dma_wait3A_156 = arith.constant 0 : i32
        %dma_wait3A_157 = arith.constant 0 : i32
        %dma_wait3A_158 = tpu.memref_slice %arg2[%dma_wait3A_156, %dma_wait3A_157] : memref<10240x128xf32, #tpu.memory_space<hbm>> -> memref<10240x128xf32, #tpu.memory_space<hbm>>
        tpu.wait_indirect_dma semaphore(%arg11 : memref<!tpu.dma_semaphore, #tpu.memory_space<semaphore_mem>>) src(%dma_wait3A_158 : memref<10240x128xf32, #tpu.memory_space<hbm>>) dst(%dma_wait3A_152 : memref<128x128xf32, #tpu.memory_space<vmem>>)
        %dma_start3A_159 = arith.constant 5 : i32
        %dma_start3A_160 = arith.constant 1 : i32
        %dma_start3A_161 = arith.constant 0 : i32
        %dma_start3A_162 = arith.constant 0 : i32
        %dma_start3A_163 = tpu.memref_slice %arg9[%dma_start3A_160, %dma_start3A_161, %dma_start3A_162] : memref<2x128x128xf32, #tpu.memory_space<vmem>> -> memref<1x128x128xf32, #tpu.memory_space<vmem>>
        %dma_start3A_164 = tpu.memref_squeeze %dma_start3A_163 : memref<1x128x128xf32, #tpu.memory_space<vmem>> -> memref<128x128xf32, #tpu.memory_space<vmem>>
        %dma_start3A_165 = arith.constant 0 : i32
        %dma_start3A_166 = tpu.memref_slice %arg7[%rem3A_34, %dma_start3A_159, %dma_start3A_165] : memref<2x8x128xi32, #tpu.memory_space<vmem>> -> memref<1x1x128xi32, #tpu.memory_space<vmem>>
        %dma_start3A_167 = tpu.memref_squeeze %dma_start3A_166 : memref<1x1x128xi32, #tpu.memory_space<vmem>> -> memref<128xi32, #tpu.memory_space<vmem>>
        %dma_start3A_168 = arith.constant 0 : i32
        %dma_start3A_169 = arith.constant 0 : i32
        %dma_start3A_170 = tpu.memref_slice %arg2[%dma_start3A_168, %dma_start3A_169] : memref<10240x128xf32, #tpu.memory_space<hbm>> -> memref<10240x128xf32, #tpu.memory_space<hbm>>
        tpu.enqueue_indirect_dma source(%dma_start3A_170 : memref<10240x128xf32, #tpu.memory_space<hbm>>) target(%dma_start3A_164 : memref<128x128xf32, #tpu.memory_space<vmem>>) offsets(%dma_start3A_167 : memref<128xi32, #tpu.memory_space<vmem>>) semaphore(%arg11 : memref<!tpu.dma_semaphore, #tpu.memory_space<semaphore_mem>>)
        %run_scoped3A_171 = arith.constant 0 : i32
        %run_scoped3A_172 = arith.constant 4 : i32
        "tpu.region"() ({
          %run_scoped3A_246 = tpu.sem_alloc : memref<!tpu.dma_semaphore, #tpu.memory_space<semaphore_mem>>
          %dma_start3A_247 = arith.constant 0 : i32
          %dma_start3A_248 = arith.constant 0 : i32
          %dma_start3A_249 = tpu.memref_slice %arg9[%run_scoped3A_171, %dma_start3A_247, %dma_start3A_248] : memref<2x128x128xf32, #tpu.memory_space<vmem>> -> memref<1x128x128xf32, #tpu.memory_space<vmem>>
          %dma_start3A_250 = tpu.memref_squeeze %dma_start3A_249 : memref<1x128x128xf32, #tpu.memory_space<vmem>> -> memref<128x128xf32, #tpu.memory_space<vmem>>
          %dma_start3A_251 = arith.constant 0 : i32
          %dma_start3A_252 = tpu.memref_slice %arg8[%rem3A_34, %run_scoped3A_172, %dma_start3A_251] : memref<2x8x128xi32, #tpu.memory_space<vmem>> -> memref<1x1x128xi32, #tpu.memory_space<vmem>>
          %dma_start3A_253 = tpu.memref_squeeze %dma_start3A_252 : memref<1x1x128xi32, #tpu.memory_space<vmem>> -> memref<128xi32, #tpu.memory_space<vmem>>
          %dma_start3A_254 = arith.constant 0 : i32
          %dma_start3A_255 = arith.constant 0 : i32
          %dma_start3A_256 = tpu.memref_slice %arg10[%dma_start3A_254, %dma_start3A_255] : memref<10240x128xf32, #tpu.memory_space<vmem_shared>> -> memref<10240x128xf32, #tpu.memory_space<vmem_shared>>
          tpu.enqueue_indirect_dma source(%dma_start3A_250 : memref<128x128xf32, #tpu.memory_space<vmem>>) target(%dma_start3A_256 : memref<10240x128xf32, #tpu.memory_space<vmem_shared>>) offsets(%dma_start3A_253 : memref<128xi32, #tpu.memory_space<vmem>>) semaphore(%run_scoped3A_246 : memref<!tpu.dma_semaphore, #tpu.memory_space<semaphore_mem>>) {add = true}
          %dma_wait3A_257 = arith.constant 0 : i32
          %dma_wait3A_258 = arith.constant 0 : i32
          %dma_wait3A_259 = tpu.memref_slice %arg9[%run_scoped3A_171, %dma_wait3A_257, %dma_wait3A_258] : memref<2x128x128xf32, #tpu.memory_space<vmem>> -> memref<1x128x128xf32, #tpu.memory_space<vmem>>
          %dma_wait3A_260 = tpu.memref_squeeze %dma_wait3A_259 : memref<1x128x128xf32, #tpu.memory_space<vmem>> -> memref<128x128xf32, #tpu.memory_space<vmem>>
          %dma_wait3A_261 = arith.constant 0 : i32
          %dma_wait3A_262 = tpu.memref_slice %arg8[%rem3A_34, %run_scoped3A_172, %dma_wait3A_261] : memref<2x8x128xi32, #tpu.memory_space<vmem>> -> memref<1x1x128xi32, #tpu.memory_space<vmem>>
          %dma_wait3A_263 = tpu.memref_squeeze %dma_wait3A_262 : memref<1x1x128xi32, #tpu.memory_space<vmem>> -> memref<128xi32, #tpu.memory_space<vmem>>
          %dma_wait3A_264 = arith.constant 0 : i32
          %dma_wait3A_265 = arith.constant 0 : i32
          %dma_wait3A_266 = tpu.memref_slice %arg10[%dma_wait3A_264, %dma_wait3A_265] : memref<10240x128xf32, #tpu.memory_space<vmem_shared>> -> memref<10240x128xf32, #tpu.memory_space<vmem_shared>>
          tpu.wait_indirect_dma semaphore(%run_scoped3A_246 : memref<!tpu.dma_semaphore, #tpu.memory_space<semaphore_mem>>) src(%dma_wait3A_260 : memref<128x128xf32, #tpu.memory_space<vmem>>) dst(%dma_wait3A_266 : memref<10240x128xf32, #tpu.memory_space<vmem_shared>>)
          tpu.yield
        }) : () -> ()
        %dma_wait3A_173 = arith.constant 5 : i32
        %dma_wait3A_174 = arith.constant 1 : i32
        %dma_wait3A_175 = arith.constant 0 : i32
        %dma_wait3A_176 = arith.constant 0 : i32
        %dma_wait3A_177 = tpu.memref_slice %arg9[%dma_wait3A_174, %dma_wait3A_175, %dma_wait3A_176] : memref<2x128x128xf32, #tpu.memory_space<vmem>> -> memref<1x128x128xf32, #tpu.memory_space<vmem>>
        %dma_wait3A_178 = tpu.memref_squeeze %dma_wait3A_177 : memref<1x128x128xf32, #tpu.memory_space<vmem>> -> memref<128x128xf32, #tpu.memory_space<vmem>>
        %dma_wait3A_179 = arith.constant 0 : i32
        %dma_wait3A_180 = tpu.memref_slice %arg7[%rem3A_34, %dma_wait3A_173, %dma_wait3A_179] : memref<2x8x128xi32, #tpu.memory_space<vmem>> -> memref<1x1x128xi32, #tpu.memory_space<vmem>>
        %dma_wait3A_181 = tpu.memref_squeeze %dma_wait3A_180 : memref<1x1x128xi32, #tpu.memory_space<vmem>> -> memref<128xi32, #tpu.memory_space<vmem>>
        %dma_wait3A_182 = arith.constant 0 : i32
        %dma_wait3A_183 = arith.constant 0 : i32
        %dma_wait3A_184 = tpu.memref_slice %arg2[%dma_wait3A_182, %dma_wait3A_183] : memref<10240x128xf32, #tpu.memory_space<hbm>> -> memref<10240x128xf32, #tpu.memory_space<hbm>>
        tpu.wait_indirect_dma semaphore(%arg11 : memref<!tpu.dma_semaphore, #tpu.memory_space<semaphore_mem>>) src(%dma_wait3A_184 : memref<10240x128xf32, #tpu.memory_space<hbm>>) dst(%dma_wait3A_178 : memref<128x128xf32, #tpu.memory_space<vmem>>)
        %dma_start3A_185 = arith.constant 6 : i32
        %dma_start3A_186 = arith.constant 0 : i32
        %dma_start3A_187 = arith.constant 0 : i32
        %dma_start3A_188 = arith.constant 0 : i32
        %dma_start3A_189 = tpu.memref_slice %arg9[%dma_start3A_186, %dma_start3A_187, %dma_start3A_188] : memref<2x128x128xf32, #tpu.memory_space<vmem>> -> memref<1x128x128xf32, #tpu.memory_space<vmem>>
        %dma_start3A_190 = tpu.memref_squeeze %dma_start3A_189 : memref<1x128x128xf32, #tpu.memory_space<vmem>> -> memref<128x128xf32, #tpu.memory_space<vmem>>
        %dma_start3A_191 = arith.constant 0 : i32
        %dma_start3A_192 = tpu.memref_slice %arg7[%rem3A_34, %dma_start3A_185, %dma_start3A_191] : memref<2x8x128xi32, #tpu.memory_space<vmem>> -> memref<1x1x128xi32, #tpu.memory_space<vmem>>
        %dma_start3A_193 = tpu.memref_squeeze %dma_start3A_192 : memref<1x1x128xi32, #tpu.memory_space<vmem>> -> memref<128xi32, #tpu.memory_space<vmem>>
        %dma_start3A_194 = arith.constant 0 : i32
        %dma_start3A_195 = arith.constant 0 : i32
        %dma_start3A_196 = tpu.memref_slice %arg2[%dma_start3A_194, %dma_start3A_195] : memref<10240x128xf32, #tpu.memory_space<hbm>> -> memref<10240x128xf32, #tpu.memory_space<hbm>>
        tpu.enqueue_indirect_dma source(%dma_start3A_196 : memref<10240x128xf32, #tpu.memory_space<hbm>>) target(%dma_start3A_190 : memref<128x128xf32, #tpu.memory_space<vmem>>) offsets(%dma_start3A_193 : memref<128xi32, #tpu.memory_space<vmem>>) semaphore(%arg11 : memref<!tpu.dma_semaphore, #tpu.memory_space<semaphore_mem>>)
        %run_scoped3A_197 = arith.constant 1 : i32
        %run_scoped3A_198 = arith.constant 5 : i32
        "tpu.region"() ({
          %run_scoped3A_246 = tpu.sem_alloc : memref<!tpu.dma_semaphore, #tpu.memory_space<semaphore_mem>>
          %dma_start3A_247 = arith.constant 0 : i32
          %dma_start3A_248 = arith.constant 0 : i32
          %dma_start3A_249 = tpu.memref_slice %arg9[%run_scoped3A_197, %dma_start3A_247, %dma_start3A_248] : memref<2x128x128xf32, #tpu.memory_space<vmem>> -> memref<1x128x128xf32, #tpu.memory_space<vmem>>
          %dma_start3A_250 = tpu.memref_squeeze %dma_start3A_249 : memref<1x128x128xf32, #tpu.memory_space<vmem>> -> memref<128x128xf32, #tpu.memory_space<vmem>>
          %dma_start3A_251 = arith.constant 0 : i32
          %dma_start3A_252 = tpu.memref_slice %arg8[%rem3A_34, %run_scoped3A_198, %dma_start3A_251] : memref<2x8x128xi32, #tpu.memory_space<vmem>> -> memref<1x1x128xi32, #tpu.memory_space<vmem>>
          %dma_start3A_253 = tpu.memref_squeeze %dma_start3A_252 : memref<1x1x128xi32, #tpu.memory_space<vmem>> -> memref<128xi32, #tpu.memory_space<vmem>>
          %dma_start3A_254 = arith.constant 0 : i32
          %dma_start3A_255 = arith.constant 0 : i32
          %dma_start3A_256 = tpu.memref_slice %arg10[%dma_start3A_254, %dma_start3A_255] : memref<10240x128xf32, #tpu.memory_space<vmem_shared>> -> memref<10240x128xf32, #tpu.memory_space<vmem_shared>>
          tpu.enqueue_indirect_dma source(%dma_start3A_250 : memref<128x128xf32, #tpu.memory_space<vmem>>) target(%dma_start3A_256 : memref<10240x128xf32, #tpu.memory_space<vmem_shared>>) offsets(%dma_start3A_253 : memref<128xi32, #tpu.memory_space<vmem>>) semaphore(%run_scoped3A_246 : memref<!tpu.dma_semaphore, #tpu.memory_space<semaphore_mem>>) {add = true}
          %dma_wait3A_257 = arith.constant 0 : i32
          %dma_wait3A_258 = arith.constant 0 : i32
          %dma_wait3A_259 = tpu.memref_slice %arg9[%run_scoped3A_197, %dma_wait3A_257, %dma_wait3A_258] : memref<2x128x128xf32, #tpu.memory_space<vmem>> -> memref<1x128x128xf32, #tpu.memory_space<vmem>>
          %dma_wait3A_260 = tpu.memref_squeeze %dma_wait3A_259 : memref<1x128x128xf32, #tpu.memory_space<vmem>> -> memref<128x128xf32, #tpu.memory_space<vmem>>
          %dma_wait3A_261 = arith.constant 0 : i32
          %dma_wait3A_262 = tpu.memref_slice %arg8[%rem3A_34, %run_scoped3A_198, %dma_wait3A_261] : memref<2x8x128xi32, #tpu.memory_space<vmem>> -> memref<1x1x128xi32, #tpu.memory_space<vmem>>
          %dma_wait3A_263 = tpu.memref_squeeze %dma_wait3A_262 : memref<1x1x128xi32, #tpu.memory_space<vmem>> -> memref<128xi32, #tpu.memory_space<vmem>>
          %dma_wait3A_264 = arith.constant 0 : i32
          %dma_wait3A_265 = arith.constant 0 : i32
          %dma_wait3A_266 = tpu.memref_slice %arg10[%dma_wait3A_264, %dma_wait3A_265] : memref<10240x128xf32, #tpu.memory_space<vmem_shared>> -> memref<10240x128xf32, #tpu.memory_space<vmem_shared>>
          tpu.wait_indirect_dma semaphore(%run_scoped3A_246 : memref<!tpu.dma_semaphore, #tpu.memory_space<semaphore_mem>>) src(%dma_wait3A_260 : memref<128x128xf32, #tpu.memory_space<vmem>>) dst(%dma_wait3A_266 : memref<10240x128xf32, #tpu.memory_space<vmem_shared>>)
          tpu.yield
        }) : () -> ()
        %dma_wait3A_199 = arith.constant 6 : i32
        %dma_wait3A_200 = arith.constant 0 : i32
        %dma_wait3A_201 = arith.constant 0 : i32
        %dma_wait3A_202 = arith.constant 0 : i32
        %dma_wait3A_203 = tpu.memref_slice %arg9[%dma_wait3A_200, %dma_wait3A_201, %dma_wait3A_202] : memref<2x128x128xf32, #tpu.memory_space<vmem>> -> memref<1x128x128xf32, #tpu.memory_space<vmem>>
        %dma_wait3A_204 = tpu.memref_squeeze %dma_wait3A_203 : memref<1x128x128xf32, #tpu.memory_space<vmem>> -> memref<128x128xf32, #tpu.memory_space<vmem>>
        %dma_wait3A_205 = arith.constant 0 : i32
        %dma_wait3A_206 = tpu.memref_slice %arg7[%rem3A_34, %dma_wait3A_199, %dma_wait3A_205] : memref<2x8x128xi32, #tpu.memory_space<vmem>> -> memref<1x1x128xi32, #tpu.memory_space<vmem>>
        %dma_wait3A_207 = tpu.memref_squeeze %dma_wait3A_206 : memref<1x1x128xi32, #tpu.memory_space<vmem>> -> memref<128xi32, #tpu.memory_space<vmem>>
        %dma_wait3A_208 = arith.constant 0 : i32
        %dma_wait3A_209 = arith.constant 0 : i32
        %dma_wait3A_210 = tpu.memref_slice %arg2[%dma_wait3A_208, %dma_wait3A_209] : memref<10240x128xf32, #tpu.memory_space<hbm>> -> memref<10240x128xf32, #tpu.memory_space<hbm>>
        tpu.wait_indirect_dma semaphore(%arg11 : memref<!tpu.dma_semaphore, #tpu.memory_space<semaphore_mem>>) src(%dma_wait3A_210 : memref<10240x128xf32, #tpu.memory_space<hbm>>) dst(%dma_wait3A_204 : memref<128x128xf32, #tpu.memory_space<vmem>>)
        %dma_start3A_211 = arith.constant 7 : i32
        %dma_start3A_212 = arith.constant 1 : i32
        %dma_start3A_213 = arith.constant 0 : i32
        %dma_start3A_214 = arith.constant 0 : i32
        %dma_start3A_215 = tpu.memref_slice %arg9[%dma_start3A_212, %dma_start3A_213, %dma_start3A_214] : memref<2x128x128xf32, #tpu.memory_space<vmem>> -> memref<1x128x128xf32, #tpu.memory_space<vmem>>
        %dma_start3A_216 = tpu.memref_squeeze %dma_start3A_215 : memref<1x128x128xf32, #tpu.memory_space<vmem>> -> memref<128x128xf32, #tpu.memory_space<vmem>>
        %dma_start3A_217 = arith.constant 0 : i32
        %dma_start3A_218 = tpu.memref_slice %arg7[%rem3A_34, %dma_start3A_211, %dma_start3A_217] : memref<2x8x128xi32, #tpu.memory_space<vmem>> -> memref<1x1x128xi32, #tpu.memory_space<vmem>>
        %dma_start3A_219 = tpu.memref_squeeze %dma_start3A_218 : memref<1x1x128xi32, #tpu.memory_space<vmem>> -> memref<128xi32, #tpu.memory_space<vmem>>
        %dma_start3A_220 = arith.constant 0 : i32
        %dma_start3A_221 = arith.constant 0 : i32
        %dma_start3A_222 = tpu.memref_slice %arg2[%dma_start3A_220, %dma_start3A_221] : memref<10240x128xf32, #tpu.memory_space<hbm>> -> memref<10240x128xf32, #tpu.memory_space<hbm>>
        tpu.enqueue_indirect_dma source(%dma_start3A_222 : memref<10240x128xf32, #tpu.memory_space<hbm>>) target(%dma_start3A_216 : memref<128x128xf32, #tpu.memory_space<vmem>>) offsets(%dma_start3A_219 : memref<128xi32, #tpu.memory_space<vmem>>) semaphore(%arg11 : memref<!tpu.dma_semaphore, #tpu.memory_space<semaphore_mem>>)
        %run_scoped3A_223 = arith.constant 0 : i32
        %run_scoped3A_224 = arith.constant 6 : i32
        "tpu.region"() ({
          %run_scoped3A_246 = tpu.sem_alloc : memref<!tpu.dma_semaphore, #tpu.memory_space<semaphore_mem>>
          %dma_start3A_247 = arith.constant 0 : i32
          %dma_start3A_248 = arith.constant 0 : i32
          %dma_start3A_249 = tpu.memref_slice %arg9[%run_scoped3A_223, %dma_start3A_247, %dma_start3A_248] : memref<2x128x128xf32, #tpu.memory_space<vmem>> -> memref<1x128x128xf32, #tpu.memory_space<vmem>>
          %dma_start3A_250 = tpu.memref_squeeze %dma_start3A_249 : memref<1x128x128xf32, #tpu.memory_space<vmem>> -> memref<128x128xf32, #tpu.memory_space<vmem>>
          %dma_start3A_251 = arith.constant 0 : i32
          %dma_start3A_252 = tpu.memref_slice %arg8[%rem3A_34, %run_scoped3A_224, %dma_start3A_251] : memref<2x8x128xi32, #tpu.memory_space<vmem>> -> memref<1x1x128xi32, #tpu.memory_space<vmem>>
          %dma_start3A_253 = tpu.memref_squeeze %dma_start3A_252 : memref<1x1x128xi32, #tpu.memory_space<vmem>> -> memref<128xi32, #tpu.memory_space<vmem>>
          %dma_start3A_254 = arith.constant 0 : i32
          %dma_start3A_255 = arith.constant 0 : i32
          %dma_start3A_256 = tpu.memref_slice %arg10[%dma_start3A_254, %dma_start3A_255] : memref<10240x128xf32, #tpu.memory_space<vmem_shared>> -> memref<10240x128xf32, #tpu.memory_space<vmem_shared>>
          tpu.enqueue_indirect_dma source(%dma_start3A_250 : memref<128x128xf32, #tpu.memory_space<vmem>>) target(%dma_start3A_256 : memref<10240x128xf32, #tpu.memory_space<vmem_shared>>) offsets(%dma_start3A_253 : memref<128xi32, #tpu.memory_space<vmem>>) semaphore(%run_scoped3A_246 : memref<!tpu.dma_semaphore, #tpu.memory_space<semaphore_mem>>) {add = true}
          %dma_wait3A_257 = arith.constant 0 : i32
          %dma_wait3A_258 = arith.constant 0 : i32
          %dma_wait3A_259 = tpu.memref_slice %arg9[%run_scoped3A_223, %dma_wait3A_257, %dma_wait3A_258] : memref<2x128x128xf32, #tpu.memory_space<vmem>> -> memref<1x128x128xf32, #tpu.memory_space<vmem>>
          %dma_wait3A_260 = tpu.memref_squeeze %dma_wait3A_259 : memref<1x128x128xf32, #tpu.memory_space<vmem>> -> memref<128x128xf32, #tpu.memory_space<vmem>>
          %dma_wait3A_261 = arith.constant 0 : i32
          %dma_wait3A_262 = tpu.memref_slice %arg8[%rem3A_34, %run_scoped3A_224, %dma_wait3A_261] : memref<2x8x128xi32, #tpu.memory_space<vmem>> -> memref<1x1x128xi32, #tpu.memory_space<vmem>>
          %dma_wait3A_263 = tpu.memref_squeeze %dma_wait3A_262 : memref<1x1x128xi32, #tpu.memory_space<vmem>> -> memref<128xi32, #tpu.memory_space<vmem>>
          %dma_wait3A_264 = arith.constant 0 : i32
          %dma_wait3A_265 = arith.constant 0 : i32
          %dma_wait3A_266 = tpu.memref_slice %arg10[%dma_wait3A_264, %dma_wait3A_265] : memref<10240x128xf32, #tpu.memory_space<vmem_shared>> -> memref<10240x128xf32, #tpu.memory_space<vmem_shared>>
          tpu.wait_indirect_dma semaphore(%run_scoped3A_246 : memref<!tpu.dma_semaphore, #tpu.memory_space<semaphore_mem>>) src(%dma_wait3A_260 : memref<128x128xf32, #tpu.memory_space<vmem>>) dst(%dma_wait3A_266 : memref<10240x128xf32, #tpu.memory_space<vmem_shared>>)
          tpu.yield
        }) : () -> ()
        %dma_wait3A_225 = arith.constant 7 : i32
        %dma_wait3A_226 = arith.constant 1 : i32
        %dma_wait3A_227 = arith.constant 0 : i32
        %dma_wait3A_228 = arith.constant 0 : i32
        %dma_wait3A_229 = tpu.memref_slice %arg9[%dma_wait3A_226, %dma_wait3A_227, %dma_wait3A_228] : memref<2x128x128xf32, #tpu.memory_space<vmem>> -> memref<1x128x128xf32, #tpu.memory_space<vmem>>
        %dma_wait3A_230 = tpu.memref_squeeze %dma_wait3A_229 : memref<1x128x128xf32, #tpu.memory_space<vmem>> -> memref<128x128xf32, #tpu.memory_space<vmem>>
        %dma_wait3A_231 = arith.constant 0 : i32
        %dma_wait3A_232 = tpu.memref_slice %arg7[%rem3A_34, %dma_wait3A_225, %dma_wait3A_231] : memref<2x8x128xi32, #tpu.memory_space<vmem>> -> memref<1x1x128xi32, #tpu.memory_space<vmem>>
        %dma_wait3A_233 = tpu.memref_squeeze %dma_wait3A_232 : memref<1x1x128xi32, #tpu.memory_space<vmem>> -> memref<128xi32, #tpu.memory_space<vmem>>
        %dma_wait3A_234 = arith.constant 0 : i32
        %dma_wait3A_235 = arith.constant 0 : i32
        %dma_wait3A_236 = tpu.memref_slice %arg2[%dma_wait3A_234, %dma_wait3A_235] : memref<10240x128xf32, #tpu.memory_space<hbm>> -> memref<10240x128xf32, #tpu.memory_space<hbm>>
        tpu.wait_indirect_dma semaphore(%arg11 : memref<!tpu.dma_semaphore, #tpu.memory_space<semaphore_mem>>) src(%dma_wait3A_236 : memref<10240x128xf32, #tpu.memory_space<hbm>>) dst(%dma_wait3A_230 : memref<128x128xf32, #tpu.memory_space<vmem>>)
        %add3A_237 = arith.constant 1 : i32
        %add3A_238 = arith.addi %scan3A_33, %add3A_237 : i32
        %lt3A_239 = arith.constant 10 : i32
        %lt3A_240 = arith.cmpi slt, %add3A_238, %lt3A_239 : i32
        %convert_element_type3A_241 = arith.extui %lt3A_240 : i1 to i32
        %cond3A_242 = arith.constant 0 : i32
        %cond3A_243 = arith.cmpi ne, %convert_element_type3A_241, %cond3A_242 : i32
        scf.if %cond3A_243 {
          %add3A_246 = arith.constant 1 : i32
          %add3A_247 = arith.addi %scan3A_33, %add3A_246 : i32
          %mul3A_248 = arith.constant 8 : i32
          %mul3A_249 = arith.muli %add3A_247, %mul3A_248 : i32
          %add3A_250 = arith.addi %mul3A_14, %mul3A_249 : i32
          %dma_wait3A_251 = arith.constant 0 : i32
          %dma_wait3A_252 = arith.constant 0 : i32
          %dma_wait3A_253 = tpu.memref_slice %arg7[%rem3A_37, %dma_wait3A_251, %dma_wait3A_252] : memref<2x8x128xi32, #tpu.memory_space<vmem>> -> memref<1x8x128xi32, #tpu.memory_space<vmem>>
          %dma_wait3A_254 = tpu.memref_squeeze %dma_wait3A_253 : memref<1x8x128xi32, #tpu.memory_space<vmem>> -> memref<8x128xi32, #tpu.memory_space<vmem>>
          %dma_wait3A_255 = arith.constant 0 : i32
          %dma_wait3A_256 = tpu.memref_slice %arg3[%add3A_250, %dma_wait3A_255] : memref<2560x128xi32, #tpu.memory_space<hbm>> -> memref<8x128xi32, #tpu.memory_space<hbm>>
          %dma_wait3A_257 = arith.constant 0 : i32
          %dma_wait3A_258 = arith.constant 0 : i32
          %dma_wait3A_259 = tpu.memref_slice %arg7[%rem3A_37, %dma_wait3A_257, %dma_wait3A_258] : memref<2x8x128xi32, #tpu.memory_space<vmem>> -> memref<1x8x128xi32, #tpu.memory_space<vmem>>
          %dma_wait3A_260 = tpu.memref_squeeze %dma_wait3A_259 : memref<1x8x128xi32, #tpu.memory_space<vmem>> -> memref<8x128xi32, #tpu.memory_space<vmem>>
          %dma_wait3A_261 = arith.constant 0 : i32
          %dma_wait3A_262 = tpu.memref_slice %arg3[%add3A_250, %dma_wait3A_261] : memref<2560x128xi32, #tpu.memory_space<hbm>> -> memref<8x128xi32, #tpu.memory_space<hbm>>
          tpu.wait_dma2 semaphore(%arg12 : memref<!tpu.dma_semaphore, #tpu.memory_space<semaphore_mem>>) src(%dma_wait3A_262 : memref<8x128xi32, #tpu.memory_space<hbm>>) dst(%dma_wait3A_260 : memref<8x128xi32, #tpu.memory_space<vmem>>)
          %dma_wait3A_263 = arith.constant 0 : i32
          %dma_wait3A_264 = arith.constant 0 : i32
          %dma_wait3A_265 = tpu.memref_slice %arg8[%rem3A_37, %dma_wait3A_263, %dma_wait3A_264] : memref<2x8x128xi32, #tpu.memory_space<vmem>> -> memref<1x8x128xi32, #tpu.memory_space<vmem>>
          %dma_wait3A_266 = tpu.memref_squeeze %dma_wait3A_265 : memref<1x8x128xi32, #tpu.memory_space<vmem>> -> memref<8x128xi32, #tpu.memory_space<vmem>>
          %dma_wait3A_267 = arith.constant 0 : i32
          %dma_wait3A_268 = tpu.memref_slice %arg4[%add3A_250, %dma_wait3A_267] : memref<2560x128xi32, #tpu.memory_space<hbm>> -> memref<8x128xi32, #tpu.memory_space<hbm>>
          %dma_wait3A_269 = arith.constant 0 : i32
          %dma_wait3A_270 = arith.constant 0 : i32
          %dma_wait3A_271 = tpu.memref_slice %arg8[%rem3A_37, %dma_wait3A_269, %dma_wait3A_270] : memref<2x8x128xi32, #tpu.memory_space<vmem>> -> memref<1x8x128xi32, #tpu.memory_space<vmem>>
          %dma_wait3A_272 = tpu.memref_squeeze %dma_wait3A_271 : memref<1x8x128xi32, #tpu.memory_space<vmem>> -> memref<8x128xi32, #tpu.memory_space<vmem>>
          %dma_wait3A_273 = arith.constant 0 : i32
          %dma_wait3A_274 = tpu.memref_slice %arg4[%add3A_250, %dma_wait3A_273] : memref<2560x128xi32, #tpu.memory_space<hbm>> -> memref<8x128xi32, #tpu.memory_space<hbm>>
          tpu.wait_dma2 semaphore(%arg12 : memref<!tpu.dma_semaphore, #tpu.memory_space<semaphore_mem>>) src(%dma_wait3A_274 : memref<8x128xi32, #tpu.memory_space<hbm>>) dst(%dma_wait3A_272 : memref<8x128xi32, #tpu.memory_space<vmem>>)
          %dma_start3A_275 = arith.constant 0 : i32
          %dma_start3A_276 = arith.constant 0 : i32
          %dma_start3A_277 = arith.constant 0 : i32
          %dma_start3A_278 = arith.constant 0 : i32
          %dma_start3A_279 = tpu.memref_slice %arg9[%dma_start3A_276, %dma_start3A_277, %dma_start3A_278] : memref<2x128x128xf32, #tpu.memory_space<vmem>> -> memref<1x128x128xf32, #tpu.memory_space<vmem>>
          %dma_start3A_280 = tpu.memref_squeeze %dma_start3A_279 : memref<1x128x128xf32, #tpu.memory_space<vmem>> -> memref<128x128xf32, #tpu.memory_space<vmem>>
          %dma_start3A_281 = arith.constant 0 : i32
          %dma_start3A_282 = tpu.memref_slice %arg7[%rem3A_37, %dma_start3A_275, %dma_start3A_281] : memref<2x8x128xi32, #tpu.memory_space<vmem>> -> memref<1x1x128xi32, #tpu.memory_space<vmem>>
          %dma_start3A_283 = tpu.memref_squeeze %dma_start3A_282 : memref<1x1x128xi32, #tpu.memory_space<vmem>> -> memref<128xi32, #tpu.memory_space<vmem>>
          %dma_start3A_284 = arith.constant 0 : i32
          %dma_start3A_285 = arith.constant 0 : i32
          %dma_start3A_286 = tpu.memref_slice %arg2[%dma_start3A_284, %dma_start3A_285] : memref<10240x128xf32, #tpu.memory_space<hbm>> -> memref<10240x128xf32, #tpu.memory_space<hbm>>
          tpu.enqueue_indirect_dma source(%dma_start3A_286 : memref<10240x128xf32, #tpu.memory_space<hbm>>) target(%dma_start3A_280 : memref<128x128xf32, #tpu.memory_space<vmem>>) offsets(%dma_start3A_283 : memref<128xi32, #tpu.memory_space<vmem>>) semaphore(%arg11 : memref<!tpu.dma_semaphore, #tpu.memory_space<semaphore_mem>>)
        } else {
        }
        %run_scoped3A_244 = arith.constant 1 : i32
        %run_scoped3A_245 = arith.constant 7 : i32
        "tpu.region"() ({
          %run_scoped3A_246 = tpu.sem_alloc : memref<!tpu.dma_semaphore, #tpu.memory_space<semaphore_mem>>
          %dma_start3A_247 = arith.constant 0 : i32
          %dma_start3A_248 = arith.constant 0 : i32
          %dma_start3A_249 = tpu.memref_slice %arg9[%run_scoped3A_244, %dma_start3A_247, %dma_start3A_248] : memref<2x128x128xf32, #tpu.memory_space<vmem>> -> memref<1x128x128xf32, #tpu.memory_space<vmem>>
          %dma_start3A_250 = tpu.memref_squeeze %dma_start3A_249 : memref<1x128x128xf32, #tpu.memory_space<vmem>> -> memref<128x128xf32, #tpu.memory_space<vmem>>
          %dma_start3A_251 = arith.constant 0 : i32
          %dma_start3A_252 = tpu.memref_slice %arg8[%rem3A_34, %run_scoped3A_245, %dma_start3A_251] : memref<2x8x128xi32, #tpu.memory_space<vmem>> -> memref<1x1x128xi32, #tpu.memory_space<vmem>>
          %dma_start3A_253 = tpu.memref_squeeze %dma_start3A_252 : memref<1x1x128xi32, #tpu.memory_space<vmem>> -> memref<128xi32, #tpu.memory_space<vmem>>
          %dma_start3A_254 = arith.constant 0 : i32
          %dma_start3A_255 = arith.constant 0 : i32
          %dma_start3A_256 = tpu.memref_slice %arg10[%dma_start3A_254, %dma_start3A_255] : memref<10240x128xf32, #tpu.memory_space<vmem_shared>> -> memref<10240x128xf32, #tpu.memory_space<vmem_shared>>
          tpu.enqueue_indirect_dma source(%dma_start3A_250 : memref<128x128xf32, #tpu.memory_space<vmem>>) target(%dma_start3A_256 : memref<10240x128xf32, #tpu.memory_space<vmem_shared>>) offsets(%dma_start3A_253 : memref<128xi32, #tpu.memory_space<vmem>>) semaphore(%run_scoped3A_246 : memref<!tpu.dma_semaphore, #tpu.memory_space<semaphore_mem>>) {add = true}
          %dma_wait3A_257 = arith.constant 0 : i32
          %dma_wait3A_258 = arith.constant 0 : i32
          %dma_wait3A_259 = tpu.memref_slice %arg9[%run_scoped3A_244, %dma_wait3A_257, %dma_wait3A_258] : memref<2x128x128xf32, #tpu.memory_space<vmem>> -> memref<1x128x128xf32, #tpu.memory_space<vmem>>
          %dma_wait3A_260 = tpu.memref_squeeze %dma_wait3A_259 : memref<1x128x128xf32, #tpu.memory_space<vmem>> -> memref<128x128xf32, #tpu.memory_space<vmem>>
          %dma_wait3A_261 = arith.constant 0 : i32
          %dma_wait3A_262 = tpu.memref_slice %arg8[%rem3A_34, %run_scoped3A_245, %dma_wait3A_261] : memref<2x8x128xi32, #tpu.memory_space<vmem>> -> memref<1x1x128xi32, #tpu.memory_space<vmem>>
          %dma_wait3A_263 = tpu.memref_squeeze %dma_wait3A_262 : memref<1x1x128xi32, #tpu.memory_space<vmem>> -> memref<128xi32, #tpu.memory_space<vmem>>
          %dma_wait3A_264 = arith.constant 0 : i32
          %dma_wait3A_265 = arith.constant 0 : i32
          %dma_wait3A_266 = tpu.memref_slice %arg10[%dma_wait3A_264, %dma_wait3A_265] : memref<10240x128xf32, #tpu.memory_space<vmem_shared>> -> memref<10240x128xf32, #tpu.memory_space<vmem_shared>>
          tpu.wait_indirect_dma semaphore(%run_scoped3A_246 : memref<!tpu.dma_semaphore, #tpu.memory_space<semaphore_mem>>) src(%dma_wait3A_260 : memref<128x128xf32, #tpu.memory_space<vmem>>) dst(%dma_wait3A_266 : memref<10240x128xf32, #tpu.memory_space<vmem_shared>>)
          tpu.yield
        }) : () -> ()
      }
      %scan3A_32 = arith.constant 10 : i32
    } else {
    }
    %eq3A_3 = arith.constant 1 : i32
    %eq3A_4 = arith.cmpi eq, %arg0, %eq3A_3 : i32
    %convert_element_type3A_5 = arith.extui %eq3A_4 : i1 to i32
    %cond3A_6 = arith.constant 0 : i32
    %cond3A_7 = arith.cmpi ne, %convert_element_type3A_5, %cond3A_6 : i32
    scf.if %cond3A_7 {
      %mul3A_13 = arith.constant 80 : i32
      %mul3A_14 = arith.muli %arg1, %mul3A_13 : i32
      %add3A = arith.constant 1280 : i32
      %add3A_15 = arith.addi %add3A, %mul3A_14 : i32
      %run_scoped3A = arith.constant 0 : i32
      "tpu.region"() ({
        %run_scoped3A_34 = tpu.sem_alloc : memref<!tpu.dma_semaphore, #tpu.memory_space<semaphore_mem>>
        %dma_start3A_35 = arith.constant 0 : i32
        %dma_start3A_36 = arith.constant 0 : i32
        %dma_start3A_37 = tpu.memref_slice %arg7[%run_scoped3A, %dma_start3A_35, %dma_start3A_36] : memref<2x8x128xi32, #tpu.memory_space<vmem>> -> memref<1x8x128xi32, #tpu.memory_space<vmem>>
        %dma_start3A_38 = tpu.memref_squeeze %dma_start3A_37 : memref<1x8x128xi32, #tpu.memory_space<vmem>> -> memref<8x128xi32, #tpu.memory_space<vmem>>
        %dma_start3A_39 = arith.constant 0 : i32
        %dma_start3A_40 = tpu.memref_slice %arg3[%add3A_15, %dma_start3A_39] : memref<2560x128xi32, #tpu.memory_space<hbm>> -> memref<8x128xi32, #tpu.memory_space<hbm>>
        %dma_start3A_41 = arith.constant 0 : i32
        %dma_start3A_42 = arith.constant 0 : i32
        %dma_start3A_43 = tpu.memref_slice %arg7[%run_scoped3A, %dma_start3A_41, %dma_start3A_42] : memref<2x8x128xi32, #tpu.memory_space<vmem>> -> memref<1x8x128xi32, #tpu.memory_space<vmem>>
        %dma_start3A_44 = tpu.memref_squeeze %dma_start3A_43 : memref<1x8x128xi32, #tpu.memory_space<vmem>> -> memref<8x128xi32, #tpu.memory_space<vmem>>
        %dma_start3A_45 = arith.constant 0 : i32
        %dma_start3A_46 = tpu.memref_slice %arg3[%add3A_15, %dma_start3A_45] : memref<2560x128xi32, #tpu.memory_space<hbm>> -> memref<8x128xi32, #tpu.memory_space<hbm>>
        tpu.enqueue_dma source(%dma_start3A_46 : memref<8x128xi32, #tpu.memory_space<hbm>>) target(%dma_start3A_44 : memref<8x128xi32, #tpu.memory_space<vmem>>) target_semaphore(%run_scoped3A_34 : memref<!tpu.dma_semaphore, #tpu.memory_space<semaphore_mem>>)
        %dma_wait3A = arith.constant 0 : i32
        %dma_wait3A_47 = arith.constant 0 : i32
        %dma_wait3A_48 = tpu.memref_slice %arg7[%run_scoped3A, %dma_wait3A, %dma_wait3A_47] : memref<2x8x128xi32, #tpu.memory_space<vmem>> -> memref<1x8x128xi32, #tpu.memory_space<vmem>>
        %dma_wait3A_49 = tpu.memref_squeeze %dma_wait3A_48 : memref<1x8x128xi32, #tpu.memory_space<vmem>> -> memref<8x128xi32, #tpu.memory_space<vmem>>
        %dma_wait3A_50 = arith.constant 0 : i32
        %dma_wait3A_51 = tpu.memref_slice %arg3[%add3A_15, %dma_wait3A_50] : memref<2560x128xi32, #tpu.memory_space<hbm>> -> memref<8x128xi32, #tpu.memory_space<hbm>>
        %dma_wait3A_52 = arith.constant 0 : i32
        %dma_wait3A_53 = arith.constant 0 : i32
        %dma_wait3A_54 = tpu.memref_slice %arg7[%run_scoped3A, %dma_wait3A_52, %dma_wait3A_53] : memref<2x8x128xi32, #tpu.memory_space<vmem>> -> memref<1x8x128xi32, #tpu.memory_space<vmem>>
        %dma_wait3A_55 = tpu.memref_squeeze %dma_wait3A_54 : memref<1x8x128xi32, #tpu.memory_space<vmem>> -> memref<8x128xi32, #tpu.memory_space<vmem>>
        %dma_wait3A_56 = arith.constant 0 : i32
        %dma_wait3A_57 = tpu.memref_slice %arg3[%add3A_15, %dma_wait3A_56] : memref<2560x128xi32, #tpu.memory_space<hbm>> -> memref<8x128xi32, #tpu.memory_space<hbm>>
        tpu.wait_dma2 semaphore(%run_scoped3A_34 : memref<!tpu.dma_semaphore, #tpu.memory_space<semaphore_mem>>) src(%dma_wait3A_57 : memref<8x128xi32, #tpu.memory_space<hbm>>) dst(%dma_wait3A_55 : memref<8x128xi32, #tpu.memory_space<vmem>>)
        tpu.yield
      }) : () -> ()
      %run_scoped3A_16 = arith.constant 0 : i32
      "tpu.region"() ({
        %run_scoped3A_34 = tpu.sem_alloc : memref<!tpu.dma_semaphore, #tpu.memory_space<semaphore_mem>>
        %dma_start3A_35 = arith.constant 0 : i32
        %dma_start3A_36 = arith.constant 0 : i32
        %dma_start3A_37 = tpu.memref_slice %arg8[%run_scoped3A_16, %dma_start3A_35, %dma_start3A_36] : memref<2x8x128xi32, #tpu.memory_space<vmem>> -> memref<1x8x128xi32, #tpu.memory_space<vmem>>
        %dma_start3A_38 = tpu.memref_squeeze %dma_start3A_37 : memref<1x8x128xi32, #tpu.memory_space<vmem>> -> memref<8x128xi32, #tpu.memory_space<vmem>>
        %dma_start3A_39 = arith.constant 0 : i32
        %dma_start3A_40 = tpu.memref_slice %arg4[%add3A_15, %dma_start3A_39] : memref<2560x128xi32, #tpu.memory_space<hbm>> -> memref<8x128xi32, #tpu.memory_space<hbm>>
        %dma_start3A_41 = arith.constant 0 : i32
        %dma_start3A_42 = arith.constant 0 : i32
        %dma_start3A_43 = tpu.memref_slice %arg8[%run_scoped3A_16, %dma_start3A_41, %dma_start3A_42] : memref<2x8x128xi32, #tpu.memory_space<vmem>> -> memref<1x8x128xi32, #tpu.memory_space<vmem>>
        %dma_start3A_44 = tpu.memref_squeeze %dma_start3A_43 : memref<1x8x128xi32, #tpu.memory_space<vmem>> -> memref<8x128xi32, #tpu.memory_space<vmem>>
        %dma_start3A_45 = arith.constant 0 : i32
        %dma_start3A_46 = tpu.memref_slice %arg4[%add3A_15, %dma_start3A_45] : memref<2560x128xi32, #tpu.memory_space<hbm>> -> memref<8x128xi32, #tpu.memory_space<hbm>>
        tpu.enqueue_dma source(%dma_start3A_46 : memref<8x128xi32, #tpu.memory_space<hbm>>) target(%dma_start3A_44 : memref<8x128xi32, #tpu.memory_space<vmem>>) target_semaphore(%run_scoped3A_34 : memref<!tpu.dma_semaphore, #tpu.memory_space<semaphore_mem>>)
        %dma_wait3A = arith.constant 0 : i32
        %dma_wait3A_47 = arith.constant 0 : i32
        %dma_wait3A_48 = tpu.memref_slice %arg8[%run_scoped3A_16, %dma_wait3A, %dma_wait3A_47] : memref<2x8x128xi32, #tpu.memory_space<vmem>> -> memref<1x8x128xi32, #tpu.memory_space<vmem>>
        %dma_wait3A_49 = tpu.memref_squeeze %dma_wait3A_48 : memref<1x8x128xi32, #tpu.memory_space<vmem>> -> memref<8x128xi32, #tpu.memory_space<vmem>>
        %dma_wait3A_50 = arith.constant 0 : i32
        %dma_wait3A_51 = tpu.memref_slice %arg4[%add3A_15, %dma_wait3A_50] : memref<2560x128xi32, #tpu.memory_space<hbm>> -> memref<8x128xi32, #tpu.memory_space<hbm>>
        %dma_wait3A_52 = arith.constant 0 : i32
        %dma_wait3A_53 = arith.constant 0 : i32
        %dma_wait3A_54 = tpu.memref_slice %arg8[%run_scoped3A_16, %dma_wait3A_52, %dma_wait3A_53] : memref<2x8x128xi32, #tpu.memory_space<vmem>> -> memref<1x8x128xi32, #tpu.memory_space<vmem>>
        %dma_wait3A_55 = tpu.memref_squeeze %dma_wait3A_54 : memref<1x8x128xi32, #tpu.memory_space<vmem>> -> memref<8x128xi32, #tpu.memory_space<vmem>>
        %dma_wait3A_56 = arith.constant 0 : i32
        %dma_wait3A_57 = tpu.memref_slice %arg4[%add3A_15, %dma_wait3A_56] : memref<2560x128xi32, #tpu.memory_space<hbm>> -> memref<8x128xi32, #tpu.memory_space<hbm>>
        tpu.wait_dma2 semaphore(%run_scoped3A_34 : memref<!tpu.dma_semaphore, #tpu.memory_space<semaphore_mem>>) src(%dma_wait3A_57 : memref<8x128xi32, #tpu.memory_space<hbm>>) dst(%dma_wait3A_55 : memref<8x128xi32, #tpu.memory_space<vmem>>)
        tpu.yield
      }) : () -> ()
      %dma_start3A = arith.constant 0 : i32
      %dma_start3A_17 = arith.constant 0 : i32
      %dma_start3A_18 = arith.constant 0 : i32
      %dma_start3A_19 = arith.constant 0 : i32
      %dma_start3A_20 = arith.constant 0 : i32
      %dma_start3A_21 = tpu.memref_slice %arg9[%dma_start3A_18, %dma_start3A_19, %dma_start3A_20] : memref<2x128x128xf32, #tpu.memory_space<vmem>> -> memref<1x128x128xf32, #tpu.memory_space<vmem>>
      %dma_start3A_22 = tpu.memref_squeeze %dma_start3A_21 : memref<1x128x128xf32, #tpu.memory_space<vmem>> -> memref<128x128xf32, #tpu.memory_space<vmem>>
      %dma_start3A_23 = arith.constant 0 : i32
      %dma_start3A_24 = tpu.memref_slice %arg7[%dma_start3A, %dma_start3A_17, %dma_start3A_23] : memref<2x8x128xi32, #tpu.memory_space<vmem>> -> memref<1x1x128xi32, #tpu.memory_space<vmem>>
      %dma_start3A_25 = tpu.memref_squeeze %dma_start3A_24 : memref<1x1x128xi32, #tpu.memory_space<vmem>> -> memref<128xi32, #tpu.memory_space<vmem>>
      %dma_start3A_26 = arith.constant 0 : i32
      %dma_start3A_27 = arith.constant 0 : i32
      %dma_start3A_28 = tpu.memref_slice %arg2[%dma_start3A_26, %dma_start3A_27] : memref<10240x128xf32, #tpu.memory_space<hbm>> -> memref<10240x128xf32, #tpu.memory_space<hbm>>
      tpu.enqueue_indirect_dma source(%dma_start3A_28 : memref<10240x128xf32, #tpu.memory_space<hbm>>) target(%dma_start3A_22 : memref<128x128xf32, #tpu.memory_space<vmem>>) offsets(%dma_start3A_25 : memref<128xi32, #tpu.memory_space<vmem>>) semaphore(%arg11 : memref<!tpu.dma_semaphore, #tpu.memory_space<semaphore_mem>>)
      %scan3A = arith.constant 0 : i32
      %scan3A_29 = arith.constant 0 : i32
      %scan3A_30 = arith.constant 10 : i32
      %scan3A_31 = arith.addi %scan3A_29, %scan3A_30 : i32
      %scan3A_32 = arith.constant 1 : i32
      scf.for %scan3A_34 = %scan3A_29 to %scan3A_31 step %scan3A_32  : i32 {
        %rem3A = arith.constant 2 : i32
        %rem3A_35 = arith.remsi %scan3A_34, %rem3A : i32
        %add3A_36 = arith.constant 1 : i32
        %add3A_37 = arith.addi %scan3A_34, %add3A_36 : i32
        %rem3A_38 = arith.constant 2 : i32
        %rem3A_39 = arith.remsi %add3A_37, %rem3A_38 : i32
        %add3A_40 = arith.constant 1 : i32
        %add3A_41 = arith.addi %scan3A_34, %add3A_40 : i32
        %lt3A = arith.constant 10 : i32
        %lt3A_42 = arith.cmpi slt, %add3A_41, %lt3A : i32
        %convert_element_type3A_43 = arith.extui %lt3A_42 : i1 to i32
        %cond3A_44 = arith.constant 0 : i32
        %cond3A_45 = arith.cmpi ne, %convert_element_type3A_43, %cond3A_44 : i32
        scf.if %cond3A_45 {
          %add3A_248 = arith.constant 1 : i32
          %add3A_249 = arith.addi %scan3A_34, %add3A_248 : i32
          %mul3A_250 = arith.constant 8 : i32
          %mul3A_251 = arith.muli %add3A_249, %mul3A_250 : i32
          %add3A_252 = arith.addi %add3A_15, %mul3A_251 : i32
          %dma_start3A_253 = arith.constant 0 : i32
          %dma_start3A_254 = arith.constant 0 : i32
          %dma_start3A_255 = tpu.memref_slice %arg7[%rem3A_39, %dma_start3A_253, %dma_start3A_254] : memref<2x8x128xi32, #tpu.memory_space<vmem>> -> memref<1x8x128xi32, #tpu.memory_space<vmem>>
          %dma_start3A_256 = tpu.memref_squeeze %dma_start3A_255 : memref<1x8x128xi32, #tpu.memory_space<vmem>> -> memref<8x128xi32, #tpu.memory_space<vmem>>
          %dma_start3A_257 = arith.constant 0 : i32
          %dma_start3A_258 = tpu.memref_slice %arg3[%add3A_252, %dma_start3A_257] : memref<2560x128xi32, #tpu.memory_space<hbm>> -> memref<8x128xi32, #tpu.memory_space<hbm>>
          %dma_start3A_259 = arith.constant 0 : i32
          %dma_start3A_260 = arith.constant 0 : i32
          %dma_start3A_261 = tpu.memref_slice %arg7[%rem3A_39, %dma_start3A_259, %dma_start3A_260] : memref<2x8x128xi32, #tpu.memory_space<vmem>> -> memref<1x8x128xi32, #tpu.memory_space<vmem>>
          %dma_start3A_262 = tpu.memref_squeeze %dma_start3A_261 : memref<1x8x128xi32, #tpu.memory_space<vmem>> -> memref<8x128xi32, #tpu.memory_space<vmem>>
          %dma_start3A_263 = arith.constant 0 : i32
          %dma_start3A_264 = tpu.memref_slice %arg3[%add3A_252, %dma_start3A_263] : memref<2560x128xi32, #tpu.memory_space<hbm>> -> memref<8x128xi32, #tpu.memory_space<hbm>>
          tpu.enqueue_dma source(%dma_start3A_264 : memref<8x128xi32, #tpu.memory_space<hbm>>) target(%dma_start3A_262 : memref<8x128xi32, #tpu.memory_space<vmem>>) target_semaphore(%arg12 : memref<!tpu.dma_semaphore, #tpu.memory_space<semaphore_mem>>)
          %dma_start3A_265 = arith.constant 0 : i32
          %dma_start3A_266 = arith.constant 0 : i32
          %dma_start3A_267 = tpu.memref_slice %arg8[%rem3A_39, %dma_start3A_265, %dma_start3A_266] : memref<2x8x128xi32, #tpu.memory_space<vmem>> -> memref<1x8x128xi32, #tpu.memory_space<vmem>>
          %dma_start3A_268 = tpu.memref_squeeze %dma_start3A_267 : memref<1x8x128xi32, #tpu.memory_space<vmem>> -> memref<8x128xi32, #tpu.memory_space<vmem>>
          %dma_start3A_269 = arith.constant 0 : i32
          %dma_start3A_270 = tpu.memref_slice %arg4[%add3A_252, %dma_start3A_269] : memref<2560x128xi32, #tpu.memory_space<hbm>> -> memref<8x128xi32, #tpu.memory_space<hbm>>
          %dma_start3A_271 = arith.constant 0 : i32
          %dma_start3A_272 = arith.constant 0 : i32
          %dma_start3A_273 = tpu.memref_slice %arg8[%rem3A_39, %dma_start3A_271, %dma_start3A_272] : memref<2x8x128xi32, #tpu.memory_space<vmem>> -> memref<1x8x128xi32, #tpu.memory_space<vmem>>
          %dma_start3A_274 = tpu.memref_squeeze %dma_start3A_273 : memref<1x8x128xi32, #tpu.memory_space<vmem>> -> memref<8x128xi32, #tpu.memory_space<vmem>>
          %dma_start3A_275 = arith.constant 0 : i32
          %dma_start3A_276 = tpu.memref_slice %arg4[%add3A_252, %dma_start3A_275] : memref<2560x128xi32, #tpu.memory_space<hbm>> -> memref<8x128xi32, #tpu.memory_space<hbm>>
          tpu.enqueue_dma source(%dma_start3A_276 : memref<8x128xi32, #tpu.memory_space<hbm>>) target(%dma_start3A_274 : memref<8x128xi32, #tpu.memory_space<vmem>>) target_semaphore(%arg12 : memref<!tpu.dma_semaphore, #tpu.memory_space<semaphore_mem>>)
        } else {
        }
        %dma_wait3A = arith.constant 0 : i32
        %dma_wait3A_46 = arith.constant 0 : i32
        %dma_wait3A_47 = arith.constant 0 : i32
        %dma_wait3A_48 = arith.constant 0 : i32
        %dma_wait3A_49 = tpu.memref_slice %arg9[%dma_wait3A_46, %dma_wait3A_47, %dma_wait3A_48] : memref<2x128x128xf32, #tpu.memory_space<vmem>> -> memref<1x128x128xf32, #tpu.memory_space<vmem>>
        %dma_wait3A_50 = tpu.memref_squeeze %dma_wait3A_49 : memref<1x128x128xf32, #tpu.memory_space<vmem>> -> memref<128x128xf32, #tpu.memory_space<vmem>>
        %dma_wait3A_51 = arith.constant 0 : i32
        %dma_wait3A_52 = tpu.memref_slice %arg7[%rem3A_35, %dma_wait3A, %dma_wait3A_51] : memref<2x8x128xi32, #tpu.memory_space<vmem>> -> memref<1x1x128xi32, #tpu.memory_space<vmem>>
        %dma_wait3A_53 = tpu.memref_squeeze %dma_wait3A_52 : memref<1x1x128xi32, #tpu.memory_space<vmem>> -> memref<128xi32, #tpu.memory_space<vmem>>
        %dma_wait3A_54 = arith.constant 0 : i32
        %dma_wait3A_55 = arith.constant 0 : i32
        %dma_wait3A_56 = tpu.memref_slice %arg2[%dma_wait3A_54, %dma_wait3A_55] : memref<10240x128xf32, #tpu.memory_space<hbm>> -> memref<10240x128xf32, #tpu.memory_space<hbm>>
        tpu.wait_indirect_dma semaphore(%arg11 : memref<!tpu.dma_semaphore, #tpu.memory_space<semaphore_mem>>) src(%dma_wait3A_56 : memref<10240x128xf32, #tpu.memory_space<hbm>>) dst(%dma_wait3A_50 : memref<128x128xf32, #tpu.memory_space<vmem>>)
        %dma_start3A_57 = arith.constant 1 : i32
        %dma_start3A_58 = arith.constant 1 : i32
        %dma_start3A_59 = arith.constant 0 : i32
        %dma_start3A_60 = arith.constant 0 : i32
        %dma_start3A_61 = tpu.memref_slice %arg9[%dma_start3A_58, %dma_start3A_59, %dma_start3A_60] : memref<2x128x128xf32, #tpu.memory_space<vmem>> -> memref<1x128x128xf32, #tpu.memory_space<vmem>>
        %dma_start3A_62 = tpu.memref_squeeze %dma_start3A_61 : memref<1x128x128xf32, #tpu.memory_space<vmem>> -> memref<128x128xf32, #tpu.memory_space<vmem>>
        %dma_start3A_63 = arith.constant 0 : i32
        %dma_start3A_64 = tpu.memref_slice %arg7[%rem3A_35, %dma_start3A_57, %dma_start3A_63] : memref<2x8x128xi32, #tpu.memory_space<vmem>> -> memref<1x1x128xi32, #tpu.memory_space<vmem>>
        %dma_start3A_65 = tpu.memref_squeeze %dma_start3A_64 : memref<1x1x128xi32, #tpu.memory_space<vmem>> -> memref<128xi32, #tpu.memory_space<vmem>>
        %dma_start3A_66 = arith.constant 0 : i32
        %dma_start3A_67 = arith.constant 0 : i32
        %dma_start3A_68 = tpu.memref_slice %arg2[%dma_start3A_66, %dma_start3A_67] : memref<10240x128xf32, #tpu.memory_space<hbm>> -> memref<10240x128xf32, #tpu.memory_space<hbm>>
        tpu.enqueue_indirect_dma source(%dma_start3A_68 : memref<10240x128xf32, #tpu.memory_space<hbm>>) target(%dma_start3A_62 : memref<128x128xf32, #tpu.memory_space<vmem>>) offsets(%dma_start3A_65 : memref<128xi32, #tpu.memory_space<vmem>>) semaphore(%arg11 : memref<!tpu.dma_semaphore, #tpu.memory_space<semaphore_mem>>)
        %run_scoped3A_69 = arith.constant 0 : i32
        %run_scoped3A_70 = arith.constant 0 : i32
        "tpu.region"() ({
          %run_scoped3A_248 = tpu.sem_alloc : memref<!tpu.dma_semaphore, #tpu.memory_space<semaphore_mem>>
          %dma_start3A_249 = arith.constant 0 : i32
          %dma_start3A_250 = arith.constant 0 : i32
          %dma_start3A_251 = tpu.memref_slice %arg9[%run_scoped3A_69, %dma_start3A_249, %dma_start3A_250] : memref<2x128x128xf32, #tpu.memory_space<vmem>> -> memref<1x128x128xf32, #tpu.memory_space<vmem>>
          %dma_start3A_252 = tpu.memref_squeeze %dma_start3A_251 : memref<1x128x128xf32, #tpu.memory_space<vmem>> -> memref<128x128xf32, #tpu.memory_space<vmem>>
          %dma_start3A_253 = arith.constant 0 : i32
          %dma_start3A_254 = tpu.memref_slice %arg8[%rem3A_35, %run_scoped3A_70, %dma_start3A_253] : memref<2x8x128xi32, #tpu.memory_space<vmem>> -> memref<1x1x128xi32, #tpu.memory_space<vmem>>
          %dma_start3A_255 = tpu.memref_squeeze %dma_start3A_254 : memref<1x1x128xi32, #tpu.memory_space<vmem>> -> memref<128xi32, #tpu.memory_space<vmem>>
          %dma_start3A_256 = arith.constant 0 : i32
          %dma_start3A_257 = arith.constant 0 : i32
          %dma_start3A_258 = tpu.memref_slice %arg10[%dma_start3A_256, %dma_start3A_257] : memref<10240x128xf32, #tpu.memory_space<vmem_shared>> -> memref<10240x128xf32, #tpu.memory_space<vmem_shared>>
          tpu.enqueue_indirect_dma source(%dma_start3A_252 : memref<128x128xf32, #tpu.memory_space<vmem>>) target(%dma_start3A_258 : memref<10240x128xf32, #tpu.memory_space<vmem_shared>>) offsets(%dma_start3A_255 : memref<128xi32, #tpu.memory_space<vmem>>) semaphore(%run_scoped3A_248 : memref<!tpu.dma_semaphore, #tpu.memory_space<semaphore_mem>>) {add = true}
          %dma_wait3A_259 = arith.constant 0 : i32
          %dma_wait3A_260 = arith.constant 0 : i32
          %dma_wait3A_261 = tpu.memref_slice %arg9[%run_scoped3A_69, %dma_wait3A_259, %dma_wait3A_260] : memref<2x128x128xf32, #tpu.memory_space<vmem>> -> memref<1x128x128xf32, #tpu.memory_space<vmem>>
          %dma_wait3A_262 = tpu.memref_squeeze %dma_wait3A_261 : memref<1x128x128xf32, #tpu.memory_space<vmem>> -> memref<128x128xf32, #tpu.memory_space<vmem>>
          %dma_wait3A_263 = arith.constant 0 : i32
          %dma_wait3A_264 = tpu.memref_slice %arg8[%rem3A_35, %run_scoped3A_70, %dma_wait3A_263] : memref<2x8x128xi32, #tpu.memory_space<vmem>> -> memref<1x1x128xi32, #tpu.memory_space<vmem>>
          %dma_wait3A_265 = tpu.memref_squeeze %dma_wait3A_264 : memref<1x1x128xi32, #tpu.memory_space<vmem>> -> memref<128xi32, #tpu.memory_space<vmem>>
          %dma_wait3A_266 = arith.constant 0 : i32
          %dma_wait3A_267 = arith.constant 0 : i32
          %dma_wait3A_268 = tpu.memref_slice %arg10[%dma_wait3A_266, %dma_wait3A_267] : memref<10240x128xf32, #tpu.memory_space<vmem_shared>> -> memref<10240x128xf32, #tpu.memory_space<vmem_shared>>
          tpu.wait_indirect_dma semaphore(%run_scoped3A_248 : memref<!tpu.dma_semaphore, #tpu.memory_space<semaphore_mem>>) src(%dma_wait3A_262 : memref<128x128xf32, #tpu.memory_space<vmem>>) dst(%dma_wait3A_268 : memref<10240x128xf32, #tpu.memory_space<vmem_shared>>)
          tpu.yield
        }) : () -> ()
        %dma_wait3A_71 = arith.constant 1 : i32
        %dma_wait3A_72 = arith.constant 1 : i32
        %dma_wait3A_73 = arith.constant 0 : i32
        %dma_wait3A_74 = arith.constant 0 : i32
        %dma_wait3A_75 = tpu.memref_slice %arg9[%dma_wait3A_72, %dma_wait3A_73, %dma_wait3A_74] : memref<2x128x128xf32, #tpu.memory_space<vmem>> -> memref<1x128x128xf32, #tpu.memory_space<vmem>>
        %dma_wait3A_76 = tpu.memref_squeeze %dma_wait3A_75 : memref<1x128x128xf32, #tpu.memory_space<vmem>> -> memref<128x128xf32, #tpu.memory_space<vmem>>
        %dma_wait3A_77 = arith.constant 0 : i32
        %dma_wait3A_78 = tpu.memref_slice %arg7[%rem3A_35, %dma_wait3A_71, %dma_wait3A_77] : memref<2x8x128xi32, #tpu.memory_space<vmem>> -> memref<1x1x128xi32, #tpu.memory_space<vmem>>
        %dma_wait3A_79 = tpu.memref_squeeze %dma_wait3A_78 : memref<1x1x128xi32, #tpu.memory_space<vmem>> -> memref<128xi32, #tpu.memory_space<vmem>>
        %dma_wait3A_80 = arith.constant 0 : i32
        %dma_wait3A_81 = arith.constant 0 : i32
        %dma_wait3A_82 = tpu.memref_slice %arg2[%dma_wait3A_80, %dma_wait3A_81] : memref<10240x128xf32, #tpu.memory_space<hbm>> -> memref<10240x128xf32, #tpu.memory_space<hbm>>
        tpu.wait_indirect_dma semaphore(%arg11 : memref<!tpu.dma_semaphore, #tpu.memory_space<semaphore_mem>>) src(%dma_wait3A_82 : memref<10240x128xf32, #tpu.memory_space<hbm>>) dst(%dma_wait3A_76 : memref<128x128xf32, #tpu.memory_space<vmem>>)
        %dma_start3A_83 = arith.constant 2 : i32
        %dma_start3A_84 = arith.constant 0 : i32
        %dma_start3A_85 = arith.constant 0 : i32
        %dma_start3A_86 = arith.constant 0 : i32
        %dma_start3A_87 = tpu.memref_slice %arg9[%dma_start3A_84, %dma_start3A_85, %dma_start3A_86] : memref<2x128x128xf32, #tpu.memory_space<vmem>> -> memref<1x128x128xf32, #tpu.memory_space<vmem>>
        %dma_start3A_88 = tpu.memref_squeeze %dma_start3A_87 : memref<1x128x128xf32, #tpu.memory_space<vmem>> -> memref<128x128xf32, #tpu.memory_space<vmem>>
        %dma_start3A_89 = arith.constant 0 : i32
        %dma_start3A_90 = tpu.memref_slice %arg7[%rem3A_35, %dma_start3A_83, %dma_start3A_89] : memref<2x8x128xi32, #tpu.memory_space<vmem>> -> memref<1x1x128xi32, #tpu.memory_space<vmem>>
        %dma_start3A_91 = tpu.memref_squeeze %dma_start3A_90 : memref<1x1x128xi32, #tpu.memory_space<vmem>> -> memref<128xi32, #tpu.memory_space<vmem>>
        %dma_start3A_92 = arith.constant 0 : i32
        %dma_start3A_93 = arith.constant 0 : i32
        %dma_start3A_94 = tpu.memref_slice %arg2[%dma_start3A_92, %dma_start3A_93] : memref<10240x128xf32, #tpu.memory_space<hbm>> -> memref<10240x128xf32, #tpu.memory_space<hbm>>
        tpu.enqueue_indirect_dma source(%dma_start3A_94 : memref<10240x128xf32, #tpu.memory_space<hbm>>) target(%dma_start3A_88 : memref<128x128xf32, #tpu.memory_space<vmem>>) offsets(%dma_start3A_91 : memref<128xi32, #tpu.memory_space<vmem>>) semaphore(%arg11 : memref<!tpu.dma_semaphore, #tpu.memory_space<semaphore_mem>>)
        %run_scoped3A_95 = arith.constant 1 : i32
        %run_scoped3A_96 = arith.constant 1 : i32
        "tpu.region"() ({
          %run_scoped3A_248 = tpu.sem_alloc : memref<!tpu.dma_semaphore, #tpu.memory_space<semaphore_mem>>
          %dma_start3A_249 = arith.constant 0 : i32
          %dma_start3A_250 = arith.constant 0 : i32
          %dma_start3A_251 = tpu.memref_slice %arg9[%run_scoped3A_95, %dma_start3A_249, %dma_start3A_250] : memref<2x128x128xf32, #tpu.memory_space<vmem>> -> memref<1x128x128xf32, #tpu.memory_space<vmem>>
          %dma_start3A_252 = tpu.memref_squeeze %dma_start3A_251 : memref<1x128x128xf32, #tpu.memory_space<vmem>> -> memref<128x128xf32, #tpu.memory_space<vmem>>
          %dma_start3A_253 = arith.constant 0 : i32
          %dma_start3A_254 = tpu.memref_slice %arg8[%rem3A_35, %run_scoped3A_96, %dma_start3A_253] : memref<2x8x128xi32, #tpu.memory_space<vmem>> -> memref<1x1x128xi32, #tpu.memory_space<vmem>>
          %dma_start3A_255 = tpu.memref_squeeze %dma_start3A_254 : memref<1x1x128xi32, #tpu.memory_space<vmem>> -> memref<128xi32, #tpu.memory_space<vmem>>
          %dma_start3A_256 = arith.constant 0 : i32
          %dma_start3A_257 = arith.constant 0 : i32
          %dma_start3A_258 = tpu.memref_slice %arg10[%dma_start3A_256, %dma_start3A_257] : memref<10240x128xf32, #tpu.memory_space<vmem_shared>> -> memref<10240x128xf32, #tpu.memory_space<vmem_shared>>
          tpu.enqueue_indirect_dma source(%dma_start3A_252 : memref<128x128xf32, #tpu.memory_space<vmem>>) target(%dma_start3A_258 : memref<10240x128xf32, #tpu.memory_space<vmem_shared>>) offsets(%dma_start3A_255 : memref<128xi32, #tpu.memory_space<vmem>>) semaphore(%run_scoped3A_248 : memref<!tpu.dma_semaphore, #tpu.memory_space<semaphore_mem>>) {add = true}
          %dma_wait3A_259 = arith.constant 0 : i32
          %dma_wait3A_260 = arith.constant 0 : i32
          %dma_wait3A_261 = tpu.memref_slice %arg9[%run_scoped3A_95, %dma_wait3A_259, %dma_wait3A_260] : memref<2x128x128xf32, #tpu.memory_space<vmem>> -> memref<1x128x128xf32, #tpu.memory_space<vmem>>
          %dma_wait3A_262 = tpu.memref_squeeze %dma_wait3A_261 : memref<1x128x128xf32, #tpu.memory_space<vmem>> -> memref<128x128xf32, #tpu.memory_space<vmem>>
          %dma_wait3A_263 = arith.constant 0 : i32
          %dma_wait3A_264 = tpu.memref_slice %arg8[%rem3A_35, %run_scoped3A_96, %dma_wait3A_263] : memref<2x8x128xi32, #tpu.memory_space<vmem>> -> memref<1x1x128xi32, #tpu.memory_space<vmem>>
          %dma_wait3A_265 = tpu.memref_squeeze %dma_wait3A_264 : memref<1x1x128xi32, #tpu.memory_space<vmem>> -> memref<128xi32, #tpu.memory_space<vmem>>
          %dma_wait3A_266 = arith.constant 0 : i32
          %dma_wait3A_267 = arith.constant 0 : i32
          %dma_wait3A_268 = tpu.memref_slice %arg10[%dma_wait3A_266, %dma_wait3A_267] : memref<10240x128xf32, #tpu.memory_space<vmem_shared>> -> memref<10240x128xf32, #tpu.memory_space<vmem_shared>>
          tpu.wait_indirect_dma semaphore(%run_scoped3A_248 : memref<!tpu.dma_semaphore, #tpu.memory_space<semaphore_mem>>) src(%dma_wait3A_262 : memref<128x128xf32, #tpu.memory_space<vmem>>) dst(%dma_wait3A_268 : memref<10240x128xf32, #tpu.memory_space<vmem_shared>>)
          tpu.yield
        }) : () -> ()
        %dma_wait3A_97 = arith.constant 2 : i32
        %dma_wait3A_98 = arith.constant 0 : i32
        %dma_wait3A_99 = arith.constant 0 : i32
        %dma_wait3A_100 = arith.constant 0 : i32
        %dma_wait3A_101 = tpu.memref_slice %arg9[%dma_wait3A_98, %dma_wait3A_99, %dma_wait3A_100] : memref<2x128x128xf32, #tpu.memory_space<vmem>> -> memref<1x128x128xf32, #tpu.memory_space<vmem>>
        %dma_wait3A_102 = tpu.memref_squeeze %dma_wait3A_101 : memref<1x128x128xf32, #tpu.memory_space<vmem>> -> memref<128x128xf32, #tpu.memory_space<vmem>>
        %dma_wait3A_103 = arith.constant 0 : i32
        %dma_wait3A_104 = tpu.memref_slice %arg7[%rem3A_35, %dma_wait3A_97, %dma_wait3A_103] : memref<2x8x128xi32, #tpu.memory_space<vmem>> -> memref<1x1x128xi32, #tpu.memory_space<vmem>>
        %dma_wait3A_105 = tpu.memref_squeeze %dma_wait3A_104 : memref<1x1x128xi32, #tpu.memory_space<vmem>> -> memref<128xi32, #tpu.memory_space<vmem>>
        %dma_wait3A_106 = arith.constant 0 : i32
        %dma_wait3A_107 = arith.constant 0 : i32
        %dma_wait3A_108 = tpu.memref_slice %arg2[%dma_wait3A_106, %dma_wait3A_107] : memref<10240x128xf32, #tpu.memory_space<hbm>> -> memref<10240x128xf32, #tpu.memory_space<hbm>>
        tpu.wait_indirect_dma semaphore(%arg11 : memref<!tpu.dma_semaphore, #tpu.memory_space<semaphore_mem>>) src(%dma_wait3A_108 : memref<10240x128xf32, #tpu.memory_space<hbm>>) dst(%dma_wait3A_102 : memref<128x128xf32, #tpu.memory_space<vmem>>)
        %dma_start3A_109 = arith.constant 3 : i32
        %dma_start3A_110 = arith.constant 1 : i32
        %dma_start3A_111 = arith.constant 0 : i32
        %dma_start3A_112 = arith.constant 0 : i32
        %dma_start3A_113 = tpu.memref_slice %arg9[%dma_start3A_110, %dma_start3A_111, %dma_start3A_112] : memref<2x128x128xf32, #tpu.memory_space<vmem>> -> memref<1x128x128xf32, #tpu.memory_space<vmem>>
        %dma_start3A_114 = tpu.memref_squeeze %dma_start3A_113 : memref<1x128x128xf32, #tpu.memory_space<vmem>> -> memref<128x128xf32, #tpu.memory_space<vmem>>
        %dma_start3A_115 = arith.constant 0 : i32
        %dma_start3A_116 = tpu.memref_slice %arg7[%rem3A_35, %dma_start3A_109, %dma_start3A_115] : memref<2x8x128xi32, #tpu.memory_space<vmem>> -> memref<1x1x128xi32, #tpu.memory_space<vmem>>
        %dma_start3A_117 = tpu.memref_squeeze %dma_start3A_116 : memref<1x1x128xi32, #tpu.memory_space<vmem>> -> memref<128xi32, #tpu.memory_space<vmem>>
        %dma_start3A_118 = arith.constant 0 : i32
        %dma_start3A_119 = arith.constant 0 : i32
        %dma_start3A_120 = tpu.memref_slice %arg2[%dma_start3A_118, %dma_start3A_119] : memref<10240x128xf32, #tpu.memory_space<hbm>> -> memref<10240x128xf32, #tpu.memory_space<hbm>>
        tpu.enqueue_indirect_dma source(%dma_start3A_120 : memref<10240x128xf32, #tpu.memory_space<hbm>>) target(%dma_start3A_114 : memref<128x128xf32, #tpu.memory_space<vmem>>) offsets(%dma_start3A_117 : memref<128xi32, #tpu.memory_space<vmem>>) semaphore(%arg11 : memref<!tpu.dma_semaphore, #tpu.memory_space<semaphore_mem>>)
        %run_scoped3A_121 = arith.constant 0 : i32
        %run_scoped3A_122 = arith.constant 2 : i32
        "tpu.region"() ({
          %run_scoped3A_248 = tpu.sem_alloc : memref<!tpu.dma_semaphore, #tpu.memory_space<semaphore_mem>>
          %dma_start3A_249 = arith.constant 0 : i32
          %dma_start3A_250 = arith.constant 0 : i32
          %dma_start3A_251 = tpu.memref_slice %arg9[%run_scoped3A_121, %dma_start3A_249, %dma_start3A_250] : memref<2x128x128xf32, #tpu.memory_space<vmem>> -> memref<1x128x128xf32, #tpu.memory_space<vmem>>
          %dma_start3A_252 = tpu.memref_squeeze %dma_start3A_251 : memref<1x128x128xf32, #tpu.memory_space<vmem>> -> memref<128x128xf32, #tpu.memory_space<vmem>>
          %dma_start3A_253 = arith.constant 0 : i32
          %dma_start3A_254 = tpu.memref_slice %arg8[%rem3A_35, %run_scoped3A_122, %dma_start3A_253] : memref<2x8x128xi32, #tpu.memory_space<vmem>> -> memref<1x1x128xi32, #tpu.memory_space<vmem>>
          %dma_start3A_255 = tpu.memref_squeeze %dma_start3A_254 : memref<1x1x128xi32, #tpu.memory_space<vmem>> -> memref<128xi32, #tpu.memory_space<vmem>>
          %dma_start3A_256 = arith.constant 0 : i32
          %dma_start3A_257 = arith.constant 0 : i32
          %dma_start3A_258 = tpu.memref_slice %arg10[%dma_start3A_256, %dma_start3A_257] : memref<10240x128xf32, #tpu.memory_space<vmem_shared>> -> memref<10240x128xf32, #tpu.memory_space<vmem_shared>>
          tpu.enqueue_indirect_dma source(%dma_start3A_252 : memref<128x128xf32, #tpu.memory_space<vmem>>) target(%dma_start3A_258 : memref<10240x128xf32, #tpu.memory_space<vmem_shared>>) offsets(%dma_start3A_255 : memref<128xi32, #tpu.memory_space<vmem>>) semaphore(%run_scoped3A_248 : memref<!tpu.dma_semaphore, #tpu.memory_space<semaphore_mem>>) {add = true}
          %dma_wait3A_259 = arith.constant 0 : i32
          %dma_wait3A_260 = arith.constant 0 : i32
          %dma_wait3A_261 = tpu.memref_slice %arg9[%run_scoped3A_121, %dma_wait3A_259, %dma_wait3A_260] : memref<2x128x128xf32, #tpu.memory_space<vmem>> -> memref<1x128x128xf32, #tpu.memory_space<vmem>>
          %dma_wait3A_262 = tpu.memref_squeeze %dma_wait3A_261 : memref<1x128x128xf32, #tpu.memory_space<vmem>> -> memref<128x128xf32, #tpu.memory_space<vmem>>
          %dma_wait3A_263 = arith.constant 0 : i32
          %dma_wait3A_264 = tpu.memref_slice %arg8[%rem3A_35, %run_scoped3A_122, %dma_wait3A_263] : memref<2x8x128xi32, #tpu.memory_space<vmem>> -> memref<1x1x128xi32, #tpu.memory_space<vmem>>
          %dma_wait3A_265 = tpu.memref_squeeze %dma_wait3A_264 : memref<1x1x128xi32, #tpu.memory_space<vmem>> -> memref<128xi32, #tpu.memory_space<vmem>>
          %dma_wait3A_266 = arith.constant 0 : i32
          %dma_wait3A_267 = arith.constant 0 : i32
          %dma_wait3A_268 = tpu.memref_slice %arg10[%dma_wait3A_266, %dma_wait3A_267] : memref<10240x128xf32, #tpu.memory_space<vmem_shared>> -> memref<10240x128xf32, #tpu.memory_space<vmem_shared>>
          tpu.wait_indirect_dma semaphore(%run_scoped3A_248 : memref<!tpu.dma_semaphore, #tpu.memory_space<semaphore_mem>>) src(%dma_wait3A_262 : memref<128x128xf32, #tpu.memory_space<vmem>>) dst(%dma_wait3A_268 : memref<10240x128xf32, #tpu.memory_space<vmem_shared>>)
          tpu.yield
        }) : () -> ()
        %dma_wait3A_123 = arith.constant 3 : i32
        %dma_wait3A_124 = arith.constant 1 : i32
        %dma_wait3A_125 = arith.constant 0 : i32
        %dma_wait3A_126 = arith.constant 0 : i32
        %dma_wait3A_127 = tpu.memref_slice %arg9[%dma_wait3A_124, %dma_wait3A_125, %dma_wait3A_126] : memref<2x128x128xf32, #tpu.memory_space<vmem>> -> memref<1x128x128xf32, #tpu.memory_space<vmem>>
        %dma_wait3A_128 = tpu.memref_squeeze %dma_wait3A_127 : memref<1x128x128xf32, #tpu.memory_space<vmem>> -> memref<128x128xf32, #tpu.memory_space<vmem>>
        %dma_wait3A_129 = arith.constant 0 : i32
        %dma_wait3A_130 = tpu.memref_slice %arg7[%rem3A_35, %dma_wait3A_123, %dma_wait3A_129] : memref<2x8x128xi32, #tpu.memory_space<vmem>> -> memref<1x1x128xi32, #tpu.memory_space<vmem>>
        %dma_wait3A_131 = tpu.memref_squeeze %dma_wait3A_130 : memref<1x1x128xi32, #tpu.memory_space<vmem>> -> memref<128xi32, #tpu.memory_space<vmem>>
        %dma_wait3A_132 = arith.constant 0 : i32
        %dma_wait3A_133 = arith.constant 0 : i32
        %dma_wait3A_134 = tpu.memref_slice %arg2[%dma_wait3A_132, %dma_wait3A_133] : memref<10240x128xf32, #tpu.memory_space<hbm>> -> memref<10240x128xf32, #tpu.memory_space<hbm>>
        tpu.wait_indirect_dma semaphore(%arg11 : memref<!tpu.dma_semaphore, #tpu.memory_space<semaphore_mem>>) src(%dma_wait3A_134 : memref<10240x128xf32, #tpu.memory_space<hbm>>) dst(%dma_wait3A_128 : memref<128x128xf32, #tpu.memory_space<vmem>>)
        %dma_start3A_135 = arith.constant 4 : i32
        %dma_start3A_136 = arith.constant 0 : i32
        %dma_start3A_137 = arith.constant 0 : i32
        %dma_start3A_138 = arith.constant 0 : i32
        %dma_start3A_139 = tpu.memref_slice %arg9[%dma_start3A_136, %dma_start3A_137, %dma_start3A_138] : memref<2x128x128xf32, #tpu.memory_space<vmem>> -> memref<1x128x128xf32, #tpu.memory_space<vmem>>
        %dma_start3A_140 = tpu.memref_squeeze %dma_start3A_139 : memref<1x128x128xf32, #tpu.memory_space<vmem>> -> memref<128x128xf32, #tpu.memory_space<vmem>>
        %dma_start3A_141 = arith.constant 0 : i32
        %dma_start3A_142 = tpu.memref_slice %arg7[%rem3A_35, %dma_start3A_135, %dma_start3A_141] : memref<2x8x128xi32, #tpu.memory_space<vmem>> -> memref<1x1x128xi32, #tpu.memory_space<vmem>>
        %dma_start3A_143 = tpu.memref_squeeze %dma_start3A_142 : memref<1x1x128xi32, #tpu.memory_space<vmem>> -> memref<128xi32, #tpu.memory_space<vmem>>
        %dma_start3A_144 = arith.constant 0 : i32
        %dma_start3A_145 = arith.constant 0 : i32
        %dma_start3A_146 = tpu.memref_slice %arg2[%dma_start3A_144, %dma_start3A_145] : memref<10240x128xf32, #tpu.memory_space<hbm>> -> memref<10240x128xf32, #tpu.memory_space<hbm>>
        tpu.enqueue_indirect_dma source(%dma_start3A_146 : memref<10240x128xf32, #tpu.memory_space<hbm>>) target(%dma_start3A_140 : memref<128x128xf32, #tpu.memory_space<vmem>>) offsets(%dma_start3A_143 : memref<128xi32, #tpu.memory_space<vmem>>) semaphore(%arg11 : memref<!tpu.dma_semaphore, #tpu.memory_space<semaphore_mem>>)
        %run_scoped3A_147 = arith.constant 1 : i32
        %run_scoped3A_148 = arith.constant 3 : i32
        "tpu.region"() ({
          %run_scoped3A_248 = tpu.sem_alloc : memref<!tpu.dma_semaphore, #tpu.memory_space<semaphore_mem>>
          %dma_start3A_249 = arith.constant 0 : i32
          %dma_start3A_250 = arith.constant 0 : i32
          %dma_start3A_251 = tpu.memref_slice %arg9[%run_scoped3A_147, %dma_start3A_249, %dma_start3A_250] : memref<2x128x128xf32, #tpu.memory_space<vmem>> -> memref<1x128x128xf32, #tpu.memory_space<vmem>>
          %dma_start3A_252 = tpu.memref_squeeze %dma_start3A_251 : memref<1x128x128xf32, #tpu.memory_space<vmem>> -> memref<128x128xf32, #tpu.memory_space<vmem>>
          %dma_start3A_253 = arith.constant 0 : i32
          %dma_start3A_254 = tpu.memref_slice %arg8[%rem3A_35, %run_scoped3A_148, %dma_start3A_253] : memref<2x8x128xi32, #tpu.memory_space<vmem>> -> memref<1x1x128xi32, #tpu.memory_space<vmem>>
          %dma_start3A_255 = tpu.memref_squeeze %dma_start3A_254 : memref<1x1x128xi32, #tpu.memory_space<vmem>> -> memref<128xi32, #tpu.memory_space<vmem>>
          %dma_start3A_256 = arith.constant 0 : i32
          %dma_start3A_257 = arith.constant 0 : i32
          %dma_start3A_258 = tpu.memref_slice %arg10[%dma_start3A_256, %dma_start3A_257] : memref<10240x128xf32, #tpu.memory_space<vmem_shared>> -> memref<10240x128xf32, #tpu.memory_space<vmem_shared>>
          tpu.enqueue_indirect_dma source(%dma_start3A_252 : memref<128x128xf32, #tpu.memory_space<vmem>>) target(%dma_start3A_258 : memref<10240x128xf32, #tpu.memory_space<vmem_shared>>) offsets(%dma_start3A_255 : memref<128xi32, #tpu.memory_space<vmem>>) semaphore(%run_scoped3A_248 : memref<!tpu.dma_semaphore, #tpu.memory_space<semaphore_mem>>) {add = true}
          %dma_wait3A_259 = arith.constant 0 : i32
          %dma_wait3A_260 = arith.constant 0 : i32
          %dma_wait3A_261 = tpu.memref_slice %arg9[%run_scoped3A_147, %dma_wait3A_259, %dma_wait3A_260] : memref<2x128x128xf32, #tpu.memory_space<vmem>> -> memref<1x128x128xf32, #tpu.memory_space<vmem>>
          %dma_wait3A_262 = tpu.memref_squeeze %dma_wait3A_261 : memref<1x128x128xf32, #tpu.memory_space<vmem>> -> memref<128x128xf32, #tpu.memory_space<vmem>>
          %dma_wait3A_263 = arith.constant 0 : i32
          %dma_wait3A_264 = tpu.memref_slice %arg8[%rem3A_35, %run_scoped3A_148, %dma_wait3A_263] : memref<2x8x128xi32, #tpu.memory_space<vmem>> -> memref<1x1x128xi32, #tpu.memory_space<vmem>>
          %dma_wait3A_265 = tpu.memref_squeeze %dma_wait3A_264 : memref<1x1x128xi32, #tpu.memory_space<vmem>> -> memref<128xi32, #tpu.memory_space<vmem>>
          %dma_wait3A_266 = arith.constant 0 : i32
          %dma_wait3A_267 = arith.constant 0 : i32
          %dma_wait3A_268 = tpu.memref_slice %arg10[%dma_wait3A_266, %dma_wait3A_267] : memref<10240x128xf32, #tpu.memory_space<vmem_shared>> -> memref<10240x128xf32, #tpu.memory_space<vmem_shared>>
          tpu.wait_indirect_dma semaphore(%run_scoped3A_248 : memref<!tpu.dma_semaphore, #tpu.memory_space<semaphore_mem>>) src(%dma_wait3A_262 : memref<128x128xf32, #tpu.memory_space<vmem>>) dst(%dma_wait3A_268 : memref<10240x128xf32, #tpu.memory_space<vmem_shared>>)
          tpu.yield
        }) : () -> ()
        %dma_wait3A_149 = arith.constant 4 : i32
        %dma_wait3A_150 = arith.constant 0 : i32
        %dma_wait3A_151 = arith.constant 0 : i32
        %dma_wait3A_152 = arith.constant 0 : i32
        %dma_wait3A_153 = tpu.memref_slice %arg9[%dma_wait3A_150, %dma_wait3A_151, %dma_wait3A_152] : memref<2x128x128xf32, #tpu.memory_space<vmem>> -> memref<1x128x128xf32, #tpu.memory_space<vmem>>
        %dma_wait3A_154 = tpu.memref_squeeze %dma_wait3A_153 : memref<1x128x128xf32, #tpu.memory_space<vmem>> -> memref<128x128xf32, #tpu.memory_space<vmem>>
        %dma_wait3A_155 = arith.constant 0 : i32
        %dma_wait3A_156 = tpu.memref_slice %arg7[%rem3A_35, %dma_wait3A_149, %dma_wait3A_155] : memref<2x8x128xi32, #tpu.memory_space<vmem>> -> memref<1x1x128xi32, #tpu.memory_space<vmem>>
        %dma_wait3A_157 = tpu.memref_squeeze %dma_wait3A_156 : memref<1x1x128xi32, #tpu.memory_space<vmem>> -> memref<128xi32, #tpu.memory_space<vmem>>
        %dma_wait3A_158 = arith.constant 0 : i32
        %dma_wait3A_159 = arith.constant 0 : i32
        %dma_wait3A_160 = tpu.memref_slice %arg2[%dma_wait3A_158, %dma_wait3A_159] : memref<10240x128xf32, #tpu.memory_space<hbm>> -> memref<10240x128xf32, #tpu.memory_space<hbm>>
        tpu.wait_indirect_dma semaphore(%arg11 : memref<!tpu.dma_semaphore, #tpu.memory_space<semaphore_mem>>) src(%dma_wait3A_160 : memref<10240x128xf32, #tpu.memory_space<hbm>>) dst(%dma_wait3A_154 : memref<128x128xf32, #tpu.memory_space<vmem>>)
        %dma_start3A_161 = arith.constant 5 : i32
        %dma_start3A_162 = arith.constant 1 : i32
        %dma_start3A_163 = arith.constant 0 : i32
        %dma_start3A_164 = arith.constant 0 : i32
        %dma_start3A_165 = tpu.memref_slice %arg9[%dma_start3A_162, %dma_start3A_163, %dma_start3A_164] : memref<2x128x128xf32, #tpu.memory_space<vmem>> -> memref<1x128x128xf32, #tpu.memory_space<vmem>>
        %dma_start3A_166 = tpu.memref_squeeze %dma_start3A_165 : memref<1x128x128xf32, #tpu.memory_space<vmem>> -> memref<128x128xf32, #tpu.memory_space<vmem>>
        %dma_start3A_167 = arith.constant 0 : i32
        %dma_start3A_168 = tpu.memref_slice %arg7[%rem3A_35, %dma_start3A_161, %dma_start3A_167] : memref<2x8x128xi32, #tpu.memory_space<vmem>> -> memref<1x1x128xi32, #tpu.memory_space<vmem>>
        %dma_start3A_169 = tpu.memref_squeeze %dma_start3A_168 : memref<1x1x128xi32, #tpu.memory_space<vmem>> -> memref<128xi32, #tpu.memory_space<vmem>>
        %dma_start3A_170 = arith.constant 0 : i32
        %dma_start3A_171 = arith.constant 0 : i32
        %dma_start3A_172 = tpu.memref_slice %arg2[%dma_start3A_170, %dma_start3A_171] : memref<10240x128xf32, #tpu.memory_space<hbm>> -> memref<10240x128xf32, #tpu.memory_space<hbm>>
        tpu.enqueue_indirect_dma source(%dma_start3A_172 : memref<10240x128xf32, #tpu.memory_space<hbm>>) target(%dma_start3A_166 : memref<128x128xf32, #tpu.memory_space<vmem>>) offsets(%dma_start3A_169 : memref<128xi32, #tpu.memory_space<vmem>>) semaphore(%arg11 : memref<!tpu.dma_semaphore, #tpu.memory_space<semaphore_mem>>)
        %run_scoped3A_173 = arith.constant 0 : i32
        %run_scoped3A_174 = arith.constant 4 : i32
        "tpu.region"() ({
          %run_scoped3A_248 = tpu.sem_alloc : memref<!tpu.dma_semaphore, #tpu.memory_space<semaphore_mem>>
          %dma_start3A_249 = arith.constant 0 : i32
          %dma_start3A_250 = arith.constant 0 : i32
          %dma_start3A_251 = tpu.memref_slice %arg9[%run_scoped3A_173, %dma_start3A_249, %dma_start3A_250] : memref<2x128x128xf32, #tpu.memory_space<vmem>> -> memref<1x128x128xf32, #tpu.memory_space<vmem>>
          %dma_start3A_252 = tpu.memref_squeeze %dma_start3A_251 : memref<1x128x128xf32, #tpu.memory_space<vmem>> -> memref<128x128xf32, #tpu.memory_space<vmem>>
          %dma_start3A_253 = arith.constant 0 : i32
          %dma_start3A_254 = tpu.memref_slice %arg8[%rem3A_35, %run_scoped3A_174, %dma_start3A_253] : memref<2x8x128xi32, #tpu.memory_space<vmem>> -> memref<1x1x128xi32, #tpu.memory_space<vmem>>
          %dma_start3A_255 = tpu.memref_squeeze %dma_start3A_254 : memref<1x1x128xi32, #tpu.memory_space<vmem>> -> memref<128xi32, #tpu.memory_space<vmem>>
          %dma_start3A_256 = arith.constant 0 : i32
          %dma_start3A_257 = arith.constant 0 : i32
          %dma_start3A_258 = tpu.memref_slice %arg10[%dma_start3A_256, %dma_start3A_257] : memref<10240x128xf32, #tpu.memory_space<vmem_shared>> -> memref<10240x128xf32, #tpu.memory_space<vmem_shared>>
          tpu.enqueue_indirect_dma source(%dma_start3A_252 : memref<128x128xf32, #tpu.memory_space<vmem>>) target(%dma_start3A_258 : memref<10240x128xf32, #tpu.memory_space<vmem_shared>>) offsets(%dma_start3A_255 : memref<128xi32, #tpu.memory_space<vmem>>) semaphore(%run_scoped3A_248 : memref<!tpu.dma_semaphore, #tpu.memory_space<semaphore_mem>>) {add = true}
          %dma_wait3A_259 = arith.constant 0 : i32
          %dma_wait3A_260 = arith.constant 0 : i32
          %dma_wait3A_261 = tpu.memref_slice %arg9[%run_scoped3A_173, %dma_wait3A_259, %dma_wait3A_260] : memref<2x128x128xf32, #tpu.memory_space<vmem>> -> memref<1x128x128xf32, #tpu.memory_space<vmem>>
          %dma_wait3A_262 = tpu.memref_squeeze %dma_wait3A_261 : memref<1x128x128xf32, #tpu.memory_space<vmem>> -> memref<128x128xf32, #tpu.memory_space<vmem>>
          %dma_wait3A_263 = arith.constant 0 : i32
          %dma_wait3A_264 = tpu.memref_slice %arg8[%rem3A_35, %run_scoped3A_174, %dma_wait3A_263] : memref<2x8x128xi32, #tpu.memory_space<vmem>> -> memref<1x1x128xi32, #tpu.memory_space<vmem>>
          %dma_wait3A_265 = tpu.memref_squeeze %dma_wait3A_264 : memref<1x1x128xi32, #tpu.memory_space<vmem>> -> memref<128xi32, #tpu.memory_space<vmem>>
          %dma_wait3A_266 = arith.constant 0 : i32
          %dma_wait3A_267 = arith.constant 0 : i32
          %dma_wait3A_268 = tpu.memref_slice %arg10[%dma_wait3A_266, %dma_wait3A_267] : memref<10240x128xf32, #tpu.memory_space<vmem_shared>> -> memref<10240x128xf32, #tpu.memory_space<vmem_shared>>
          tpu.wait_indirect_dma semaphore(%run_scoped3A_248 : memref<!tpu.dma_semaphore, #tpu.memory_space<semaphore_mem>>) src(%dma_wait3A_262 : memref<128x128xf32, #tpu.memory_space<vmem>>) dst(%dma_wait3A_268 : memref<10240x128xf32, #tpu.memory_space<vmem_shared>>)
          tpu.yield
        }) : () -> ()
        %dma_wait3A_175 = arith.constant 5 : i32
        %dma_wait3A_176 = arith.constant 1 : i32
        %dma_wait3A_177 = arith.constant 0 : i32
        %dma_wait3A_178 = arith.constant 0 : i32
        %dma_wait3A_179 = tpu.memref_slice %arg9[%dma_wait3A_176, %dma_wait3A_177, %dma_wait3A_178] : memref<2x128x128xf32, #tpu.memory_space<vmem>> -> memref<1x128x128xf32, #tpu.memory_space<vmem>>
        %dma_wait3A_180 = tpu.memref_squeeze %dma_wait3A_179 : memref<1x128x128xf32, #tpu.memory_space<vmem>> -> memref<128x128xf32, #tpu.memory_space<vmem>>
        %dma_wait3A_181 = arith.constant 0 : i32
        %dma_wait3A_182 = tpu.memref_slice %arg7[%rem3A_35, %dma_wait3A_175, %dma_wait3A_181] : memref<2x8x128xi32, #tpu.memory_space<vmem>> -> memref<1x1x128xi32, #tpu.memory_space<vmem>>
        %dma_wait3A_183 = tpu.memref_squeeze %dma_wait3A_182 : memref<1x1x128xi32, #tpu.memory_space<vmem>> -> memref<128xi32, #tpu.memory_space<vmem>>
        %dma_wait3A_184 = arith.constant 0 : i32
        %dma_wait3A_185 = arith.constant 0 : i32
        %dma_wait3A_186 = tpu.memref_slice %arg2[%dma_wait3A_184, %dma_wait3A_185] : memref<10240x128xf32, #tpu.memory_space<hbm>> -> memref<10240x128xf32, #tpu.memory_space<hbm>>
        tpu.wait_indirect_dma semaphore(%arg11 : memref<!tpu.dma_semaphore, #tpu.memory_space<semaphore_mem>>) src(%dma_wait3A_186 : memref<10240x128xf32, #tpu.memory_space<hbm>>) dst(%dma_wait3A_180 : memref<128x128xf32, #tpu.memory_space<vmem>>)
        %dma_start3A_187 = arith.constant 6 : i32
        %dma_start3A_188 = arith.constant 0 : i32
        %dma_start3A_189 = arith.constant 0 : i32
        %dma_start3A_190 = arith.constant 0 : i32
        %dma_start3A_191 = tpu.memref_slice %arg9[%dma_start3A_188, %dma_start3A_189, %dma_start3A_190] : memref<2x128x128xf32, #tpu.memory_space<vmem>> -> memref<1x128x128xf32, #tpu.memory_space<vmem>>
        %dma_start3A_192 = tpu.memref_squeeze %dma_start3A_191 : memref<1x128x128xf32, #tpu.memory_space<vmem>> -> memref<128x128xf32, #tpu.memory_space<vmem>>
        %dma_start3A_193 = arith.constant 0 : i32
        %dma_start3A_194 = tpu.memref_slice %arg7[%rem3A_35, %dma_start3A_187, %dma_start3A_193] : memref<2x8x128xi32, #tpu.memory_space<vmem>> -> memref<1x1x128xi32, #tpu.memory_space<vmem>>
        %dma_start3A_195 = tpu.memref_squeeze %dma_start3A_194 : memref<1x1x128xi32, #tpu.memory_space<vmem>> -> memref<128xi32, #tpu.memory_space<vmem>>
        %dma_start3A_196 = arith.constant 0 : i32
        %dma_start3A_197 = arith.constant 0 : i32
        %dma_start3A_198 = tpu.memref_slice %arg2[%dma_start3A_196, %dma_start3A_197] : memref<10240x128xf32, #tpu.memory_space<hbm>> -> memref<10240x128xf32, #tpu.memory_space<hbm>>
        tpu.enqueue_indirect_dma source(%dma_start3A_198 : memref<10240x128xf32, #tpu.memory_space<hbm>>) target(%dma_start3A_192 : memref<128x128xf32, #tpu.memory_space<vmem>>) offsets(%dma_start3A_195 : memref<128xi32, #tpu.memory_space<vmem>>) semaphore(%arg11 : memref<!tpu.dma_semaphore, #tpu.memory_space<semaphore_mem>>)
        %run_scoped3A_199 = arith.constant 1 : i32
        %run_scoped3A_200 = arith.constant 5 : i32
        "tpu.region"() ({
          %run_scoped3A_248 = tpu.sem_alloc : memref<!tpu.dma_semaphore, #tpu.memory_space<semaphore_mem>>
          %dma_start3A_249 = arith.constant 0 : i32
          %dma_start3A_250 = arith.constant 0 : i32
          %dma_start3A_251 = tpu.memref_slice %arg9[%run_scoped3A_199, %dma_start3A_249, %dma_start3A_250] : memref<2x128x128xf32, #tpu.memory_space<vmem>> -> memref<1x128x128xf32, #tpu.memory_space<vmem>>
          %dma_start3A_252 = tpu.memref_squeeze %dma_start3A_251 : memref<1x128x128xf32, #tpu.memory_space<vmem>> -> memref<128x128xf32, #tpu.memory_space<vmem>>
          %dma_start3A_253 = arith.constant 0 : i32
          %dma_start3A_254 = tpu.memref_slice %arg8[%rem3A_35, %run_scoped3A_200, %dma_start3A_253] : memref<2x8x128xi32, #tpu.memory_space<vmem>> -> memref<1x1x128xi32, #tpu.memory_space<vmem>>
          %dma_start3A_255 = tpu.memref_squeeze %dma_start3A_254 : memref<1x1x128xi32, #tpu.memory_space<vmem>> -> memref<128xi32, #tpu.memory_space<vmem>>
          %dma_start3A_256 = arith.constant 0 : i32
          %dma_start3A_257 = arith.constant 0 : i32
          %dma_start3A_258 = tpu.memref_slice %arg10[%dma_start3A_256, %dma_start3A_257] : memref<10240x128xf32, #tpu.memory_space<vmem_shared>> -> memref<10240x128xf32, #tpu.memory_space<vmem_shared>>
          tpu.enqueue_indirect_dma source(%dma_start3A_252 : memref<128x128xf32, #tpu.memory_space<vmem>>) target(%dma_start3A_258 : memref<10240x128xf32, #tpu.memory_space<vmem_shared>>) offsets(%dma_start3A_255 : memref<128xi32, #tpu.memory_space<vmem>>) semaphore(%run_scoped3A_248 : memref<!tpu.dma_semaphore, #tpu.memory_space<semaphore_mem>>) {add = true}
          %dma_wait3A_259 = arith.constant 0 : i32
          %dma_wait3A_260 = arith.constant 0 : i32
          %dma_wait3A_261 = tpu.memref_slice %arg9[%run_scoped3A_199, %dma_wait3A_259, %dma_wait3A_260] : memref<2x128x128xf32, #tpu.memory_space<vmem>> -> memref<1x128x128xf32, #tpu.memory_space<vmem>>
          %dma_wait3A_262 = tpu.memref_squeeze %dma_wait3A_261 : memref<1x128x128xf32, #tpu.memory_space<vmem>> -> memref<128x128xf32, #tpu.memory_space<vmem>>
          %dma_wait3A_263 = arith.constant 0 : i32
          %dma_wait3A_264 = tpu.memref_slice %arg8[%rem3A_35, %run_scoped3A_200, %dma_wait3A_263] : memref<2x8x128xi32, #tpu.memory_space<vmem>> -> memref<1x1x128xi32, #tpu.memory_space<vmem>>
          %dma_wait3A_265 = tpu.memref_squeeze %dma_wait3A_264 : memref<1x1x128xi32, #tpu.memory_space<vmem>> -> memref<128xi32, #tpu.memory_space<vmem>>
          %dma_wait3A_266 = arith.constant 0 : i32
          %dma_wait3A_267 = arith.constant 0 : i32
          %dma_wait3A_268 = tpu.memref_slice %arg10[%dma_wait3A_266, %dma_wait3A_267] : memref<10240x128xf32, #tpu.memory_space<vmem_shared>> -> memref<10240x128xf32, #tpu.memory_space<vmem_shared>>
          tpu.wait_indirect_dma semaphore(%run_scoped3A_248 : memref<!tpu.dma_semaphore, #tpu.memory_space<semaphore_mem>>) src(%dma_wait3A_262 : memref<128x128xf32, #tpu.memory_space<vmem>>) dst(%dma_wait3A_268 : memref<10240x128xf32, #tpu.memory_space<vmem_shared>>)
          tpu.yield
        }) : () -> ()
        %dma_wait3A_201 = arith.constant 6 : i32
        %dma_wait3A_202 = arith.constant 0 : i32
        %dma_wait3A_203 = arith.constant 0 : i32
        %dma_wait3A_204 = arith.constant 0 : i32
        %dma_wait3A_205 = tpu.memref_slice %arg9[%dma_wait3A_202, %dma_wait3A_203, %dma_wait3A_204] : memref<2x128x128xf32, #tpu.memory_space<vmem>> -> memref<1x128x128xf32, #tpu.memory_space<vmem>>
        %dma_wait3A_206 = tpu.memref_squeeze %dma_wait3A_205 : memref<1x128x128xf32, #tpu.memory_space<vmem>> -> memref<128x128xf32, #tpu.memory_space<vmem>>
        %dma_wait3A_207 = arith.constant 0 : i32
        %dma_wait3A_208 = tpu.memref_slice %arg7[%rem3A_35, %dma_wait3A_201, %dma_wait3A_207] : memref<2x8x128xi32, #tpu.memory_space<vmem>> -> memref<1x1x128xi32, #tpu.memory_space<vmem>>
        %dma_wait3A_209 = tpu.memref_squeeze %dma_wait3A_208 : memref<1x1x128xi32, #tpu.memory_space<vmem>> -> memref<128xi32, #tpu.memory_space<vmem>>
        %dma_wait3A_210 = arith.constant 0 : i32
        %dma_wait3A_211 = arith.constant 0 : i32
        %dma_wait3A_212 = tpu.memref_slice %arg2[%dma_wait3A_210, %dma_wait3A_211] : memref<10240x128xf32, #tpu.memory_space<hbm>> -> memref<10240x128xf32, #tpu.memory_space<hbm>>
        tpu.wait_indirect_dma semaphore(%arg11 : memref<!tpu.dma_semaphore, #tpu.memory_space<semaphore_mem>>) src(%dma_wait3A_212 : memref<10240x128xf32, #tpu.memory_space<hbm>>) dst(%dma_wait3A_206 : memref<128x128xf32, #tpu.memory_space<vmem>>)
        %dma_start3A_213 = arith.constant 7 : i32
        %dma_start3A_214 = arith.constant 1 : i32
        %dma_start3A_215 = arith.constant 0 : i32
        %dma_start3A_216 = arith.constant 0 : i32
        %dma_start3A_217 = tpu.memref_slice %arg9[%dma_start3A_214, %dma_start3A_215, %dma_start3A_216] : memref<2x128x128xf32, #tpu.memory_space<vmem>> -> memref<1x128x128xf32, #tpu.memory_space<vmem>>
        %dma_start3A_218 = tpu.memref_squeeze %dma_start3A_217 : memref<1x128x128xf32, #tpu.memory_space<vmem>> -> memref<128x128xf32, #tpu.memory_space<vmem>>
        %dma_start3A_219 = arith.constant 0 : i32
        %dma_start3A_220 = tpu.memref_slice %arg7[%rem3A_35, %dma_start3A_213, %dma_start3A_219] : memref<2x8x128xi32, #tpu.memory_space<vmem>> -> memref<1x1x128xi32, #tpu.memory_space<vmem>>
        %dma_start3A_221 = tpu.memref_squeeze %dma_start3A_220 : memref<1x1x128xi32, #tpu.memory_space<vmem>> -> memref<128xi32, #tpu.memory_space<vmem>>
        %dma_start3A_222 = arith.constant 0 : i32
        %dma_start3A_223 = arith.constant 0 : i32
        %dma_start3A_224 = tpu.memref_slice %arg2[%dma_start3A_222, %dma_start3A_223] : memref<10240x128xf32, #tpu.memory_space<hbm>> -> memref<10240x128xf32, #tpu.memory_space<hbm>>
        tpu.enqueue_indirect_dma source(%dma_start3A_224 : memref<10240x128xf32, #tpu.memory_space<hbm>>) target(%dma_start3A_218 : memref<128x128xf32, #tpu.memory_space<vmem>>) offsets(%dma_start3A_221 : memref<128xi32, #tpu.memory_space<vmem>>) semaphore(%arg11 : memref<!tpu.dma_semaphore, #tpu.memory_space<semaphore_mem>>)
        %run_scoped3A_225 = arith.constant 0 : i32
        %run_scoped3A_226 = arith.constant 6 : i32
        "tpu.region"() ({
          %run_scoped3A_248 = tpu.sem_alloc : memref<!tpu.dma_semaphore, #tpu.memory_space<semaphore_mem>>
          %dma_start3A_249 = arith.constant 0 : i32
          %dma_start3A_250 = arith.constant 0 : i32
          %dma_start3A_251 = tpu.memref_slice %arg9[%run_scoped3A_225, %dma_start3A_249, %dma_start3A_250] : memref<2x128x128xf32, #tpu.memory_space<vmem>> -> memref<1x128x128xf32, #tpu.memory_space<vmem>>
          %dma_start3A_252 = tpu.memref_squeeze %dma_start3A_251 : memref<1x128x128xf32, #tpu.memory_space<vmem>> -> memref<128x128xf32, #tpu.memory_space<vmem>>
          %dma_start3A_253 = arith.constant 0 : i32
          %dma_start3A_254 = tpu.memref_slice %arg8[%rem3A_35, %run_scoped3A_226, %dma_start3A_253] : memref<2x8x128xi32, #tpu.memory_space<vmem>> -> memref<1x1x128xi32, #tpu.memory_space<vmem>>
          %dma_start3A_255 = tpu.memref_squeeze %dma_start3A_254 : memref<1x1x128xi32, #tpu.memory_space<vmem>> -> memref<128xi32, #tpu.memory_space<vmem>>
          %dma_start3A_256 = arith.constant 0 : i32
          %dma_start3A_257 = arith.constant 0 : i32
          %dma_start3A_258 = tpu.memref_slice %arg10[%dma_start3A_256, %dma_start3A_257] : memref<10240x128xf32, #tpu.memory_space<vmem_shared>> -> memref<10240x128xf32, #tpu.memory_space<vmem_shared>>
          tpu.enqueue_indirect_dma source(%dma_start3A_252 : memref<128x128xf32, #tpu.memory_space<vmem>>) target(%dma_start3A_258 : memref<10240x128xf32, #tpu.memory_space<vmem_shared>>) offsets(%dma_start3A_255 : memref<128xi32, #tpu.memory_space<vmem>>) semaphore(%run_scoped3A_248 : memref<!tpu.dma_semaphore, #tpu.memory_space<semaphore_mem>>) {add = true}
          %dma_wait3A_259 = arith.constant 0 : i32
          %dma_wait3A_260 = arith.constant 0 : i32
          %dma_wait3A_261 = tpu.memref_slice %arg9[%run_scoped3A_225, %dma_wait3A_259, %dma_wait3A_260] : memref<2x128x128xf32, #tpu.memory_space<vmem>> -> memref<1x128x128xf32, #tpu.memory_space<vmem>>
          %dma_wait3A_262 = tpu.memref_squeeze %dma_wait3A_261 : memref<1x128x128xf32, #tpu.memory_space<vmem>> -> memref<128x128xf32, #tpu.memory_space<vmem>>
          %dma_wait3A_263 = arith.constant 0 : i32
          %dma_wait3A_264 = tpu.memref_slice %arg8[%rem3A_35, %run_scoped3A_226, %dma_wait3A_263] : memref<2x8x128xi32, #tpu.memory_space<vmem>> -> memref<1x1x128xi32, #tpu.memory_space<vmem>>
          %dma_wait3A_265 = tpu.memref_squeeze %dma_wait3A_264 : memref<1x1x128xi32, #tpu.memory_space<vmem>> -> memref<128xi32, #tpu.memory_space<vmem>>
          %dma_wait3A_266 = arith.constant 0 : i32
          %dma_wait3A_267 = arith.constant 0 : i32
          %dma_wait3A_268 = tpu.memref_slice %arg10[%dma_wait3A_266, %dma_wait3A_267] : memref<10240x128xf32, #tpu.memory_space<vmem_shared>> -> memref<10240x128xf32, #tpu.memory_space<vmem_shared>>
          tpu.wait_indirect_dma semaphore(%run_scoped3A_248 : memref<!tpu.dma_semaphore, #tpu.memory_space<semaphore_mem>>) src(%dma_wait3A_262 : memref<128x128xf32, #tpu.memory_space<vmem>>) dst(%dma_wait3A_268 : memref<10240x128xf32, #tpu.memory_space<vmem_shared>>)
          tpu.yield
        }) : () -> ()
        %dma_wait3A_227 = arith.constant 7 : i32
        %dma_wait3A_228 = arith.constant 1 : i32
        %dma_wait3A_229 = arith.constant 0 : i32
        %dma_wait3A_230 = arith.constant 0 : i32
        %dma_wait3A_231 = tpu.memref_slice %arg9[%dma_wait3A_228, %dma_wait3A_229, %dma_wait3A_230] : memref<2x128x128xf32, #tpu.memory_space<vmem>> -> memref<1x128x128xf32, #tpu.memory_space<vmem>>
        %dma_wait3A_232 = tpu.memref_squeeze %dma_wait3A_231 : memref<1x128x128xf32, #tpu.memory_space<vmem>> -> memref<128x128xf32, #tpu.memory_space<vmem>>
        %dma_wait3A_233 = arith.constant 0 : i32
        %dma_wait3A_234 = tpu.memref_slice %arg7[%rem3A_35, %dma_wait3A_227, %dma_wait3A_233] : memref<2x8x128xi32, #tpu.memory_space<vmem>> -> memref<1x1x128xi32, #tpu.memory_space<vmem>>
        %dma_wait3A_235 = tpu.memref_squeeze %dma_wait3A_234 : memref<1x1x128xi32, #tpu.memory_space<vmem>> -> memref<128xi32, #tpu.memory_space<vmem>>
        %dma_wait3A_236 = arith.constant 0 : i32
        %dma_wait3A_237 = arith.constant 0 : i32
        %dma_wait3A_238 = tpu.memref_slice %arg2[%dma_wait3A_236, %dma_wait3A_237] : memref<10240x128xf32, #tpu.memory_space<hbm>> -> memref<10240x128xf32, #tpu.memory_space<hbm>>
        tpu.wait_indirect_dma semaphore(%arg11 : memref<!tpu.dma_semaphore, #tpu.memory_space<semaphore_mem>>) src(%dma_wait3A_238 : memref<10240x128xf32, #tpu.memory_space<hbm>>) dst(%dma_wait3A_232 : memref<128x128xf32, #tpu.memory_space<vmem>>)
        %add3A_239 = arith.constant 1 : i32
        %add3A_240 = arith.addi %scan3A_34, %add3A_239 : i32
        %lt3A_241 = arith.constant 10 : i32
        %lt3A_242 = arith.cmpi slt, %add3A_240, %lt3A_241 : i32
        %convert_element_type3A_243 = arith.extui %lt3A_242 : i1 to i32
        %cond3A_244 = arith.constant 0 : i32
        %cond3A_245 = arith.cmpi ne, %convert_element_type3A_243, %cond3A_244 : i32
        scf.if %cond3A_245 {
          %add3A_248 = arith.constant 1 : i32
          %add3A_249 = arith.addi %scan3A_34, %add3A_248 : i32
          %mul3A_250 = arith.constant 8 : i32
          %mul3A_251 = arith.muli %add3A_249, %mul3A_250 : i32
          %add3A_252 = arith.addi %add3A_15, %mul3A_251 : i32
          %dma_wait3A_253 = arith.constant 0 : i32
          %dma_wait3A_254 = arith.constant 0 : i32
          %dma_wait3A_255 = tpu.memref_slice %arg7[%rem3A_39, %dma_wait3A_253, %dma_wait3A_254] : memref<2x8x128xi32, #tpu.memory_space<vmem>> -> memref<1x8x128xi32, #tpu.memory_space<vmem>>
          %dma_wait3A_256 = tpu.memref_squeeze %dma_wait3A_255 : memref<1x8x128xi32, #tpu.memory_space<vmem>> -> memref<8x128xi32, #tpu.memory_space<vmem>>
          %dma_wait3A_257 = arith.constant 0 : i32
          %dma_wait3A_258 = tpu.memref_slice %arg3[%add3A_252, %dma_wait3A_257] : memref<2560x128xi32, #tpu.memory_space<hbm>> -> memref<8x128xi32, #tpu.memory_space<hbm>>
          %dma_wait3A_259 = arith.constant 0 : i32
          %dma_wait3A_260 = arith.constant 0 : i32
          %dma_wait3A_261 = tpu.memref_slice %arg7[%rem3A_39, %dma_wait3A_259, %dma_wait3A_260] : memref<2x8x128xi32, #tpu.memory_space<vmem>> -> memref<1x8x128xi32, #tpu.memory_space<vmem>>
          %dma_wait3A_262 = tpu.memref_squeeze %dma_wait3A_261 : memref<1x8x128xi32, #tpu.memory_space<vmem>> -> memref<8x128xi32, #tpu.memory_space<vmem>>
          %dma_wait3A_263 = arith.constant 0 : i32
          %dma_wait3A_264 = tpu.memref_slice %arg3[%add3A_252, %dma_wait3A_263] : memref<2560x128xi32, #tpu.memory_space<hbm>> -> memref<8x128xi32, #tpu.memory_space<hbm>>
          tpu.wait_dma2 semaphore(%arg12 : memref<!tpu.dma_semaphore, #tpu.memory_space<semaphore_mem>>) src(%dma_wait3A_264 : memref<8x128xi32, #tpu.memory_space<hbm>>) dst(%dma_wait3A_262 : memref<8x128xi32, #tpu.memory_space<vmem>>)
          %dma_wait3A_265 = arith.constant 0 : i32
          %dma_wait3A_266 = arith.constant 0 : i32
          %dma_wait3A_267 = tpu.memref_slice %arg8[%rem3A_39, %dma_wait3A_265, %dma_wait3A_266] : memref<2x8x128xi32, #tpu.memory_space<vmem>> -> memref<1x8x128xi32, #tpu.memory_space<vmem>>
          %dma_wait3A_268 = tpu.memref_squeeze %dma_wait3A_267 : memref<1x8x128xi32, #tpu.memory_space<vmem>> -> memref<8x128xi32, #tpu.memory_space<vmem>>
          %dma_wait3A_269 = arith.constant 0 : i32
          %dma_wait3A_270 = tpu.memref_slice %arg4[%add3A_252, %dma_wait3A_269] : memref<2560x128xi32, #tpu.memory_space<hbm>> -> memref<8x128xi32, #tpu.memory_space<hbm>>
          %dma_wait3A_271 = arith.constant 0 : i32
          %dma_wait3A_272 = arith.constant 0 : i32
          %dma_wait3A_273 = tpu.memref_slice %arg8[%rem3A_39, %dma_wait3A_271, %dma_wait3A_272] : memref<2x8x128xi32, #tpu.memory_space<vmem>> -> memref<1x8x128xi32, #tpu.memory_space<vmem>>
          %dma_wait3A_274 = tpu.memref_squeeze %dma_wait3A_273 : memref<1x8x128xi32, #tpu.memory_space<vmem>> -> memref<8x128xi32, #tpu.memory_space<vmem>>
          %dma_wait3A_275 = arith.constant 0 : i32
          %dma_wait3A_276 = tpu.memref_slice %arg4[%add3A_252, %dma_wait3A_275] : memref<2560x128xi32, #tpu.memory_space<hbm>> -> memref<8x128xi32, #tpu.memory_space<hbm>>
          tpu.wait_dma2 semaphore(%arg12 : memref<!tpu.dma_semaphore, #tpu.memory_space<semaphore_mem>>) src(%dma_wait3A_276 : memref<8x128xi32, #tpu.memory_space<hbm>>) dst(%dma_wait3A_274 : memref<8x128xi32, #tpu.memory_space<vmem>>)
          %dma_start3A_277 = arith.constant 0 : i32
          %dma_start3A_278 = arith.constant 0 : i32
          %dma_start3A_279 = arith.constant 0 : i32
          %dma_start3A_280 = arith.constant 0 : i32
          %dma_start3A_281 = tpu.memref_slice %arg9[%dma_start3A_278, %dma_start3A_279, %dma_start3A_280] : memref<2x128x128xf32, #tpu.memory_space<vmem>> -> memref<1x128x128xf32, #tpu.memory_space<vmem>>
          %dma_start3A_282 = tpu.memref_squeeze %dma_start3A_281 : memref<1x128x128xf32, #tpu.memory_space<vmem>> -> memref<128x128xf32, #tpu.memory_space<vmem>>
          %dma_start3A_283 = arith.constant 0 : i32
          %dma_start3A_284 = tpu.memref_slice %arg7[%rem3A_39, %dma_start3A_277, %dma_start3A_283] : memref<2x8x128xi32, #tpu.memory_space<vmem>> -> memref<1x1x128xi32, #tpu.memory_space<vmem>>
          %dma_start3A_285 = tpu.memref_squeeze %dma_start3A_284 : memref<1x1x128xi32, #tpu.memory_space<vmem>> -> memref<128xi32, #tpu.memory_space<vmem>>
          %dma_start3A_286 = arith.constant 0 : i32
          %dma_start3A_287 = arith.constant 0 : i32
          %dma_start3A_288 = tpu.memref_slice %arg2[%dma_start3A_286, %dma_start3A_287] : memref<10240x128xf32, #tpu.memory_space<hbm>> -> memref<10240x128xf32, #tpu.memory_space<hbm>>
          tpu.enqueue_indirect_dma source(%dma_start3A_288 : memref<10240x128xf32, #tpu.memory_space<hbm>>) target(%dma_start3A_282 : memref<128x128xf32, #tpu.memory_space<vmem>>) offsets(%dma_start3A_285 : memref<128xi32, #tpu.memory_space<vmem>>) semaphore(%arg11 : memref<!tpu.dma_semaphore, #tpu.memory_space<semaphore_mem>>)
        } else {
        }
        %run_scoped3A_246 = arith.constant 1 : i32
        %run_scoped3A_247 = arith.constant 7 : i32
        "tpu.region"() ({
          %run_scoped3A_248 = tpu.sem_alloc : memref<!tpu.dma_semaphore, #tpu.memory_space<semaphore_mem>>
          %dma_start3A_249 = arith.constant 0 : i32
          %dma_start3A_250 = arith.constant 0 : i32
          %dma_start3A_251 = tpu.memref_slice %arg9[%run_scoped3A_246, %dma_start3A_249, %dma_start3A_250] : memref<2x128x128xf32, #tpu.memory_space<vmem>> -> memref<1x128x128xf32, #tpu.memory_space<vmem>>
          %dma_start3A_252 = tpu.memref_squeeze %dma_start3A_251 : memref<1x128x128xf32, #tpu.memory_space<vmem>> -> memref<128x128xf32, #tpu.memory_space<vmem>>
          %dma_start3A_253 = arith.constant 0 : i32
          %dma_start3A_254 = tpu.memref_slice %arg8[%rem3A_35, %run_scoped3A_247, %dma_start3A_253] : memref<2x8x128xi32, #tpu.memory_space<vmem>> -> memref<1x1x128xi32, #tpu.memory_space<vmem>>
          %dma_start3A_255 = tpu.memref_squeeze %dma_start3A_254 : memref<1x1x128xi32, #tpu.memory_space<vmem>> -> memref<128xi32, #tpu.memory_space<vmem>>
          %dma_start3A_256 = arith.constant 0 : i32
          %dma_start3A_257 = arith.constant 0 : i32
          %dma_start3A_258 = tpu.memref_slice %arg10[%dma_start3A_256, %dma_start3A_257] : memref<10240x128xf32, #tpu.memory_space<vmem_shared>> -> memref<10240x128xf32, #tpu.memory_space<vmem_shared>>
          tpu.enqueue_indirect_dma source(%dma_start3A_252 : memref<128x128xf32, #tpu.memory_space<vmem>>) target(%dma_start3A_258 : memref<10240x128xf32, #tpu.memory_space<vmem_shared>>) offsets(%dma_start3A_255 : memref<128xi32, #tpu.memory_space<vmem>>) semaphore(%run_scoped3A_248 : memref<!tpu.dma_semaphore, #tpu.memory_space<semaphore_mem>>) {add = true}
          %dma_wait3A_259 = arith.constant 0 : i32
          %dma_wait3A_260 = arith.constant 0 : i32
          %dma_wait3A_261 = tpu.memref_slice %arg9[%run_scoped3A_246, %dma_wait3A_259, %dma_wait3A_260] : memref<2x128x128xf32, #tpu.memory_space<vmem>> -> memref<1x128x128xf32, #tpu.memory_space<vmem>>
          %dma_wait3A_262 = tpu.memref_squeeze %dma_wait3A_261 : memref<1x128x128xf32, #tpu.memory_space<vmem>> -> memref<128x128xf32, #tpu.memory_space<vmem>>
          %dma_wait3A_263 = arith.constant 0 : i32
          %dma_wait3A_264 = tpu.memref_slice %arg8[%rem3A_35, %run_scoped3A_247, %dma_wait3A_263] : memref<2x8x128xi32, #tpu.memory_space<vmem>> -> memref<1x1x128xi32, #tpu.memory_space<vmem>>
          %dma_wait3A_265 = tpu.memref_squeeze %dma_wait3A_264 : memref<1x1x128xi32, #tpu.memory_space<vmem>> -> memref<128xi32, #tpu.memory_space<vmem>>
          %dma_wait3A_266 = arith.constant 0 : i32
          %dma_wait3A_267 = arith.constant 0 : i32
          %dma_wait3A_268 = tpu.memref_slice %arg10[%dma_wait3A_266, %dma_wait3A_267] : memref<10240x128xf32, #tpu.memory_space<vmem_shared>> -> memref<10240x128xf32, #tpu.memory_space<vmem_shared>>
          tpu.wait_indirect_dma semaphore(%run_scoped3A_248 : memref<!tpu.dma_semaphore, #tpu.memory_space<semaphore_mem>>) src(%dma_wait3A_262 : memref<128x128xf32, #tpu.memory_space<vmem>>) dst(%dma_wait3A_268 : memref<10240x128xf32, #tpu.memory_space<vmem_shared>>)
          tpu.yield
        }) : () -> ()
      }
      %scan3A_33 = arith.constant 10 : i32
    } else {
    }
    %barrier3A_8 = arith.constant 0 : index
    tpu.barrier barrier_id(%barrier3A_8)
    %mul3A_9 = arith.constant 640 : i32
    %mul3A_10 = arith.muli %arg1, %mul3A_9 : i32
    %mul3A_11 = arith.constant 640 : i32
    %mul3A_12 = arith.muli %arg1, %mul3A_11 : i32
    "tpu.region"() ({
      %run_scoped3A = tpu.sem_alloc : memref<!tpu.dma_semaphore, #tpu.memory_space<semaphore_mem>>
      %dma_start3A = arith.constant 0 : i32
      %dma_start3A_13 = tpu.memref_slice %arg6[%arg0, %mul3A_12, %dma_start3A] : memref<2x10240x128xf32, #tpu.memory_space<hbm>> -> memref<1x640x128xf32, #tpu.memory_space<hbm>>
      %dma_start3A_14 = tpu.memref_squeeze %dma_start3A_13 : memref<1x640x128xf32, #tpu.memory_space<hbm>> -> memref<640x128xf32, #tpu.memory_space<hbm>>
      %dma_start3A_15 = arith.constant 0 : i32
      %dma_start3A_16 = tpu.memref_slice %arg10[%mul3A_10, %dma_start3A_15] : memref<10240x128xf32, #tpu.memory_space<vmem_shared>> -> memref<640x128xf32, #tpu.memory_space<vmem_shared>>
      tpu.enqueue_dma source(%dma_start3A_16 : memref<640x128xf32, #tpu.memory_space<vmem_shared>>) target(%dma_start3A_14 : memref<640x128xf32, #tpu.memory_space<hbm>>) target_semaphore(%run_scoped3A : memref<!tpu.dma_semaphore, #tpu.memory_space<semaphore_mem>>)
      %dma_wait3A = arith.constant 0 : i32
      %dma_wait3A_17 = tpu.memref_slice %arg6[%arg0, %mul3A_12, %dma_wait3A] : memref<2x10240x128xf32, #tpu.memory_space<hbm>> -> memref<1x640x128xf32, #tpu.memory_space<hbm>>
      %dma_wait3A_18 = tpu.memref_squeeze %dma_wait3A_17 : memref<1x640x128xf32, #tpu.memory_space<hbm>> -> memref<640x128xf32, #tpu.memory_space<hbm>>
      %dma_wait3A_19 = arith.constant 0 : i32
      %dma_wait3A_20 = tpu.memref_slice %arg10[%mul3A_10, %dma_wait3A_19] : memref<10240x128xf32, #tpu.memory_space<vmem_shared>> -> memref<640x128xf32, #tpu.memory_space<vmem_shared>>
      tpu.wait_dma2 semaphore(%run_scoped3A : memref<!tpu.dma_semaphore, #tpu.memory_space<semaphore_mem>>) src(%dma_wait3A_20 : memref<640x128xf32, #tpu.memory_space<vmem_shared>>) dst(%dma_wait3A_18 : memref<640x128xf32, #tpu.memory_space<hbm>>)
      tpu.yield
    }) : () -> ()
    return
  }
}

#map = affine_map<(d0, d1) -> (0, 0)>
#map1 = affine_map<(d0, d1) -> (0, 0, 0)>
module attributes {stable_mosaic.version = 14 : i64} {
  func.func @body(%arg0: i32, %arg1: i32, %arg2: memref<2560x128xi32, #tpu.memory_space<hbm>>, %arg3: memref<640x128xf32, #tpu.memory_space<hbm>>, %arg4: memref<128x128xf32, #tpu.memory_space<hbm>>, %arg5: memref<2x10240x128xf32, #tpu.memory_space<hbm>>, %arg6: memref<80x128xi32, #tpu.memory_space<vmem>>, %arg7: memref<128x128xf32, #tpu.memory_space<vmem>>, %arg8: memref<10240x128xf32, #tpu.memory_space<vmem_shared>>, %arg9: memref<!tpu.dma_semaphore, #tpu.memory_space<semaphore_mem>>) attributes {dimension_semantics = [#tpu.dimension_semantics<core_parallel>, #tpu.dimension_semantics<subcore_parallel>], iteration_bounds = array<i64: 2, 16>, scalar_prefetch = 0 : i64, scratch_operands = 4 : i64, tpu.core_type = #tpu.core_type<sc_vector_subcore>, window_params = [{transform_indices = #map}, {transform_indices = #map}, {transform_indices = #map}, {transform_indices = #map1}]} {
    %mul3A = arith.constant 16 : i32
    %mul3A_0 = arith.muli %arg0, %mul3A : i32
    %add3A = arith.addi %mul3A_0, %arg1 : i32
    %mul3A_1 = arith.constant 640 : i32
    %mul3A_2 = arith.muli %arg1, %mul3A_1 : i32
    "tpu.region"() ({
      %run_scoped3A = tpu.sem_alloc : memref<!tpu.dma_semaphore, #tpu.memory_space<semaphore_mem>>
      %dma_start3A = arith.constant 0 : i32
      %dma_start3A_15 = tpu.memref_slice %arg8[%mul3A_2, %dma_start3A] : memref<10240x128xf32, #tpu.memory_space<vmem_shared>> -> memref<640x128xf32, #tpu.memory_space<vmem_shared>>
      tpu.enqueue_dma source(%arg3 : memref<640x128xf32, #tpu.memory_space<hbm>>) target(%dma_start3A_15 : memref<640x128xf32, #tpu.memory_space<vmem_shared>>) target_semaphore(%run_scoped3A : memref<!tpu.dma_semaphore, #tpu.memory_space<semaphore_mem>>)
      %dma_wait3A = arith.constant 0 : i32
      %dma_wait3A_16 = tpu.memref_slice %arg8[%mul3A_2, %dma_wait3A] : memref<10240x128xf32, #tpu.memory_space<vmem_shared>> -> memref<640x128xf32, #tpu.memory_space<vmem_shared>>
      tpu.wait_dma2 semaphore(%run_scoped3A : memref<!tpu.dma_semaphore, #tpu.memory_space<semaphore_mem>>) src(%arg3 : memref<640x128xf32, #tpu.memory_space<hbm>>) dst(%dma_wait3A_16 : memref<640x128xf32, #tpu.memory_space<vmem_shared>>)
      tpu.yield
    }) : () -> ()
    "tpu.region"() ({
      %run_scoped3A = tpu.sem_alloc : memref<!tpu.dma_semaphore, #tpu.memory_space<semaphore_mem>>
      tpu.enqueue_dma source(%arg4 : memref<128x128xf32, #tpu.memory_space<hbm>>) target(%arg7 : memref<128x128xf32, #tpu.memory_space<vmem>>) target_semaphore(%run_scoped3A : memref<!tpu.dma_semaphore, #tpu.memory_space<semaphore_mem>>)
      tpu.wait_dma2 semaphore(%run_scoped3A : memref<!tpu.dma_semaphore, #tpu.memory_space<semaphore_mem>>) src(%arg4 : memref<128x128xf32, #tpu.memory_space<hbm>>) dst(%arg7 : memref<128x128xf32, #tpu.memory_space<vmem>>)
      tpu.yield
    }) : () -> ()
    %mul3A_3 = arith.constant 80 : i32
    %mul3A_4 = arith.muli %add3A, %mul3A_3 : i32
    "tpu.region"() ({
      %run_scoped3A = tpu.sem_alloc : memref<!tpu.dma_semaphore, #tpu.memory_space<semaphore_mem>>
      %dma_start3A = arith.constant 0 : i32
      %dma_start3A_15 = tpu.memref_slice %arg2[%mul3A_4, %dma_start3A] : memref<2560x128xi32, #tpu.memory_space<hbm>> -> memref<80x128xi32, #tpu.memory_space<hbm>>
      %dma_start3A_16 = arith.constant 0 : i32
      %dma_start3A_17 = tpu.memref_slice %arg2[%mul3A_4, %dma_start3A_16] : memref<2560x128xi32, #tpu.memory_space<hbm>> -> memref<80x128xi32, #tpu.memory_space<hbm>>
      tpu.enqueue_dma source(%dma_start3A_17 : memref<80x128xi32, #tpu.memory_space<hbm>>) target(%arg6 : memref<80x128xi32, #tpu.memory_space<vmem>>) target_semaphore(%run_scoped3A : memref<!tpu.dma_semaphore, #tpu.memory_space<semaphore_mem>>)
      %dma_wait3A = arith.constant 0 : i32
      %dma_wait3A_18 = tpu.memref_slice %arg2[%mul3A_4, %dma_wait3A] : memref<2560x128xi32, #tpu.memory_space<hbm>> -> memref<80x128xi32, #tpu.memory_space<hbm>>
      %dma_wait3A_19 = arith.constant 0 : i32
      %dma_wait3A_20 = tpu.memref_slice %arg2[%mul3A_4, %dma_wait3A_19] : memref<2560x128xi32, #tpu.memory_space<hbm>> -> memref<80x128xi32, #tpu.memory_space<hbm>>
      tpu.wait_dma2 semaphore(%run_scoped3A : memref<!tpu.dma_semaphore, #tpu.memory_space<semaphore_mem>>) src(%dma_wait3A_20 : memref<80x128xi32, #tpu.memory_space<hbm>>) dst(%arg6 : memref<80x128xi32, #tpu.memory_space<vmem>>)
      tpu.yield
    }) : () -> ()
    %barrier3A = arith.constant 0 : index
    tpu.barrier barrier_id(%barrier3A)
    %scan3A = arith.constant 0 : i32
    %scan3A_5 = arith.constant 0 : i32
    %scan3A_6 = arith.constant 80 : i32
    %scan3A_7 = arith.addi %scan3A_5, %scan3A_6 : i32
    %scan3A_8 = arith.constant 1 : i32
    scf.for %scan3A_15 = %scan3A_5 to %scan3A_7 step %scan3A_8  : i32 {
      "tpu.region"() ({
        %run_scoped3A = tpu.sem_alloc : memref<!tpu.dma_semaphore, #tpu.memory_space<semaphore_mem>>
        %dma_start3A = arith.constant 0 : i32
        %dma_start3A_16 = tpu.memref_slice %arg6[%scan3A_15, %dma_start3A] : memref<80x128xi32, #tpu.memory_space<vmem>> -> memref<1x128xi32, #tpu.memory_space<vmem>>
        %dma_start3A_17 = tpu.memref_squeeze %dma_start3A_16 : memref<1x128xi32, #tpu.memory_space<vmem>> -> memref<128xi32, #tpu.memory_space<vmem>>
        %dma_start3A_18 = arith.constant 0 : i32
        %dma_start3A_19 = arith.constant 0 : i32
        %dma_start3A_20 = tpu.memref_slice %arg8[%dma_start3A_18, %dma_start3A_19] : memref<10240x128xf32, #tpu.memory_space<vmem_shared>> -> memref<10240x128xf32, #tpu.memory_space<vmem_shared>>
        tpu.enqueue_indirect_dma source(%arg7 : memref<128x128xf32, #tpu.memory_space<vmem>>) target(%dma_start3A_20 : memref<10240x128xf32, #tpu.memory_space<vmem_shared>>) offsets(%dma_start3A_17 : memref<128xi32, #tpu.memory_space<vmem>>) semaphore(%run_scoped3A : memref<!tpu.dma_semaphore, #tpu.memory_space<semaphore_mem>>) {add = true}
        %dma_wait3A = arith.constant 0 : i32
        %dma_wait3A_21 = tpu.memref_slice %arg6[%scan3A_15, %dma_wait3A] : memref<80x128xi32, #tpu.memory_space<vmem>> -> memref<1x128xi32, #tpu.memory_space<vmem>>
        %dma_wait3A_22 = tpu.memref_squeeze %dma_wait3A_21 : memref<1x128xi32, #tpu.memory_space<vmem>> -> memref<128xi32, #tpu.memory_space<vmem>>
        %dma_wait3A_23 = arith.constant 0 : i32
        %dma_wait3A_24 = arith.constant 0 : i32
        %dma_wait3A_25 = tpu.memref_slice %arg8[%dma_wait3A_23, %dma_wait3A_24] : memref<10240x128xf32, #tpu.memory_space<vmem_shared>> -> memref<10240x128xf32, #tpu.memory_space<vmem_shared>>
        tpu.wait_indirect_dma semaphore(%run_scoped3A : memref<!tpu.dma_semaphore, #tpu.memory_space<semaphore_mem>>) src(%arg7 : memref<128x128xf32, #tpu.memory_space<vmem>>) dst(%dma_wait3A_25 : memref<10240x128xf32, #tpu.memory_space<vmem_shared>>)
        tpu.yield
      }) : () -> ()
    }
    %scan3A_9 = arith.constant 80 : i32
    %barrier3A_10 = arith.constant 0 : index
    tpu.barrier barrier_id(%barrier3A_10)
    %mul3A_11 = arith.constant 640 : i32
    %mul3A_12 = arith.muli %arg1, %mul3A_11 : i32
    %mul3A_13 = arith.constant 640 : i32
    %mul3A_14 = arith.muli %arg1, %mul3A_13 : i32
    "tpu.region"() ({
      %run_scoped3A = tpu.sem_alloc : memref<!tpu.dma_semaphore, #tpu.memory_space<semaphore_mem>>
      %dma_start3A = arith.constant 0 : i32
      %dma_start3A_15 = tpu.memref_slice %arg5[%arg0, %mul3A_14, %dma_start3A] : memref<2x10240x128xf32, #tpu.memory_space<hbm>> -> memref<1x640x128xf32, #tpu.memory_space<hbm>>
      %dma_start3A_16 = tpu.memref_squeeze %dma_start3A_15 : memref<1x640x128xf32, #tpu.memory_space<hbm>> -> memref<640x128xf32, #tpu.memory_space<hbm>>
      %dma_start3A_17 = arith.constant 0 : i32
      %dma_start3A_18 = tpu.memref_slice %arg8[%mul3A_12, %dma_start3A_17] : memref<10240x128xf32, #tpu.memory_space<vmem_shared>> -> memref<640x128xf32, #tpu.memory_space<vmem_shared>>
      tpu.enqueue_dma source(%dma_start3A_18 : memref<640x128xf32, #tpu.memory_space<vmem_shared>>) target(%dma_start3A_16 : memref<640x128xf32, #tpu.memory_space<hbm>>) target_semaphore(%run_scoped3A : memref<!tpu.dma_semaphore, #tpu.memory_space<semaphore_mem>>)
      %dma_wait3A = arith.constant 0 : i32
      %dma_wait3A_19 = tpu.memref_slice %arg5[%arg0, %mul3A_14, %dma_wait3A] : memref<2x10240x128xf32, #tpu.memory_space<hbm>> -> memref<1x640x128xf32, #tpu.memory_space<hbm>>
      %dma_wait3A_20 = tpu.memref_squeeze %dma_wait3A_19 : memref<1x640x128xf32, #tpu.memory_space<hbm>> -> memref<640x128xf32, #tpu.memory_space<hbm>>
      %dma_wait3A_21 = arith.constant 0 : i32
      %dma_wait3A_22 = tpu.memref_slice %arg8[%mul3A_12, %dma_wait3A_21] : memref<10240x128xf32, #tpu.memory_space<vmem_shared>> -> memref<640x128xf32, #tpu.memory_space<vmem_shared>>
      tpu.wait_dma2 semaphore(%run_scoped3A : memref<!tpu.dma_semaphore, #tpu.memory_space<semaphore_mem>>) src(%dma_wait3A_22 : memref<640x128xf32, #tpu.memory_space<vmem_shared>>) dst(%dma_wait3A_20 : memref<640x128xf32, #tpu.memory_space<hbm>>)
      tpu.yield
    }) : () -> ()
    return
  }
}

module attributes {stable_mosaic.version = 14 : i64} {
  func.func @_prep1_body(%arg0: i32, %arg1: memref<512x128xf32, #tpu.memory_space<vmem>>, %arg2: memref<128x128xf32, #tpu.memory_space<vmem>>, %arg3: memref<512x128xf32, #tpu.memory_space<vmem>>, %arg4: memref<512x128xf32, #tpu.memory_space<vmem>>, %arg5: memref<512x128xf32, #tpu.memory_space<vmem>>) attributes {dimension_semantics = [#tpu.dimension_semantics<arbitrary>], iteration_bounds = array<i64: 20>, scalar_prefetch = 0 : i64, scratch_operands = 0 : i64, tpu.core_type = #tpu.core_type<tc>, window_params = [{transform_indices = @transform_0, window_bounds = array<i64: 512, 128>}, {pipeline_mode = #tpu.pipeline_mode<synchronous>, transform_indices = @transform_1, window_bounds = array<i64: 128, 128>}, {transform_indices = @transform_2, window_bounds = array<i64: 512, 128>}, {transform_indices = @transform_3, window_bounds = array<i64: 512, 128>}, {transform_indices = @transform_4, window_bounds = array<i64: 512, 128>}]} {
    %get3A = arith.constant 0 : index
    %get3A_0 = arith.constant 0 : index
    %get3A_1 = vector.load %arg3[%get3A, %get3A_0] : memref<512x128xf32, #tpu.memory_space<vmem>>, vector<512x1xf32>
    %add3A = arith.constant 1.000000e+00 : f32
    %add3A_2 = vector.broadcast %add3A : f32 to vector<512x1xf32>
    %add3A_3 = arith.addf %get3A_1, %add3A_2 : vector<512x1xf32>
    %rsqrt3A = math.rsqrt %add3A_3 : vector<512x1xf32>
    %get3A_4 = arith.constant 0 : index
    %get3A_5 = arith.constant 0 : index
    %get3A_6 = vector.load %arg1[%get3A_4, %get3A_5] : memref<512x128xf32, #tpu.memory_space<vmem>>, vector<512x128xf32>
    %get3A_7 = arith.constant 0 : index
    %get3A_8 = arith.constant 0 : index
    %get3A_9 = vector.load %arg2[%get3A_7, %get3A_8] : memref<128x128xf32, #tpu.memory_space<vmem>>, vector<128x128xf32>
    %dot_general3A = arith.constant dense<0.000000e+00> : vector<512x128xf32>
    %dot_general3A_10 = tpu.matmul %get3A_6, %get3A_9, %dot_general3A {dimension_numbers = #tpu.dot_dimension_numbers<[1], [0], [0], [1], [0, 0, 1, 1], [], []>, transpose_lhs_hint = false} : vector<512x128xf32>, vector<128x128xf32>, vector<512x128xf32> -> vector<512x128xf32>
    %swap3A = arith.constant 0 : index
    %swap3A_11 = arith.constant 0 : index
    %swap3A_12 = vector.load %arg5[%swap3A, %swap3A_11] : memref<512x128xf32, #tpu.memory_space<vmem>>, vector<512x128xf32>
    tpu.vector_store %arg5[%swap3A, %swap3A_11], %dot_general3A_10 {strides = array<i32>} : memref<512x128xf32, #tpu.memory_space<vmem>>, vector<512x128xf32>,
    %mul3A = vector.broadcast %rsqrt3A : vector<512x1xf32> to vector<512x128xf32>
    %mul3A_13 = arith.mulf %dot_general3A_10, %mul3A : vector<512x128xf32>
    %swap3A_14 = arith.constant 0 : index
    %swap3A_15 = arith.constant 0 : index
    %swap3A_16 = vector.load %arg4[%swap3A_14, %swap3A_15] : memref<512x128xf32, #tpu.memory_space<vmem>>, vector<512x128xf32>
    tpu.vector_store %arg4[%swap3A_14, %swap3A_15], %mul3A_13 {strides = array<i32>} : memref<512x128xf32, #tpu.memory_space<vmem>>, vector<512x128xf32>,
    return
  }
  func.func @transform_0(%arg0: i32) -> (i32, i32) {
    %c0_i32 = arith.constant 0 : i32
    %c0_i32_0 = arith.constant 0 : i32
    return %arg0, %c0_i32 : i32, i32
  }
  func.func @transform_1(%arg0: i32) -> (i32, i32) {
    %c0_i32 = arith.constant 0 : i32
    %c0_i32_0 = arith.constant 0 : i32
    %c0_i32_1 = arith.constant 0 : i32
    return %c0_i32, %c0_i32_0 : i32, i32
  }
  func.func @transform_2(%arg0: i32) -> (i32, i32) {
    %c0_i32 = arith.constant 0 : i32
    %c0_i32_0 = arith.constant 0 : i32
    return %arg0, %c0_i32 : i32, i32
  }
  func.func @transform_3(%arg0: i32) -> (i32, i32) {
    %c0_i32 = arith.constant 0 : i32
    %c0_i32_0 = arith.constant 0 : i32
    return %arg0, %c0_i32 : i32, i32
  }
  func.func @transform_4(%arg0: i32) -> (i32, i32) {
    %c0_i32 = arith.constant 0 : i32
    %c0_i32_0 = arith.constant 0 : i32
    return %arg0, %c0_i32 : i32, i32
  }
}

module attributes {stable_mosaic.version = 14 : i64} {
  func.func @_mid_body(%arg0: i32, %arg1: memref<1x512x128xf32, #tpu.memory_space<vmem>>, %arg2: memref<1x512x128xf32, #tpu.memory_space<vmem>>, %arg3: memref<512x128xf32, #tpu.memory_space<vmem>>, %arg4: memref<512x128xf32, #tpu.memory_space<vmem>>, %arg5: memref<1x128xf32, #tpu.memory_space<vmem>>, %arg6: memref<128x128xf32, #tpu.memory_space<vmem>>, %arg7: memref<512x128xf32, #tpu.memory_space<vmem>>, %arg8: memref<512x128xf32, #tpu.memory_space<vmem>>) attributes {dimension_semantics = [#tpu.dimension_semantics<arbitrary>], iteration_bounds = array<i64: 20>, scalar_prefetch = 0 : i64, scratch_operands = 0 : i64, tpu.core_type = #tpu.core_type<tc>, window_params = [{transform_indices = @transform_0, window_bounds = array<i64: 1, 512, 128>}, {transform_indices = @transform_1, window_bounds = array<i64: 1, 512, 128>}, {transform_indices = @transform_2, window_bounds = array<i64: 512, 128>}, {transform_indices = @transform_3, window_bounds = array<i64: 512, 128>}, {pipeline_mode = #tpu.pipeline_mode<synchronous>, transform_indices = @transform_4, window_bounds = array<i64: 1, 128>}, {pipeline_mode = #tpu.pipeline_mode<synchronous>, transform_indices = @transform_5, window_bounds = array<i64: 128, 128>}, {transform_indices = @transform_6, window_bounds = array<i64: 512, 128>}, {transform_indices = @transform_7, window_bounds = array<i64: 512, 128>}]} {
    %get3A = arith.constant 0 : index
    %get3A_0 = arith.constant 0 : index
    %get3A_1 = vector.load %arg4[%get3A, %get3A_0] : memref<512x128xf32, #tpu.memory_space<vmem>>, vector<512x1xf32>
    %add3A = arith.constant 1.000000e+00 : f32
    %add3A_2 = vector.broadcast %add3A : f32 to vector<512x1xf32>
    %add3A_3 = arith.addf %get3A_1, %add3A_2 : vector<512x1xf32>
    %rsqrt3A = math.rsqrt %add3A_3 : vector<512x1xf32>
    %get3A_4 = arith.constant 0 : index
    %get3A_5 = arith.constant 0 : index
    %get3A_6 = arith.constant 0 : index
    %get3A_7 = vector.load %arg1[%get3A_4, %get3A_5, %get3A_6] : memref<1x512x128xf32, #tpu.memory_space<vmem>>, vector<1x512x128xf32>
    %get3A_8 = vector.shape_cast %get3A_7 : vector<1x512x128xf32> to vector<512x128xf32>
    %get3A_9 = arith.constant 0 : index
    %get3A_10 = arith.constant 0 : index
    %get3A_11 = arith.constant 0 : index
    %get3A_12 = vector.load %arg2[%get3A_9, %get3A_10, %get3A_11] : memref<1x512x128xf32, #tpu.memory_space<vmem>>, vector<1x512x128xf32>
    %get3A_13 = vector.shape_cast %get3A_12 : vector<1x512x128xf32> to vector<512x128xf32>
    %add3A_14 = arith.addf %get3A_8, %get3A_13 : vector<512x128xf32>
    %mul3A = vector.broadcast %rsqrt3A : vector<512x1xf32> to vector<512x128xf32>
    %mul3A_15 = arith.mulf %mul3A, %add3A_14 : vector<512x128xf32>
    %mul3A_16 = arith.mulf %rsqrt3A, %rsqrt3A : vector<512x1xf32>
    %get3A_17 = arith.constant 0 : index
    %get3A_18 = arith.constant 0 : index
    %get3A_19 = vector.load %arg3[%get3A_17, %get3A_18] : memref<512x128xf32, #tpu.memory_space<vmem>>, vector<512x128xf32>
    %mul3A_20 = vector.broadcast %mul3A_16 : vector<512x1xf32> to vector<512x128xf32>
    %mul3A_21 = arith.mulf %mul3A_20, %get3A_19 : vector<512x128xf32>
    %add3A_22 = arith.addf %mul3A_15, %mul3A_21 : vector<512x128xf32>
    %get3A_23 = arith.constant 0 : index
    %get3A_24 = arith.constant 0 : index
    %get3A_25 = vector.load %arg5[%get3A_23, %get3A_24] : memref<1x128xf32, #tpu.memory_space<vmem>>, vector<1x128xf32>
    %add3A_26 = vector.broadcast %get3A_25 : vector<1x128xf32> to vector<512x128xf32>
    %add3A_27 = arith.addf %add3A_22, %add3A_26 : vector<512x128xf32>
    %max3A = arith.constant 0.000000e+00 : f32
    %max3A_28 = vector.broadcast %max3A : f32 to vector<512x128xf32>
    %max3A_29 = arith.maximumf %add3A_27, %max3A_28 : vector<512x128xf32>
    %get3A_30 = arith.constant 0 : index
    %get3A_31 = arith.constant 0 : index
    %get3A_32 = vector.load %arg6[%get3A_30, %get3A_31] : memref<128x128xf32, #tpu.memory_space<vmem>>, vector<128x128xf32>
    %dot_general3A = arith.constant dense<0.000000e+00> : vector<512x128xf32>
    %dot_general3A_33 = tpu.matmul %max3A_29, %get3A_32, %dot_general3A {dimension_numbers = #tpu.dot_dimension_numbers<[1], [0], [0], [1], [0, 0, 1, 1], [], []>, transpose_lhs_hint = false} : vector<512x128xf32>, vector<128x128xf32>, vector<512x128xf32> -> vector<512x128xf32>
    %swap3A = arith.constant 0 : index
    %swap3A_34 = arith.constant 0 : index
    %swap3A_35 = vector.load %arg8[%swap3A, %swap3A_34] : memref<512x128xf32, #tpu.memory_space<vmem>>, vector<512x128xf32>
    tpu.vector_store %arg8[%swap3A, %swap3A_34], %dot_general3A_33 {strides = array<i32>} : memref<512x128xf32, #tpu.memory_space<vmem>>, vector<512x128xf32>,
    %mul3A_36 = vector.broadcast %rsqrt3A : vector<512x1xf32> to vector<512x128xf32>
    %mul3A_37 = arith.mulf %dot_general3A_33, %mul3A_36 : vector<512x128xf32>
    %swap3A_38 = arith.constant 0 : index
    %swap3A_39 = arith.constant 0 : index
    %swap3A_40 = vector.load %arg7[%swap3A_38, %swap3A_39] : memref<512x128xf32, #tpu.memory_space<vmem>>, vector<512x128xf32>
    tpu.vector_store %arg7[%swap3A_38, %swap3A_39], %mul3A_37 {strides = array<i32>} : memref<512x128xf32, #tpu.memory_space<vmem>>, vector<512x128xf32>,
    return
  }
  func.func @transform_0(%arg0: i32) -> (i32, i32, i32) {
    %c0_i32 = arith.constant 0 : i32
    %c0_i32_0 = arith.constant 0 : i32
    %c0_i32_1 = arith.constant 0 : i32
    return %c0_i32, %arg0, %c0_i32_0 : i32, i32, i32
  }
  func.func @transform_1(%arg0: i32) -> (i32, i32, i32) {
    %c1_i32 = arith.constant 1 : i32
    %c0_i32 = arith.constant 0 : i32
    %c0_i32_0 = arith.constant 0 : i32
    return %c1_i32, %arg0, %c0_i32 : i32, i32, i32
  }
  func.func @transform_2(%arg0: i32) -> (i32, i32) {
    %c0_i32 = arith.constant 0 : i32
    %c0_i32_0 = arith.constant 0 : i32
    return %arg0, %c0_i32 : i32, i32
  }
  func.func @transform_3(%arg0: i32) -> (i32, i32) {
    %c0_i32 = arith.constant 0 : i32
    %c0_i32_0 = arith.constant 0 : i32
    return %arg0, %c0_i32 : i32, i32
  }
  func.func @transform_4(%arg0: i32) -> (i32, i32) {
    %c0_i32 = arith.constant 0 : i32
    %c0_i32_0 = arith.constant 0 : i32
    %c0_i32_1 = arith.constant 0 : i32
    return %c0_i32, %c0_i32_0 : i32, i32
  }
  func.func @transform_5(%arg0: i32) -> (i32, i32) {
    %c0_i32 = arith.constant 0 : i32
    %c0_i32_0 = arith.constant 0 : i32
    %c0_i32_1 = arith.constant 0 : i32
    return %c0_i32, %c0_i32_0 : i32, i32
  }
  func.func @transform_6(%arg0: i32) -> (i32, i32) {
    %c0_i32 = arith.constant 0 : i32
    %c0_i32_0 = arith.constant 0 : i32
    return %arg0, %c0_i32 : i32, i32
  }
  func.func @transform_7(%arg0: i32) -> (i32, i32) {
    %c0_i32 = arith.constant 0 : i32
    %c0_i32_0 = arith.constant 0 : i32
    return %arg0, %c0_i32 : i32, i32
  }
}

module attributes {stable_mosaic.version = 14 : i64} {
  func.func @_post2_body(%arg0: i32, %arg1: memref<1x512x128xf32, #tpu.memory_space<vmem>>, %arg2: memref<1x512x128xf32, #tpu.memory_space<vmem>>, %arg3: memref<512x128xf32, #tpu.memory_space<vmem>>, %arg4: memref<512x128xf32, #tpu.memory_space<vmem>>, %arg5: memref<1x128xf32, #tpu.memory_space<vmem>>, %arg6: memref<512x128xf32, #tpu.memory_space<vmem>>) attributes {dimension_semantics = [#tpu.dimension_semantics<arbitrary>], iteration_bounds = array<i64: 20>, scalar_prefetch = 0 : i64, scratch_operands = 0 : i64, tpu.core_type = #tpu.core_type<tc>, window_params = [{transform_indices = @transform_0, window_bounds = array<i64: 1, 512, 128>}, {transform_indices = @transform_1, window_bounds = array<i64: 1, 512, 128>}, {transform_indices = @transform_2, window_bounds = array<i64: 512, 128>}, {transform_indices = @transform_3, window_bounds = array<i64: 512, 128>}, {pipeline_mode = #tpu.pipeline_mode<synchronous>, transform_indices = @transform_4, window_bounds = array<i64: 1, 128>}, {transform_indices = @transform_5, window_bounds = array<i64: 512, 128>}]} {
    %get3A = arith.constant 0 : index
    %get3A_0 = arith.constant 0 : index
    %get3A_1 = vector.load %arg4[%get3A, %get3A_0] : memref<512x128xf32, #tpu.memory_space<vmem>>, vector<512x1xf32>
    %add3A = arith.constant 1.000000e+00 : f32
    %add3A_2 = vector.broadcast %add3A : f32 to vector<512x1xf32>
    %add3A_3 = arith.addf %get3A_1, %add3A_2 : vector<512x1xf32>
    %rsqrt3A = math.rsqrt %add3A_3 : vector<512x1xf32>
    %get3A_4 = arith.constant 0 : index
    %get3A_5 = arith.constant 0 : index
    %get3A_6 = arith.constant 0 : index
    %get3A_7 = vector.load %arg1[%get3A_4, %get3A_5, %get3A_6] : memref<1x512x128xf32, #tpu.memory_space<vmem>>, vector<1x512x128xf32>
    %get3A_8 = vector.shape_cast %get3A_7 : vector<1x512x128xf32> to vector<512x128xf32>
    %get3A_9 = arith.constant 0 : index
    %get3A_10 = arith.constant 0 : index
    %get3A_11 = arith.constant 0 : index
    %get3A_12 = vector.load %arg2[%get3A_9, %get3A_10, %get3A_11] : memref<1x512x128xf32, #tpu.memory_space<vmem>>, vector<1x512x128xf32>
    %get3A_13 = vector.shape_cast %get3A_12 : vector<1x512x128xf32> to vector<512x128xf32>
    %add3A_14 = arith.addf %get3A_8, %get3A_13 : vector<512x128xf32>
    %mul3A = vector.broadcast %rsqrt3A : vector<512x1xf32> to vector<512x128xf32>
    %mul3A_15 = arith.mulf %mul3A, %add3A_14 : vector<512x128xf32>
    %mul3A_16 = arith.mulf %rsqrt3A, %rsqrt3A : vector<512x1xf32>
    %get3A_17 = arith.constant 0 : index
    %get3A_18 = arith.constant 0 : index
    %get3A_19 = vector.load %arg3[%get3A_17, %get3A_18] : memref<512x128xf32, #tpu.memory_space<vmem>>, vector<512x128xf32>
    %mul3A_20 = vector.broadcast %mul3A_16 : vector<512x1xf32> to vector<512x128xf32>
    %mul3A_21 = arith.mulf %mul3A_20, %get3A_19 : vector<512x128xf32>
    %add3A_22 = arith.addf %mul3A_15, %mul3A_21 : vector<512x128xf32>
    %get3A_23 = arith.constant 0 : index
    %get3A_24 = arith.constant 0 : index
    %get3A_25 = vector.load %arg5[%get3A_23, %get3A_24] : memref<1x128xf32, #tpu.memory_space<vmem>>, vector<1x128xf32>
    %add3A_26 = vector.broadcast %get3A_25 : vector<1x128xf32> to vector<512x128xf32>
    %add3A_27 = arith.addf %add3A_22, %add3A_26 : vector<512x128xf32>
    %max3A = arith.constant 0.000000e+00 : f32
    %max3A_28 = vector.broadcast %max3A : f32 to vector<512x128xf32>
    %max3A_29 = arith.maximumf %add3A_27, %max3A_28 : vector<512x128xf32>
    %swap3A = arith.constant 0 : index
    %swap3A_30 = arith.constant 0 : index
    %swap3A_31 = vector.load %arg6[%swap3A, %swap3A_30] : memref<512x128xf32, #tpu.memory_space<vmem>>, vector<512x128xf32>
    tpu.vector_store %arg6[%swap3A, %swap3A_30], %max3A_29 {strides = array<i32>} : memref<512x128xf32, #tpu.memory_space<vmem>>, vector<512x128xf32>,
    return
  }
  func.func @transform_0(%arg0: i32) -> (i32, i32, i32) {
    %c0_i32 = arith.constant 0 : i32
    %c0_i32_0 = arith.constant 0 : i32
    %c0_i32_1 = arith.constant 0 : i32
    return %c0_i32, %arg0, %c0_i32_0 : i32, i32, i32
  }
  func.func @transform_1(%arg0: i32) -> (i32, i32, i32) {
    %c1_i32 = arith.constant 1 : i32
    %c0_i32 = arith.constant 0 : i32
    %c0_i32_0 = arith.constant 0 : i32
    return %c1_i32, %arg0, %c0_i32 : i32, i32, i32
  }
  func.func @transform_2(%arg0: i32) -> (i32, i32) {
    %c0_i32 = arith.constant 0 : i32
    %c0_i32_0 = arith.constant 0 : i32
    return %arg0, %c0_i32 : i32, i32
  }
  func.func @transform_3(%arg0: i32) -> (i32, i32) {
    %c0_i32 = arith.constant 0 : i32
    %c0_i32_0 = arith.constant 0 : i32
    return %arg0, %c0_i32 : i32, i32
  }
  func.func @transform_4(%arg0: i32) -> (i32, i32) {
    %c0_i32 = arith.constant 0 : i32
    %c0_i32_0 = arith.constant 0 : i32
    %c0_i32_1 = arith.constant 0 : i32
    return %c0_i32, %c0_i32_0 : i32, i32
  }
  func.func @transform_5(%arg0: i32) -> (i32, i32) {
    %c0_i32 = arith.constant 0 : i32
    %c0_i32_0 = arith.constant 0 : i32
    return %arg0, %c0_i32 : i32, i32
  }
}

</mosaic_0001>

<sc_bundles>
// kernel: kernel.11.cloned.1.call-start
scs
__scs_entry_jumppad:
0x0: {  	(pc) =	sbr.rel $0x88, $3  }
0x1: {  	(tag) =	ssettag $0x0;
	lr =	simm.s32 $0x1  }
0x2: {  	[smem:$0x3F9B] =	sst lr;
	_ =	strace $0xD0000000  }
0x3: {  	_ = 	snop  }
0x4: {  	_ = 	snop  }
0x5: {  	_ = 	snop  }
0x6: {  	_ = 	snop  }
0x7: {  	_ = 	snop  }
__scs_overlays_trampoline_lowered:
0x8: {  	[smem:$0x3FAA] =	sst s0  }
0x9: {  	[smem:$0x3FAB] =	sst s1  }
0xa: {  	[smem:$0x3FAC] =	sst s2  }
0xb: {  	[smem:$0x3FAD] =	sst s3  }
0xc: {  	[smem:$0x3FAE] =	sst s4  }
0xd: {  	[smem:$0x3FAF] =	sst s5  }
0xe: {  	[smem:$0x3FB0] =	sst s6  }
0xf: {  	[smem:$0x3FB1] =	sst s7  }
0x10: {  	[smem:$0x3FB2] =	sst s8  }
0x11: {  	[smem:$0x3FB3] =	sst s9;
	s0 =	simm.s32 @!p0 $0x0  }
0x12: {  	s1 =	sld [smem:$0x3F99];
	s0 =	simm.s32 @p0 $0x1  }
0x13: {  	[smem:$0x3FB4] =	sst s0;
	s0 =	simm.s32 @!p1 $0x0  }
0x14: {  	s2 =	sld [smem:$0x3F98];
	s0 =	simm.s32 @p1 $0x1  }
0x15: {  	[smem:$0x3FB5] =	sst s0;
	s0 =	simm.s32 @!p2 $0x0  }
0x16: {  	s3 =	sld [smem:$0x3FDB];
	s0 =	simm.s32 @p2 $0x1  }
0x17: {  	s4 =	simm.s32 $0x1BF5;
	[smem:$0x3FB7] =	sst s0  }
0x18: {  	s0 =	sld [smem:$0x3F9A];
	_ =	swait.ge [sflag:s4], $0x0  }
0x19: {  	s7 =	sld [smem:$0x3F9B]  }
0x1a: {  	s8 =	sadd.s32 $0xFFFFE003, lr  }
0x1b: {  	s9 =	sadd.s32 $0xFFFFFEF7, lr;
	s5 =	simm.s32 $0xFFFFFFFF;
	p2 =	slt.u32 s8, $0xFFFFF086  }
0x1c: {  	p1 =	slt.u32 s9, $0xF7A;
	s5 =	simm.s32 @!p2 $0x0  }
0x1d: {  	s5 =	simm.s32 @p1 $0x1;
	p0 =	seq.s32 s7, s2  }
0x1e: {  	s7 =	smul.u32 @!p0 $0xF7A, s2;
	p2 =	seq.s32 @!p0 s5, $0x0  }
0x1f: {  	s9 =	smul.u32 $0xF7A, s1;
	s8 =	simm.s32 @!p0 $0x1BF5;
	p2 =	por !p2, p0  }
0x20: {  	[sflag:s8] =	ssyncset.s32 @!p0 $0xFFFFF086;
	s6 =	sadd.s32 @!p0 s3, s7;
	s7 =	simm.s32 @!p0 $0x108  }
0x21: {  	s3 =	sadd.s32 s3, s9;
	s6 =	sadd.s32 @!p0 $0x88, s6;
	s7 =	simm.s32 @p2 $0x1082  }
0x22: {  	[simem:s7], [sflag:s8] =	dma.local @!p0 [hbm:s6], $0xF7A  }
0x23: {  	s9 =	sor.u32 $0xD0000000, s2;
	s6 =	simm.s32 $0x108;
	_ =	swait.ge @!p0 [sflag:s8], $0x0  }
0x24: {  	s3 =	sadd.s32 $0x88, s3;
	s6 =	simm.s32 @!p1 $0x1082;
	[sflag:s4] =	ssyncset.s32 $0xFFFFF086  }
0x25: {  	[simem:s6], [sflag:s4] =	dma.local [hbm:s3], $0xF7A  }
0x26: {  	[smem:$0x3F9B] =	sst s1;
	(tag) =	ssettag s2;
	_ =	strace s9  }
0x27: {  	s1 =	sld [smem:$0x3FAB]  }
0x28: {  	s2 =	sld [smem:$0x3FAC]  }
0x29: {  	s4 =	sld [smem:$0x3FAE]  }
0x2a: {  	p0 =	seq.s32 s5, $0x0;
	s5 =	sld [smem:$0x3FAF]  }
0x2b: {  	s6 =	sld [smem:$0x3FB0]  }
0x2c: {  	s7 =	sld [smem:$0x3FB1]  }
0x2d: {  	s3 =	simm.s32 $0x108;
	s8 =	sld [smem:$0x3FB2]  }
0x2e: {  	s3 =	simm.s32 @!p0 $0x1082;
	s9 =	sld [smem:$0x3FB3]  }
0x2f: {  	lr =	sadd.s32 s0, s3;
	s0 =	sld [smem:$0x3FAA]  }
0x30: {  	s3 =	sld [smem:$0x3FAD]  }
0x31: {  	[smem:$0x3FB6] =	sst s10  }
0x32: {  	s10 =	sld [smem:$0x3FB4];
	_ =	sdelay $0x3  }
0x33: {  	p0 =	seq.s32 s10, $0x1;
	s10 =	sld [smem:$0x3FB6];
	_ =	sdelay $0x3  }
0x34: {  	[smem:$0x3FB6] =	sst s10  }
0x35: {  	s10 =	sld [smem:$0x3FB5];
	_ =	sdelay $0x3  }
0x36: {  	p1 =	seq.s32 s10, $0x1;
	s10 =	sld [smem:$0x3FB6];
	_ =	sdelay $0x3  }
0x37: {  	[smem:$0x3FB6] =	sst s10  }
0x38: {  	s10 =	sld [smem:$0x3FB7]  }
0x39: {  	_ = 	snop;
	(pc) =	sbr.ind lr, $3  }
0x3a: {  	_ = 	snop  }
0x3b: {  	_ = 	snop  }
0x3c: {  	p2 =	seq.s32 s10, $0x1;
	s10 =	sld [smem:$0x3FB6]  }
0x3d: {  	_ =	shalt  }
0x3e: {  	_ =	shalt  }
0x3f: {  	_ =	shalt  }
0x40: {  	_ =	shalt  }
0x41: {  	_ =	shalt  }
0x42: {  	_ =	shalt  }
0x43: {  	_ =	shalt  }
0x44: {  	_ =	shalt  }
0x45: {  	_ =	shalt  }
0x46: {  	_ =	shalt  }
0x47: {  	_ =	shalt  }
0x48: {  	_ =	shalt  }
0x49: {  	_ =	shalt  }
0x4a: {  	_ =	shalt  }
0x4b: {  	_ =	shalt  }
0x4c: {  	_ =	shalt  }
0x4d: {  	_ =	shalt  }
0x4e: {  	_ =	shalt  }
0x4f: {  	_ =	shalt  }
0x50: {  	_ =	shalt  }
0x51: {  	_ =	shalt  }
0x52: {  	_ =	shalt  }
0x53: {  	_ =	shalt  }
0x54: {  	_ =	shalt  }
0x55: {  	_ =	shalt  }
0x56: {  	_ =	shalt  }
0x57: {  	_ =	shalt  }
0x58: {  	_ =	shalt  }
0x59: {  	_ =	shalt  }
0x5a: {  	_ =	shalt  }
0x5b: {  	_ =	shalt  }
0x5c: {  	_ =	shalt  }
0x5d: {  	_ =	shalt  }
0x5e: {  	_ =	shalt  }
0x5f: {  	_ =	shalt  }
0x60: {  	_ =	shalt  }
0x61: {  	_ =	shalt  }
0x62: {  	_ =	shalt  }
0x63: {  	_ =	shalt  }
0x64: {  	_ =	shalt  }
0x65: {  	_ =	shalt  }
0x66: {  	_ =	shalt  }
0x67: {  	_ =	shalt  }
0x68: {  	_ =	shalt  }
0x69: {  	_ =	shalt  }
0x6a: {  	_ =	shalt  }
0x6b: {  	_ =	shalt  }
0x6c: {  	_ =	shalt  }
0x6d: {  	_ =	shalt  }
0x6e: {  	_ =	shalt  }
0x6f: {  	_ =	shalt  }
0x70: {  	_ =	shalt  }
0x71: {  	_ =	shalt  }
0x72: {  	_ =	shalt  }
0x73: {  	_ =	shalt  }
0x74: {  	_ =	shalt  }
0x75: {  	_ =	shalt  }
0x76: {  	_ =	shalt  }
0x77: {  	_ =	shalt  }
0x78: {  	_ =	shalt  }
0x79: {  	_ =	shalt  }
0x7a: {  	_ =	shalt  }
0x7b: {  	_ =	shalt  }
0x7c: {  	_ =	shalt  }
0x7d: {  	_ =	shalt  }
0x7e: {  	_ =	shalt  }
0x7f: {  	_ =	shalt  }
0x80: {  	_ =	shalt  }
0x81: {  	_ =	shalt  }
0x82: {  	_ =	shalt  }
0x83: {  	_ =	shalt  }
0x84: {  	_ =	shalt  }
0x85: {  	_ =	shalt  }
0x86: {  	_ =	shalt  }
0x87: {  	_ =	shalt  }
.Lfunc_end0:
.L_simem_size_0:
called_computation.1_lowered:
.L_overlay_start_0:
0x88: {  	s2 =	sld [smem:$0x3FD9]  }
0x89: {  	s3 =	sld [smem:$0x3FFE];
	_ =	sdelay $0x1  }
0x8a: {  	s1 =	srdreg.scid  }
0x8b: {  	s0 =	sand.u32 $0x1, s1  }
0x8c: {  	s14 =	sshll.u32 s0, $0xA;
	s2 =	sadd.s32 s3, s2  }
0x8d: {  	s2 =	sadd.s32 s2, s14  }
0x8e: {  	[smem:$0x3FC2] =	sst s2  }
0x8f: {  	_ = 	snop  }
0x90: {  	s2 =	sld [smem:$0x3FD0];
	_ =	sdelay $0x2  }
0x91: {  	s15 =	simm.s32 $0xA;
	s4 =	simm.s32 $0x10  }
0x92: {  	[smem:s4], [sflag:s15] =	dma.local [hbm:s2], $0x1  }
0x93: {  	_ =	swait.eq [sflag:s15], $0x1  }
0x94: {  	[sflag:s15] =	ssyncset.done $0x0  }
0x95: {  	s16 =	sld [smem:$0x10];
	[sflag:s15] =	ssyncadd.s32 $0xFFFFFFFF  }
0x96: {  	s17 =	sld [smem:$0x11];
	(tm) =	ssettm $0x1  }
0x97: {  	s18 =	sld [smem:$0x3FFB];
	_ =	sdelay $0x3  }
0x98: {  	_ =	strace s18  }
0x99: {  	s4 =	sld [smem:$0x3FFC];
	_ =	sdelay $0x3  }
0x9a: {  	_ =	strace s4  }
0x9b: {  	s4 =	sld [smem:$0x3FFD];
	_ =	sdelay $0x3  }
0x9c: {  	_ =	strace s4  }
0x9d: {  	_ =	strace $0x8FFFFFFF  }
0x9e: {  	s19 =	sld [smem:$0x3FDB];
	_ =	sdelay $0x1  }
0x9f: {  	s5 =	simm.s32 $_scs_section_size  }
0xa0: {  	s6 =	simm.s32 $_size__tile_overlayer_lowered;
	s7 =	simm.s32 $_tile_overlayer_lowered  }
0xa1: {  	s22 =	simm.s32 $0x1BFF;
	s21 =	sshll.u32 s7, $0x1;
	s4 =	sadd.s32 s5, s19  }
0xa2: {  	s8 =	simm.s32 $0x0;
	s20 =	sshll.u32 s6, $0x1;
	s6 =	sadd.s32 s21, s4  }
0xa3: {  	[timem:s8], [sflag:s22] =	dma.local [hbm:s6], s20  }
0xa4: {  	_ =	swait.ge [sflag:s22], s20  }
0xa5: {  	s5 =	ssub.s32 $0x0, s20;
	[sflag:s22] =	ssyncset.done $0x0  }
0xa6: {  	[sflag:s22] =	ssyncadd.s32 s5;
	_ =	sdelay $0x1  }
0xa7: {  	s23 =	simm.s32 $0x1B8B  }
0xa8: {  	_ =	swait.ge [sflag:s23], $0x1  }
0xa9: {  	[sflag:s23] =	ssyncset.done $0x0  }
0xaa: {  	s25 =	simm.s32 $0x1B8E;
	s24 =	sld [smem:$0x3FFE];
	[sflag:s23] =	ssyncadd.s32 $0xFFFFFFFF  }
0xab: {  	s26 =	simm.s32 $execute0_lowered;
	[smem:$0x3FD2] =	sst s25  }
0xac: {  	s6 =	sshll.u32 s26, $0x1;
	_ =	strace $0x80000049;
	[dreg:$0x1] =	wrdreg $0xFFFFFFFF  }
0xad: {  	s28 =	simm.s32 $_size_execute0_lowered;
	s4 =	sadd.s32 s4, s6;
	[dreg:$0x0] =	wrdreg $0x0  }
0xae: {  	s6 =	sshll.u32 s28, $0x1;
	[dreg:$0x2] =	wrdreg s4  }
0xaf: {  	[dreg:$0x3] =	wrdreg s6  }
0xb0: {  	[dreg:$0x4] =	wrdreg $0xC0  }
0xb1: {  	_ =	task [dreg:s8], $0x5FFFF  }
0xb2: {  	[dreg:$0x1] =	wrdreg $0xFFFFFFFF  }
0xb3: {  	[dreg:$0x0] =	wrdreg $0x60  }
0xb4: {  	[dreg:$0x2] =	wrdreg s24  }
0xb5: {  	[dreg:$0x3] =	wrdreg s16  }
0xb6: {  	[dreg:$0x4] =	wrdreg s17  }
0xb7: {  	[dreg:$0x5] =	wrdreg $0x90000  }
0xb8: {  	[dreg:$0x6] =	wrdreg $0x9  }
0xb9: {  	_ =	task.clear_ibuf [dreg:s8], $0x7FFFF;
	_ =	strace $0x90000049  }
0xba: {  	s29 =	simm.s32 $0x9;
	_ =	strace $0x8000004B  }
0xbb: {  	_ =	swait.ge [sflag:s29], $0x1  }
0xbc: {  	[sflag:s29] =	ssyncadd.s32 $0xFFFFFFFF  }
0xbd: {  	_ =	strace $0x9000004B  }
0xbe: {  	_ =	sfence  }
0xbf: {  	s30 =	sld [smem:$0x0];
	_ =	sdelay $0x2  }
0xc0: {  	s31 =	sshll.u32 s1, $0xD;
	s1 =	sshrl.u32 s1, $0x2  }
0xc1: {  	s3 =	sand.u32 $0x4000, s31;
	s1 =	sadd.s32 s1, s30  }
0xc2: {  	s0 =	sor.u32 s3, s0;
	s1 =	sshll.u32 s1, $0x11  }
0xc3: {  	s0 =	sor.u32 s1, s0  }
0xc4: {  	s0 =	sadd.s32 $0x8F2B, s0  }
0xc5: {  	[sflag:s0] =	ssyncadd.remote.s32 $0x1  }
0xc6: {  	_ =	sfence.sel $0xFFFF  }
0xc7: {  	[dreg:$0x0] =	wrdreg $0xFFFFFFFF;
	(pc) =	sbr.abs _section_cstart, $3  }
0xc8: {  	[dreg:$0x1] =	wrdreg $0xFFFFFFFF  }
0xc9: {  	_ =	task.clear_ibuf [dreg:s8], $0x2FFFF;
	_ =	strace $0x9FFFFFFF  }
0xca: {  	(tm) =	ssettm $0x7FFFFFFF  }
0xcb: {  	_ =	shalt  }
tec
execute0_lowered:
.L_overlay_start_1:
0x0: {  	(tag) =	ssettag $0x1  }
0x1: {  	s6 =	rddreg [dreg:$0x0]  }
0x2: {  	s9 =	rddreg [dreg:$0x1]  }
0x3: {  	s2 =	rddreg [dreg:$0x2];
	s0 =	srdreg.scid  }
0x4: {  	s3 =	rddreg [dreg:$0x3];
	s1 =	stileid.u32  }
0x5: {  	s4 =	simm.s32 $0x0;
	s16 =	simm.s32 $0x80;
	s17 =	simm.s32 $0x1000  }
0x6: {  	s18 =	simm.s32 $0x1;
	s19 =	simm.s32 $0x5000;
	s8 =	smul.u32 $0x14000, s1  }
0x7: {  	s7 =	sand.u32 $0x1, s0;
	s0 =	rddreg [dreg:$0x4];
	s10 =	smul.u32 $0x50000, s1  }
0x8: {  	[smem:$0x7FF] =	sst s4;
	s11 =	sadd.s32 $0x1E00, s6;
	s13 =	smul.u32 $0x500, s1  }
0x9: {  	s25 =	sshll.u32 s1, $0x6;
	s5 =	smul.u32 $0x140000, s7;
	s23 =	ssub.s32 $0x2, s7  }
0xa: {  	_ =	strace $0x8000004A;
	p0 =	seq.s32 s7, $0x1;
	s24 =	sshrl.u32 s23, $0x1  }
0xb: {  	s10 =	sshrl.u32 s10, $0x2;
	s7 =	sadd.s32 s11, s13;
	s26 =	sadd.s32 $0x5000, s13  }
0xc: {  	s8 =	sadd.s32 s8, s5;
	s5 =	sadd.s32 $0xBE00, s6;
	s14 =	ssub.s32 s23, s24  }
0xd: {  	s15 =	sadd.s32 s10, s3;
	s28 =	sadd.s32 $0x80, s7;
	s10 =	sadd.s32 s11, s26  }
0xe: {  	s30 =	sadd.s32 $0x5080, s7;
	s8 =	sshrl.u32 s8, $0x3;
	[dreg:$0x6] =	wrdreg s28  }
.Ltmp0:
0xf: {  	[dreg:$0x8] =	wrdreg s30;
	s12 =	sadd.s32 s8, s6;
	(pc) =	sbr.rel .LBB2_1-.Ltmp0, $4  }
0x10: {  	s6 =	sor.u32 $0x1C03, s25;
	s8 =	sadd.s32 s9, s13;
	s9 =	sadd.s32 s9, s26  }
0x11: {  	s13 =	sshrl.u32 s15, $0x3;
	s15 =	simm.s32 $0x800;
	s29 =	sadd.s32 $0x80, s8  }
0x12: {  	s11 =	sadd.s32 $0x33E00, s12;
	s31 =	sadd.s32 $0x5080, s8;
	[dreg:$0x5] =	wrdreg s29  }
0x13: {  	s12 =	smax.u32 s14, $0x1;
	s14 =	simm.s32 $0x3;
	[dreg:$0x7] =	wrdreg s31  }
.LBB2_7:
0x14: {  	s23 =	rddreg [dreg:$0x7];
	[sflag:s14] =	ssyncadd.s32 $0xFFFFC000  }
0x15: {  	s22 =	sand.u32 $0x1, s22;
	p1 =	seq.s32 s20, $0x480;
	s24 =	rddreg [dreg:$0x8]  }
0x16: {  	s22 =	sshll.u32 @!p1 s22, $0xA;
	s23 =	sadd.s32 @!p1 s20, s23;
	s25 =	simm.s32 @!p1 $0x0  }
0x17: {  	[tilespmem:s22], [sflag:$0x2] =	stream.linear.gather @!p1 [hbm4b:s23+s25], $0x400, $0x38;
	[tilespmem:$0x1D000] =	vst v63  }
0x18: {  	s20 =	sadd.s32 @!p1 s20, s24;
	s23 =	sor.u32 @!p1 $0x800, s22  }
0x19: {  	[tilespmem:s23], [sflag:$0x2] =	stream.linear.gather @!p1 [hbm4b:s20+s25], $0x400, $0x38;
	[tilespmem:$0x1D000] =	vst v63  }
0x1a: {  	_ =	swait.ge [sflag:s18], $0x4000  }
0x1b: {  	s20 =	sand.u32 $0x400, s21;
	[sflag:s18] =	ssyncset.done $0x0  }
0x1c: {  	s21 =	sor.u32 $0x80, s20;
	[sflag:s18] =	ssyncadd.s32 $0xFFFFC000  }
0x1d: {  	[tilespmem:s19], [sflag:$0x1] =	stream.indirect.gather [hbm4b:s5+s16], $0x80, s21, s16, $0xb8;
	[tilespmem:$0x1D000] =	vst v63  }
0x1e: {  	s26 =	sor.u32 $0x800, s20  }
0x1f: {  	[spmem:s3] =	stream.indirect.scatter.add.f32 [tilespmem:s17], [sflag:$0x3], $0x80, s26, s16, $0xb8;
	[tilespmem:$0x1D000] =	vst v63  }
0x20: {  	_ =	swait.ge [sflag:s14], $0x4000  }
0x21: {  	[sflag:s14] =	ssyncset.done $0x0  }
0x22: {  	[sflag:s14] =	ssyncadd.s32 $0xFFFFC000  }
0x23: {  	_ =	swait.ge [sflag:s18], $0x4000  }
0x24: {  	[sflag:s18] =	ssyncset.done $0x0  }
0x25: {  	s28 =	sor.u32 $0x100, s20;
	[sflag:s18] =	ssyncadd.s32 $0xFFFFC000  }
0x26: {  	[tilespmem:s17], [sflag:$0x1] =	stream.indirect.gather [hbm4b:s5+s16], $0x80, s28, s16, $0xb8;
	[tilespmem:$0x1D000] =	vst v63  }
0x27: {  	s29 =	sor.u32 $0x880, s20  }
0x28: {  	[spmem:s3] =	stream.indirect.scatter.add.f32 [tilespmem:s19], [sflag:$0x3], $0x80, s29, s16, $0xb8;
	[tilespmem:$0x1D000] =	vst v63  }
0x29: {  	_ =	swait.ge [sflag:s14], $0x4000  }
0x2a: {  	[sflag:s14] =	ssyncset.done $0x0  }
0x2b: {  	[sflag:s14] =	ssyncadd.s32 $0xFFFFC000  }
0x2c: {  	_ =	swait.ge [sflag:s18], $0x4000  }
0x2d: {  	[sflag:s18] =	ssyncset.done $0x0  }
0x2e: {  	s30 =	sor.u32 $0x180, s20;
	[sflag:s18] =	ssyncadd.s32 $0xFFFFC000  }
0x2f: {  	[tilespmem:s19], [sflag:$0x1] =	stream.indirect.gather [hbm4b:s5+s16], $0x80, s30, s16, $0xb8;
	[tilespmem:$0x1D000] =	vst v63  }
0x30: {  	s31 =	sor.u32 $0x900, s20  }
0x31: {  	[spmem:s3] =	stream.indirect.scatter.add.f32 [tilespmem:s17], [sflag:$0x3], $0x80, s31, s16, $0xb8;
	[tilespmem:$0x1D000] =	vst v63  }
0x32: {  	_ =	swait.ge [sflag:s14], $0x4000  }
0x33: {  	[sflag:s14] =	ssyncset.done $0x0  }
0x34: {  	[sflag:s14] =	ssyncadd.s32 $0xFFFFC000  }
0x35: {  	_ =	swait.ge [sflag:s18], $0x4000  }
0x36: {  	[sflag:s18] =	ssyncset.done $0x0  }
0x37: {  	s23 =	sor.u32 $0x200, s20;
	[sflag:s18] =	ssyncadd.s32 $0xFFFFC000  }
0x38: {  	[tilespmem:s17], [sflag:$0x1] =	stream.indirect.gather [hbm4b:s5+s16], $0x80, s23, s16, $0xb8;
	[tilespmem:$0x1D000] =	vst v63  }
0x39: {  	s24 =	sor.u32 $0x980, s20  }
0x3a: {  	[spmem:s3] =	stream.indirect.scatter.add.f32 [tilespmem:s19], [sflag:$0x3], $0x80, s24, s16, $0xb8;
	[tilespmem:$0x1D000] =	vst v63  }
0x3b: {  	_ =	swait.ge [sflag:s14], $0x4000  }
0x3c: {  	[sflag:s14] =	ssyncset.done $0x0  }
0x3d: {  	[sflag:s14] =	ssyncadd.s32 $0xFFFFC000  }
0x3e: {  	_ =	swait.ge [sflag:s18], $0x4000  }
0x3f: {  	[sflag:s18] =	ssyncset.done $0x0  }
0x40: {  	s25 =	sor.u32 $0x280, s20;
	[sflag:s18] =	ssyncadd.s32 $0xFFFFC000  }
0x41: {  	[tilespmem:s19], [sflag:$0x1] =	stream.indirect.gather [hbm4b:s5+s16], $0x80, s25, s16, $0xb8;
	[tilespmem:$0x1D000] =	vst v63  }
0x42: {  	s26 =	sor.u32 $0xA00, s20  }
0x43: {  	[spmem:s3] =	stream.indirect.scatter.add.f32 [tilespmem:s17], [sflag:$0x3], $0x80, s26, s16, $0xb8;
	[tilespmem:$0x1D000] =	vst v63  }
0x44: {  	_ =	swait.ge [sflag:s14], $0x4000  }
0x45: {  	[sflag:s14] =	ssyncset.done $0x0  }
0x46: {  	[sflag:s14] =	ssyncadd.s32 $0xFFFFC000  }
0x47: {  	_ =	swait.ge [sflag:s18], $0x4000  }
0x48: {  	[sflag:s18] =	ssyncset.done $0x0  }
0x49: {  	s28 =	sor.u32 $0x300, s20;
	[sflag:s18] =	ssyncadd.s32 $0xFFFFC000  }
0x4a: {  	[tilespmem:s17], [sflag:$0x1] =	stream.indirect.gather [hbm4b:s5+s16], $0x80, s28, s16, $0xb8;
	[tilespmem:$0x1D000] =	vst v63  }
0x4b: {  	s29 =	sor.u32 $0xA80, s20  }
0x4c: {  	[spmem:s3] =	stream.indirect.scatter.add.f32 [tilespmem:s19], [sflag:$0x3], $0x80, s29, s16, $0xb8;
	[tilespmem:$0x1D000] =	vst v63  }
0x4d: {  	_ =	swait.ge [sflag:s14], $0x4000  }
0x4e: {  	[sflag:s14] =	ssyncset.done $0x0  }
0x4f: {  	[sflag:s14] =	ssyncadd.s32 $0xFFFFC000  }
0x50: {  	_ =	swait.ge [sflag:s18], $0x4000  }
0x51: {  	[sflag:s18] =	ssyncset.done $0x0  }
0x52: {  	s30 =	sor.u32 $0x380, s20;
	[sflag:s18] =	ssyncadd.s32 $0xFFFFC000  }
0x53: {  	[tilespmem:s19], [sflag:$0x1] =	stream.indirect.gather [hbm4b:s5+s16], $0x80, s30, s16, $0xb8;
	[tilespmem:$0x1D000] =	vst v63  }
0x54: {  	s20 =	sor.u32 $0xB00, s20  }
0x55: {  	[spmem:s3] =	stream.indirect.scatter.add.f32 [tilespmem:s17], [sflag:$0x3], $0x80, s20, s16, $0xb8;
	[tilespmem:$0x1D000] =	vst v63  }
0x56: {  	_ =	swait.ge [sflag:s14], $0x4000  }
0x57: {  	[sflag:s14] =	ssyncset.done $0x0  }
0x58: {  	[sflag:s14] =	ssyncadd.s32 $0xFFFFC000  }
0x59: {  	_ =	swait.ge [sflag:s18], $0x4000  }
0x5a: {  	[sflag:s18] =	ssyncset.done $0x0  }
0x5b: {  	s20 =	simm.s32 @!p1 $0x2;
	[sflag:s18] =	ssyncadd.s32 $0xFFFFC000  }
0x5c: {  	_ =	swait.ge @!p1 [sflag:s20], $0x400  }
0x5d: {  	[sflag:s20] =	ssyncset.done @!p1 $0x0  }
0x5e: {  	[sflag:s20] =	ssyncadd.s32 @!p1 $0xFFFFFC00  }
0x5f: {  	_ =	swait.ge @!p1 [sflag:s20], $0x400  }
0x60: {  	[sflag:s20] =	ssyncset.done @!p1 $0x0  }
0x61: {  	s23 =	simm.s32 @!p1 $0x1000;
	[sflag:s20] =	ssyncadd.s32 @!p1 $0xFFFFFC00;
	s20 =	simm.s32 @!p1 $0x80  }
0x62: {  	[tilespmem:s23], [sflag:$0x1] =	stream.indirect.gather @!p1 [hbm4b:s5+s20], $0x80, s22, s20, $0xb8;
	[tilespmem:$0x1D000] =	vst v63  }
0x63: {  	s31 =	sor.u32 $0x800, s30  }
0x64: {  	[spmem:s3] =	stream.indirect.scatter.add.f32 [tilespmem:s19], [sflag:$0x3], $0x80, s31, s16, $0xb8;
	[tilespmem:$0x1D000] =	vst v63  }
0x65: {  	_ =	swait.ge [sflag:s14], $0x4000  }
0x66: {  	[sflag:s14] =	ssyncset.done $0x0  }
0x67: {  	[sflag:s14] =	ssyncadd.s32 $0xFFFFC000  }
.LBB2_8:
0x68: {  	s4 =	sadd.s32 $0x1, s4  }
0x69: {  	p1 =	sne.s32 s4, s12  }
.Ltmp1:
0x6a: {  	[bflag:$0x0] =	sbarrier.arrive $0xFFFF;
	(pc) =	sbr.rel @!p1 .LBB2_9-.Ltmp1, $4  }
0x6b: {  	[hbm:s11], [sflag:s6] =	dma.local [spmem:s13], $0x2800  }
0x6c: {  	_ =	swait.ge [sflag:s14], $0x2800  }
0x6d: {  	[sflag:s14] =	ssyncset.done $0x0  }
0x6e: {  	[sflag:s14] =	ssyncadd.s32 $0xFFFFD800  }
.LBB2_1:
0x6f: {  	[spmem:s13], [sflag:s6] =	dma.local [hbm:s2], $0x2800  }
.Ltmp2:
0x70: {  	_ =	swait.ge [sflag:s14], $0x2800;
	(pc) =	sbr.rel @!p0 .LBB2_2-.Ltmp2, $4  }
0x71: {  	[sflag:s14] =	ssyncset.done $0x0  }
0x72: {  	[sflag:s14] =	ssyncadd.s32 $0xFFFFD800  }
0x73: {  	[bflag:$0x0] =	sbarrier.arrive $0xFFFF  }
0x74: {  	s21 =	simm.s32 $0x0  }
0x75: {  	[tilespmem:s21], [sflag:$0x3] =	stream.linear.gather [hbm4b:s9+s21], $0x400, $0x38;
	[tilespmem:$0x1D000] =	vst v63  }
0x76: {  	_ =	swait.ge [sflag:s14], $0x400  }
0x77: {  	[sflag:s14] =	ssyncset.done $0x0  }
0x78: {  	[sflag:s14] =	ssyncadd.s32 $0xFFFFFC00  }
0x79: {  	[tilespmem:s15], [sflag:$0x3] =	stream.linear.gather [hbm4b:s10+s21], $0x400, $0x38;
	[tilespmem:$0x1D000] =	vst v63  }
0x7a: {  	s20 =	simm.s32 $0x1;
	_ =	swait.ge [sflag:s14], $0x400  }
0x7b: {  	p1 =	por $0x0, $0x0;
	s20 =	sand.u32 $0x1, s20;
	[sflag:s14] =	ssyncset.done $0x0  }
0x7c: {  	s24 =	simm.s32 @!p1 $0x0;
	s22 =	rddreg [dreg:$0x7];
	[sflag:s14] =	ssyncadd.s32 $0xFFFFFC00  }
0x7d: {  	[tilespmem:s17], [sflag:$0x1] =	stream.indirect.gather [hbm4b:s5+s16], $0x80, s21, s16, $0xb8;
	[tilespmem:$0x1D000] =	vst v63  }
0x7e: {  	s20 =	sshll.u32 @!p1 s20, $0xA;
	s23 =	rddreg [dreg:$0x8];
	s22 =	sadd.s32 @!p1 $0x0, s22  }
0x7f: {  	[tilespmem:s20], [sflag:$0x2] =	stream.linear.gather @!p1 [hbm4b:s22+s24], $0x400, $0x38;
	[tilespmem:$0x1D000] =	vst v63  }
0x80: {  	s23 =	sadd.s32 @!p1 $0x0, s23;
	s22 =	sor.u32 @!p1 $0x800, s20  }
0x81: {  	[tilespmem:s22], [sflag:$0x2] =	stream.linear.gather @!p1 [hbm4b:s23+s24], $0x400, $0x38;
	[tilespmem:$0x1D000] =	vst v63  }
0x82: {  	_ =	swait.ge [sflag:s18], $0x4000  }
0x83: {  	s21 =	sand.u32 $0x400, s21;
	[sflag:s18] =	ssyncset.done $0x0  }
0x84: {  	s25 =	sor.u32 $0x80, s21;
	[sflag:s18] =	ssyncadd.s32 $0xFFFFC000  }
0x85: {  	[tilespmem:s19], [sflag:$0x1] =	stream.indirect.gather [hbm4b:s5+s16], $0x80, s25, s16, $0xb8;
	[tilespmem:$0x1D000] =	vst v63  }
0x86: {  	s26 =	sor.u32 $0x800, s21  }
0x87: {  	[spmem:s3] =	stream.indirect.scatter.add.f32 [tilespmem:s17], [sflag:$0x3], $0x80, s26, s16, $0xb8;
	[tilespmem:$0x1D000] =	vst v63  }
0x88: {  	_ =	swait.ge [sflag:s14], $0x4000  }
0x89: {  	[sflag:s14] =	ssyncset.done $0x0  }
0x8a: {  	[sflag:s14] =	ssyncadd.s32 $0xFFFFC000  }
0x8b: {  	_ =	swait.ge [sflag:s18], $0x4000  }
0x8c: {  	[sflag:s18] =	ssyncset.done $0x0  }
0x8d: {  	s28 =	sor.u32 $0x100, s21;
	[sflag:s18] =	ssyncadd.s32 $0xFFFFC000  }
0x8e: {  	[tilespmem:s17], [sflag:$0x1] =	stream.indirect.gather [hbm4b:s5+s16], $0x80, s28, s16, $0xb8;
	[tilespmem:$0x1D000] =	vst v63  }
0x8f: {  	s29 =	sor.u32 $0x880, s21  }
0x90: {  	[spmem:s3] =	stream.indirect.scatter.add.f32 [tilespmem:s19], [sflag:$0x3], $0x80, s29, s16, $0xb8;
	[tilespmem:$0x1D000] =	vst v63  }
0x91: {  	_ =	swait.ge [sflag:s14], $0x4000  }
0x92: {  	[sflag:s14] =	ssyncset.done $0x0  }
0x93: {  	[sflag:s14] =	ssyncadd.s32 $0xFFFFC000  }
0x94: {  	_ =	swait.ge [sflag:s18], $0x4000  }
0x95: {  	[sflag:s18] =	ssyncset.done $0x0  }
0x96: {  	s30 =	sor.u32 $0x180, s21;
	[sflag:s18] =	ssyncadd.s32 $0xFFFFC000  }
0x97: {  	[tilespmem:s19], [sflag:$0x1] =	stream.indirect.gather [hbm4b:s5+s16], $0x80, s30, s16, $0xb8;
	[tilespmem:$0x1D000] =	vst v63  }
0x98: {  	s31 =	sor.u32 $0x900, s21  }
0x99: {  	[spmem:s3] =	stream.indirect.scatter.add.f32 [tilespmem:s17], [sflag:$0x3], $0x80, s31, s16, $0xb8;
	[tilespmem:$0x1D000] =	vst v63  }
0x9a: {  	_ =	swait.ge [sflag:s14], $0x4000  }
0x9b: {  	[sflag:s14] =	ssyncset.done $0x0  }
0x9c: {  	[sflag:s14] =	ssyncadd.s32 $0xFFFFC000  }
0x9d: {  	_ =	swait.ge [sflag:s18], $0x4000  }
0x9e: {  	[sflag:s18] =	ssyncset.done $0x0  }
0x9f: {  	s23 =	sor.u32 $0x200, s21;
	[sflag:s18] =	ssyncadd.s32 $0xFFFFC000  }
0xa0: {  	[tilespmem:s17], [sflag:$0x1] =	stream.indirect.gather [hbm4b:s5+s16], $0x80, s23, s16, $0xb8;
	[tilespmem:$0x1D000] =	vst v63  }
0xa1: {  	s24 =	sor.u32 $0x980, s21  }
0xa2: {  	[spmem:s3] =	stream.indirect.scatter.add.f32 [tilespmem:s19], [sflag:$0x3], $0x80, s24, s16, $0xb8;
	[tilespmem:$0x1D000] =	vst v63  }
0xa3: {  	_ =	swait.ge [sflag:s14], $0x4000  }
0xa4: {  	[sflag:s14] =	ssyncset.done $0x0  }
0xa5: {  	[sflag:s14] =	ssyncadd.s32 $0xFFFFC000  }
0xa6: {  	_ =	swait.ge [sflag:s18], $0x4000  }
0xa7: {  	[sflag:s18] =	ssyncset.done $0x0  }
0xa8: {  	s25 =	sor.u32 $0x280, s21;
	[sflag:s18] =	ssyncadd.s32 $0xFFFFC000  }
0xa9: {  	[tilespmem:s19], [sflag:$0x1] =	stream.indirect.gather [hbm4b:s5+s16], $0x80, s25, s16, $0xb8;
	[tilespmem:$0x1D000] =	vst v63  }
0xaa: {  	s26 =	sor.u32 $0xA00, s21  }
0xab: {  	[spmem:s3] =	stream.indirect.scatter.add.f32 [tilespmem:s17], [sflag:$0x3], $0x80, s26, s16, $0xb8;
	[tilespmem:$0x1D000] =	vst v63  }
0xac: {  	_ =	swait.ge [sflag:s14], $0x4000  }
0xad: {  	[sflag:s14] =	ssyncset.done $0x0  }
0xae: {  	[sflag:s14] =	ssyncadd.s32 $0xFFFFC000  }
0xaf: {  	_ =	swait.ge [sflag:s18], $0x4000  }
0xb0: {  	[sflag:s18] =	ssyncset.done $0x0  }
0xb1: {  	s28 =	sor.u32 $0x300, s21;
	[sflag:s18] =	ssyncadd.s32 $0xFFFFC000  }
0xb2: {  	[tilespmem:s17], [sflag:$0x1] =	stream.indirect.gather [hbm4b:s5+s16], $0x80, s28, s16, $0xb8;
	[tilespmem:$0x1D000] =	vst v63  }
0xb3: {  	s29 =	sor.u32 $0xA80, s21  }
0xb4: {  	[spmem:s3] =	stream.indirect.scatter.add.f32 [tilespmem:s19], [sflag:$0x3], $0x80, s29, s16, $0xb8;
	[tilespmem:$0x1D000] =	vst v63  }
0xb5: {  	_ =	swait.ge [sflag:s14], $0x4000  }
0xb6: {  	[sflag:s14] =	ssyncset.done $0x0  }
0xb7: {  	[sflag:s14] =	ssyncadd.s32 $0xFFFFC000  }
0xb8: {  	_ =	swait.ge [sflag:s18], $0x4000  }
0xb9: {  	[sflag:s18] =	ssyncset.done $0x0  }
0xba: {  	s30 =	sor.u32 $0x380, s21;
	[sflag:s18] =	ssyncadd.s32 $0xFFFFC000  }
0xbb: {  	[tilespmem:s19], [sflag:$0x1] =	stream.indirect.gather [hbm4b:s5+s16], $0x80, s30, s16, $0xb8;
	[tilespmem:$0x1D000] =	vst v63  }
0xbc: {  	s21 =	sor.u32 $0xB00, s21  }
0xbd: {  	[spmem:s3] =	stream.indirect.scatter.add.f32 [tilespmem:s17], [sflag:$0x3], $0x80, s21, s16, $0xb8;
	[tilespmem:$0x1D000] =	vst v63  }
0xbe: {  	_ =	swait.ge [sflag:s14], $0x4000  }
0xbf: {  	[sflag:s14] =	ssyncset.done $0x0  }
0xc0: {  	[sflag:s14] =	ssyncadd.s32 $0xFFFFC000  }
0xc1: {  	_ =	swait.ge [sflag:s18], $0x4000  }
0xc2: {  	[sflag:s18] =	ssyncset.done $0x0  }
0xc3: {  	s21 =	simm.s32 @!p1 $0x2;
	[sflag:s18] =	ssyncadd.s32 $0xFFFFC000  }
0xc4: {  	_ =	swait.ge @!p1 [sflag:s21], $0x400  }
0xc5: {  	[sflag:s21] =	ssyncset.done @!p1 $0x0  }
0xc6: {  	[sflag:s21] =	ssyncadd.s32 @!p1 $0xFFFFFC00  }
0xc7: {  	_ =	swait.ge @!p1 [sflag:s21], $0x400  }
0xc8: {  	[sflag:s21] =	ssyncset.done @!p1 $0x0  }
0xc9: {  	s23 =	simm.s32 @!p1 $0x1000;
	[sflag:s21] =	ssyncadd.s32 @!p1 $0xFFFFFC00;
	s21 =	simm.s32 @!p1 $0x80  }
0xca: {  	[tilespmem:s23], [sflag:$0x1] =	stream.indirect.gather @!p1 [hbm4b:s5+s21], $0x80, s20, s21, $0xb8;
	[tilespmem:$0x1D000] =	vst v63  }
0xcb: {  	s31 =	sor.u32 $0x800, s30  }
0xcc: {  	[spmem:s3] =	stream.indirect.scatter.add.f32 [tilespmem:s19], [sflag:$0x3], $0x80, s31, s16, $0xb8;
	[tilespmem:$0x1D000] =	vst v63  }
0xcd: {  	s22 =	simm.s32 $0x2;
	s20 =	simm.s32 $0x80;
	_ =	swait.ge [sflag:s14], $0x4000  }
0xce: {  	s23 =	simm.s32 $0x100;
	s21 =	simm.s32 $0x400;
	[sflag:s14] =	ssyncset.done $0x0  }
.LBB2_6:
0xcf: {  	s25 =	rddreg [dreg:$0x7];
	[sflag:s14] =	ssyncadd.s32 $0xFFFFC000  }
0xd0: {  	s24 =	sand.u32 $0x1, s22;
	p2 =	seq.s32 s20, $0x480;
	s28 =	rddreg [dreg:$0x8]  }
0xd1: {  	s24 =	sshll.u32 @!p2 s24, $0xA;
	s25 =	sadd.s32 @!p2 s20, s25;
	s29 =	simm.s32 @!p2 $0x0  }
0xd2: {  	[tilespmem:s24], [sflag:$0x2] =	stream.linear.gather @!p2 [hbm4b:s25+s29], $0x400, $0x38;
	[tilespmem:$0x1D000] =	vst v63  }
0xd3: {  	s28 =	sadd.s32 @!p2 s20, s28;
	s25 =	sor.u32 @!p2 $0x800, s24  }
0xd4: {  	[tilespmem:s25], [sflag:$0x2] =	stream.linear.gather @!p2 [hbm4b:s28+s29], $0x400, $0x38;
	[tilespmem:$0x1D000] =	vst v63  }
0xd5: {  	_ =	swait.ge [sflag:s18], $0x4000  }
0xd6: {  	s25 =	sand.u32 $0x400, s21;
	[sflag:s18] =	ssyncset.done $0x0  }
0xd7: {  	s30 =	sor.u32 $0x80, s25;
	[sflag:s18] =	ssyncadd.s32 $0xFFFFC000  }
0xd8: {  	[tilespmem:s19], [sflag:$0x1] =	stream.indirect.gather [hbm4b:s5+s16], $0x80, s30, s16, $0xb8;
	[tilespmem:$0x1D000] =	vst v63  }
0xd9: {  	s31 =	sor.u32 $0x800, s25  }
0xda: {  	[spmem:s3] =	stream.indirect.scatter.add.f32 [tilespmem:s17], [sflag:$0x3], $0x80, s31, s16, $0xb8;
	[tilespmem:$0x1D000] =	vst v63  }
0xdb: {  	_ =	swait.ge [sflag:s14], $0x4000  }
0xdc: {  	[sflag:s14] =	ssyncset.done $0x0  }
0xdd: {  	[sflag:s14] =	ssyncadd.s32 $0xFFFFC000  }
0xde: {  	_ =	swait.ge [sflag:s18], $0x4000  }
0xdf: {  	[sflag:s18] =	ssyncset.done $0x0  }
0xe0: {  	s28 =	sor.u32 $0x100, s25;
	[sflag:s18] =	ssyncadd.s32 $0xFFFFC000  }
0xe1: {  	[tilespmem:s17], [sflag:$0x1] =	stream.indirect.gather [hbm4b:s5+s16], $0x80, s28, s16, $0xb8;
	[tilespmem:$0x1D000] =	vst v63  }
0xe2: {  	s29 =	sor.u32 $0x880, s25  }
0xe3: {  	[spmem:s3] =	stream.indirect.scatter.add.f32 [tilespmem:s19], [sflag:$0x3], $0x80, s29, s16, $0xb8;
	[tilespmem:$0x1D000] =	vst v63  }
0xe4: {  	_ =	swait.ge [sflag:s14], $0x4000  }
0xe5: {  	[sflag:s14] =	ssyncset.done $0x0  }
0xe6: {  	[sflag:s14] =	ssyncadd.s32 $0xFFFFC000  }
0xe7: {  	_ =	swait.ge [sflag:s18], $0x4000  }
0xe8: {  	[sflag:s18] =	ssyncset.done $0x0  }
0xe9: {  	s30 =	sor.u32 $0x180, s25;
	[sflag:s18] =	ssyncadd.s32 $0xFFFFC000  }
0xea: {  	[tilespmem:s19], [sflag:$0x1] =	stream.indirect.gather [hbm4b:s5+s16], $0x80, s30, s16, $0xb8;
	[tilespmem:$0x1D000] =	vst v63  }
0xeb: {  	s31 =	sor.u32 $0x900, s25  }
0xec: {  	[spmem:s3] =	stream.indirect.scatter.add.f32 [tilespmem:s17], [sflag:$0x3], $0x80, s31, s16, $0xb8;
	[tilespmem:$0x1D000] =	vst v63  }
0xed: {  	_ =	swait.ge [sflag:s14], $0x4000  }
0xee: {  	[sflag:s14] =	ssyncset.done $0x0  }
0xef: {  	[sflag:s14] =	ssyncadd.s32 $0xFFFFC000  }
0xf0: {  	_ =	swait.ge [sflag:s18], $0x4000  }
0xf1: {  	[sflag:s18] =	ssyncset.done $0x0  }
0xf2: {  	s28 =	sor.u32 $0x200, s25;
	[sflag:s18] =	ssyncadd.s32 $0xFFFFC000  }
0xf3: {  	[tilespmem:s17], [sflag:$0x1] =	stream.indirect.gather [hbm4b:s5+s16], $0x80, s28, s16, $0xb8;
	[tilespmem:$0x1D000] =	vst v63  }
0xf4: {  	s29 =	sor.u32 $0x980, s25  }
0xf5: {  	[spmem:s3] =	stream.indirect.scatter.add.f32 [tilespmem:s19], [sflag:$0x3], $0x80, s29, s16, $0xb8;
	[tilespmem:$0x1D000] =	vst v63  }
0xf6: {  	_ =	swait.ge [sflag:s14], $0x4000  }
0xf7: {  	[sflag:s14] =	ssyncset.done $0x0  }
0xf8: {  	[sflag:s14] =	ssyncadd.s32 $0xFFFFC000  }
0xf9: {  	_ =	swait.ge [sflag:s18], $0x4000  }
0xfa: {  	[sflag:s18] =	ssyncset.done $0x0  }
0xfb: {  	s30 =	sor.u32 $0x280, s25;
	[sflag:s18] =	ssyncadd.s32 $0xFFFFC000  }
0xfc: {  	[tilespmem:s19], [sflag:$0x1] =	stream.indirect.gather [hbm4b:s5+s16], $0x80, s30, s16, $0xb8;
	[tilespmem:$0x1D000] =	vst v63  }
0xfd: {  	s31 =	sor.u32 $0xA00, s25  }
0xfe: {  	[spmem:s3] =	stream.indirect.scatter.add.f32 [tilespmem:s17], [sflag:$0x3], $0x80, s31, s16, $0xb8;
	[tilespmem:$0x1D000] =	vst v63  }
0xff: {  	_ =	swait.ge [sflag:s14], $0x4000  }
0x100: {  	[sflag:s14] =	ssyncset.done $0x0  }
0x101: {  	[sflag:s14] =	ssyncadd.s32 $0xFFFFC000  }
0x102: {  	_ =	swait.ge [sflag:s18], $0x4000  }
0x103: {  	[sflag:s18] =	ssyncset.done $0x0  }
0x104: {  	s28 =	sor.u32 $0x300, s25;
	[sflag:s18] =	ssyncadd.s32 $0xFFFFC000  }
0x105: {  	[tilespmem:s17], [sflag:$0x1] =	stream.indirect.gather [hbm4b:s5+s16], $0x80, s28, s16, $0xb8;
	[tilespmem:$0x1D000] =	vst v63  }
0x106: {  	s29 =	sor.u32 $0xA80, s25  }
0x107: {  	[spmem:s3] =	stream.indirect.scatter.add.f32 [tilespmem:s19], [sflag:$0x3], $0x80, s29, s16, $0xb8;
	[tilespmem:$0x1D000] =	vst v63  }
0x108: {  	_ =	swait.ge [sflag:s14], $0x4000  }
0x109: {  	[sflag:s14] =	ssyncset.done $0x0  }
0x10a: {  	[sflag:s14] =	ssyncadd.s32 $0xFFFFC000  }
0x10b: {  	_ =	swait.ge [sflag:s18], $0x4000  }
0x10c: {  	[sflag:s18] =	ssyncset.done $0x0  }
0x10d: {  	s30 =	sor.u32 $0x380, s25;
	[sflag:s18] =	ssyncadd.s32 $0xFFFFC000  }
0x10e: {  	[tilespmem:s19], [sflag:$0x1] =	stream.indirect.gather [hbm4b:s5+s16], $0x80, s30, s16, $0xb8;
	[tilespmem:$0x1D000] =	vst v63  }
0x10f: {  	s25 =	sor.u32 $0xB00, s25  }
0x110: {  	[spmem:s3] =	stream.indirect.scatter.add.f32 [tilespmem:s17], [sflag:$0x3], $0x80, s25, s16, $0xb8;
	[tilespmem:$0x1D000] =	vst v63  }
0x111: {  	_ =	swait.ge [sflag:s14], $0x4000  }
0x112: {  	[sflag:s14] =	ssyncset.done $0x0  }
0x113: {  	[sflag:s14] =	ssyncadd.s32 $0xFFFFC000  }
0x114: {  	_ =	swait.ge [sflag:s18], $0x4000  }
0x115: {  	[sflag:s18] =	ssyncset.done $0x0  }
0x116: {  	s25 =	simm.s32 @!p2 $0x2;
	[sflag:s18] =	ssyncadd.s32 $0xFFFFC000  }
0x117: {  	_ =	swait.ge @!p2 [sflag:s25], $0x400  }
0x118: {  	[sflag:s25] =	ssyncset.done @!p2 $0x0  }
0x119: {  	[sflag:s25] =	ssyncadd.s32 @!p2 $0xFFFFFC00  }
0x11a: {  	s26 =	smov.u32 s23;
	s23 =	sadd.s32 $0x80, s23;
	_ =	swait.ge @!p2 [sflag:s25], $0x400  }
0x11b: {  	p1 =	sne.s32 s23, $0x500;
	[sflag:s25] =	ssyncset.done @!p2 $0x0  }
0x11c: {  	s28 =	simm.s32 @!p2 $0x1000;
	[sflag:s25] =	ssyncadd.s32 @!p2 $0xFFFFFC00;
	s25 =	simm.s32 @!p2 $0x80  }
0x11d: {  	[tilespmem:s28], [sflag:$0x1] =	stream.indirect.gather @!p2 [hbm4b:s5+s25], $0x80, s24, s25, $0xb8;
	[tilespmem:$0x1D000] =	vst v63  }
.Ltmp3:
0x11e: {  	_ = 	snop;
	(pc) =	sbr.rel @p1 .LBB2_6-.Ltmp3, $4  }
0x11f: {  	s31 =	sor.u32 $0x800, s30  }
0x120: {  	[spmem:s3] =	stream.indirect.scatter.add.f32 [tilespmem:s19], [sflag:$0x3], $0x80, s31, s16, $0xb8;
	[tilespmem:$0x1D000] =	vst v63  }
0x121: {  	s22 =	sadd.s32 $0x1, s22;
	_ =	swait.ge [sflag:s14], $0x4000  }
0x122: {  	s20 =	smov.u32 s26;
	s21 =	sadd.s32 $0x400, s21;
	[sflag:s14] =	ssyncset.done $0x0  }
.Ltmp4:
0x123: {  	_ = 	snop;
	(pc) =	sbr.rel .LBB2_7-.Ltmp4, $1  }
0x124: {  	_ =	sdelay $0x3  }
.LBB2_2:
0x125: {  	[tilespmem:s21], [sflag:$0x3] =	stream.linear.gather [hbm4b:s8+s21], $0x400, $0x38;
	[tilespmem:$0x1D000] =	vst v63  }
0x126: {  	_ =	swait.ge [sflag:s14], $0x400  }
0x127: {  	[sflag:s14] =	ssyncset.done $0x0  }
0x128: {  	[sflag:s14] =	ssyncadd.s32 $0xFFFFFC00  }
0x129: {  	[tilespmem:s15], [sflag:$0x3] =	stream.linear.gather [hbm4b:s7+s21], $0x400, $0x38;
	[tilespmem:$0x1D000] =	vst v63  }
0x12a: {  	s20 =	simm.s32 $0x1;
	_ =	swait.ge [sflag:s14], $0x400  }
0x12b: {  	p1 =	por $0x0, $0x0;
	s20 =	sand.u32 $0x1, s20;
	[sflag:s14] =	ssyncset.done $0x0  }
0x12c: {  	s24 =	simm.s32 @!p1 $0x0;
	s22 =	rddreg [dreg:$0x5];
	[sflag:s14] =	ssyncadd.s32 $0xFFFFFC00  }
0x12d: {  	[tilespmem:s17], [sflag:$0x1] =	stream.indirect.gather [hbm4b:s5+s16], $0x80, s21, s16, $0xb8;
	[tilespmem:$0x1D000] =	vst v63  }
0x12e: {  	s20 =	sshll.u32 @!p1 s20, $0xA;
	s23 =	rddreg [dreg:$0x6];
	s22 =	sadd.s32 @!p1 $0x0, s22  }
0x12f: {  	[tilespmem:s20], [sflag:$0x2] =	stream.linear.gather @!p1 [hbm4b:s22+s24], $0x400, $0x38;
	[tilespmem:$0x1D000] =	vst v63  }
0x130: {  	s23 =	sadd.s32 @!p1 $0x0, s23;
	s22 =	sor.u32 @!p1 $0x800, s20  }
0x131: {  	[tilespmem:s22], [sflag:$0x2] =	stream.linear.gather @!p1 [hbm4b:s23+s24], $0x400, $0x38;
	[tilespmem:$0x1D000] =	vst v63  }
0x132: {  	_ =	swait.ge [sflag:s18], $0x4000  }
0x133: {  	s21 =	sand.u32 $0x400, s21;
	[sflag:s18] =	ssyncset.done $0x0  }
0x134: {  	s25 =	sor.u32 $0x80, s21;
	[sflag:s18] =	ssyncadd.s32 $0xFFFFC000  }
0x135: {  	[tilespmem:s19], [sflag:$0x1] =	stream.indirect.gather [hbm4b:s5+s16], $0x80, s25, s16, $0xb8;
	[tilespmem:$0x1D000] =	vst v63  }
0x136: {  	s26 =	sor.u32 $0x800, s21  }
0x137: {  	[spmem:s3] =	stream.indirect.scatter.add.f32 [tilespmem:s17], [sflag:$0x3], $0x80, s26, s16, $0xb8;
	[tilespmem:$0x1D000] =	vst v63  }
0x138: {  	_ =	swait.ge [sflag:s14], $0x4000  }
0x139: {  	[sflag:s14] =	ssyncset.done $0x0  }
0x13a: {  	[sflag:s14] =	ssyncadd.s32 $0xFFFFC000  }
0x13b: {  	_ =	swait.ge [sflag:s18], $0x4000  }
0x13c: {  	[sflag:s18] =	ssyncset.done $0x0  }
0x13d: {  	s28 =	sor.u32 $0x100, s21;
	[sflag:s18] =	ssyncadd.s32 $0xFFFFC000  }
0x13e: {  	[tilespmem:s17], [sflag:$0x1] =	stream.indirect.gather [hbm4b:s5+s16], $0x80, s28, s16, $0xb8;
	[tilespmem:$0x1D000] =	vst v63  }
0x13f: {  	s29 =	sor.u32 $0x880, s21  }
0x140: {  	[spmem:s3] =	stream.indirect.scatter.add.f32 [tilespmem:s19], [sflag:$0x3], $0x80, s29, s16, $0xb8;
	[tilespmem:$0x1D000] =	vst v63  }
0x141: {  	_ =	swait.ge [sflag:s14], $0x4000  }
0x142: {  	[sflag:s14] =	ssyncset.done $0x0  }
0x143: {  	[sflag:s14] =	ssyncadd.s32 $0xFFFFC000  }
0x144: {  	_ =	swait.ge [sflag:s18], $0x4000  }
0x145: {  	[sflag:s18] =	ssyncset.done $0x0  }
0x146: {  	s30 =	sor.u32 $0x180, s21;
	[sflag:s18] =	ssyncadd.s32 $0xFFFFC000  }
0x147: {  	[tilespmem:s19], [sflag:$0x1] =	stream.indirect.gather [hbm4b:s5+s16], $0x80, s30, s16, $0xb8;
	[tilespmem:$0x1D000] =	vst v63  }
0x148: {  	s31 =	sor.u32 $0x900, s21  }
0x149: {  	[spmem:s3] =	stream.indirect.scatter.add.f32 [tilespmem:s17], [sflag:$0x3], $0x80, s31, s16, $0xb8;
	[tilespmem:$0x1D000] =	vst v63  }
0x14a: {  	_ =	swait.ge [sflag:s14], $0x4000  }
0x14b: {  	[sflag:s14] =	ssyncset.done $0x0  }
0x14c: {  	[sflag:s14] =	ssyncadd.s32 $0xFFFFC000  }
0x14d: {  	_ =	swait.ge [sflag:s18], $0x4000  }
0x14e: {  	[sflag:s18] =	ssyncset.done $0x0  }
0x14f: {  	s23 =	sor.u32 $0x200, s21;
	[sflag:s18] =	ssyncadd.s32 $0xFFFFC000  }
0x150: {  	[tilespmem:s17], [sflag:$0x1] =	stream.indirect.gather [hbm4b:s5+s16], $0x80, s23, s16, $0xb8;
	[tilespmem:$0x1D000] =	vst v63  }
0x151: {  	s24 =	sor.u32 $0x980, s21  }
0x152: {  	[spmem:s3] =	stream.indirect.scatter.add.f32 [tilespmem:s19], [sflag:$0x3], $0x80, s24, s16, $0xb8;
	[tilespmem:$0x1D000] =	vst v63  }
0x153: {  	_ =	swait.ge [sflag:s14], $0x4000  }
0x154: {  	[sflag:s14] =	ssyncset.done $0x0  }
0x155: {  	[sflag:s14] =	ssyncadd.s32 $0xFFFFC000  }
0x156: {  	_ =	swait.ge [sflag:s18], $0x4000  }
0x157: {  	[sflag:s18] =	ssyncset.done $0x0  }
0x158: {  	s25 =	sor.u32 $0x280, s21;
	[sflag:s18] =	ssyncadd.s32 $0xFFFFC000  }
0x159: {  	[tilespmem:s19], [sflag:$0x1] =	stream.indirect.gather [hbm4b:s5+s16], $0x80, s25, s16, $0xb8;
	[tilespmem:$0x1D000] =	vst v63  }
0x15a: {  	s26 =	sor.u32 $0xA00, s21  }
0x15b: {  	[spmem:s3] =	stream.indirect.scatter.add.f32 [tilespmem:s17], [sflag:$0x3], $0x80, s26, s16, $0xb8;
	[tilespmem:$0x1D000] =	vst v63  }
0x15c: {  	_ =	swait.ge [sflag:s14], $0x4000  }
0x15d: {  	[sflag:s14] =	ssyncset.done $0x0  }
0x15e: {  	[sflag:s14] =	ssyncadd.s32 $0xFFFFC000  }
0x15f: {  	_ =	swait.ge [sflag:s18], $0x4000  }
0x160: {  	[sflag:s18] =	ssyncset.done $0x0  }
0x161: {  	s28 =	sor.u32 $0x300, s21;
	[sflag:s18] =	ssyncadd.s32 $0xFFFFC000  }
0x162: {  	[tilespmem:s17], [sflag:$0x1] =	stream.indirect.gather [hbm4b:s5+s16], $0x80, s28, s16, $0xb8;
	[tilespmem:$0x1D000] =	vst v63  }
0x163: {  	s29 =	sor.u32 $0xA80, s21  }
0x164: {  	[spmem:s3] =	stream.indirect.scatter.add.f32 [tilespmem:s19], [sflag:$0x3], $0x80, s29, s16, $0xb8;
	[tilespmem:$0x1D000] =	vst v63  }
0x165: {  	_ =	swait.ge [sflag:s14], $0x4000  }
0x166: {  	[sflag:s14] =	ssyncset.done $0x0  }
0x167: {  	[sflag:s14] =	ssyncadd.s32 $0xFFFFC000  }
0x168: {  	_ =	swait.ge [sflag:s18], $0x4000  }
0x169: {  	[sflag:s18] =	ssyncset.done $0x0  }
0x16a: {  	s30 =	sor.u32 $0x380, s21;
	[sflag:s18] =	ssyncadd.s32 $0xFFFFC000  }
0x16b: {  	[tilespmem:s19], [sflag:$0x1] =	stream.indirect.gather [hbm4b:s5+s16], $0x80, s30, s16, $0xb8;
	[tilespmem:$0x1D000] =	vst v63  }
0x16c: {  	s21 =	sor.u32 $0xB00, s21  }
0x16d: {  	[spmem:s3] =	stream.indirect.scatter.add.f32 [tilespmem:s17], [sflag:$0x3], $0x80, s21, s16, $0xb8;
	[tilespmem:$0x1D000] =	vst v63  }
0x16e: {  	_ =	swait.ge [sflag:s14], $0x4000  }
0x16f: {  	[sflag:s14] =	ssyncset.done $0x0  }
0x170: {  	[sflag:s14] =	ssyncadd.s32 $0xFFFFC000  }
0x171: {  	_ =	swait.ge [sflag:s18], $0x4000  }
0x172: {  	[sflag:s18] =	ssyncset.done $0x0  }
0x173: {  	s21 =	simm.s32 @!p1 $0x2;
	[sflag:s18] =	ssyncadd.s32 $0xFFFFC000  }
0x174: {  	_ =	swait.ge @!p1 [sflag:s21], $0x400  }
0x175: {  	[sflag:s21] =	ssyncset.done @!p1 $0x0  }
0x176: {  	[sflag:s21] =	ssyncadd.s32 @!p1 $0xFFFFFC00  }
0x177: {  	_ =	swait.ge @!p1 [sflag:s21], $0x400  }
0x178: {  	[sflag:s21] =	ssyncset.done @!p1 $0x0  }
0x179: {  	s23 =	simm.s32 @!p1 $0x1000;
	[sflag:s21] =	ssyncadd.s32 @!p1 $0xFFFFFC00;
	s21 =	simm.s32 @!p1 $0x80  }
0x17a: {  	[tilespmem:s23], [sflag:$0x1] =	stream.indirect.gather @!p1 [hbm4b:s5+s21], $0x80, s20, s21, $0xb8;
	[tilespmem:$0x1D000] =	vst v63  }
0x17b: {  	s31 =	sor.u32 $0x800, s30  }
0x17c: {  	[spmem:s3] =	stream.indirect.scatter.add.f32 [tilespmem:s19], [sflag:$0x3], $0x80, s31, s16, $0xb8;
	[tilespmem:$0x1D000] =	vst v63  }
0x17d: {  	s22 =	simm.s32 $0x2;
	s20 =	simm.s32 $0x80;
	_ =	swait.ge [sflag:s14], $0x4000  }
0x17e: {  	s23 =	simm.s32 $0x100;
	s21 =	simm.s32 $0x400;
	[sflag:s14] =	ssyncset.done $0x0  }
.LBB2_3:
0x17f: {  	s25 =	rddreg [dreg:$0x5];
	[sflag:s14] =	ssyncadd.s32 $0xFFFFC000  }
0x180: {  	s24 =	sand.u32 $0x1, s22;
	p2 =	seq.s32 s20, $0x480;
	s28 =	rddreg [dreg:$0x6]  }
0x181: {  	s24 =	sshll.u32 @!p2 s24, $0xA;
	s25 =	sadd.s32 @!p2 s20, s25;
	s29 =	simm.s32 @!p2 $0x0  }
0x182: {  	[tilespmem:s24], [sflag:$0x2] =	stream.linear.gather @!p2 [hbm4b:s25+s29], $0x400, $0x38;
	[tilespmem:$0x1D000] =	vst v63  }
0x183: {  	s28 =	sadd.s32 @!p2 s20, s28;
	s25 =	sor.u32 @!p2 $0x800, s24  }
0x184: {  	[tilespmem:s25], [sflag:$0x2] =	stream.linear.gather @!p2 [hbm4b:s28+s29], $0x400, $0x38;
	[tilespmem:$0x1D000] =	vst v63  }
0x185: {  	_ =	swait.ge [sflag:s18], $0x4000  }
0x186: {  	s25 =	sand.u32 $0x400, s21;
	[sflag:s18] =	ssyncset.done $0x0  }
0x187: {  	s30 =	sor.u32 $0x80, s25;
	[sflag:s18] =	ssyncadd.s32 $0xFFFFC000  }
0x188: {  	[tilespmem:s19], [sflag:$0x1] =	stream.indirect.gather [hbm4b:s5+s16], $0x80, s30, s16, $0xb8;
	[tilespmem:$0x1D000] =	vst v63  }
0x189: {  	s31 =	sor.u32 $0x800, s25  }
0x18a: {  	[spmem:s3] =	stream.indirect.scatter.add.f32 [tilespmem:s17], [sflag:$0x3], $0x80, s31, s16, $0xb8;
	[tilespmem:$0x1D000] =	vst v63  }
0x18b: {  	_ =	swait.ge [sflag:s14], $0x4000  }
0x18c: {  	[sflag:s14] =	ssyncset.done $0x0  }
0x18d: {  	[sflag:s14] =	ssyncadd.s32 $0xFFFFC000  }
0x18e: {  	_ =	swait.ge [sflag:s18], $0x4000  }
0x18f: {  	[sflag:s18] =	ssyncset.done $0x0  }
0x190: {  	s28 =	sor.u32 $0x100, s25;
	[sflag:s18] =	ssyncadd.s32 $0xFFFFC000  }
0x191: {  	[tilespmem:s17], [sflag:$0x1] =	stream.indirect.gather [hbm4b:s5+s16], $0x80, s28, s16, $0xb8;
	[tilespmem:$0x1D000] =	vst v63  }
0x192: {  	s29 =	sor.u32 $0x880, s25  }
0x193: {  	[spmem:s3] =	stream.indirect.scatter.add.f32 [tilespmem:s19], [sflag:$0x3], $0x80, s29, s16, $0xb8;
	[tilespmem:$0x1D000] =	vst v63  }
0x194: {  	_ =	swait.ge [sflag:s14], $0x4000  }
0x195: {  	[sflag:s14] =	ssyncset.done $0x0  }
0x196: {  	[sflag:s14] =	ssyncadd.s32 $0xFFFFC000  }
0x197: {  	_ =	swait.ge [sflag:s18], $0x4000  }
0x198: {  	[sflag:s18] =	ssyncset.done $0x0  }
0x199: {  	s30 =	sor.u32 $0x180, s25;
	[sflag:s18] =	ssyncadd.s32 $0xFFFFC000  }
0x19a: {  	[tilespmem:s19], [sflag:$0x1] =	stream.indirect.gather [hbm4b:s5+s16], $0x80, s30, s16, $0xb8;
	[tilespmem:$0x1D000] =	vst v63  }
0x19b: {  	s31 =	sor.u32 $0x900, s25  }
0x19c: {  	[spmem:s3] =	stream.indirect.scatter.add.f32 [tilespmem:s17], [sflag:$0x3], $0x80, s31, s16, $0xb8;
	[tilespmem:$0x1D000] =	vst v63  }
0x19d: {  	_ =	swait.ge [sflag:s14], $0x4000  }
0x19e: {  	[sflag:s14] =	ssyncset.done $0x0  }
0x19f: {  	[sflag:s14] =	ssyncadd.s32 $0xFFFFC000  }
0x1a0: {  	_ =	swait.ge [sflag:s18], $0x4000  }
0x1a1: {  	[sflag:s18] =	ssyncset.done $0x0  }
0x1a2: {  	s28 =	sor.u32 $0x200, s25;
	[sflag:s18] =	ssyncadd.s32 $0xFFFFC000  }
0x1a3: {  	[tilespmem:s17], [sflag:$0x1] =	stream.indirect.gather [hbm4b:s5+s16], $0x80, s28, s16, $0xb8;
	[tilespmem:$0x1D000] =	vst v63  }
0x1a4: {  	s29 =	sor.u32 $0x980, s25  }
0x1a5: {  	[spmem:s3] =	stream.indirect.scatter.add.f32 [tilespmem:s19], [sflag:$0x3], $0x80, s29, s16, $0xb8;
	[tilespmem:$0x1D000] =	vst v63  }
0x1a6: {  	_ =	swait.ge [sflag:s14], $0x4000  }
0x1a7: {  	[sflag:s14] =	ssyncset.done $0x0  }
0x1a8: {  	[sflag:s14] =	ssyncadd.s32 $0xFFFFC000  }
0x1a9: {  	_ =	swait.ge [sflag:s18], $0x4000  }
0x1aa: {  	[sflag:s18] =	ssyncset.done $0x0  }
0x1ab: {  	s30 =	sor.u32 $0x280, s25;
	[sflag:s18] =	ssyncadd.s32 $0xFFFFC000  }
0x1ac: {  	[tilespmem:s19], [sflag:$0x1] =	stream.indirect.gather [hbm4b:s5+s16], $0x80, s30, s16, $0xb8;
	[tilespmem:$0x1D000] =	vst v63  }
0x1ad: {  	s31 =	sor.u32 $0xA00, s25  }
0x1ae: {  	[spmem:s3] =	stream.indirect.scatter.add.f32 [tilespmem:s17], [sflag:$0x3], $0x80, s31, s16, $0xb8;
	[tilespmem:$0x1D000] =	vst v63  }
0x1af: {  	_ =	swait.ge [sflag:s14], $0x4000  }
0x1b0: {  	[sflag:s14] =	ssyncset.done $0x0  }
0x1b1: {  	[sflag:s14] =	ssyncadd.s32 $0xFFFFC000  }
0x1b2: {  	_ =	swait.ge [sflag:s18], $0x4000  }
0x1b3: {  	[sflag:s18] =	ssyncset.done $0x0  }
0x1b4: {  	s28 =	sor.u32 $0x300, s25;
	[sflag:s18] =	ssyncadd.s32 $0xFFFFC000  }
0x1b5: {  	[tilespmem:s17], [sflag:$0x1] =	stream.indirect.gather [hbm4b:s5+s16], $0x80, s28, s16, $0xb8;
	[tilespmem:$0x1D000] =	vst v63  }
0x1b6: {  	s29 =	sor.u32 $0xA80, s25  }
0x1b7: {  	[spmem:s3] =	stream.indirect.scatter.add.f32 [tilespmem:s19], [sflag:$0x3], $0x80, s29, s16, $0xb8;
	[tilespmem:$0x1D000] =	vst v63  }
0x1b8: {  	_ =	swait.ge [sflag:s14], $0x4000  }
0x1b9: {  	[sflag:s14] =	ssyncset.done $0x0  }
0x1ba: {  	[sflag:s14] =	ssyncadd.s32 $0xFFFFC000  }
0x1bb: {  	_ =	swait.ge [sflag:s18], $0x4000  }
0x1bc: {  	[sflag:s18] =	ssyncset.done $0x0  }
0x1bd: {  	s30 =	sor.u32 $0x380, s25;
	[sflag:s18] =	ssyncadd.s32 $0xFFFFC000  }
0x1be: {  	[tilespmem:s19], [sflag:$0x1] =	stream.indirect.gather [hbm4b:s5+s16], $0x80, s30, s16, $0xb8;
	[tilespmem:$0x1D000] =	vst v63  }
0x1bf: {  	s25 =	sor.u32 $0xB00, s25  }
0x1c0: {  	[spmem:s3] =	stream.indirect.scatter.add.f32 [tilespmem:s17], [sflag:$0x3], $0x80, s25, s16, $0xb8;
	[tilespmem:$0x1D000] =	vst v63  }
0x1c1: {  	_ =	swait.ge [sflag:s14], $0x4000  }
0x1c2: {  	[sflag:s14] =	ssyncset.done $0x0  }
0x1c3: {  	[sflag:s14] =	ssyncadd.s32 $0xFFFFC000  }
0x1c4: {  	_ =	swait.ge [sflag:s18], $0x4000  }
0x1c5: {  	[sflag:s18] =	ssyncset.done $0x0  }
0x1c6: {  	s25 =	simm.s32 @!p2 $0x2;
	[sflag:s18] =	ssyncadd.s32 $0xFFFFC000  }
0x1c7: {  	_ =	swait.ge @!p2 [sflag:s25], $0x400  }
0x1c8: {  	[sflag:s25] =	ssyncset.done @!p2 $0x0  }
0x1c9: {  	[sflag:s25] =	ssyncadd.s32 @!p2 $0xFFFFFC00  }
0x1ca: {  	s26 =	smov.u32 s23;
	s23 =	sadd.s32 $0x80, s23;
	_ =	swait.ge @!p2 [sflag:s25], $0x400  }
0x1cb: {  	p1 =	seq.s32 s23, $0x500;
	[sflag:s25] =	ssyncset.done @!p2 $0x0  }
0x1cc: {  	s28 =	simm.s32 @!p2 $0x1000;
	[sflag:s25] =	ssyncadd.s32 @!p2 $0xFFFFFC00;
	s25 =	simm.s32 @!p2 $0x80  }
0x1cd: {  	[tilespmem:s28], [sflag:$0x1] =	stream.indirect.gather @!p2 [hbm4b:s5+s25], $0x80, s24, s25, $0xb8;
	[tilespmem:$0x1D000] =	vst v63  }
.Ltmp5:
0x1ce: {  	_ = 	snop;
	(pc) =	sbr.rel @!p1 .LBB2_3-.Ltmp5, $4  }
0x1cf: {  	s31 =	sor.u32 $0x800, s30  }
0x1d0: {  	[spmem:s3] =	stream.indirect.scatter.add.f32 [tilespmem:s19], [sflag:$0x3], $0x80, s31, s16, $0xb8;
	[tilespmem:$0x1D000] =	vst v63  }
0x1d1: {  	s22 =	sadd.s32 $0x1, s22;
	_ =	swait.ge [sflag:s14], $0x4000  }
0x1d2: {  	s20 =	smov.u32 s26;
	s21 =	sadd.s32 $0x400, s21;
	[sflag:s14] =	ssyncset.done $0x0  }
0x1d3: {  	s23 =	rddreg [dreg:$0x5];
	[sflag:s14] =	ssyncadd.s32 $0xFFFFC000  }
0x1d4: {  	s22 =	sand.u32 $0x1, s22;
	p1 =	seq.s32 s20, $0x480;
	s24 =	rddreg [dreg:$0x6]  }
0x1d5: {  	s22 =	sshll.u32 @!p1 s22, $0xA;
	s23 =	sadd.s32 @!p1 s20, s23;
	s25 =	simm.s32 @!p1 $0x0  }
0x1d6: {  	[tilespmem:s22], [sflag:$0x2] =	stream.linear.gather @!p1 [hbm4b:s23+s25], $0x400, $0x38;
	[tilespmem:$0x1D000] =	vst v63  }
0x1d7: {  	s20 =	sadd.s32 @!p1 s20, s24;
	s23 =	sor.u32 @!p1 $0x800, s22  }
0x1d8: {  	[tilespmem:s23], [sflag:$0x2] =	stream.linear.gather @!p1 [hbm4b:s20+s25], $0x400, $0x38;
	[tilespmem:$0x1D000] =	vst v63  }
0x1d9: {  	_ =	swait.ge [sflag:s18], $0x4000  }
0x1da: {  	s20 =	sand.u32 $0x400, s21;
	[sflag:s18] =	ssyncset.done $0x0  }
0x1db: {  	s21 =	sor.u32 $0x80, s20;
	[sflag:s18] =	ssyncadd.s32 $0xFFFFC000  }
0x1dc: {  	[tilespmem:s19], [sflag:$0x1] =	stream.indirect.gather [hbm4b:s5+s16], $0x80, s21, s16, $0xb8;
	[tilespmem:$0x1D000] =	vst v63  }
0x1dd: {  	s26 =	sor.u32 $0x800, s20  }
0x1de: {  	[spmem:s3] =	stream.indirect.scatter.add.f32 [tilespmem:s17], [sflag:$0x3], $0x80, s26, s16, $0xb8;
	[tilespmem:$0x1D000] =	vst v63  }
0x1df: {  	_ =	swait.ge [sflag:s14], $0x4000  }
0x1e0: {  	[sflag:s14] =	ssyncset.done $0x0  }
0x1e1: {  	[sflag:s14] =	ssyncadd.s32 $0xFFFFC000  }
0x1e2: {  	_ =	swait.ge [sflag:s18], $0x4000  }
0x1e3: {  	[sflag:s18] =	ssyncset.done $0x0  }
0x1e4: {  	s28 =	sor.u32 $0x100, s20;
	[sflag:s18] =	ssyncadd.s32 $0xFFFFC000  }
0x1e5: {  	[tilespmem:s17], [sflag:$0x1] =	stream.indirect.gather [hbm4b:s5+s16], $0x80, s28, s16, $0xb8;
	[tilespmem:$0x1D000] =	vst v63  }
0x1e6: {  	s29 =	sor.u32 $0x880, s20  }
0x1e7: {  	[spmem:s3] =	stream.indirect.scatter.add.f32 [tilespmem:s19], [sflag:$0x3], $0x80, s29, s16, $0xb8;
	[tilespmem:$0x1D000] =	vst v63  }
0x1e8: {  	_ =	swait.ge [sflag:s14], $0x4000  }
0x1e9: {  	[sflag:s14] =	ssyncset.done $0x0  }
0x1ea: {  	[sflag:s14] =	ssyncadd.s32 $0xFFFFC000  }
0x1eb: {  	_ =	swait.ge [sflag:s18], $0x4000  }
0x1ec: {  	[sflag:s18] =	ssyncset.done $0x0  }
0x1ed: {  	s30 =	sor.u32 $0x180, s20;
	[sflag:s18] =	ssyncadd.s32 $0xFFFFC000  }
0x1ee: {  	[tilespmem:s19], [sflag:$0x1] =	stream.indirect.gather [hbm4b:s5+s16], $0x80, s30, s16, $0xb8;
	[tilespmem:$0x1D000] =	vst v63  }
0x1ef: {  	s31 =	sor.u32 $0x900, s20  }
0x1f0: {  	[spmem:s3] =	stream.indirect.scatter.add.f32 [tilespmem:s17], [sflag:$0x3], $0x80, s31, s16, $0xb8;
	[tilespmem:$0x1D000] =	vst v63  }
0x1f1: {  	_ =	swait.ge [sflag:s14], $0x4000  }
0x1f2: {  	[sflag:s14] =	ssyncset.done $0x0  }
0x1f3: {  	[sflag:s14] =	ssyncadd.s32 $0xFFFFC000  }
0x1f4: {  	_ =	swait.ge [sflag:s18], $0x4000  }
0x1f5: {  	[sflag:s18] =	ssyncset.done $0x0  }
0x1f6: {  	s23 =	sor.u32 $0x200, s20;
	[sflag:s18] =	ssyncadd.s32 $0xFFFFC000  }
0x1f7: {  	[tilespmem:s17], [sflag:$0x1] =	stream.indirect.gather [hbm4b:s5+s16], $0x80, s23, s16, $0xb8;
	[tilespmem:$0x1D000] =	vst v63  }
0x1f8: {  	s24 =	sor.u32 $0x980, s20  }
0x1f9: {  	[spmem:s3] =	stream.indirect.scatter.add.f32 [tilespmem:s19], [sflag:$0x3], $0x80, s24, s16, $0xb8;
	[tilespmem:$0x1D000] =	vst v63  }
0x1fa: {  	_ =	swait.ge [sflag:s14], $0x4000  }
0x1fb: {  	[sflag:s14] =	ssyncset.done $0x0  }
0x1fc: {  	[sflag:s14] =	ssyncadd.s32 $0xFFFFC000  }
0x1fd: {  	_ =	swait.ge [sflag:s18], $0x4000  }
0x1fe: {  	[sflag:s18] =	ssyncset.done $0x0  }
0x1ff: {  	s25 =	sor.u32 $0x280, s20;
	[sflag:s18] =	ssyncadd.s32 $0xFFFFC000  }
0x200: {  	[tilespmem:s19], [sflag:$0x1] =	stream.indirect.gather [hbm4b:s5+s16], $0x80, s25, s16, $0xb8;
	[tilespmem:$0x1D000] =	vst v63  }
0x201: {  	s26 =	sor.u32 $0xA00, s20  }
0x202: {  	[spmem:s3] =	stream.indirect.scatter.add.f32 [tilespmem:s17], [sflag:$0x3], $0x80, s26, s16, $0xb8;
	[tilespmem:$0x1D000] =	vst v63  }
0x203: {  	_ =	swait.ge [sflag:s14], $0x4000  }
0x204: {  	[sflag:s14] =	ssyncset.done $0x0  }
0x205: {  	[sflag:s14] =	ssyncadd.s32 $0xFFFFC000  }
0x206: {  	_ =	swait.ge [sflag:s18], $0x4000  }
0x207: {  	[sflag:s18] =	ssyncset.done $0x0  }
0x208: {  	s28 =	sor.u32 $0x300, s20;
	[sflag:s18] =	ssyncadd.s32 $0xFFFFC000  }
0x209: {  	[tilespmem:s17], [sflag:$0x1] =	stream.indirect.gather [hbm4b:s5+s16], $0x80, s28, s16, $0xb8;
	[tilespmem:$0x1D000] =	vst v63  }
0x20a: {  	s29 =	sor.u32 $0xA80, s20  }
0x20b: {  	[spmem:s3] =	stream.indirect.scatter.add.f32 [tilespmem:s19], [sflag:$0x3], $0x80, s29, s16, $0xb8;
	[tilespmem:$0x1D000] =	vst v63  }
0x20c: {  	_ =	swait.ge [sflag:s14], $0x4000  }
0x20d: {  	[sflag:s14] =	ssyncset.done $0x0  }
0x20e: {  	[sflag:s14] =	ssyncadd.s32 $0xFFFFC000  }
0x20f: {  	_ =	swait.ge [sflag:s18], $0x4000  }
0x210: {  	[sflag:s18] =	ssyncset.done $0x0  }
0x211: {  	s30 =	sor.u32 $0x380, s20;
	[sflag:s18] =	ssyncadd.s32 $0xFFFFC000  }
0x212: {  	[tilespmem:s19], [sflag:$0x1] =	stream.indirect.gather [hbm4b:s5+s16], $0x80, s30, s16, $0xb8;
	[tilespmem:$0x1D000] =	vst v63  }
0x213: {  	s20 =	sor.u32 $0xB00, s20  }
0x214: {  	[spmem:s3] =	stream.indirect.scatter.add.f32 [tilespmem:s17], [sflag:$0x3], $0x80, s20, s16, $0xb8;
	[tilespmem:$0x1D000] =	vst v63  }
0x215: {  	_ =	swait.ge [sflag:s14], $0x4000  }
0x216: {  	[sflag:s14] =	ssyncset.done $0x0  }
0x217: {  	[sflag:s14] =	ssyncadd.s32 $0xFFFFC000  }
0x218: {  	_ =	swait.ge [sflag:s18], $0x4000  }
0x219: {  	[sflag:s18] =	ssyncset.done $0x0  }
0x21a: {  	s20 =	simm.s32 @!p1 $0x2;
	[sflag:s18] =	ssyncadd.s32 $0xFFFFC000  }
0x21b: {  	_ =	swait.ge @!p1 [sflag:s20], $0x400  }
0x21c: {  	[sflag:s20] =	ssyncset.done @!p1 $0x0  }
0x21d: {  	[sflag:s20] =	ssyncadd.s32 @!p1 $0xFFFFFC00  }
0x21e: {  	_ =	swait.ge @!p1 [sflag:s20], $0x400  }
0x21f: {  	[sflag:s20] =	ssyncset.done @!p1 $0x0  }
0x220: {  	s23 =	simm.s32 @!p1 $0x1000;
	[sflag:s20] =	ssyncadd.s32 @!p1 $0xFFFFFC00;
	s20 =	simm.s32 @!p1 $0x80  }
0x221: {  	[tilespmem:s23], [sflag:$0x1] =	stream.indirect.gather @!p1 [hbm4b:s5+s20], $0x80, s22, s20, $0xb8;
	[tilespmem:$0x1D000] =	vst v63  }
.Ltmp6:
0x222: {  	s31 =	sor.u32 $0x800, s30;
	(pc) =	sbr.rel .LBB2_8-.Ltmp6, $4  }
0x223: {  	[spmem:s3] =	stream.indirect.scatter.add.f32 [tilespmem:s19], [sflag:$0x3], $0x80, s31, s16, $0xb8;
	[tilespmem:$0x1D000] =	vst v63  }
0x224: {  	_ =	swait.ge [sflag:s14], $0x4000  }
0x225: {  	[sflag:s14] =	ssyncset.done $0x0  }
0x226: {  	[sflag:s14] =	ssyncadd.s32 $0xFFFFC000  }
.LBB2_9:
0x227: {  	_ =	sfence.sel $0x180000  }
0x228: {  	[bflag:$0x0] =	sbarrier.arrive $0xFFFF  }
0x229: {  	p0 =	sne.s32 s1, $0x0;
	_ =	strace $0x9000004A  }
0x22a: {  	s0 =	sadd.s32 @!p0 $0x100000, s0;
	[bflag:$0x2] =	sbarrier.arrive $0xFFFF  }
0x22b: {  	[sflag:s0] =	ssyncadd.tile.s32 @!p0 $0x1;
	_ =	shalt  }
.Lfunc_end2:
_tile_overlayer_lowered:
.L_overlay_start_2:
0x22c: {  	(tag) =	ssettag $0x2  }
0x22d: {  	s0 =	rddreg [dreg:$0x0];
	s2 =	stileid.u32  }
0x22e: {  	s1 =	rddreg [dreg:$0x1];
	p0 =	sne.s32 s2, $0x0  }
0x22f: {  	s3 =	rddreg [dreg:$0x2];
	[bflag:$0x3] =	sbarrier.arrive $0xFFFF;
	s2 =	simm.s32 @!p0 $0x1C03  }
0x230: {  	[timem:s3], [sflag:s2] =	dma.local @!p0 [hbm:s0], s1  }
0x231: {  	s0 =	simm.s32 @!p0 $0x3  }
0x232: {  	_ =	swait.ge @!p0 [sflag:s0], s1  }
0x233: {  	s1 =	ssub.s32 @!p0 $0x0, s1;
	[sflag:s0] =	ssyncset.done @!p0 $0x0  }
0x234: {  	[sflag:s0] =	ssyncadd.s32 @!p0 s1  }
0x235: {  	[bflag:$0x3] =	sbarrier.arrive $0xFFFF  }
0x236: {  	_ =	shalt  }

// kernel: kernel.14.cloned.1.call-start
scs
__scs_entry_jumppad:
0x0: {  	(pc) =	sbr.rel $0x88, $3  }
0x1: {  	(tag) =	ssettag $0x0;
	lr =	simm.s32 $0x1  }
0x2: {  	[smem:$0x3F9B] =	sst lr;
	_ =	strace $0xD0000000  }
0x3: {  	_ = 	snop  }
0x4: {  	_ = 	snop  }
0x5: {  	_ = 	snop  }
0x6: {  	_ = 	snop  }
0x7: {  	_ = 	snop  }
__scs_overlays_trampoline_lowered:
0x8: {  	[smem:$0x3FAA] =	sst s0  }
0x9: {  	[smem:$0x3FAB] =	sst s1  }
0xa: {  	[smem:$0x3FAC] =	sst s2  }
0xb: {  	[smem:$0x3FAD] =	sst s3  }
0xc: {  	[smem:$0x3FAE] =	sst s4  }
0xd: {  	[smem:$0x3FAF] =	sst s5  }
0xe: {  	[smem:$0x3FB0] =	sst s6  }
0xf: {  	[smem:$0x3FB1] =	sst s7  }
0x10: {  	[smem:$0x3FB2] =	sst s8  }
0x11: {  	[smem:$0x3FB3] =	sst s9;
	s0 =	simm.s32 @!p0 $0x0  }
0x12: {  	s1 =	sld [smem:$0x3F99];
	s0 =	simm.s32 @p0 $0x1  }
0x13: {  	[smem:$0x3FB4] =	sst s0;
	s0 =	simm.s32 @!p1 $0x0  }
0x14: {  	s2 =	sld [smem:$0x3F98];
	s0 =	simm.s32 @p1 $0x1  }
0x15: {  	[smem:$0x3FB5] =	sst s0;
	s0 =	simm.s32 @!p2 $0x0  }
0x16: {  	s3 =	sld [smem:$0x3FDB];
	s0 =	simm.s32 @p2 $0x1  }
0x17: {  	s4 =	simm.s32 $0x1BF5;
	[smem:$0x3FB7] =	sst s0  }
0x18: {  	s0 =	sld [smem:$0x3F9A];
	_ =	swait.ge [sflag:s4], $0x0  }
0x19: {  	s7 =	sld [smem:$0x3F9B]  }
0x1a: {  	s8 =	sadd.s32 $0xFFFFE003, lr  }
0x1b: {  	s9 =	sadd.s32 $0xFFFFFEF7, lr;
	s5 =	simm.s32 $0xFFFFFFFF;
	p2 =	slt.u32 s8, $0xFFFFF086  }
0x1c: {  	p1 =	slt.u32 s9, $0xF7A;
	s5 =	simm.s32 @!p2 $0x0  }
0x1d: {  	s5 =	simm.s32 @p1 $0x1;
	p0 =	seq.s32 s7, s2  }
0x1e: {  	s7 =	smul.u32 @!p0 $0xF7A, s2;
	p2 =	seq.s32 @!p0 s5, $0x0  }
0x1f: {  	s9 =	smul.u32 $0xF7A, s1;
	s8 =	simm.s32 @!p0 $0x1BF5;
	p2 =	por !p2, p0  }
0x20: {  	[sflag:s8] =	ssyncset.s32 @!p0 $0xFFFFF086;
	s6 =	sadd.s32 @!p0 s3, s7;
	s7 =	simm.s32 @!p0 $0x108  }
0x21: {  	s3 =	sadd.s32 s3, s9;
	s6 =	sadd.s32 @!p0 $0x88, s6;
	s7 =	simm.s32 @p2 $0x1082  }
0x22: {  	[simem:s7], [sflag:s8] =	dma.local @!p0 [hbm:s6], $0xF7A  }
0x23: {  	s9 =	sor.u32 $0xD0000000, s2;
	s6 =	simm.s32 $0x108;
	_ =	swait.ge @!p0 [sflag:s8], $0x0  }
0x24: {  	s3 =	sadd.s32 $0x88, s3;
	s6 =	simm.s32 @!p1 $0x1082;
	[sflag:s4] =	ssyncset.s32 $0xFFFFF086  }
0x25: {  	[simem:s6], [sflag:s4] =	dma.local [hbm:s3], $0xF7A  }
0x26: {  	[smem:$0x3F9B] =	sst s1;
	(tag) =	ssettag s2;
	_ =	strace s9  }
0x27: {  	s1 =	sld [smem:$0x3FAB]  }
0x28: {  	s2 =	sld [smem:$0x3FAC]  }
0x29: {  	s4 =	sld [smem:$0x3FAE]  }
0x2a: {  	p0 =	seq.s32 s5, $0x0;
	s5 =	sld [smem:$0x3FAF]  }
0x2b: {  	s6 =	sld [smem:$0x3FB0]  }
0x2c: {  	s7 =	sld [smem:$0x3FB1]  }
0x2d: {  	s3 =	simm.s32 $0x108;
	s8 =	sld [smem:$0x3FB2]  }
0x2e: {  	s3 =	simm.s32 @!p0 $0x1082;
	s9 =	sld [smem:$0x3FB3]  }
0x2f: {  	lr =	sadd.s32 s0, s3;
	s0 =	sld [smem:$0x3FAA]  }
0x30: {  	s3 =	sld [smem:$0x3FAD]  }
0x31: {  	[smem:$0x3FB6] =	sst s10  }
0x32: {  	s10 =	sld [smem:$0x3FB4];
	_ =	sdelay $0x3  }
0x33: {  	p0 =	seq.s32 s10, $0x1;
	s10 =	sld [smem:$0x3FB6];
	_ =	sdelay $0x3  }
0x34: {  	[smem:$0x3FB6] =	sst s10  }
0x35: {  	s10 =	sld [smem:$0x3FB5];
	_ =	sdelay $0x3  }
0x36: {  	p1 =	seq.s32 s10, $0x1;
	s10 =	sld [smem:$0x3FB6];
	_ =	sdelay $0x3  }
0x37: {  	[smem:$0x3FB6] =	sst s10  }
0x38: {  	s10 =	sld [smem:$0x3FB7]  }
0x39: {  	_ = 	snop;
	(pc) =	sbr.ind lr, $3  }
0x3a: {  	_ = 	snop  }
0x3b: {  	_ = 	snop  }
0x3c: {  	p2 =	seq.s32 s10, $0x1;
	s10 =	sld [smem:$0x3FB6]  }
0x3d: {  	_ =	shalt  }
0x3e: {  	_ =	shalt  }
0x3f: {  	_ =	shalt  }
0x40: {  	_ =	shalt  }
0x41: {  	_ =	shalt  }
0x42: {  	_ =	shalt  }
0x43: {  	_ =	shalt  }
0x44: {  	_ =	shalt  }
0x45: {  	_ =	shalt  }
0x46: {  	_ =	shalt  }
0x47: {  	_ =	shalt  }
0x48: {  	_ =	shalt  }
0x49: {  	_ =	shalt  }
0x4a: {  	_ =	shalt  }
0x4b: {  	_ =	shalt  }
0x4c: {  	_ =	shalt  }
0x4d: {  	_ =	shalt  }
0x4e: {  	_ =	shalt  }
0x4f: {  	_ =	shalt  }
0x50: {  	_ =	shalt  }
0x51: {  	_ =	shalt  }
0x52: {  	_ =	shalt  }
0x53: {  	_ =	shalt  }
0x54: {  	_ =	shalt  }
0x55: {  	_ =	shalt  }
0x56: {  	_ =	shalt  }
0x57: {  	_ =	shalt  }
0x58: {  	_ =	shalt  }
0x59: {  	_ =	shalt  }
0x5a: {  	_ =	shalt  }
0x5b: {  	_ =	shalt  }
0x5c: {  	_ =	shalt  }
0x5d: {  	_ =	shalt  }
0x5e: {  	_ =	shalt  }
0x5f: {  	_ =	shalt  }
0x60: {  	_ =	shalt  }
0x61: {  	_ =	shalt  }
0x62: {  	_ =	shalt  }
0x63: {  	_ =	shalt  }
0x64: {  	_ =	shalt  }
0x65: {  	_ =	shalt  }
0x66: {  	_ =	shalt  }
0x67: {  	_ =	shalt  }
0x68: {  	_ =	shalt  }
0x69: {  	_ =	shalt  }
0x6a: {  	_ =	shalt  }
0x6b: {  	_ =	shalt  }
0x6c: {  	_ =	shalt  }
0x6d: {  	_ =	shalt  }
0x6e: {  	_ =	shalt  }
0x6f: {  	_ =	shalt  }
0x70: {  	_ =	shalt  }
0x71: {  	_ =	shalt  }
0x72: {  	_ =	shalt  }
0x73: {  	_ =	shalt  }
0x74: {  	_ =	shalt  }
0x75: {  	_ =	shalt  }
0x76: {  	_ =	shalt  }
0x77: {  	_ =	shalt  }
0x78: {  	_ =	shalt  }
0x79: {  	_ =	shalt  }
0x7a: {  	_ =	shalt  }
0x7b: {  	_ =	shalt  }
0x7c: {  	_ =	shalt  }
0x7d: {  	_ =	shalt  }
0x7e: {  	_ =	shalt  }
0x7f: {  	_ =	shalt  }
0x80: {  	_ =	shalt  }
0x81: {  	_ =	shalt  }
0x82: {  	_ =	shalt  }
0x83: {  	_ =	shalt  }
0x84: {  	_ =	shalt  }
0x85: {  	_ =	shalt  }
0x86: {  	_ =	shalt  }
0x87: {  	_ =	shalt  }
.Lfunc_end0:
.L_simem_size_0:
called_computation.2_lowered:
.L_overlay_start_0:
0x88: {  	s2 =	sld [smem:$0x3FD9]  }
0x89: {  	s3 =	sld [smem:$0x3FFE];
	_ =	sdelay $0x1  }
0x8a: {  	s1 =	srdreg.scid  }
0x8b: {  	s0 =	sand.u32 $0x1, s1  }
0x8c: {  	s14 =	sshll.u32 s0, $0xA;
	s2 =	sadd.s32 s3, s2  }
0x8d: {  	s2 =	sadd.s32 s2, s14  }
0x8e: {  	[smem:$0x3FC2] =	sst s2  }
0x8f: {  	_ = 	snop  }
0x90: {  	s2 =	sld [smem:$0x3FD0];
	_ =	sdelay $0x2  }
0x91: {  	s15 =	simm.s32 $0xA;
	s4 =	simm.s32 $0x10  }
0x92: {  	[smem:s4], [sflag:s15] =	dma.local [hbm:s2], $0x1  }
0x93: {  	_ =	swait.eq [sflag:s15], $0x1  }
0x94: {  	[sflag:s15] =	ssyncset.done $0x0  }
0x95: {  	s16 =	sld [smem:$0x10];
	[sflag:s15] =	ssyncadd.s32 $0xFFFFFFFF  }
0x96: {  	s17 =	sld [smem:$0x11];
	(tm) =	ssettm $0x1  }
0x97: {  	s18 =	sld [smem:$0x3FFB];
	_ =	sdelay $0x3  }
0x98: {  	_ =	strace s18  }
0x99: {  	s4 =	sld [smem:$0x3FFC];
	_ =	sdelay $0x3  }
0x9a: {  	_ =	strace s4  }
0x9b: {  	s4 =	sld [smem:$0x3FFD];
	_ =	sdelay $0x3  }
0x9c: {  	_ =	strace s4  }
0x9d: {  	_ =	strace $0x8FFFFFFF  }
0x9e: {  	s19 =	sld [smem:$0x3FDB];
	_ =	sdelay $0x1  }
0x9f: {  	s5 =	simm.s32 $_scs_section_size  }
0xa0: {  	s6 =	simm.s32 $_size__tile_overlayer_lowered;
	s7 =	simm.s32 $_tile_overlayer_lowered  }
0xa1: {  	s22 =	simm.s32 $0x1BFF;
	s21 =	sshll.u32 s7, $0x1;
	s4 =	sadd.s32 s5, s19  }
0xa2: {  	s8 =	simm.s32 $0x0;
	s20 =	sshll.u32 s6, $0x1;
	s6 =	sadd.s32 s21, s4  }
0xa3: {  	[timem:s8], [sflag:s22] =	dma.local [hbm:s6], s20  }
0xa4: {  	_ =	swait.ge [sflag:s22], s20  }
0xa5: {  	s5 =	ssub.s32 $0x0, s20;
	[sflag:s22] =	ssyncset.done $0x0  }
0xa6: {  	[sflag:s22] =	ssyncadd.s32 s5;
	_ =	sdelay $0x1  }
0xa7: {  	s23 =	simm.s32 $0x1B8B  }
0xa8: {  	_ =	swait.ge [sflag:s23], $0x1  }
0xa9: {  	[sflag:s23] =	ssyncset.done $0x0  }
0xaa: {  	s25 =	simm.s32 $0x1B8E;
	s24 =	sld [smem:$0x3FFE];
	[sflag:s23] =	ssyncadd.s32 $0xFFFFFFFF  }
0xab: {  	s26 =	simm.s32 $execute0_lowered;
	[smem:$0x3FD2] =	sst s25  }
0xac: {  	s6 =	sshll.u32 s26, $0x1;
	_ =	strace $0x8000004C;
	[dreg:$0x1] =	wrdreg $0xFFFFFFFF  }
0xad: {  	s28 =	simm.s32 $_size_execute0_lowered;
	s4 =	sadd.s32 s4, s6;
	[dreg:$0x0] =	wrdreg $0x0  }
0xae: {  	s6 =	sshll.u32 s28, $0x1;
	[dreg:$0x2] =	wrdreg s4  }
0xaf: {  	[dreg:$0x3] =	wrdreg s6  }
0xb0: {  	[dreg:$0x4] =	wrdreg $0xC0  }
0xb1: {  	_ =	task [dreg:s8], $0x5FFFF  }
0xb2: {  	[dreg:$0x1] =	wrdreg $0xFFFFFFFF  }
0xb3: {  	[dreg:$0x0] =	wrdreg $0x60  }
0xb4: {  	[dreg:$0x2] =	wrdreg s24  }
0xb5: {  	[dreg:$0x3] =	wrdreg s16  }
0xb6: {  	[dreg:$0x4] =	wrdreg s17  }
0xb7: {  	[dreg:$0x5] =	wrdreg $0x90000  }
0xb8: {  	[dreg:$0x6] =	wrdreg $0x9  }
0xb9: {  	_ =	task.clear_ibuf [dreg:s8], $0x7FFFF;
	_ =	strace $0x9000004C  }
0xba: {  	s29 =	simm.s32 $0x9;
	_ =	strace $0x8000004E  }
0xbb: {  	_ =	swait.ge [sflag:s29], $0x1  }
0xbc: {  	[sflag:s29] =	ssyncadd.s32 $0xFFFFFFFF  }
0xbd: {  	_ =	strace $0x9000004E  }
0xbe: {  	_ =	sfence  }
0xbf: {  	s30 =	sld [smem:$0x0];
	_ =	sdelay $0x2  }
0xc0: {  	s31 =	sshll.u32 s1, $0xD;
	s1 =	sshrl.u32 s1, $0x2  }
0xc1: {  	s3 =	sand.u32 $0x4000, s31;
	s1 =	sadd.s32 s1, s30  }
0xc2: {  	s0 =	sor.u32 s3, s0;
	s1 =	sshll.u32 s1, $0x11  }
0xc3: {  	s0 =	sor.u32 s1, s0  }
0xc4: {  	s0 =	sadd.s32 $0x8F2B, s0  }
0xc5: {  	[sflag:s0] =	ssyncadd.remote.s32 $0x1  }
0xc6: {  	_ =	sfence.sel $0xFFFF  }
0xc7: {  	[dreg:$0x0] =	wrdreg $0xFFFFFFFF;
	(pc) =	sbr.abs _section_cstart, $3  }
0xc8: {  	[dreg:$0x1] =	wrdreg $0xFFFFFFFF  }
0xc9: {  	_ =	task.clear_ibuf [dreg:s8], $0x2FFFF;
	_ =	strace $0x9FFFFFFF  }
0xca: {  	(tm) =	ssettm $0x7FFFFFFF  }
0xcb: {  	_ =	shalt  }
tec
execute0_lowered:
.L_overlay_start_1:
0x0: {  	(tag) =	ssettag $0x1  }
0x1: {  	s6 =	rddreg [dreg:$0x0]  }
0x2: {  	s9 =	rddreg [dreg:$0x1]  }
0x3: {  	s2 =	rddreg [dreg:$0x2];
	s0 =	srdreg.scid  }
0x4: {  	s3 =	rddreg [dreg:$0x3];
	s1 =	stileid.u32  }
0x5: {  	s4 =	simm.s32 $0x0;
	s16 =	simm.s32 $0x80;
	s17 =	simm.s32 $0x1000  }
0x6: {  	s18 =	simm.s32 $0x1;
	s19 =	simm.s32 $0x5000;
	s8 =	smul.u32 $0x14000, s1  }
0x7: {  	s7 =	sand.u32 $0x1, s0;
	s0 =	rddreg [dreg:$0x4];
	s10 =	smul.u32 $0x50000, s1  }
0x8: {  	[smem:$0x7FF] =	sst s4;
	s11 =	sadd.s32 $0x1E00, s6;
	s13 =	smul.u32 $0x500, s1  }
0x9: {  	s25 =	sshll.u32 s1, $0x6;
	s5 =	smul.u32 $0x140000, s7;
	s23 =	ssub.s32 $0x2, s7  }
0xa: {  	_ =	strace $0x8000004D;
	p0 =	seq.s32 s7, $0x1;
	s24 =	sshrl.u32 s23, $0x1  }
0xb: {  	s10 =	sshrl.u32 s10, $0x2;
	s7 =	sadd.s32 s11, s13;
	s26 =	sadd.s32 $0x5000, s13  }
0xc: {  	s8 =	sadd.s32 s8, s5;
	s5 =	sadd.s32 $0xBE00, s6;
	s14 =	ssub.s32 s23, s24  }
0xd: {  	s15 =	sadd.s32 s10, s3;
	s28 =	sadd.s32 $0x80, s7;
	s10 =	sadd.s32 s11, s26  }
0xe: {  	s30 =	sadd.s32 $0x5080, s7;
	s8 =	sshrl.u32 s8, $0x3;
	[dreg:$0x6] =	wrdreg s28  }
.Ltmp0:
0xf: {  	[dreg:$0x8] =	wrdreg s30;
	s12 =	sadd.s32 s8, s6;
	(pc) =	sbr.rel .LBB2_1-.Ltmp0, $4  }
0x10: {  	s6 =	sor.u32 $0x1C03, s25;
	s8 =	sadd.s32 s9, s13;
	s9 =	sadd.s32 s9, s26  }
0x11: {  	s13 =	sshrl.u32 s15, $0x3;
	s15 =	simm.s32 $0x800;
	s29 =	sadd.s32 $0x80, s8  }
0x12: {  	s11 =	sadd.s32 $0x33E00, s12;
	s31 =	sadd.s32 $0x5080, s8;
	[dreg:$0x5] =	wrdreg s29  }
0x13: {  	s12 =	smax.u32 s14, $0x1;
	s14 =	simm.s32 $0x3;
	[dreg:$0x7] =	wrdreg s31  }
.LBB2_7:
0x14: {  	s23 =	rddreg [dreg:$0x7];
	[sflag:s14] =	ssyncadd.s32 $0xFFFFC000  }
0x15: {  	s22 =	sand.u32 $0x1, s22;
	p1 =	seq.s32 s20, $0x480;
	s24 =	rddreg [dreg:$0x8]  }
0x16: {  	s22 =	sshll.u32 @!p1 s22, $0xA;
	s23 =	sadd.s32 @!p1 s20, s23;
	s25 =	simm.s32 @!p1 $0x0  }
0x17: {  	[tilespmem:s22], [sflag:$0x2] =	stream.linear.gather @!p1 [hbm4b:s23+s25], $0x400, $0x38;
	[tilespmem:$0x1D000] =	vst v63  }
0x18: {  	s20 =	sadd.s32 @!p1 s20, s24;
	s23 =	sor.u32 @!p1 $0x800, s22  }
0x19: {  	[tilespmem:s23], [sflag:$0x2] =	stream.linear.gather @!p1 [hbm4b:s20+s25], $0x400, $0x38;
	[tilespmem:$0x1D000] =	vst v63  }
0x1a: {  	_ =	swait.ge [sflag:s18], $0x4000  }
0x1b: {  	s20 =	sand.u32 $0x400, s21;
	[sflag:s18] =	ssyncset.done $0x0  }
0x1c: {  	s21 =	sor.u32 $0x80, s20;
	[sflag:s18] =	ssyncadd.s32 $0xFFFFC000  }
0x1d: {  	[tilespmem:s19], [sflag:$0x1] =	stream.indirect.gather [hbm4b:s5+s16], $0x80, s21, s16, $0xb8;
	[tilespmem:$0x1D000] =	vst v63  }
0x1e: {  	s26 =	sor.u32 $0x800, s20  }
0x1f: {  	[spmem:s3] =	stream.indirect.scatter.add.f32 [tilespmem:s17], [sflag:$0x3], $0x80, s26, s16, $0xb8;
	[tilespmem:$0x1D000] =	vst v63  }
0x20: {  	_ =	swait.ge [sflag:s14], $0x4000  }
0x21: {  	[sflag:s14] =	ssyncset.done $0x0  }
0x22: {  	[sflag:s14] =	ssyncadd.s32 $0xFFFFC000  }
0x23: {  	_ =	swait.ge [sflag:s18], $0x4000  }
0x24: {  	[sflag:s18] =	ssyncset.done $0x0  }
0x25: {  	s28 =	sor.u32 $0x100, s20;
	[sflag:s18] =	ssyncadd.s32 $0xFFFFC000  }
0x26: {  	[tilespmem:s17], [sflag:$0x1] =	stream.indirect.gather [hbm4b:s5+s16], $0x80, s28, s16, $0xb8;
	[tilespmem:$0x1D000] =	vst v63  }
0x27: {  	s29 =	sor.u32 $0x880, s20  }
0x28: {  	[spmem:s3] =	stream.indirect.scatter.add.f32 [tilespmem:s19], [sflag:$0x3], $0x80, s29, s16, $0xb8;
	[tilespmem:$0x1D000] =	vst v63  }
0x29: {  	_ =	swait.ge [sflag:s14], $0x4000  }
0x2a: {  	[sflag:s14] =	ssyncset.done $0x0  }
0x2b: {  	[sflag:s14] =	ssyncadd.s32 $0xFFFFC000  }
0x2c: {  	_ =	swait.ge [sflag:s18], $0x4000  }
0x2d: {  	[sflag:s18] =	ssyncset.done $0x0  }
0x2e: {  	s30 =	sor.u32 $0x180, s20;
	[sflag:s18] =	ssyncadd.s32 $0xFFFFC000  }
0x2f: {  	[tilespmem:s19], [sflag:$0x1] =	stream.indirect.gather [hbm4b:s5+s16], $0x80, s30, s16, $0xb8;
	[tilespmem:$0x1D000] =	vst v63  }
0x30: {  	s31 =	sor.u32 $0x900, s20  }
0x31: {  	[spmem:s3] =	stream.indirect.scatter.add.f32 [tilespmem:s17], [sflag:$0x3], $0x80, s31, s16, $0xb8;
	[tilespmem:$0x1D000] =	vst v63  }
0x32: {  	_ =	swait.ge [sflag:s14], $0x4000  }
0x33: {  	[sflag:s14] =	ssyncset.done $0x0  }
0x34: {  	[sflag:s14] =	ssyncadd.s32 $0xFFFFC000  }
0x35: {  	_ =	swait.ge [sflag:s18], $0x4000  }
0x36: {  	[sflag:s18] =	ssyncset.done $0x0  }
0x37: {  	s23 =	sor.u32 $0x200, s20;
	[sflag:s18] =	ssyncadd.s32 $0xFFFFC000  }
0x38: {  	[tilespmem:s17], [sflag:$0x1] =	stream.indirect.gather [hbm4b:s5+s16], $0x80, s23, s16, $0xb8;
	[tilespmem:$0x1D000] =	vst v63  }
0x39: {  	s24 =	sor.u32 $0x980, s20  }
0x3a: {  	[spmem:s3] =	stream.indirect.scatter.add.f32 [tilespmem:s19], [sflag:$0x3], $0x80, s24, s16, $0xb8;
	[tilespmem:$0x1D000] =	vst v63  }
0x3b: {  	_ =	swait.ge [sflag:s14], $0x4000  }
0x3c: {  	[sflag:s14] =	ssyncset.done $0x0  }
0x3d: {  	[sflag:s14] =	ssyncadd.s32 $0xFFFFC000  }
0x3e: {  	_ =	swait.ge [sflag:s18], $0x4000  }
0x3f: {  	[sflag:s18] =	ssyncset.done $0x0  }
0x40: {  	s25 =	sor.u32 $0x280, s20;
	[sflag:s18] =	ssyncadd.s32 $0xFFFFC000  }
0x41: {  	[tilespmem:s19], [sflag:$0x1] =	stream.indirect.gather [hbm4b:s5+s16], $0x80, s25, s16, $0xb8;
	[tilespmem:$0x1D000] =	vst v63  }
0x42: {  	s26 =	sor.u32 $0xA00, s20  }
0x43: {  	[spmem:s3] =	stream.indirect.scatter.add.f32 [tilespmem:s17], [sflag:$0x3], $0x80, s26, s16, $0xb8;
	[tilespmem:$0x1D000] =	vst v63  }
0x44: {  	_ =	swait.ge [sflag:s14], $0x4000  }
0x45: {  	[sflag:s14] =	ssyncset.done $0x0  }
0x46: {  	[sflag:s14] =	ssyncadd.s32 $0xFFFFC000  }
0x47: {  	_ =	swait.ge [sflag:s18], $0x4000  }
0x48: {  	[sflag:s18] =	ssyncset.done $0x0  }
0x49: {  	s28 =	sor.u32 $0x300, s20;
	[sflag:s18] =	ssyncadd.s32 $0xFFFFC000  }
0x4a: {  	[tilespmem:s17], [sflag:$0x1] =	stream.indirect.gather [hbm4b:s5+s16], $0x80, s28, s16, $0xb8;
	[tilespmem:$0x1D000] =	vst v63  }
0x4b: {  	s29 =	sor.u32 $0xA80, s20  }
0x4c: {  	[spmem:s3] =	stream.indirect.scatter.add.f32 [tilespmem:s19], [sflag:$0x3], $0x80, s29, s16, $0xb8;
	[tilespmem:$0x1D000] =	vst v63  }
0x4d: {  	_ =	swait.ge [sflag:s14], $0x4000  }
0x4e: {  	[sflag:s14] =	ssyncset.done $0x0  }
0x4f: {  	[sflag:s14] =	ssyncadd.s32 $0xFFFFC000  }
0x50: {  	_ =	swait.ge [sflag:s18], $0x4000  }
0x51: {  	[sflag:s18] =	ssyncset.done $0x0  }
0x52: {  	s30 =	sor.u32 $0x380, s20;
	[sflag:s18] =	ssyncadd.s32 $0xFFFFC000  }
0x53: {  	[tilespmem:s19], [sflag:$0x1] =	stream.indirect.gather [hbm4b:s5+s16], $0x80, s30, s16, $0xb8;
	[tilespmem:$0x1D000] =	vst v63  }
0x54: {  	s20 =	sor.u32 $0xB00, s20  }
0x55: {  	[spmem:s3] =	stream.indirect.scatter.add.f32 [tilespmem:s17], [sflag:$0x3], $0x80, s20, s16, $0xb8;
	[tilespmem:$0x1D000] =	vst v63  }
0x56: {  	_ =	swait.ge [sflag:s14], $0x4000  }
0x57: {  	[sflag:s14] =	ssyncset.done $0x0  }
0x58: {  	[sflag:s14] =	ssyncadd.s32 $0xFFFFC000  }
0x59: {  	_ =	swait.ge [sflag:s18], $0x4000  }
0x5a: {  	[sflag:s18] =	ssyncset.done $0x0  }
0x5b: {  	s20 =	simm.s32 @!p1 $0x2;
	[sflag:s18] =	ssyncadd.s32 $0xFFFFC000  }
0x5c: {  	_ =	swait.ge @!p1 [sflag:s20], $0x400  }
0x5d: {  	[sflag:s20] =	ssyncset.done @!p1 $0x0  }
0x5e: {  	[sflag:s20] =	ssyncadd.s32 @!p1 $0xFFFFFC00  }
0x5f: {  	_ =	swait.ge @!p1 [sflag:s20], $0x400  }
0x60: {  	[sflag:s20] =	ssyncset.done @!p1 $0x0  }
0x61: {  	s23 =	simm.s32 @!p1 $0x1000;
	[sflag:s20] =	ssyncadd.s32 @!p1 $0xFFFFFC00;
	s20 =	simm.s32 @!p1 $0x80  }
0x62: {  	[tilespmem:s23], [sflag:$0x1] =	stream.indirect.gather @!p1 [hbm4b:s5+s20], $0x80, s22, s20, $0xb8;
	[tilespmem:$0x1D000] =	vst v63  }
0x63: {  	s31 =	sor.u32 $0x800, s30  }
0x64: {  	[spmem:s3] =	stream.indirect.scatter.add.f32 [tilespmem:s19], [sflag:$0x3], $0x80, s31, s16, $0xb8;
	[tilespmem:$0x1D000] =	vst v63  }
0x65: {  	_ =	swait.ge [sflag:s14], $0x4000  }
0x66: {  	[sflag:s14] =	ssyncset.done $0x0  }
0x67: {  	[sflag:s14] =	ssyncadd.s32 $0xFFFFC000  }
.LBB2_8:
0x68: {  	s4 =	sadd.s32 $0x1, s4  }
0x69: {  	p1 =	sne.s32 s4, s12  }
.Ltmp1:
0x6a: {  	[bflag:$0x0] =	sbarrier.arrive $0xFFFF;
	(pc) =	sbr.rel @!p1 .LBB2_9-.Ltmp1, $4  }
0x6b: {  	[hbm:s11], [sflag:s6] =	dma.local [spmem:s13], $0x2800  }
0x6c: {  	_ =	swait.ge [sflag:s14], $0x2800  }
0x6d: {  	[sflag:s14] =	ssyncset.done $0x0  }
0x6e: {  	[sflag:s14] =	ssyncadd.s32 $0xFFFFD800  }
.LBB2_1:
0x6f: {  	[spmem:s13], [sflag:s6] =	dma.local [hbm:s2], $0x2800  }
.Ltmp2:
0x70: {  	_ =	swait.ge [sflag:s14], $0x2800;
	(pc) =	sbr.rel @!p0 .LBB2_2-.Ltmp2, $4  }
0x71: {  	[sflag:s14] =	ssyncset.done $0x0  }
0x72: {  	[sflag:s14] =	ssyncadd.s32 $0xFFFFD800  }
0x73: {  	[bflag:$0x0] =	sbarrier.arrive $0xFFFF  }
0x74: {  	s21 =	simm.s32 $0x0  }
0x75: {  	[tilespmem:s21], [sflag:$0x3] =	stream.linear.gather [hbm4b:s9+s21], $0x400, $0x38;
	[tilespmem:$0x1D000] =	vst v63  }
0x76: {  	_ =	swait.ge [sflag:s14], $0x400  }
0x77: {  	[sflag:s14] =	ssyncset.done $0x0  }
0x78: {  	[sflag:s14] =	ssyncadd.s32 $0xFFFFFC00  }
0x79: {  	[tilespmem:s15], [sflag:$0x3] =	stream.linear.gather [hbm4b:s10+s21], $0x400, $0x38;
	[tilespmem:$0x1D000] =	vst v63  }
0x7a: {  	s20 =	simm.s32 $0x1;
	_ =	swait.ge [sflag:s14], $0x400  }
0x7b: {  	p1 =	por $0x0, $0x0;
	s20 =	sand.u32 $0x1, s20;
	[sflag:s14] =	ssyncset.done $0x0  }
0x7c: {  	s24 =	simm.s32 @!p1 $0x0;
	s22 =	rddreg [dreg:$0x7];
	[sflag:s14] =	ssyncadd.s32 $0xFFFFFC00  }
0x7d: {  	[tilespmem:s17], [sflag:$0x1] =	stream.indirect.gather [hbm4b:s5+s16], $0x80, s21, s16, $0xb8;
	[tilespmem:$0x1D000] =	vst v63  }
0x7e: {  	s20 =	sshll.u32 @!p1 s20, $0xA;
	s23 =	rddreg [dreg:$0x8];
	s22 =	sadd.s32 @!p1 $0x0, s22  }
0x7f: {  	[tilespmem:s20], [sflag:$0x2] =	stream.linear.gather @!p1 [hbm4b:s22+s24], $0x400, $0x38;
	[tilespmem:$0x1D000] =	vst v63  }
0x80: {  	s23 =	sadd.s32 @!p1 $0x0, s23;
	s22 =	sor.u32 @!p1 $0x800, s20  }
0x81: {  	[tilespmem:s22], [sflag:$0x2] =	stream.linear.gather @!p1 [hbm4b:s23+s24], $0x400, $0x38;
	[tilespmem:$0x1D000] =	vst v63  }
0x82: {  	_ =	swait.ge [sflag:s18], $0x4000  }
0x83: {  	s21 =	sand.u32 $0x400, s21;
	[sflag:s18] =	ssyncset.done $0x0  }
0x84: {  	s25 =	sor.u32 $0x80, s21;
	[sflag:s18] =	ssyncadd.s32 $0xFFFFC000  }
0x85: {  	[tilespmem:s19], [sflag:$0x1] =	stream.indirect.gather [hbm4b:s5+s16], $0x80, s25, s16, $0xb8;
	[tilespmem:$0x1D000] =	vst v63  }
0x86: {  	s26 =	sor.u32 $0x800, s21  }
0x87: {  	[spmem:s3] =	stream.indirect.scatter.add.f32 [tilespmem:s17], [sflag:$0x3], $0x80, s26, s16, $0xb8;
	[tilespmem:$0x1D000] =	vst v63  }
0x88: {  	_ =	swait.ge [sflag:s14], $0x4000  }
0x89: {  	[sflag:s14] =	ssyncset.done $0x0  }
0x8a: {  	[sflag:s14] =	ssyncadd.s32 $0xFFFFC000  }
0x8b: {  	_ =	swait.ge [sflag:s18], $0x4000  }
0x8c: {  	[sflag:s18] =	ssyncset.done $0x0  }
0x8d: {  	s28 =	sor.u32 $0x100, s21;
	[sflag:s18] =	ssyncadd.s32 $0xFFFFC000  }
0x8e: {  	[tilespmem:s17], [sflag:$0x1] =	stream.indirect.gather [hbm4b:s5+s16], $0x80, s28, s16, $0xb8;
	[tilespmem:$0x1D000] =	vst v63  }
0x8f: {  	s29 =	sor.u32 $0x880, s21  }
0x90: {  	[spmem:s3] =	stream.indirect.scatter.add.f32 [tilespmem:s19], [sflag:$0x3], $0x80, s29, s16, $0xb8;
	[tilespmem:$0x1D000] =	vst v63  }
0x91: {  	_ =	swait.ge [sflag:s14], $0x4000  }
0x92: {  	[sflag:s14] =	ssyncset.done $0x0  }
0x93: {  	[sflag:s14] =	ssyncadd.s32 $0xFFFFC000  }
0x94: {  	_ =	swait.ge [sflag:s18], $0x4000  }
0x95: {  	[sflag:s18] =	ssyncset.done $0x0  }
0x96: {  	s30 =	sor.u32 $0x180, s21;
	[sflag:s18] =	ssyncadd.s32 $0xFFFFC000  }
0x97: {  	[tilespmem:s19], [sflag:$0x1] =	stream.indirect.gather [hbm4b:s5+s16], $0x80, s30, s16, $0xb8;
	[tilespmem:$0x1D000] =	vst v63  }
0x98: {  	s31 =	sor.u32 $0x900, s21  }
0x99: {  	[spmem:s3] =	stream.indirect.scatter.add.f32 [tilespmem:s17], [sflag:$0x3], $0x80, s31, s16, $0xb8;
	[tilespmem:$0x1D000] =	vst v63  }
0x9a: {  	_ =	swait.ge [sflag:s14], $0x4000  }
0x9b: {  	[sflag:s14] =	ssyncset.done $0x0  }
0x9c: {  	[sflag:s14] =	ssyncadd.s32 $0xFFFFC000  }
0x9d: {  	_ =	swait.ge [sflag:s18], $0x4000  }
0x9e: {  	[sflag:s18] =	ssyncset.done $0x0  }
0x9f: {  	s23 =	sor.u32 $0x200, s21;
	[sflag:s18] =	ssyncadd.s32 $0xFFFFC000  }
0xa0: {  	[tilespmem:s17], [sflag:$0x1] =	stream.indirect.gather [hbm4b:s5+s16], $0x80, s23, s16, $0xb8;
	[tilespmem:$0x1D000] =	vst v63  }
0xa1: {  	s24 =	sor.u32 $0x980, s21  }
0xa2: {  	[spmem:s3] =	stream.indirect.scatter.add.f32 [tilespmem:s19], [sflag:$0x3], $0x80, s24, s16, $0xb8;
	[tilespmem:$0x1D000] =	vst v63  }
0xa3: {  	_ =	swait.ge [sflag:s14], $0x4000  }
0xa4: {  	[sflag:s14] =	ssyncset.done $0x0  }
0xa5: {  	[sflag:s14] =	ssyncadd.s32 $0xFFFFC000  }
0xa6: {  	_ =	swait.ge [sflag:s18], $0x4000  }
0xa7: {  	[sflag:s18] =	ssyncset.done $0x0  }
0xa8: {  	s25 =	sor.u32 $0x280, s21;
	[sflag:s18] =	ssyncadd.s32 $0xFFFFC000  }
0xa9: {  	[tilespmem:s19], [sflag:$0x1] =	stream.indirect.gather [hbm4b:s5+s16], $0x80, s25, s16, $0xb8;
	[tilespmem:$0x1D000] =	vst v63  }
0xaa: {  	s26 =	sor.u32 $0xA00, s21  }
0xab: {  	[spmem:s3] =	stream.indirect.scatter.add.f32 [tilespmem:s17], [sflag:$0x3], $0x80, s26, s16, $0xb8;
	[tilespmem:$0x1D000] =	vst v63  }
0xac: {  	_ =	swait.ge [sflag:s14], $0x4000  }
0xad: {  	[sflag:s14] =	ssyncset.done $0x0  }
0xae: {  	[sflag:s14] =	ssyncadd.s32 $0xFFFFC000  }
0xaf: {  	_ =	swait.ge [sflag:s18], $0x4000  }
0xb0: {  	[sflag:s18] =	ssyncset.done $0x0  }
0xb1: {  	s28 =	sor.u32 $0x300, s21;
	[sflag:s18] =	ssyncadd.s32 $0xFFFFC000  }
0xb2: {  	[tilespmem:s17], [sflag:$0x1] =	stream.indirect.gather [hbm4b:s5+s16], $0x80, s28, s16, $0xb8;
	[tilespmem:$0x1D000] =	vst v63  }
0xb3: {  	s29 =	sor.u32 $0xA80, s21  }
0xb4: {  	[spmem:s3] =	stream.indirect.scatter.add.f32 [tilespmem:s19], [sflag:$0x3], $0x80, s29, s16, $0xb8;
	[tilespmem:$0x1D000] =	vst v63  }
0xb5: {  	_ =	swait.ge [sflag:s14], $0x4000  }
0xb6: {  	[sflag:s14] =	ssyncset.done $0x0  }
0xb7: {  	[sflag:s14] =	ssyncadd.s32 $0xFFFFC000  }
0xb8: {  	_ =	swait.ge [sflag:s18], $0x4000  }
0xb9: {  	[sflag:s18] =	ssyncset.done $0x0  }
0xba: {  	s30 =	sor.u32 $0x380, s21;
	[sflag:s18] =	ssyncadd.s32 $0xFFFFC000  }
0xbb: {  	[tilespmem:s19], [sflag:$0x1] =	stream.indirect.gather [hbm4b:s5+s16], $0x80, s30, s16, $0xb8;
	[tilespmem:$0x1D000] =	vst v63  }
0xbc: {  	s21 =	sor.u32 $0xB00, s21  }
0xbd: {  	[spmem:s3] =	stream.indirect.scatter.add.f32 [tilespmem:s17], [sflag:$0x3], $0x80, s21, s16, $0xb8;
	[tilespmem:$0x1D000] =	vst v63  }
0xbe: {  	_ =	swait.ge [sflag:s14], $0x4000  }
0xbf: {  	[sflag:s14] =	ssyncset.done $0x0  }
0xc0: {  	[sflag:s14] =	ssyncadd.s32 $0xFFFFC000  }
0xc1: {  	_ =	swait.ge [sflag:s18], $0x4000  }
0xc2: {  	[sflag:s18] =	ssyncset.done $0x0  }
0xc3: {  	s21 =	simm.s32 @!p1 $0x2;
	[sflag:s18] =	ssyncadd.s32 $0xFFFFC000  }
0xc4: {  	_ =	swait.ge @!p1 [sflag:s21], $0x400  }
0xc5: {  	[sflag:s21] =	ssyncset.done @!p1 $0x0  }
0xc6: {  	[sflag:s21] =	ssyncadd.s32 @!p1 $0xFFFFFC00  }
0xc7: {  	_ =	swait.ge @!p1 [sflag:s21], $0x400  }
0xc8: {  	[sflag:s21] =	ssyncset.done @!p1 $0x0  }
0xc9: {  	s23 =	simm.s32 @!p1 $0x1000;
	[sflag:s21] =	ssyncadd.s32 @!p1 $0xFFFFFC00;
	s21 =	simm.s32 @!p1 $0x80  }
0xca: {  	[tilespmem:s23], [sflag:$0x1] =	stream.indirect.gather @!p1 [hbm4b:s5+s21], $0x80, s20, s21, $0xb8;
	[tilespmem:$0x1D000] =	vst v63  }
0xcb: {  	s31 =	sor.u32 $0x800, s30  }
0xcc: {  	[spmem:s3] =	stream.indirect.scatter.add.f32 [tilespmem:s19], [sflag:$0x3], $0x80, s31, s16, $0xb8;
	[tilespmem:$0x1D000] =	vst v63  }
0xcd: {  	s22 =	simm.s32 $0x2;
	s20 =	simm.s32 $0x80;
	_ =	swait.ge [sflag:s14], $0x4000  }
0xce: {  	s23 =	simm.s32 $0x100;
	s21 =	simm.s32 $0x400;
	[sflag:s14] =	ssyncset.done $0x0  }
.LBB2_6:
0xcf: {  	s25 =	rddreg [dreg:$0x7];
	[sflag:s14] =	ssyncadd.s32 $0xFFFFC000  }
0xd0: {  	s24 =	sand.u32 $0x1, s22;
	p2 =	seq.s32 s20, $0x480;
	s28 =	rddreg [dreg:$0x8]  }
0xd1: {  	s24 =	sshll.u32 @!p2 s24, $0xA;
	s25 =	sadd.s32 @!p2 s20, s25;
	s29 =	simm.s32 @!p2 $0x0  }
0xd2: {  	[tilespmem:s24], [sflag:$0x2] =	stream.linear.gather @!p2 [hbm4b:s25+s29], $0x400, $0x38;
	[tilespmem:$0x1D000] =	vst v63  }
0xd3: {  	s28 =	sadd.s32 @!p2 s20, s28;
	s25 =	sor.u32 @!p2 $0x800, s24  }
0xd4: {  	[tilespmem:s25], [sflag:$0x2] =	stream.linear.gather @!p2 [hbm4b:s28+s29], $0x400, $0x38;
	[tilespmem:$0x1D000] =	vst v63  }
0xd5: {  	_ =	swait.ge [sflag:s18], $0x4000  }
0xd6: {  	s25 =	sand.u32 $0x400, s21;
	[sflag:s18] =	ssyncset.done $0x0  }
0xd7: {  	s30 =	sor.u32 $0x80, s25;
	[sflag:s18] =	ssyncadd.s32 $0xFFFFC000  }
0xd8: {  	[tilespmem:s19], [sflag:$0x1] =	stream.indirect.gather [hbm4b:s5+s16], $0x80, s30, s16, $0xb8;
	[tilespmem:$0x1D000] =	vst v63  }
0xd9: {  	s31 =	sor.u32 $0x800, s25  }
0xda: {  	[spmem:s3] =	stream.indirect.scatter.add.f32 [tilespmem:s17], [sflag:$0x3], $0x80, s31, s16, $0xb8;
	[tilespmem:$0x1D000] =	vst v63  }
0xdb: {  	_ =	swait.ge [sflag:s14], $0x4000  }
0xdc: {  	[sflag:s14] =	ssyncset.done $0x0  }
0xdd: {  	[sflag:s14] =	ssyncadd.s32 $0xFFFFC000  }
0xde: {  	_ =	swait.ge [sflag:s18], $0x4000  }
0xdf: {  	[sflag:s18] =	ssyncset.done $0x0  }
0xe0: {  	s28 =	sor.u32 $0x100, s25;
	[sflag:s18] =	ssyncadd.s32 $0xFFFFC000  }
0xe1: {  	[tilespmem:s17], [sflag:$0x1] =	stream.indirect.gather [hbm4b:s5+s16], $0x80, s28, s16, $0xb8;
	[tilespmem:$0x1D000] =	vst v63  }
0xe2: {  	s29 =	sor.u32 $0x880, s25  }
0xe3: {  	[spmem:s3] =	stream.indirect.scatter.add.f32 [tilespmem:s19], [sflag:$0x3], $0x80, s29, s16, $0xb8;
	[tilespmem:$0x1D000] =	vst v63  }
0xe4: {  	_ =	swait.ge [sflag:s14], $0x4000  }
0xe5: {  	[sflag:s14] =	ssyncset.done $0x0  }
0xe6: {  	[sflag:s14] =	ssyncadd.s32 $0xFFFFC000  }
0xe7: {  	_ =	swait.ge [sflag:s18], $0x4000  }
0xe8: {  	[sflag:s18] =	ssyncset.done $0x0  }
0xe9: {  	s30 =	sor.u32 $0x180, s25;
	[sflag:s18] =	ssyncadd.s32 $0xFFFFC000  }
0xea: {  	[tilespmem:s19], [sflag:$0x1] =	stream.indirect.gather [hbm4b:s5+s16], $0x80, s30, s16, $0xb8;
	[tilespmem:$0x1D000] =	vst v63  }
0xeb: {  	s31 =	sor.u32 $0x900, s25  }
0xec: {  	[spmem:s3] =	stream.indirect.scatter.add.f32 [tilespmem:s17], [sflag:$0x3], $0x80, s31, s16, $0xb8;
	[tilespmem:$0x1D000] =	vst v63  }
0xed: {  	_ =	swait.ge [sflag:s14], $0x4000  }
0xee: {  	[sflag:s14] =	ssyncset.done $0x0  }
0xef: {  	[sflag:s14] =	ssyncadd.s32 $0xFFFFC000  }
0xf0: {  	_ =	swait.ge [sflag:s18], $0x4000  }
0xf1: {  	[sflag:s18] =	ssyncset.done $0x0  }
0xf2: {  	s28 =	sor.u32 $0x200, s25;
	[sflag:s18] =	ssyncadd.s32 $0xFFFFC000  }
0xf3: {  	[tilespmem:s17], [sflag:$0x1] =	stream.indirect.gather [hbm4b:s5+s16], $0x80, s28, s16, $0xb8;
	[tilespmem:$0x1D000] =	vst v63  }
0xf4: {  	s29 =	sor.u32 $0x980, s25  }
0xf5: {  	[spmem:s3] =	stream.indirect.scatter.add.f32 [tilespmem:s19], [sflag:$0x3], $0x80, s29, s16, $0xb8;
	[tilespmem:$0x1D000] =	vst v63  }
0xf6: {  	_ =	swait.ge [sflag:s14], $0x4000  }
0xf7: {  	[sflag:s14] =	ssyncset.done $0x0  }
0xf8: {  	[sflag:s14] =	ssyncadd.s32 $0xFFFFC000  }
0xf9: {  	_ =	swait.ge [sflag:s18], $0x4000  }
0xfa: {  	[sflag:s18] =	ssyncset.done $0x0  }
0xfb: {  	s30 =	sor.u32 $0x280, s25;
	[sflag:s18] =	ssyncadd.s32 $0xFFFFC000  }
0xfc: {  	[tilespmem:s19], [sflag:$0x1] =	stream.indirect.gather [hbm4b:s5+s16], $0x80, s30, s16, $0xb8;
	[tilespmem:$0x1D000] =	vst v63  }
0xfd: {  	s31 =	sor.u32 $0xA00, s25  }
0xfe: {  	[spmem:s3] =	stream.indirect.scatter.add.f32 [tilespmem:s17], [sflag:$0x3], $0x80, s31, s16, $0xb8;
	[tilespmem:$0x1D000] =	vst v63  }
0xff: {  	_ =	swait.ge [sflag:s14], $0x4000  }
0x100: {  	[sflag:s14] =	ssyncset.done $0x0  }
0x101: {  	[sflag:s14] =	ssyncadd.s32 $0xFFFFC000  }
0x102: {  	_ =	swait.ge [sflag:s18], $0x4000  }
0x103: {  	[sflag:s18] =	ssyncset.done $0x0  }
0x104: {  	s28 =	sor.u32 $0x300, s25;
	[sflag:s18] =	ssyncadd.s32 $0xFFFFC000  }
0x105: {  	[tilespmem:s17], [sflag:$0x1] =	stream.indirect.gather [hbm4b:s5+s16], $0x80, s28, s16, $0xb8;
	[tilespmem:$0x1D000] =	vst v63  }
0x106: {  	s29 =	sor.u32 $0xA80, s25  }
0x107: {  	[spmem:s3] =	stream.indirect.scatter.add.f32 [tilespmem:s19], [sflag:$0x3], $0x80, s29, s16, $0xb8;
	[tilespmem:$0x1D000] =	vst v63  }
0x108: {  	_ =	swait.ge [sflag:s14], $0x4000  }
0x109: {  	[sflag:s14] =	ssyncset.done $0x0  }
0x10a: {  	[sflag:s14] =	ssyncadd.s32 $0xFFFFC000  }
0x10b: {  	_ =	swait.ge [sflag:s18], $0x4000  }
0x10c: {  	[sflag:s18] =	ssyncset.done $0x0  }
0x10d: {  	s30 =	sor.u32 $0x380, s25;
	[sflag:s18] =	ssyncadd.s32 $0xFFFFC000  }
0x10e: {  	[tilespmem:s19], [sflag:$0x1] =	stream.indirect.gather [hbm4b:s5+s16], $0x80, s30, s16, $0xb8;
	[tilespmem:$0x1D000] =	vst v63  }
0x10f: {  	s25 =	sor.u32 $0xB00, s25  }
0x110: {  	[spmem:s3] =	stream.indirect.scatter.add.f32 [tilespmem:s17], [sflag:$0x3], $0x80, s25, s16, $0xb8;
	[tilespmem:$0x1D000] =	vst v63  }
0x111: {  	_ =	swait.ge [sflag:s14], $0x4000  }
0x112: {  	[sflag:s14] =	ssyncset.done $0x0  }
0x113: {  	[sflag:s14] =	ssyncadd.s32 $0xFFFFC000  }
0x114: {  	_ =	swait.ge [sflag:s18], $0x4000  }
0x115: {  	[sflag:s18] =	ssyncset.done $0x0  }
0x116: {  	s25 =	simm.s32 @!p2 $0x2;
	[sflag:s18] =	ssyncadd.s32 $0xFFFFC000  }
0x117: {  	_ =	swait.ge @!p2 [sflag:s25], $0x400  }
0x118: {  	[sflag:s25] =	ssyncset.done @!p2 $0x0  }
0x119: {  	[sflag:s25] =	ssyncadd.s32 @!p2 $0xFFFFFC00  }
0x11a: {  	s26 =	smov.u32 s23;
	s23 =	sadd.s32 $0x80, s23;
	_ =	swait.ge @!p2 [sflag:s25], $0x400  }
0x11b: {  	p1 =	sne.s32 s23, $0x500;
	[sflag:s25] =	ssyncset.done @!p2 $0x0  }
0x11c: {  	s28 =	simm.s32 @!p2 $0x1000;
	[sflag:s25] =	ssyncadd.s32 @!p2 $0xFFFFFC00;
	s25 =	simm.s32 @!p2 $0x80  }
0x11d: {  	[tilespmem:s28], [sflag:$0x1] =	stream.indirect.gather @!p2 [hbm4b:s5+s25], $0x80, s24, s25, $0xb8;
	[tilespmem:$0x1D000] =	vst v63  }
.Ltmp3:
0x11e: {  	_ = 	snop;
	(pc) =	sbr.rel @p1 .LBB2_6-.Ltmp3, $4  }
0x11f: {  	s31 =	sor.u32 $0x800, s30  }
0x120: {  	[spmem:s3] =	stream.indirect.scatter.add.f32 [tilespmem:s19], [sflag:$0x3], $0x80, s31, s16, $0xb8;
	[tilespmem:$0x1D000] =	vst v63  }
0x121: {  	s22 =	sadd.s32 $0x1, s22;
	_ =	swait.ge [sflag:s14], $0x4000  }
0x122: {  	s20 =	smov.u32 s26;
	s21 =	sadd.s32 $0x400, s21;
	[sflag:s14] =	ssyncset.done $0x0  }
.Ltmp4:
0x123: {  	_ = 	snop;
	(pc) =	sbr.rel .LBB2_7-.Ltmp4, $1  }
0x124: {  	_ =	sdelay $0x3  }
.LBB2_2:
0x125: {  	[tilespmem:s21], [sflag:$0x3] =	stream.linear.gather [hbm4b:s8+s21], $0x400, $0x38;
	[tilespmem:$0x1D000] =	vst v63  }
0x126: {  	_ =	swait.ge [sflag:s14], $0x400  }
0x127: {  	[sflag:s14] =	ssyncset.done $0x0  }
0x128: {  	[sflag:s14] =	ssyncadd.s32 $0xFFFFFC00  }
0x129: {  	[tilespmem:s15], [sflag:$0x3] =	stream.linear.gather [hbm4b:s7+s21], $0x400, $0x38;
	[tilespmem:$0x1D000] =	vst v63  }
0x12a: {  	s20 =	simm.s32 $0x1;
	_ =	swait.ge [sflag:s14], $0x400  }
0x12b: {  	p1 =	por $0x0, $0x0;
	s20 =	sand.u32 $0x1, s20;
	[sflag:s14] =	ssyncset.done $0x0  }
0x12c: {  	s24 =	simm.s32 @!p1 $0x0;
	s22 =	rddreg [dreg:$0x5];
	[sflag:s14] =	ssyncadd.s32 $0xFFFFFC00  }
0x12d: {  	[tilespmem:s17], [sflag:$0x1] =	stream.indirect.gather [hbm4b:s5+s16], $0x80, s21, s16, $0xb8;
	[tilespmem:$0x1D000] =	vst v63  }
0x12e: {  	s20 =	sshll.u32 @!p1 s20, $0xA;
	s23 =	rddreg [dreg:$0x6];
	s22 =	sadd.s32 @!p1 $0x0, s22  }
0x12f: {  	[tilespmem:s20], [sflag:$0x2] =	stream.linear.gather @!p1 [hbm4b:s22+s24], $0x400, $0x38;
	[tilespmem:$0x1D000] =	vst v63  }
0x130: {  	s23 =	sadd.s32 @!p1 $0x0, s23;
	s22 =	sor.u32 @!p1 $0x800, s20  }
0x131: {  	[tilespmem:s22], [sflag:$0x2] =	stream.linear.gather @!p1 [hbm4b:s23+s24], $0x400, $0x38;
	[tilespmem:$0x1D000] =	vst v63  }
0x132: {  	_ =	swait.ge [sflag:s18], $0x4000  }
0x133: {  	s21 =	sand.u32 $0x400, s21;
	[sflag:s18] =	ssyncset.done $0x0  }
0x134: {  	s25 =	sor.u32 $0x80, s21;
	[sflag:s18] =	ssyncadd.s32 $0xFFFFC000  }
0x135: {  	[tilespmem:s19], [sflag:$0x1] =	stream.indirect.gather [hbm4b:s5+s16], $0x80, s25, s16, $0xb8;
	[tilespmem:$0x1D000] =	vst v63  }
0x136: {  	s26 =	sor.u32 $0x800, s21  }
0x137: {  	[spmem:s3] =	stream.indirect.scatter.add.f32 [tilespmem:s17], [sflag:$0x3], $0x80, s26, s16, $0xb8;
	[tilespmem:$0x1D000] =	vst v63  }
0x138: {  	_ =	swait.ge [sflag:s14], $0x4000  }
0x139: {  	[sflag:s14] =	ssyncset.done $0x0  }
0x13a: {  	[sflag:s14] =	ssyncadd.s32 $0xFFFFC000  }
0x13b: {  	_ =	swait.ge [sflag:s18], $0x4000  }
0x13c: {  	[sflag:s18] =	ssyncset.done $0x0  }
0x13d: {  	s28 =	sor.u32 $0x100, s21;
	[sflag:s18] =	ssyncadd.s32 $0xFFFFC000  }
0x13e: {  	[tilespmem:s17], [sflag:$0x1] =	stream.indirect.gather [hbm4b:s5+s16], $0x80, s28, s16, $0xb8;
	[tilespmem:$0x1D000] =	vst v63  }
0x13f: {  	s29 =	sor.u32 $0x880, s21  }
0x140: {  	[spmem:s3] =	stream.indirect.scatter.add.f32 [tilespmem:s19], [sflag:$0x3], $0x80, s29, s16, $0xb8;
	[tilespmem:$0x1D000] =	vst v63  }
0x141: {  	_ =	swait.ge [sflag:s14], $0x4000  }
0x142: {  	[sflag:s14] =	ssyncset.done $0x0  }
0x143: {  	[sflag:s14] =	ssyncadd.s32 $0xFFFFC000  }
0x144: {  	_ =	swait.ge [sflag:s18], $0x4000  }
0x145: {  	[sflag:s18] =	ssyncset.done $0x0  }
0x146: {  	s30 =	sor.u32 $0x180, s21;
	[sflag:s18] =	ssyncadd.s32 $0xFFFFC000  }
0x147: {  	[tilespmem:s19], [sflag:$0x1] =	stream.indirect.gather [hbm4b:s5+s16], $0x80, s30, s16, $0xb8;
	[tilespmem:$0x1D000] =	vst v63  }
0x148: {  	s31 =	sor.u32 $0x900, s21  }
0x149: {  	[spmem:s3] =	stream.indirect.scatter.add.f32 [tilespmem:s17], [sflag:$0x3], $0x80, s31, s16, $0xb8;
	[tilespmem:$0x1D000] =	vst v63  }
0x14a: {  	_ =	swait.ge [sflag:s14], $0x4000  }
0x14b: {  	[sflag:s14] =	ssyncset.done $0x0  }
0x14c: {  	[sflag:s14] =	ssyncadd.s32 $0xFFFFC000  }
0x14d: {  	_ =	swait.ge [sflag:s18], $0x4000  }
0x14e: {  	[sflag:s18] =	ssyncset.done $0x0  }
0x14f: {  	s23 =	sor.u32 $0x200, s21;
	[sflag:s18] =	ssyncadd.s32 $0xFFFFC000  }
0x150: {  	[tilespmem:s17], [sflag:$0x1] =	stream.indirect.gather [hbm4b:s5+s16], $0x80, s23, s16, $0xb8;
	[tilespmem:$0x1D000] =	vst v63  }
0x151: {  	s24 =	sor.u32 $0x980, s21  }
0x152: {  	[spmem:s3] =	stream.indirect.scatter.add.f32 [tilespmem:s19], [sflag:$0x3], $0x80, s24, s16, $0xb8;
	[tilespmem:$0x1D000] =	vst v63  }
0x153: {  	_ =	swait.ge [sflag:s14], $0x4000  }
0x154: {  	[sflag:s14] =	ssyncset.done $0x0  }
0x155: {  	[sflag:s14] =	ssyncadd.s32 $0xFFFFC000  }
0x156: {  	_ =	swait.ge [sflag:s18], $0x4000  }
0x157: {  	[sflag:s18] =	ssyncset.done $0x0  }
0x158: {  	s25 =	sor.u32 $0x280, s21;
	[sflag:s18] =	ssyncadd.s32 $0xFFFFC000  }
0x159: {  	[tilespmem:s19], [sflag:$0x1] =	stream.indirect.gather [hbm4b:s5+s16], $0x80, s25, s16, $0xb8;
	[tilespmem:$0x1D000] =	vst v63  }
0x15a: {  	s26 =	sor.u32 $0xA00, s21  }
0x15b: {  	[spmem:s3] =	stream.indirect.scatter.add.f32 [tilespmem:s17], [sflag:$0x3], $0x80, s26, s16, $0xb8;
	[tilespmem:$0x1D000] =	vst v63  }
0x15c: {  	_ =	swait.ge [sflag:s14], $0x4000  }
0x15d: {  	[sflag:s14] =	ssyncset.done $0x0  }
0x15e: {  	[sflag:s14] =	ssyncadd.s32 $0xFFFFC000  }
0x15f: {  	_ =	swait.ge [sflag:s18], $0x4000  }
0x160: {  	[sflag:s18] =	ssyncset.done $0x0  }
0x161: {  	s28 =	sor.u32 $0x300, s21;
	[sflag:s18] =	ssyncadd.s32 $0xFFFFC000  }
0x162: {  	[tilespmem:s17], [sflag:$0x1] =	stream.indirect.gather [hbm4b:s5+s16], $0x80, s28, s16, $0xb8;
	[tilespmem:$0x1D000] =	vst v63  }
0x163: {  	s29 =	sor.u32 $0xA80, s21  }
0x164: {  	[spmem:s3] =	stream.indirect.scatter.add.f32 [tilespmem:s19], [sflag:$0x3], $0x80, s29, s16, $0xb8;
	[tilespmem:$0x1D000] =	vst v63  }
0x165: {  	_ =	swait.ge [sflag:s14], $0x4000  }
0x166: {  	[sflag:s14] =	ssyncset.done $0x0  }
0x167: {  	[sflag:s14] =	ssyncadd.s32 $0xFFFFC000  }
0x168: {  	_ =	swait.ge [sflag:s18], $0x4000  }
0x169: {  	[sflag:s18] =	ssyncset.done $0x0  }
0x16a: {  	s30 =	sor.u32 $0x380, s21;
	[sflag:s18] =	ssyncadd.s32 $0xFFFFC000  }
0x16b: {  	[tilespmem:s19], [sflag:$0x1] =	stream.indirect.gather [hbm4b:s5+s16], $0x80, s30, s16, $0xb8;
	[tilespmem:$0x1D000] =	vst v63  }
0x16c: {  	s21 =	sor.u32 $0xB00, s21  }
0x16d: {  	[spmem:s3] =	stream.indirect.scatter.add.f32 [tilespmem:s17], [sflag:$0x3], $0x80, s21, s16, $0xb8;
	[tilespmem:$0x1D000] =	vst v63  }
0x16e: {  	_ =	swait.ge [sflag:s14], $0x4000  }
0x16f: {  	[sflag:s14] =	ssyncset.done $0x0  }
0x170: {  	[sflag:s14] =	ssyncadd.s32 $0xFFFFC000  }
0x171: {  	_ =	swait.ge [sflag:s18], $0x4000  }
0x172: {  	[sflag:s18] =	ssyncset.done $0x0  }
0x173: {  	s21 =	simm.s32 @!p1 $0x2;
	[sflag:s18] =	ssyncadd.s32 $0xFFFFC000  }
0x174: {  	_ =	swait.ge @!p1 [sflag:s21], $0x400  }
0x175: {  	[sflag:s21] =	ssyncset.done @!p1 $0x0  }
0x176: {  	[sflag:s21] =	ssyncadd.s32 @!p1 $0xFFFFFC00  }
0x177: {  	_ =	swait.ge @!p1 [sflag:s21], $0x400  }
0x178: {  	[sflag:s21] =	ssyncset.done @!p1 $0x0  }
0x179: {  	s23 =	simm.s32 @!p1 $0x1000;
	[sflag:s21] =	ssyncadd.s32 @!p1 $0xFFFFFC00;
	s21 =	simm.s32 @!p1 $0x80  }
0x17a: {  	[tilespmem:s23], [sflag:$0x1] =	stream.indirect.gather @!p1 [hbm4b:s5+s21], $0x80, s20, s21, $0xb8;
	[tilespmem:$0x1D000] =	vst v63  }
0x17b: {  	s31 =	sor.u32 $0x800, s30  }
0x17c: {  	[spmem:s3] =	stream.indirect.scatter.add.f32 [tilespmem:s19], [sflag:$0x3], $0x80, s31, s16, $0xb8;
	[tilespmem:$0x1D000] =	vst v63  }
0x17d: {  	s22 =	simm.s32 $0x2;
	s20 =	simm.s32 $0x80;
	_ =	swait.ge [sflag:s14], $0x4000  }
0x17e: {  	s23 =	simm.s32 $0x100;
	s21 =	simm.s32 $0x400;
	[sflag:s14] =	ssyncset.done $0x0  }
.LBB2_3:
0x17f: {  	s25 =	rddreg [dreg:$0x5];
	[sflag:s14] =	ssyncadd.s32 $0xFFFFC000  }
0x180: {  	s24 =	sand.u32 $0x1, s22;
	p2 =	seq.s32 s20, $0x480;
	s28 =	rddreg [dreg:$0x6]  }
0x181: {  	s24 =	sshll.u32 @!p2 s24, $0xA;
	s25 =	sadd.s32 @!p2 s20, s25;
	s29 =	simm.s32 @!p2 $0x0  }
0x182: {  	[tilespmem:s24], [sflag:$0x2] =	stream.linear.gather @!p2 [hbm4b:s25+s29], $0x400, $0x38;
	[tilespmem:$0x1D000] =	vst v63  }
0x183: {  	s28 =	sadd.s32 @!p2 s20, s28;
	s25 =	sor.u32 @!p2 $0x800, s24  }
0x184: {  	[tilespmem:s25], [sflag:$0x2] =	stream.linear.gather @!p2 [hbm4b:s28+s29], $0x400, $0x38;
	[tilespmem:$0x1D000] =	vst v63  }
0x185: {  	_ =	swait.ge [sflag:s18], $0x4000  }
0x186: {  	s25 =	sand.u32 $0x400, s21;
	[sflag:s18] =	ssyncset.done $0x0  }
0x187: {  	s30 =	sor.u32 $0x80, s25;
	[sflag:s18] =	ssyncadd.s32 $0xFFFFC000  }
0x188: {  	[tilespmem:s19], [sflag:$0x1] =	stream.indirect.gather [hbm4b:s5+s16], $0x80, s30, s16, $0xb8;
	[tilespmem:$0x1D000] =	vst v63  }
0x189: {  	s31 =	sor.u32 $0x800, s25  }
0x18a: {  	[spmem:s3] =	stream.indirect.scatter.add.f32 [tilespmem:s17], [sflag:$0x3], $0x80, s31, s16, $0xb8;
	[tilespmem:$0x1D000] =	vst v63  }
0x18b: {  	_ =	swait.ge [sflag:s14], $0x4000  }
0x18c: {  	[sflag:s14] =	ssyncset.done $0x0  }
0x18d: {  	[sflag:s14] =	ssyncadd.s32 $0xFFFFC000  }
0x18e: {  	_ =	swait.ge [sflag:s18], $0x4000  }
0x18f: {  	[sflag:s18] =	ssyncset.done $0x0  }
0x190: {  	s28 =	sor.u32 $0x100, s25;
	[sflag:s18] =	ssyncadd.s32 $0xFFFFC000  }
0x191: {  	[tilespmem:s17], [sflag:$0x1] =	stream.indirect.gather [hbm4b:s5+s16], $0x80, s28, s16, $0xb8;
	[tilespmem:$0x1D000] =	vst v63  }
0x192: {  	s29 =	sor.u32 $0x880, s25  }
0x193: {  	[spmem:s3] =	stream.indirect.scatter.add.f32 [tilespmem:s19], [sflag:$0x3], $0x80, s29, s16, $0xb8;
	[tilespmem:$0x1D000] =	vst v63  }
0x194: {  	_ =	swait.ge [sflag:s14], $0x4000  }
0x195: {  	[sflag:s14] =	ssyncset.done $0x0  }
0x196: {  	[sflag:s14] =	ssyncadd.s32 $0xFFFFC000  }
0x197: {  	_ =	swait.ge [sflag:s18], $0x4000  }
0x198: {  	[sflag:s18] =	ssyncset.done $0x0  }
0x199: {  	s30 =	sor.u32 $0x180, s25;
	[sflag:s18] =	ssyncadd.s32 $0xFFFFC000  }
0x19a: {  	[tilespmem:s19], [sflag:$0x1] =	stream.indirect.gather [hbm4b:s5+s16], $0x80, s30, s16, $0xb8;
	[tilespmem:$0x1D000] =	vst v63  }
0x19b: {  	s31 =	sor.u32 $0x900, s25  }
0x19c: {  	[spmem:s3] =	stream.indirect.scatter.add.f32 [tilespmem:s17], [sflag:$0x3], $0x80, s31, s16, $0xb8;
	[tilespmem:$0x1D000] =	vst v63  }
0x19d: {  	_ =	swait.ge [sflag:s14], $0x4000  }
0x19e: {  	[sflag:s14] =	ssyncset.done $0x0  }
0x19f: {  	[sflag:s14] =	ssyncadd.s32 $0xFFFFC000  }
0x1a0: {  	_ =	swait.ge [sflag:s18], $0x4000  }
0x1a1: {  	[sflag:s18] =	ssyncset.done $0x0  }
0x1a2: {  	s28 =	sor.u32 $0x200, s25;
	[sflag:s18] =	ssyncadd.s32 $0xFFFFC000  }
0x1a3: {  	[tilespmem:s17], [sflag:$0x1] =	stream.indirect.gather [hbm4b:s5+s16], $0x80, s28, s16, $0xb8;
	[tilespmem:$0x1D000] =	vst v63  }
0x1a4: {  	s29 =	sor.u32 $0x980, s25  }
0x1a5: {  	[spmem:s3] =	stream.indirect.scatter.add.f32 [tilespmem:s19], [sflag:$0x3], $0x80, s29, s16, $0xb8;
	[tilespmem:$0x1D000] =	vst v63  }
0x1a6: {  	_ =	swait.ge [sflag:s14], $0x4000  }
0x1a7: {  	[sflag:s14] =	ssyncset.done $0x0  }
0x1a8: {  	[sflag:s14] =	ssyncadd.s32 $0xFFFFC000  }
0x1a9: {  	_ =	swait.ge [sflag:s18], $0x4000  }
0x1aa: {  	[sflag:s18] =	ssyncset.done $0x0  }
0x1ab: {  	s30 =	sor.u32 $0x280, s25;
	[sflag:s18] =	ssyncadd.s32 $0xFFFFC000  }
0x1ac: {  	[tilespmem:s19], [sflag:$0x1] =	stream.indirect.gather [hbm4b:s5+s16], $0x80, s30, s16, $0xb8;
	[tilespmem:$0x1D000] =	vst v63  }
0x1ad: {  	s31 =	sor.u32 $0xA00, s25  }
0x1ae: {  	[spmem:s3] =	stream.indirect.scatter.add.f32 [tilespmem:s17], [sflag:$0x3], $0x80, s31, s16, $0xb8;
	[tilespmem:$0x1D000] =	vst v63  }
0x1af: {  	_ =	swait.ge [sflag:s14], $0x4000  }
0x1b0: {  	[sflag:s14] =	ssyncset.done $0x0  }
0x1b1: {  	[sflag:s14] =	ssyncadd.s32 $0xFFFFC000  }
0x1b2: {  	_ =	swait.ge [sflag:s18], $0x4000  }
0x1b3: {  	[sflag:s18] =	ssyncset.done $0x0  }
0x1b4: {  	s28 =	sor.u32 $0x300, s25;
	[sflag:s18] =	ssyncadd.s32 $0xFFFFC000  }
0x1b5: {  	[tilespmem:s17], [sflag:$0x1] =	stream.indirect.gather [hbm4b:s5+s16], $0x80, s28, s16, $0xb8;
	[tilespmem:$0x1D000] =	vst v63  }
0x1b6: {  	s29 =	sor.u32 $0xA80, s25  }
0x1b7: {  	[spmem:s3] =	stream.indirect.scatter.add.f32 [tilespmem:s19], [sflag:$0x3], $0x80, s29, s16, $0xb8;
	[tilespmem:$0x1D000] =	vst v63  }
0x1b8: {  	_ =	swait.ge [sflag:s14], $0x4000  }
0x1b9: {  	[sflag:s14] =	ssyncset.done $0x0  }
0x1ba: {  	[sflag:s14] =	ssyncadd.s32 $0xFFFFC000  }
0x1bb: {  	_ =	swait.ge [sflag:s18], $0x4000  }
0x1bc: {  	[sflag:s18] =	ssyncset.done $0x0  }
0x1bd: {  	s30 =	sor.u32 $0x380, s25;
	[sflag:s18] =	ssyncadd.s32 $0xFFFFC000  }
0x1be: {  	[tilespmem:s19], [sflag:$0x1] =	stream.indirect.gather [hbm4b:s5+s16], $0x80, s30, s16, $0xb8;
	[tilespmem:$0x1D000] =	vst v63  }
0x1bf: {  	s25 =	sor.u32 $0xB00, s25  }
0x1c0: {  	[spmem:s3] =	stream.indirect.scatter.add.f32 [tilespmem:s17], [sflag:$0x3], $0x80, s25, s16, $0xb8;
	[tilespmem:$0x1D000] =	vst v63  }
0x1c1: {  	_ =	swait.ge [sflag:s14], $0x4000  }
0x1c2: {  	[sflag:s14] =	ssyncset.done $0x0  }
0x1c3: {  	[sflag:s14] =	ssyncadd.s32 $0xFFFFC000  }
0x1c4: {  	_ =	swait.ge [sflag:s18], $0x4000  }
0x1c5: {  	[sflag:s18] =	ssyncset.done $0x0  }
0x1c6: {  	s25 =	simm.s32 @!p2 $0x2;
	[sflag:s18] =	ssyncadd.s32 $0xFFFFC000  }
0x1c7: {  	_ =	swait.ge @!p2 [sflag:s25], $0x400  }
0x1c8: {  	[sflag:s25] =	ssyncset.done @!p2 $0x0  }
0x1c9: {  	[sflag:s25] =	ssyncadd.s32 @!p2 $0xFFFFFC00  }
0x1ca: {  	s26 =	smov.u32 s23;
	s23 =	sadd.s32 $0x80, s23;
	_ =	swait.ge @!p2 [sflag:s25], $0x400  }
0x1cb: {  	p1 =	seq.s32 s23, $0x500;
	[sflag:s25] =	ssyncset.done @!p2 $0x0  }
0x1cc: {  	s28 =	simm.s32 @!p2 $0x1000;
	[sflag:s25] =	ssyncadd.s32 @!p2 $0xFFFFFC00;
	s25 =	simm.s32 @!p2 $0x80  }
0x1cd: {  	[tilespmem:s28], [sflag:$0x1] =	stream.indirect.gather @!p2 [hbm4b:s5+s25], $0x80, s24, s25, $0xb8;
	[tilespmem:$0x1D000] =	vst v63  }
.Ltmp5:
0x1ce: {  	_ = 	snop;
	(pc) =	sbr.rel @!p1 .LBB2_3-.Ltmp5, $4  }
0x1cf: {  	s31 =	sor.u32 $0x800, s30  }
0x1d0: {  	[spmem:s3] =	stream.indirect.scatter.add.f32 [tilespmem:s19], [sflag:$0x3], $0x80, s31, s16, $0xb8;
	[tilespmem:$0x1D000] =	vst v63  }
0x1d1: {  	s22 =	sadd.s32 $0x1, s22;
	_ =	swait.ge [sflag:s14], $0x4000  }
0x1d2: {  	s20 =	smov.u32 s26;
	s21 =	sadd.s32 $0x400, s21;
	[sflag:s14] =	ssyncset.done $0x0  }
0x1d3: {  	s23 =	rddreg [dreg:$0x5];
	[sflag:s14] =	ssyncadd.s32 $0xFFFFC000  }
0x1d4: {  	s22 =	sand.u32 $0x1, s22;
	p1 =	seq.s32 s20, $0x480;
	s24 =	rddreg [dreg:$0x6]  }
0x1d5: {  	s22 =	sshll.u32 @!p1 s22, $0xA;
	s23 =	sadd.s32 @!p1 s20, s23;
	s25 =	simm.s32 @!p1 $0x0  }
0x1d6: {  	[tilespmem:s22], [sflag:$0x2] =	stream.linear.gather @!p1 [hbm4b:s23+s25], $0x400, $0x38;
	[tilespmem:$0x1D000] =	vst v63  }
0x1d7: {  	s20 =	sadd.s32 @!p1 s20, s24;
	s23 =	sor.u32 @!p1 $0x800, s22  }
0x1d8: {  	[tilespmem:s23], [sflag:$0x2] =	stream.linear.gather @!p1 [hbm4b:s20+s25], $0x400, $0x38;
	[tilespmem:$0x1D000] =	vst v63  }
0x1d9: {  	_ =	swait.ge [sflag:s18], $0x4000  }
0x1da: {  	s20 =	sand.u32 $0x400, s21;
	[sflag:s18] =	ssyncset.done $0x0  }
0x1db: {  	s21 =	sor.u32 $0x80, s20;
	[sflag:s18] =	ssyncadd.s32 $0xFFFFC000  }
0x1dc: {  	[tilespmem:s19], [sflag:$0x1] =	stream.indirect.gather [hbm4b:s5+s16], $0x80, s21, s16, $0xb8;
	[tilespmem:$0x1D000] =	vst v63  }
0x1dd: {  	s26 =	sor.u32 $0x800, s20  }
0x1de: {  	[spmem:s3] =	stream.indirect.scatter.add.f32 [tilespmem:s17], [sflag:$0x3], $0x80, s26, s16, $0xb8;
	[tilespmem:$0x1D000] =	vst v63  }
0x1df: {  	_ =	swait.ge [sflag:s14], $0x4000  }
0x1e0: {  	[sflag:s14] =	ssyncset.done $0x0  }
0x1e1: {  	[sflag:s14] =	ssyncadd.s32 $0xFFFFC000  }
0x1e2: {  	_ =	swait.ge [sflag:s18], $0x4000  }
0x1e3: {  	[sflag:s18] =	ssyncset.done $0x0  }
0x1e4: {  	s28 =	sor.u32 $0x100, s20;
	[sflag:s18] =	ssyncadd.s32 $0xFFFFC000  }
0x1e5: {  	[tilespmem:s17], [sflag:$0x1] =	stream.indirect.gather [hbm4b:s5+s16], $0x80, s28, s16, $0xb8;
	[tilespmem:$0x1D000] =	vst v63  }
0x1e6: {  	s29 =	sor.u32 $0x880, s20  }
0x1e7: {  	[spmem:s3] =	stream.indirect.scatter.add.f32 [tilespmem:s19], [sflag:$0x3], $0x80, s29, s16, $0xb8;
	[tilespmem:$0x1D000] =	vst v63  }
0x1e8: {  	_ =	swait.ge [sflag:s14], $0x4000  }
0x1e9: {  	[sflag:s14] =	ssyncset.done $0x0  }
0x1ea: {  	[sflag:s14] =	ssyncadd.s32 $0xFFFFC000  }
0x1eb: {  	_ =	swait.ge [sflag:s18], $0x4000  }
0x1ec: {  	[sflag:s18] =	ssyncset.done $0x0  }
0x1ed: {  	s30 =	sor.u32 $0x180, s20;
	[sflag:s18] =	ssyncadd.s32 $0xFFFFC000  }
0x1ee: {  	[tilespmem:s19], [sflag:$0x1] =	stream.indirect.gather [hbm4b:s5+s16], $0x80, s30, s16, $0xb8;
	[tilespmem:$0x1D000] =	vst v63  }
0x1ef: {  	s31 =	sor.u32 $0x900, s20  }
0x1f0: {  	[spmem:s3] =	stream.indirect.scatter.add.f32 [tilespmem:s17], [sflag:$0x3], $0x80, s31, s16, $0xb8;
	[tilespmem:$0x1D000] =	vst v63  }
0x1f1: {  	_ =	swait.ge [sflag:s14], $0x4000  }
0x1f2: {  	[sflag:s14] =	ssyncset.done $0x0  }
0x1f3: {  	[sflag:s14] =	ssyncadd.s32 $0xFFFFC000  }
0x1f4: {  	_ =	swait.ge [sflag:s18], $0x4000  }
0x1f5: {  	[sflag:s18] =	ssyncset.done $0x0  }
0x1f6: {  	s23 =	sor.u32 $0x200, s20;
	[sflag:s18] =	ssyncadd.s32 $0xFFFFC000  }
0x1f7: {  	[tilespmem:s17], [sflag:$0x1] =	stream.indirect.gather [hbm4b:s5+s16], $0x80, s23, s16, $0xb8;
	[tilespmem:$0x1D000] =	vst v63  }
0x1f8: {  	s24 =	sor.u32 $0x980, s20  }
0x1f9: {  	[spmem:s3] =	stream.indirect.scatter.add.f32 [tilespmem:s19], [sflag:$0x3], $0x80, s24, s16, $0xb8;
	[tilespmem:$0x1D000] =	vst v63  }
0x1fa: {  	_ =	swait.ge [sflag:s14], $0x4000  }
0x1fb: {  	[sflag:s14] =	ssyncset.done $0x0  }
0x1fc: {  	[sflag:s14] =	ssyncadd.s32 $0xFFFFC000  }
0x1fd: {  	_ =	swait.ge [sflag:s18], $0x4000  }
0x1fe: {  	[sflag:s18] =	ssyncset.done $0x0  }
0x1ff: {  	s25 =	sor.u32 $0x280, s20;
	[sflag:s18] =	ssyncadd.s32 $0xFFFFC000  }
0x200: {  	[tilespmem:s19], [sflag:$0x1] =	stream.indirect.gather [hbm4b:s5+s16], $0x80, s25, s16, $0xb8;
	[tilespmem:$0x1D000] =	vst v63  }
0x201: {  	s26 =	sor.u32 $0xA00, s20  }
0x202: {  	[spmem:s3] =	stream.indirect.scatter.add.f32 [tilespmem:s17], [sflag:$0x3], $0x80, s26, s16, $0xb8;
	[tilespmem:$0x1D000] =	vst v63  }
0x203: {  	_ =	swait.ge [sflag:s14], $0x4000  }
0x204: {  	[sflag:s14] =	ssyncset.done $0x0  }
0x205: {  	[sflag:s14] =	ssyncadd.s32 $0xFFFFC000  }
0x206: {  	_ =	swait.ge [sflag:s18], $0x4000  }
0x207: {  	[sflag:s18] =	ssyncset.done $0x0  }
0x208: {  	s28 =	sor.u32 $0x300, s20;
	[sflag:s18] =	ssyncadd.s32 $0xFFFFC000  }
0x209: {  	[tilespmem:s17], [sflag:$0x1] =	stream.indirect.gather [hbm4b:s5+s16], $0x80, s28, s16, $0xb8;
	[tilespmem:$0x1D000] =	vst v63  }
0x20a: {  	s29 =	sor.u32 $0xA80, s20  }
0x20b: {  	[spmem:s3] =	stream.indirect.scatter.add.f32 [tilespmem:s19], [sflag:$0x3], $0x80, s29, s16, $0xb8;
	[tilespmem:$0x1D000] =	vst v63  }
0x20c: {  	_ =	swait.ge [sflag:s14], $0x4000  }
0x20d: {  	[sflag:s14] =	ssyncset.done $0x0  }
0x20e: {  	[sflag:s14] =	ssyncadd.s32 $0xFFFFC000  }
0x20f: {  	_ =	swait.ge [sflag:s18], $0x4000  }
0x210: {  	[sflag:s18] =	ssyncset.done $0x0  }
0x211: {  	s30 =	sor.u32 $0x380, s20;
	[sflag:s18] =	ssyncadd.s32 $0xFFFFC000  }
0x212: {  	[tilespmem:s19], [sflag:$0x1] =	stream.indirect.gather [hbm4b:s5+s16], $0x80, s30, s16, $0xb8;
	[tilespmem:$0x1D000] =	vst v63  }
0x213: {  	s20 =	sor.u32 $0xB00, s20  }
0x214: {  	[spmem:s3] =	stream.indirect.scatter.add.f32 [tilespmem:s17], [sflag:$0x3], $0x80, s20, s16, $0xb8;
	[tilespmem:$0x1D000] =	vst v63  }
0x215: {  	_ =	swait.ge [sflag:s14], $0x4000  }
0x216: {  	[sflag:s14] =	ssyncset.done $0x0  }
0x217: {  	[sflag:s14] =	ssyncadd.s32 $0xFFFFC000  }
0x218: {  	_ =	swait.ge [sflag:s18], $0x4000  }
0x219: {  	[sflag:s18] =	ssyncset.done $0x0  }
0x21a: {  	s20 =	simm.s32 @!p1 $0x2;
	[sflag:s18] =	ssyncadd.s32 $0xFFFFC000  }
0x21b: {  	_ =	swait.ge @!p1 [sflag:s20], $0x400  }
0x21c: {  	[sflag:s20] =	ssyncset.done @!p1 $0x0  }
0x21d: {  	[sflag:s20] =	ssyncadd.s32 @!p1 $0xFFFFFC00  }
0x21e: {  	_ =	swait.ge @!p1 [sflag:s20], $0x400  }
0x21f: {  	[sflag:s20] =	ssyncset.done @!p1 $0x0  }
0x220: {  	s23 =	simm.s32 @!p1 $0x1000;
	[sflag:s20] =	ssyncadd.s32 @!p1 $0xFFFFFC00;
	s20 =	simm.s32 @!p1 $0x80  }
0x221: {  	[tilespmem:s23], [sflag:$0x1] =	stream.indirect.gather @!p1 [hbm4b:s5+s20], $0x80, s22, s20, $0xb8;
	[tilespmem:$0x1D000] =	vst v63  }
.Ltmp6:
0x222: {  	s31 =	sor.u32 $0x800, s30;
	(pc) =	sbr.rel .LBB2_8-.Ltmp6, $4  }
0x223: {  	[spmem:s3] =	stream.indirect.scatter.add.f32 [tilespmem:s19], [sflag:$0x3], $0x80, s31, s16, $0xb8;
	[tilespmem:$0x1D000] =	vst v63  }
0x224: {  	_ =	swait.ge [sflag:s14], $0x4000  }
0x225: {  	[sflag:s14] =	ssyncset.done $0x0  }
0x226: {  	[sflag:s14] =	ssyncadd.s32 $0xFFFFC000  }
.LBB2_9:
0x227: {  	_ =	sfence.sel $0x180000  }
0x228: {  	[bflag:$0x0] =	sbarrier.arrive $0xFFFF  }
0x229: {  	p0 =	sne.s32 s1, $0x0;
	_ =	strace $0x9000004D  }
0x22a: {  	s0 =	sadd.s32 @!p0 $0x100000, s0;
	[bflag:$0x2] =	sbarrier.arrive $0xFFFF  }
0x22b: {  	[sflag:s0] =	ssyncadd.tile.s32 @!p0 $0x1;
	_ =	shalt  }
.Lfunc_end2:
_tile_overlayer_lowered:
.L_overlay_start_2:
0x22c: {  	(tag) =	ssettag $0x2  }
0x22d: {  	s0 =	rddreg [dreg:$0x0];
	s2 =	stileid.u32  }
0x22e: {  	s1 =	rddreg [dreg:$0x1];
	p0 =	sne.s32 s2, $0x0  }
0x22f: {  	s3 =	rddreg [dreg:$0x2];
	[bflag:$0x3] =	sbarrier.arrive $0xFFFF;
	s2 =	simm.s32 @!p0 $0x1C03  }
0x230: {  	[timem:s3], [sflag:s2] =	dma.local @!p0 [hbm:s0], s1  }
0x231: {  	s0 =	simm.s32 @!p0 $0x3  }
0x232: {  	_ =	swait.ge @!p0 [sflag:s0], s1  }
0x233: {  	s1 =	ssub.s32 @!p0 $0x0, s1;
	[sflag:s0] =	ssyncset.done @!p0 $0x0  }
0x234: {  	[sflag:s0] =	ssyncadd.s32 @!p0 s1  }
0x235: {  	[bflag:$0x3] =	sbarrier.arrive $0xFFFF  }
0x236: {  	_ =	shalt  }

// kernel: kernel.8.cloned.1.call-start
scs
__scs_entry_jumppad:
0x0: {  	(pc) =	sbr.rel $0x88, $3  }
0x1: {  	(tag) =	ssettag $0x0;
	lr =	simm.s32 $0x1  }
0x2: {  	[smem:$0x3F9B] =	sst lr;
	_ =	strace $0xD0000000  }
0x3: {  	_ = 	snop  }
0x4: {  	_ = 	snop  }
0x5: {  	_ = 	snop  }
0x6: {  	_ = 	snop  }
0x7: {  	_ = 	snop  }
__scs_overlays_trampoline_lowered:
0x8: {  	[smem:$0x3FAA] =	sst s0  }
0x9: {  	[smem:$0x3FAB] =	sst s1  }
0xa: {  	[smem:$0x3FAC] =	sst s2  }
0xb: {  	[smem:$0x3FAD] =	sst s3  }
0xc: {  	[smem:$0x3FAE] =	sst s4  }
0xd: {  	[smem:$0x3FAF] =	sst s5  }
0xe: {  	[smem:$0x3FB0] =	sst s6  }
0xf: {  	[smem:$0x3FB1] =	sst s7  }
0x10: {  	[smem:$0x3FB2] =	sst s8  }
0x11: {  	[smem:$0x3FB3] =	sst s9;
	s0 =	simm.s32 @!p0 $0x0  }
0x12: {  	s1 =	sld [smem:$0x3F99];
	s0 =	simm.s32 @p0 $0x1  }
0x13: {  	[smem:$0x3FB4] =	sst s0;
	s0 =	simm.s32 @!p1 $0x0  }
0x14: {  	s2 =	sld [smem:$0x3F98];
	s0 =	simm.s32 @p1 $0x1  }
0x15: {  	[smem:$0x3FB5] =	sst s0;
	s0 =	simm.s32 @!p2 $0x0  }
0x16: {  	s3 =	sld [smem:$0x3FDB];
	s0 =	simm.s32 @p2 $0x1  }
0x17: {  	s4 =	simm.s32 $0x1BF5;
	[smem:$0x3FB7] =	sst s0  }
0x18: {  	s0 =	sld [smem:$0x3F9A];
	_ =	swait.ge [sflag:s4], $0x0  }
0x19: {  	s7 =	sld [smem:$0x3F9B]  }
0x1a: {  	s8 =	sadd.s32 $0xFFFFE003, lr  }
0x1b: {  	s9 =	sadd.s32 $0xFFFFFEF7, lr;
	s5 =	simm.s32 $0xFFFFFFFF;
	p2 =	slt.u32 s8, $0xFFFFF086  }
0x1c: {  	p1 =	slt.u32 s9, $0xF7A;
	s5 =	simm.s32 @!p2 $0x0  }
0x1d: {  	s5 =	simm.s32 @p1 $0x1;
	p0 =	seq.s32 s7, s2  }
0x1e: {  	s7 =	smul.u32 @!p0 $0xF7A, s2;
	p2 =	seq.s32 @!p0 s5, $0x0  }
0x1f: {  	s9 =	smul.u32 $0xF7A, s1;
	s8 =	simm.s32 @!p0 $0x1BF5;
	p2 =	por !p2, p0  }
0x20: {  	[sflag:s8] =	ssyncset.s32 @!p0 $0xFFFFF086;
	s6 =	sadd.s32 @!p0 s3, s7;
	s7 =	simm.s32 @!p0 $0x108  }
0x21: {  	s3 =	sadd.s32 s3, s9;
	s6 =	sadd.s32 @!p0 $0x88, s6;
	s7 =	simm.s32 @p2 $0x1082  }
0x22: {  	[simem:s7], [sflag:s8] =	dma.local @!p0 [hbm:s6], $0xF7A  }
0x23: {  	s9 =	sor.u32 $0xD0000000, s2;
	s6 =	simm.s32 $0x108;
	_ =	swait.ge @!p0 [sflag:s8], $0x0  }
0x24: {  	s3 =	sadd.s32 $0x88, s3;
	s6 =	simm.s32 @!p1 $0x1082;
	[sflag:s4] =	ssyncset.s32 $0xFFFFF086  }
0x25: {  	[simem:s6], [sflag:s4] =	dma.local [hbm:s3], $0xF7A  }
0x26: {  	[smem:$0x3F9B] =	sst s1;
	(tag) =	ssettag s2;
	_ =	strace s9  }
0x27: {  	s1 =	sld [smem:$0x3FAB]  }
0x28: {  	s2 =	sld [smem:$0x3FAC]  }
0x29: {  	s4 =	sld [smem:$0x3FAE]  }
0x2a: {  	p0 =	seq.s32 s5, $0x0;
	s5 =	sld [smem:$0x3FAF]  }
0x2b: {  	s6 =	sld [smem:$0x3FB0]  }
0x2c: {  	s7 =	sld [smem:$0x3FB1]  }
0x2d: {  	s3 =	simm.s32 $0x108;
	s8 =	sld [smem:$0x3FB2]  }
0x2e: {  	s3 =	simm.s32 @!p0 $0x1082;
	s9 =	sld [smem:$0x3FB3]  }
0x2f: {  	lr =	sadd.s32 s0, s3;
	s0 =	sld [smem:$0x3FAA]  }
0x30: {  	s3 =	sld [smem:$0x3FAD]  }
0x31: {  	[smem:$0x3FB6] =	sst s10  }
0x32: {  	s10 =	sld [smem:$0x3FB4];
	_ =	sdelay $0x3  }
0x33: {  	p0 =	seq.s32 s10, $0x1;
	s10 =	sld [smem:$0x3FB6];
	_ =	sdelay $0x3  }
0x34: {  	[smem:$0x3FB6] =	sst s10  }
0x35: {  	s10 =	sld [smem:$0x3FB5];
	_ =	sdelay $0x3  }
0x36: {  	p1 =	seq.s32 s10, $0x1;
	s10 =	sld [smem:$0x3FB6];
	_ =	sdelay $0x3  }
0x37: {  	[smem:$0x3FB6] =	sst s10  }
0x38: {  	s10 =	sld [smem:$0x3FB7]  }
0x39: {  	_ = 	snop;
	(pc) =	sbr.ind lr, $3  }
0x3a: {  	_ = 	snop  }
0x3b: {  	_ = 	snop  }
0x3c: {  	p2 =	seq.s32 s10, $0x1;
	s10 =	sld [smem:$0x3FB6]  }
0x3d: {  	_ =	shalt  }
0x3e: {  	_ =	shalt  }
0x3f: {  	_ =	shalt  }
0x40: {  	_ =	shalt  }
0x41: {  	_ =	shalt  }
0x42: {  	_ =	shalt  }
0x43: {  	_ =	shalt  }
0x44: {  	_ =	shalt  }
0x45: {  	_ =	shalt  }
0x46: {  	_ =	shalt  }
0x47: {  	_ =	shalt  }
0x48: {  	_ =	shalt  }
0x49: {  	_ =	shalt  }
0x4a: {  	_ =	shalt  }
0x4b: {  	_ =	shalt  }
0x4c: {  	_ =	shalt  }
0x4d: {  	_ =	shalt  }
0x4e: {  	_ =	shalt  }
0x4f: {  	_ =	shalt  }
0x50: {  	_ =	shalt  }
0x51: {  	_ =	shalt  }
0x52: {  	_ =	shalt  }
0x53: {  	_ =	shalt  }
0x54: {  	_ =	shalt  }
0x55: {  	_ =	shalt  }
0x56: {  	_ =	shalt  }
0x57: {  	_ =	shalt  }
0x58: {  	_ =	shalt  }
0x59: {  	_ =	shalt  }
0x5a: {  	_ =	shalt  }
0x5b: {  	_ =	shalt  }
0x5c: {  	_ =	shalt  }
0x5d: {  	_ =	shalt  }
0x5e: {  	_ =	shalt  }
0x5f: {  	_ =	shalt  }
0x60: {  	_ =	shalt  }
0x61: {  	_ =	shalt  }
0x62: {  	_ =	shalt  }
0x63: {  	_ =	shalt  }
0x64: {  	_ =	shalt  }
0x65: {  	_ =	shalt  }
0x66: {  	_ =	shalt  }
0x67: {  	_ =	shalt  }
0x68: {  	_ =	shalt  }
0x69: {  	_ =	shalt  }
0x6a: {  	_ =	shalt  }
0x6b: {  	_ =	shalt  }
0x6c: {  	_ =	shalt  }
0x6d: {  	_ =	shalt  }
0x6e: {  	_ =	shalt  }
0x6f: {  	_ =	shalt  }
0x70: {  	_ =	shalt  }
0x71: {  	_ =	shalt  }
0x72: {  	_ =	shalt  }
0x73: {  	_ =	shalt  }
0x74: {  	_ =	shalt  }
0x75: {  	_ =	shalt  }
0x76: {  	_ =	shalt  }
0x77: {  	_ =	shalt  }
0x78: {  	_ =	shalt  }
0x79: {  	_ =	shalt  }
0x7a: {  	_ =	shalt  }
0x7b: {  	_ =	shalt  }
0x7c: {  	_ =	shalt  }
0x7d: {  	_ =	shalt  }
0x7e: {  	_ =	shalt  }
0x7f: {  	_ =	shalt  }
0x80: {  	_ =	shalt  }
0x81: {  	_ =	shalt  }
0x82: {  	_ =	shalt  }
0x83: {  	_ =	shalt  }
0x84: {  	_ =	shalt  }
0x85: {  	_ =	shalt  }
0x86: {  	_ =	shalt  }
0x87: {  	_ =	shalt  }
.Lfunc_end0:
.L_simem_size_0:
called_computation_lowered:
.L_overlay_start_0:
0x88: {  	s2 =	sld [smem:$0x3FD9]  }
0x89: {  	s3 =	sld [smem:$0x3FFE];
	_ =	sdelay $0x1  }
0x8a: {  	s1 =	srdreg.scid  }
0x8b: {  	s0 =	sand.u32 $0x1, s1  }
0x8c: {  	s14 =	sshll.u32 s0, $0xA;
	s2 =	sadd.s32 s3, s2  }
0x8d: {  	s2 =	sadd.s32 s2, s14  }
0x8e: {  	[smem:$0x3FC2] =	sst s2  }
0x8f: {  	_ = 	snop  }
0x90: {  	s2 =	sld [smem:$0x3FD0];
	_ =	sdelay $0x2  }
0x91: {  	s15 =	simm.s32 $0xA;
	s4 =	simm.s32 $0x10  }
0x92: {  	[smem:s4], [sflag:s15] =	dma.local [hbm:s2], $0x1  }
0x93: {  	_ =	swait.eq [sflag:s15], $0x1  }
0x94: {  	[sflag:s15] =	ssyncset.done $0x0  }
0x95: {  	[sflag:s15] =	ssyncadd.s32 $0xFFFFFFFF  }
0x96: {  	s16 =	sld [smem:$0x11];
	(tm) =	ssettm $0x1  }
0x97: {  	s17 =	sld [smem:$0x3FFB];
	_ =	sdelay $0x3  }
0x98: {  	_ =	strace s17  }
0x99: {  	s3 =	sld [smem:$0x3FFC];
	_ =	sdelay $0x3  }
0x9a: {  	_ =	strace s3  }
0x9b: {  	s3 =	sld [smem:$0x3FFD];
	_ =	sdelay $0x3  }
0x9c: {  	_ =	strace s3  }
0x9d: {  	_ =	strace $0x8FFFFFFF  }
0x9e: {  	s18 =	sld [smem:$0x3FDB];
	_ =	sdelay $0x1  }
0x9f: {  	s19 =	simm.s32 $_scs_section_size  }
0xa0: {  	s5 =	simm.s32 $_size__tile_overlayer_lowered;
	s6 =	simm.s32 $_tile_overlayer_lowered  }
0xa1: {  	s22 =	simm.s32 $0x1BFF;
	s21 =	sshll.u32 s6, $0x1;
	s3 =	sadd.s32 s19, s18  }
0xa2: {  	s7 =	simm.s32 $0x0;
	s20 =	sshll.u32 s5, $0x1;
	s5 =	sadd.s32 s21, s3  }
0xa3: {  	[timem:s7], [sflag:s22] =	dma.local [hbm:s5], s20  }
0xa4: {  	_ =	swait.ge [sflag:s22], s20  }
0xa5: {  	s4 =	ssub.s32 $0x0, s20;
	[sflag:s22] =	ssyncset.done $0x0  }
0xa6: {  	[sflag:s22] =	ssyncadd.s32 s4;
	_ =	sdelay $0x1  }
0xa7: {  	s23 =	simm.s32 $0x1B8B  }
0xa8: {  	_ =	swait.ge [sflag:s23], $0x1  }
0xa9: {  	[sflag:s23] =	ssyncset.done $0x0  }
0xaa: {  	s25 =	simm.s32 $0x1B8E;
	s24 =	sld [smem:$0x3FFE];
	[sflag:s23] =	ssyncadd.s32 $0xFFFFFFFF  }
0xab: {  	s26 =	simm.s32 $execute0_lowered;
	[smem:$0x3FD2] =	sst s25  }
0xac: {  	s5 =	sshll.u32 s26, $0x1;
	_ =	strace $0x80000046;
	[dreg:$0x1] =	wrdreg $0xFFFFFFFF  }
0xad: {  	s28 =	simm.s32 $_size_execute0_lowered;
	s3 =	sadd.s32 s3, s5;
	[dreg:$0x0] =	wrdreg $0x0  }
0xae: {  	s5 =	sshll.u32 s28, $0x1;
	[dreg:$0x2] =	wrdreg s3  }
0xaf: {  	[dreg:$0x3] =	wrdreg s5  }
0xb0: {  	[dreg:$0x4] =	wrdreg $0xC0  }
0xb1: {  	_ =	task [dreg:s7], $0x5FFFF  }
0xb2: {  	[dreg:$0x1] =	wrdreg $0xFFFFFFFF  }
0xb3: {  	[dreg:$0x0] =	wrdreg $0x60  }
0xb4: {  	[dreg:$0x2] =	wrdreg s24  }
0xb5: {  	[dreg:$0x3] =	wrdreg s16  }
0xb6: {  	[dreg:$0x4] =	wrdreg $0x68000  }
0xb7: {  	[dreg:$0x5] =	wrdreg $0x9  }
0xb8: {  	_ =	task.clear_ibuf [dreg:s7], $0x6FFFF;
	_ =	strace $0x90000046  }
0xb9: {  	s29 =	simm.s32 $0x9;
	_ =	strace $0x80000048  }
0xba: {  	_ =	swait.ge [sflag:s29], $0x1  }
0xbb: {  	[sflag:s29] =	ssyncadd.s32 $0xFFFFFFFF  }
0xbc: {  	_ =	strace $0x90000048  }
0xbd: {  	_ =	sfence  }
0xbe: {  	s30 =	sld [smem:$0x0];
	_ =	sdelay $0x2  }
0xbf: {  	s31 =	sshll.u32 s1, $0xD;
	s1 =	sshrl.u32 s1, $0x2  }
0xc0: {  	s3 =	sand.u32 $0x4000, s31;
	s1 =	sadd.s32 s1, s30  }
0xc1: {  	s0 =	sor.u32 s3, s0;
	s1 =	sshll.u32 s1, $0x11  }
0xc2: {  	s0 =	sor.u32 s1, s0  }
0xc3: {  	s0 =	sadd.s32 $0x8F2B, s0  }
0xc4: {  	[sflag:s0] =	ssyncadd.remote.s32 $0x1  }
0xc5: {  	_ =	sfence.sel $0xFFFF  }
0xc6: {  	[dreg:$0x0] =	wrdreg $0xFFFFFFFF;
	(pc) =	sbr.abs _section_cstart, $3  }
0xc7: {  	[dreg:$0x1] =	wrdreg $0xFFFFFFFF  }
0xc8: {  	_ =	task.clear_ibuf [dreg:s7], $0x2FFFF;
	_ =	strace $0x9FFFFFFF  }
0xc9: {  	(tm) =	ssettm $0x7FFFFFFF  }
tec
execute0_lowered:
.L_overlay_start_1:
0x0: {  	(tag) =	ssettag $0x1  }
0x1: {  	s7 =	rddreg [dreg:$0x0]  }
0x2: {  	s0 =	srdreg.scid;
	s2 =	rddreg [dreg:$0x1]  }
0x3: {  	s3 =	rddreg [dreg:$0x2];
	s4 =	simm.s32 $0x0;
	s6 =	sand.u32 $0x1, s0  }
0x4: {  	s13 =	simm.s32 $0x80;
	s0 =	stileid.u32;
	s8 =	smul.u32 $0x140000, s6  }
0x5: {  	s14 =	simm.s32 $0x0;
	[smem:$0x7FF] =	sst s4;
	s9 =	smul.u32 $0x14000, s0  }
0x6: {  	s1 =	sshll.u32 s6, $0x4;
	s29 =	smul.u32 $0x50000, s0;
	s6 =	ssub.s32 $0x2, s6  }
0x7: {  	s31 =	sshll.u32 s0, $0x6;
	s1 =	sor.u32 s0, s1;
	s30 =	sshrl.u32 s6, $0x1  }
0x8: {  	s5 =	smul.u32 $0x500, s1;
	s1 =	rddreg [dreg:$0x3];
	_ =	strace $0x80000047  }
0x9: {  	s8 =	sadd.s32 s9, s8;
	s9 =	sshrl.u32 s29, $0x2;
	s11 =	ssub.s32 s6, s30  }
0xa: {  	s6 =	sor.u32 $0x1C01, s31;
	s8 =	sshrl.u32 s8, $0x3;
	s12 =	sadd.s32 s9, s3  }
0xb: {  	s9 =	smax.u32 s11, $0x1;
	s11 =	simm.s32 $0x1;
	s10 =	sadd.s32 s5, s7  }
0xc: {  	s5 =	sadd.s32 $0xBE00, s7;
	s8 =	sadd.s32 s8, s7;
	s7 =	sadd.s32 $0x1E00, s10  }
0xd: {  	s8 =	sadd.s32 $0xC600, s8;
	s10 =	sshrl.u32 s12, $0x3;
	s12 =	simm.s32 $0x2800  }
.LBB2_1:
0xe: {  	[spmem:s10], [sflag:s6] =	dma.local [hbm:s2], $0x2800  }
0xf: {  	_ =	swait.ge [sflag:s11], $0x2800  }
0x10: {  	[sflag:s11] =	ssyncset.done $0x0  }
0x11: {  	[sflag:s11] =	ssyncadd.s32 $0xFFFFD800  }
0x12: {  	[tilespmem:s12], [sflag:$0x1] =	stream.linear.gather [hbm4b:s5+s4], $0x4000, $0x38;
	[tilespmem:$0x1A800] =	vst v63  }
0x13: {  	_ =	swait.ge [sflag:s11], $0x4000  }
0x14: {  	[sflag:s11] =	ssyncset.done $0x0  }
0x15: {  	[sflag:s11] =	ssyncadd.s32 $0xFFFFC000  }
0x16: {  	[tilespmem:s4], [sflag:$0x1] =	stream.linear.gather [hbm4b:s7+s4], $0x2800, $0x38;
	[tilespmem:$0x1A800] =	vst v63  }
0x17: {  	_ =	swait.ge [sflag:s11], $0x2800  }
0x18: {  	[sflag:s11] =	ssyncset.done $0x0  }
0x19: {  	[sflag:s11] =	ssyncadd.s32 $0xFFFFD800  }
0x1a: {  	s15 =	simm.s32 $0x0;
	[bflag:$0x0] =	sbarrier.arrive $0xFFFF  }
0x1b: {  	[spmem:s3] =	stream.indirect.scatter.add.f32 [tilespmem:s12], [sflag:$0x1], $0x80, s15, s13, $0xb8;
	[tilespmem:$0x1A800] =	vst v63  }
0x1c: {  	_ =	swait.ge [sflag:s11], $0x4000  }
0x1d: {  	s15 =	simm.s32 $0x200;
	[sflag:s11] =	ssyncset.done $0x0  }
.LBB2_2:
0x1e: {  	s16 =	sshra.s32 s15, $0x2;
	[sflag:s11] =	ssyncadd.s32 $0xFFFFC000;
	p0 =	sne.s32 s15, $0x9E00  }
0x1f: {  	[spmem:s3] =	stream.indirect.scatter.add.f32 [tilespmem:s12], [sflag:$0x1], $0x80, s16, s13, $0xb8;
	[tilespmem:$0x1A800] =	vst v63  }
.Ltmp0:
0x20: {  	_ = 	snop;
	(pc) =	sbr.rel @p0 .LBB2_2-.Ltmp0, $4  }
0x21: {  	_ = 	snop  }
0x22: {  	s15 =	sadd.s32 $0x200, s15  }
0x23: {  	_ =	swait.ge [sflag:s11], $0x4000  }
0x24: {  	[sflag:s11] =	ssyncset.done $0x0  }
0x25: {  	s14 =	sadd.s32 $0x1, s14  }
0x26: {  	[sflag:s11] =	ssyncadd.s32 $0xFFFFC000;
	p0 =	sne.s32 s14, s9  }
.Ltmp1:
0x27: {  	[bflag:$0x0] =	sbarrier.arrive $0xFFFF;
	(pc) =	sbr.rel @p0 .LBB2_1-.Ltmp1, $4  }
0x28: {  	[hbm:s8], [sflag:s6] =	dma.local [spmem:s10], $0x2800  }
0x29: {  	_ =	swait.ge [sflag:s11], $0x2800  }
0x2a: {  	[sflag:s11] =	ssyncset.done $0x0  }
0x2b: {  	[sflag:s11] =	ssyncadd.s32 $0xFFFFD800  }
0x2c: {  	_ =	sfence.sel $0x180000  }
0x2d: {  	[bflag:$0x0] =	sbarrier.arrive $0xFFFF  }
0x2e: {  	p0 =	sne.s32 s0, $0x0;
	_ =	strace $0x90000047  }
0x2f: {  	s0 =	sadd.s32 @!p0 $0x100000, s1;
	[bflag:$0x2] =	sbarrier.arrive $0xFFFF  }
0x30: {  	[sflag:s0] =	ssyncadd.tile.s32 @!p0 $0x1;
	_ =	shalt  }
.Lfunc_end2:
_tile_overlayer_lowered:
.L_overlay_start_2:
0x31: {  	(tag) =	ssettag $0x2  }
0x32: {  	s0 =	rddreg [dreg:$0x0];
	s2 =	stileid.u32  }
0x33: {  	s1 =	rddreg [dreg:$0x1];
	p0 =	sne.s32 s2, $0x0  }
0x34: {  	s3 =	rddreg [dreg:$0x2];
	[bflag:$0x3] =	sbarrier.arrive $0xFFFF;
	s2 =	simm.s32 @!p0 $0x1C01  }
0x35: {  	[timem:s3], [sflag:s2] =	dma.local @!p0 [hbm:s0], s1  }
0x36: {  	s0 =	simm.s32 @!p0 $0x1  }
0x37: {  	_ =	swait.ge @!p0 [sflag:s0], s1  }
0x38: {  	s1 =	ssub.s32 @!p0 $0x0, s1;
	[sflag:s0] =	ssyncset.done @!p0 $0x0  }
0x39: {  	[sflag:s0] =	ssyncadd.s32 @!p0 s1  }
0x3a: {  	[bflag:$0x3] =	sbarrier.arrive $0xFFFF  }
0x3b: {  	_ =	shalt  }

</sc_bundles>
